<compile_context>
chip_gen: v7x
topology: tpu7x:2x2x1
jax: 0.10.2.dev20260603
libtpu: 0.0.44.dev20260713+nightly
codegen_flags: <defaults>
</compile_context>

<pallas_src>
import jax
import jax.numpy as jnp
from jax import lax
from jax.experimental import pallas as pl
from jax.experimental.pallas import tpu as pltpu
from jax.experimental.pallas import tpu_sc as plsc

N = 10000
E = 320000
D = 128
HALF = 64
T = 4
K = 10
ALPHA = 0.1

NC = 2
NS = 16
LANES = 16
CHUNK = 128
NP = 10240
NCH = 160
GRP = 8
NSG = NCH // GRP
HG = 2
EPT = NCH * CHUNK
E_PAD = NS * EPT
ROWS_PT = NP // NS
RCH = 128
CCH = 64


def _tc_pre(x_ref, w_ref, b_ref, m_ref, ts_ref, t01_ref, mean_ref, std_ref):
    x = x_ref[...]
    w = w_ref[...]
    b = b_ref[...]
    mask = m_ref[...]
    h = jnp.dot(x, w, preferred_element_type=jnp.float32,
                precision=lax.Precision.HIGHEST) + b[None, :]
    nrm = jnp.sqrt(jnp.sum(h * h, axis=1, keepdims=True))
    h = h / jnp.maximum(nrm, 1e-12)
    counts = jnp.sum(mask, axis=1)
    inv_c = 1.0 / counts
    means = jnp.dot(mask, h, preferred_element_type=jnp.float32,
                    precision=lax.Precision.HIGHEST) * inv_c[:, None]
    m2 = jnp.dot(mask, h * h, preferred_element_type=jnp.float32,
                 precision=lax.Precision.HIGHEST) * inv_c[:, None]
    var = m2 - means * means
    std = jnp.sqrt(jnp.maximum(var, 0.0))
    std = std * jnp.sqrt(counts)[:, None] + 1e-9
    mu = jnp.zeros((N, D), jnp.float32)
    sg = jnp.zeros((N, D), jnp.float32)
    for t in range(T):
        mt = mask[t][:, None]
        mu = mu + mt * means[t][None, :]
        sg = sg + mt * std[t][None, :]
    tilde = (h - mu) / sg
    pad = jnp.zeros((NP - N, HALF), jnp.float32)
    for half in range(2):
        th = tilde[:, half * HALF:(half + 1) * HALF]
        ts_ref[half, pl.ds(0, N)] = th
        ts_ref[half, pl.ds(N, NP - N)] = pad
        t01_ref[half, pl.ds(0, N)] = ALPHA * th
        t01_ref[half, pl.ds(N, NP - N)] = pad
    mean_ref[...] = means
    std_ref[...] = std


def _tc_post(z_ref, m_ref, mean_ref, std_ref, w_ref, b_ref, o_ref):
    mask = m_ref[...]
    means = mean_ref[...]
    std = std_ref[...]
    mu = jnp.zeros((N, D), jnp.float32)
    sg = jnp.zeros((N, D), jnp.float32)
    for t in range(T):
        mt = mask[t][:, None]
        mu = mu + mt * means[t][None, :]
        sg = sg + mt * std[t][None, :]
    z = jnp.concatenate([z_ref[0, pl.ds(0, N)], z_ref[1, pl.ds(0, N)]], axis=1)
    z = z * sg + mu
    o = jnp.dot(z, w_ref[...], preferred_element_type=jnp.float32,
                precision=lax.Precision.HIGHEST) + b_ref[...][None, :]
    nrm = jnp.sqrt(jnp.sum(o * o, axis=1, keepdims=True))
    o_ref[...] = o / jnp.maximum(nrm, 1e-12)


def _fill_rows(ref, nrows, ncols16, value):
    v = jnp.full((LANES,), value, jnp.float32)

    @pl.loop(0, nrows)
    def _(i):
        for m in range(ncols16):
            ref[i, pl.ds(m * LANES, LANES)] = v


def _sc_diffuse(ts_hbm, t01_hbm, srcb_hbm, dstb_hbm,
                zout_hbm, t01d_hbm,
                sidx0, sidx1, didx0, didx1, bk0, bk1, bk2, bk3, abuf,
                ztab, acc, s9smem, sinvsmem,
                gsemA, gsemB, gsemC, gsemD, ssemA, ssemB, ssemC, ssemD, isem):
    c = lax.axis_index("c")
    s = lax.axis_index("s")
    cN = c * NP
    r0 = s * ROWS_PT
    g0 = s * NSG

    def zero_acc():
        _fill_rows(bk0, RCH, HALF // LANES, 0.0)
        for q in range(ROWS_PT // RCH):
            pltpu.sync_copy(bk0, acc.at[pl.ds(r0 + q * RCH, RCH), :])
        plsc.subcore_barrier()

    for q in range(ROWS_PT // RCH):
        pltpu.sync_copy(ts_hbm.at[pl.ds(cN + r0 + q * RCH, RCH), :],
                        ztab.at[pl.ds(r0 + q * RCH, RCH), :])

    zero_acc()
    _fill_rows(bk0, RCH, HALF // LANES, 1.0)

    @pl.loop(0, NSG)
    def _(t):
        pltpu.sync_copy(dstb_hbm.at[g0 + t], didx0)
        for b in range(GRP):
            pltpu.sync_copy(bk0, acc.at[didx0.at[b]], add=True)

    plsc.subcore_barrier()
    for q in range(ROWS_PT // RCH):
        pltpu.sync_copy(acc.at[pl.ds(r0 + q * RCH, RCH), :], abuf)

        @pl.loop(0, RCH)
        def _(i):
            v = jnp.maximum(abuf[i, pl.ds(0, LANES)], 1.0)
            s9smem[q * RCH + i] = jnp.max((1.0 - ALPHA) / v)
            sinvsmem[q * RCH + i] = jnp.max(v * (1.0 / (1.0 - ALPHA)))

    for q in range(ROWS_PT // RCH):
        rq = r0 + q * RCH
        pltpu.sync_copy(t01_hbm.at[pl.ds(cN + rq, RCH), :], abuf)

        @pl.loop(0, RCH)
        def _(i):
            si = sinvsmem[q * RCH + i]
            for m in range(HALF // LANES):
                sl = pl.ds(m * LANES, LANES)
                abuf[i, sl] = abuf[i, sl] * si

        pltpu.sync_copy(abuf, t01d_hbm.at[pl.ds(cN + rq, RCH), :])
        pltpu.sync_copy(abuf, acc.at[pl.ds(rq, RCH), :])

    plsc.subcore_barrier()

    def gath(sidx, cix, bank, gsem):
        return pltpu.make_async_copy(ztab.at[sidx.at[cix]], bank, gsem)

    def scat(didx, cix, bank, ssem):
        return pltpu.make_async_copy(bank, acc.at[didx.at[cix]], ssem)

    def substep():

        banks = (bk0, bk1, bk2, bk3)
        gsems = (gsemA, gsemB, gsemC, gsemD)
        ssems = (ssemA, ssemB, ssemC, ssemD)

        def supergroup(t, p_s, p_d, q_s, q_d, first, last_sg):
            def preload():
                pltpu.async_copy(srcb_hbm.at[g0 + t + 1], q_s, isem)
                pltpu.async_copy(dstb_hbm.at[g0 + t + 1], q_d, isem)

            def wait_preload():
                pltpu.make_async_copy(srcb_hbm.at[g0 + t + 1], q_s, isem).wait()
                pltpu.make_async_copy(dstb_hbm.at[g0 + t + 1], q_d, isem).wait()

            for cix in range(GRP):
                b = cix % 4
                if cix < 4:
                    if first is None:
                        scat(p_d, cix, banks[b], ssems[b]).wait()
                    else:
                        @pl.when(jnp.logical_not(first))
                        def _():
                            scat(p_d, cix, banks[b], ssems[b]).wait()
                else:
                    scat(p_d, cix, banks[b], ssems[b]).wait()
                pltpu.async_copy(ztab.at[p_s.at[cix]], banks[b], gsems[b])
                if cix == 3:
                    if last_sg is None:
                        preload()
                    else:
                        @pl.when(jnp.logical_not(last_sg))
                        def _():
                            preload()
                if cix >= 2:
                    w = cix - 2
                    gath(p_s, w, banks[w % 4], gsems[w % 4]).wait()
                    pltpu.async_copy(banks[w % 4], acc.at[p_d.at[w]],
                                     ssems[w % 4], add=True)
            for w in (GRP - 2, GRP - 1):
                gath(p_s, w, banks[w % 4], gsems[w % 4]).wait()
                pltpu.async_copy(banks[w % 4], acc.at[p_d.at[w]],
                                 ssems[w % 4], add=True)
            if last_sg is None:
                wait_preload()
            else:
                @pl.when(jnp.logical_not(last_sg))
                def _():
                    wait_preload()

        pltpu.sync_copy(srcb_hbm.at[g0], sidx0)
        pltpu.sync_copy(dstb_hbm.at[g0], didx0)

        @pl.loop(0, NSG // 2)
        def _(u):
            t = 2 * u
            supergroup(t, sidx0, didx0, sidx1, didx1, u == 0, None)
            supergroup(t + 1, sidx1, didx1, sidx0, didx0, None,
                       u == NSG // 2 - 1)

        for b in range(4):
            scat(didx0, b, banks[b], ssems[b]).wait()
        plsc.subcore_barrier()

        for q in range(ROWS_PT // RCH):
            rq = r0 + q * RCH
            pltpu.sync_copy(acc.at[pl.ds(rq, RCH), :], abuf)
            pltpu.async_copy(t01d_hbm.at[pl.ds(cN + rq, RCH), :],
                             acc.at[pl.ds(rq, RCH), :], isem)

            @pl.loop(0, RCH)
            def _(i):
                rd = s9smem[q * RCH + i]
                for m in range(HALF // LANES):
                    sl = pl.ds(m * LANES, LANES)
                    abuf[i, sl] = abuf[i, sl] * rd

            pltpu.sync_copy(abuf, ztab.at[pl.ds(rq, RCH), :])
            pltpu.sync_copy(abuf, zout_hbm.at[pl.ds(cN + rq, RCH), :])
        for q in range(ROWS_PT // RCH):
            rq = r0 + q * RCH
            pltpu.make_async_copy(t01d_hbm.at[pl.ds(cN + rq, RCH), :],
                                  acc.at[pl.ds(rq, RCH), :], isem).wait()
        plsc.subcore_barrier()

    @pl.loop(0, K)
    def _(k):
        substep()


def kernel(X, edge_index, type_nodes, W_enc, b_enc, W_lin, b_lin):
    maskf = type_nodes.astype(jnp.float32)
    ts, t01, means, std = pl.pallas_call(
        _tc_pre,
        out_shape=[
            jax.ShapeDtypeStruct((2, NP, HALF), jnp.float32),
            jax.ShapeDtypeStruct((2, NP, HALF), jnp.float32),
            jax.ShapeDtypeStruct((T, D), jnp.float32),
            jax.ShapeDtypeStruct((T, D), jnp.float32),
        ],
        compiler_params=pltpu.CompilerParams(vmem_limit_bytes=100 * 2**20),
    )(X, W_enc, b_enc, maskf)

    ts2 = ts.reshape(2 * NP, HALF)
    t012 = t01.reshape(2 * NP, HALF)

    src = edge_index[0]
    dst = edge_index[1]
    srcb = jnp.pad(src, (0, E_PAD - E)).reshape(NS * NSG, GRP, CHUNK)
    dstb = jnp.pad(dst, (0, E_PAD - E), constant_values=N).reshape(NS * NSG, GRP, CHUNK)

    mesh = plsc.VectorSubcoreMesh(core_axis_name="c", subcore_axis_name="s",
                                  num_cores=NC, num_subcores=NS)
    zfin, _ = pl.kernel(
        _sc_diffuse,
        out_type=[jax.ShapeDtypeStruct((2 * NP, HALF), jnp.float32),
                  jax.ShapeDtypeStruct((2 * NP, HALF), jnp.float32)],
        mesh=mesh,
        compiler_params=pltpu.CompilerParams(use_tc_tiling_on_sc=False,
                                            needs_layout_passes=False),
        scratch_types=[
            pltpu.VMEM((GRP, CHUNK), jnp.int32),
            pltpu.VMEM((GRP, CHUNK), jnp.int32),
            pltpu.VMEM((GRP, CHUNK), jnp.int32),
            pltpu.VMEM((GRP, CHUNK), jnp.int32),
            pltpu.VMEM((CHUNK, HALF), jnp.float32),
            pltpu.VMEM((CHUNK, HALF), jnp.float32),
            pltpu.VMEM((CHUNK, HALF), jnp.float32),
            pltpu.VMEM((CHUNK, HALF), jnp.float32),
            pltpu.VMEM((RCH, HALF), jnp.float32),
            pltpu.VMEM_SHARED((NP, HALF), jnp.float32),
            pltpu.VMEM_SHARED((NP, HALF), jnp.float32),
            pltpu.SMEM((ROWS_PT,), jnp.float32),
            pltpu.SMEM((ROWS_PT,), jnp.float32),
        ] + [pltpu.SemaphoreType.DMA] * 9,
    )(ts2, t012, srcb, dstb)

    out = pl.pallas_call(
        _tc_post,
        out_shape=jax.ShapeDtypeStruct((N, D), jnp.float32),
        compiler_params=pltpu.CompilerParams(vmem_limit_bytes=100 * 2**20),
    )(zfin.reshape(2, NP, HALF), maskf, means, std, W_lin, b_lin)
    return out

# --- scband reference (transcript-rebuilt; emitter-appended) ---
"""Pipeline reference for scband-tagdn-20340965114369 (READ-ONLY COPY).

The authoritative reference and input builder live on the scoring server;
editing this copy changes nothing except your own understanding.
"""

import jax, jax.numpy as jnp
import numpy as np

N = 10000
E = 320000
D_IN = 128
D_HID = 128
D_OUT = 128
T = 4
K = 10
ALPHA = 0.1


def _l2norm(x):
    n = jnp.sqrt(jnp.sum(x * x, axis=1, keepdims=True))
    return x / jnp.maximum(n, 1e-12)


def setup_inputs(seed: int = 0) -> dict:
    key = jax.random.key(seed)
    ks = jax.random.split(key, 6)
    X = jax.random.normal(ks[0], (N, D_IN), dtype=jnp.float32)
    edge_index = jax.random.randint(ks[1], (2, E), 0, N, dtype=jnp.int32)
    # type_nodes: [T, N] one-hot membership masks, contiguous blocks of N//T nodes per type
    tn = jnp.arange(N, dtype=jnp.int32) // (N // T)
    type_nodes = (tn[None, :] == jnp.arange(T, dtype=jnp.int32)[:, None]).astype(jnp.int32)
    # learned parameters (xavier_normal with gain=1.414; biases default-init -> zeros here)
    g = 1.414
    W_enc = jax.random.normal(ks[2], (D_IN, D_HID), dtype=jnp.float32) * (g * np.sqrt(2.0 / (D_IN + D_HID)))
    b_enc = jnp.zeros((D_HID,), dtype=jnp.float32)
    W_lin = jax.random.normal(ks[3], (D_HID, D_OUT), dtype=jnp.float32) * (g * np.sqrt(2.0 / (D_HID + D_OUT)))
    b_lin = jnp.zeros((D_OUT,), dtype=jnp.float32)
    return {"X": X, "edge_index": edge_index, "type_nodes": type_nodes,
            "W_enc": W_enc, "b_enc": b_enc, "W_lin": W_lin, "b_lin": b_lin}


def reference(X, edge_index, type_nodes, W_enc, b_enc, W_lin, b_lin):
    # type_aware_encoding: Linear + l2 activation (dataset='DBLP' -> act='l2')
    H = _l2norm(X @ W_enc + b_enc)
    # type_adaptive_normalization: per-type biased std/mean over member nodes
    mask = type_nodes.astype(jnp.float32)          # [T, N]
    counts = jnp.sum(mask, axis=1)                  # [T]
    means = (mask @ H) / counts[:, None]            # [T, D_HID]
    var = (mask @ (H * H)) / counts[:, None] - means * means
    std = jnp.sqrt(jnp.maximum(var, 0.0))
    # DBLP branch: std = std * sqrt(count) + 1e-9
    std = std * jnp.sqrt(counts)[:, None] + 1e-9
    node_type = jnp.sum(jnp.arange(T, dtype=jnp.int32)[:, None] * type_nodes, axis=0)  # [N]
    mu = means[node_type]                           # [N, D_HID] gather
    sg = std[node_type]
    tilde_H = (H - mu) / sg
    # PPR diffusion (APPNP-style), K steps, row-normalized adjacency, no renormalization
    src = edge_index[0]
    dst = edge_index[1]
    deg = jax.ops.segment_sum(jnp.ones((E,), dtype=jnp.float32), dst, num_segments=N)
    deg = jnp.maximum(deg, 1.0)
    Z = tilde_H
    for _ in range(K):
        agg = jax.ops.segment_sum(Z[src], dst, num_segments=N) / deg[:, None]
        Z = (1.0 - ALPHA) * agg + ALPHA * tilde_H
    # de-normalize, project, l2 row-normalize
    Z = Z * sg + mu
    Z = Z @ W_lin + b_lin
    return _l2norm(Z)

if __name__ == "__main__":
    import jax
    _d = setup_inputs()
    print(jax.jit(kernel)(*tuple(_d.values())))

</pallas_src>

<mosaic_0001>
#map = affine_map<(d0, d1) -> (0, 0)>
#map1 = affine_map<(d0, d1) -> (0, 0, 0)>
module attributes {stable_mosaic.version = 14 : i64} {
  func.func @_sc_diffuse(%arg0: i32, %arg1: i32, %arg2: memref<20480x64xf32, #tpu.memory_space<hbm>>, %arg3: memref<20480x64xf32, #tpu.memory_space<hbm>>, %arg4: memref<320x8x128xi32, #tpu.memory_space<hbm>>, %arg5: memref<320x8x128xi32, #tpu.memory_space<hbm>>, %arg6: memref<20480x64xf32, #tpu.memory_space<hbm>>, %arg7: memref<20480x64xf32, #tpu.memory_space<hbm>>, %arg8: memref<8x128xi32, #tpu.memory_space<vmem>>, %arg9: memref<8x128xi32, #tpu.memory_space<vmem>>, %arg10: memref<8x128xi32, #tpu.memory_space<vmem>>, %arg11: memref<8x128xi32, #tpu.memory_space<vmem>>, %arg12: memref<128x64xf32, #tpu.memory_space<vmem>>, %arg13: memref<128x64xf32, #tpu.memory_space<vmem>>, %arg14: memref<128x64xf32, #tpu.memory_space<vmem>>, %arg15: memref<128x64xf32, #tpu.memory_space<vmem>>, %arg16: memref<128x64xf32, #tpu.memory_space<vmem>>, %arg17: memref<10240x64xf32, #tpu.memory_space<vmem_shared>>, %arg18: memref<10240x64xf32, #tpu.memory_space<vmem_shared>>, %arg19: memref<640xf32, #tpu.memory_space<smem>>, %arg20: memref<640xf32, #tpu.memory_space<smem>>, %arg21: memref<!tpu.dma_semaphore, #tpu.memory_space<semaphore_mem>>, %arg22: memref<!tpu.dma_semaphore, #tpu.memory_space<semaphore_mem>>, %arg23: memref<!tpu.dma_semaphore, #tpu.memory_space<semaphore_mem>>, %arg24: memref<!tpu.dma_semaphore, #tpu.memory_space<semaphore_mem>>, %arg25: memref<!tpu.dma_semaphore, #tpu.memory_space<semaphore_mem>>, %arg26: memref<!tpu.dma_semaphore, #tpu.memory_space<semaphore_mem>>, %arg27: memref<!tpu.dma_semaphore, #tpu.memory_space<semaphore_mem>>, %arg28: memref<!tpu.dma_semaphore, #tpu.memory_space<semaphore_mem>>, %arg29: memref<!tpu.dma_semaphore, #tpu.memory_space<semaphore_mem>>) attributes {dimension_semantics = [#tpu.dimension_semantics<core_parallel>, #tpu.dimension_semantics<subcore_parallel>], iteration_bounds = array<i64: 2, 16>, scalar_prefetch = 0 : i64, scratch_operands = 22 : i64, tpu.core_type = #tpu.core_type<sc_vector_subcore>, window_params = [{transform_indices = #map}, {transform_indices = #map}, {transform_indices = #map1}, {transform_indices = #map1}, {transform_indices = #map}, {transform_indices = #map}]} {
    %mul3A = arith.constant 10240 : i32
    %mul3A_0 = arith.muli %arg0, %mul3A : i32
    %mul3A_1 = arith.constant 640 : i32
    %mul3A_2 = arith.muli %arg1, %mul3A_1 : i32
    %mul3A_3 = arith.constant 20 : i32
    %mul3A_4 = arith.muli %arg1, %mul3A_3 : i32
    %add3A = arith.addi %mul3A_0, %mul3A_2 : i32
    %add3A_5 = arith.constant 0 : i32
    %add3A_6 = arith.addi %add3A, %add3A_5 : i32
    %add3A_7 = arith.constant 0 : i32
    %add3A_8 = arith.addi %mul3A_2, %add3A_7 : i32
    "tpu.region"() ({
      %run_scoped3A = tpu.sem_alloc : memref<!tpu.dma_semaphore, #tpu.memory_space<semaphore_mem>>
      %dma_start3A = arith.constant 0 : i32
      %dma_start3A_143 = tpu.memref_slice %arg17[%add3A_8, %dma_start3A] : memref<10240x64xf32, #tpu.memory_space<vmem_shared>> -> memref<128x64xf32, #tpu.memory_space<vmem_shared>>
      %dma_start3A_144 = arith.constant 0 : i32
      %dma_start3A_145 = tpu.memref_slice %arg2[%add3A_6, %dma_start3A_144] : memref<20480x64xf32, #tpu.memory_space<hbm>> -> memref<128x64xf32, #tpu.memory_space<hbm>>
      tpu.enqueue_dma source(%dma_start3A_145 : memref<128x64xf32, #tpu.memory_space<hbm>>) target(%dma_start3A_143 : memref<128x64xf32, #tpu.memory_space<vmem_shared>>) target_semaphore(%run_scoped3A : memref<!tpu.dma_semaphore, #tpu.memory_space<semaphore_mem>>)
      %dma_wait3A = arith.constant 0 : i32
      %dma_wait3A_146 = tpu.memref_slice %arg17[%add3A_8, %dma_wait3A] : memref<10240x64xf32, #tpu.memory_space<vmem_shared>> -> memref<128x64xf32, #tpu.memory_space<vmem_shared>>
      %dma_wait3A_147 = arith.constant 0 : i32
      %dma_wait3A_148 = tpu.memref_slice %arg2[%add3A_6, %dma_wait3A_147] : memref<20480x64xf32, #tpu.memory_space<hbm>> -> memref<128x64xf32, #tpu.memory_space<hbm>>
      tpu.wait_dma2 semaphore(%run_scoped3A : memref<!tpu.dma_semaphore, #tpu.memory_space<semaphore_mem>>) src(%dma_wait3A_148 : memref<128x64xf32, #tpu.memory_space<hbm>>) dst(%dma_wait3A_146 : memref<128x64xf32, #tpu.memory_space<vmem_shared>>)
      tpu.yield
    }) : () -> ()
    %add3A_9 = arith.addi %mul3A_0, %mul3A_2 : i32
    %add3A_10 = arith.constant 128 : i32
    %add3A_11 = arith.addi %add3A_9, %add3A_10 : i32
    %add3A_12 = arith.constant 128 : i32
    %add3A_13 = arith.addi %mul3A_2, %add3A_12 : i32
    "tpu.region"() ({
      %run_scoped3A = tpu.sem_alloc : memref<!tpu.dma_semaphore, #tpu.memory_space<semaphore_mem>>
      %dma_start3A = arith.constant 0 : i32
      %dma_start3A_143 = tpu.memref_slice %arg17[%add3A_13, %dma_start3A] : memref<10240x64xf32, #tpu.memory_space<vmem_shared>> -> memref<128x64xf32, #tpu.memory_space<vmem_shared>>
      %dma_start3A_144 = arith.constant 0 : i32
      %dma_start3A_145 = tpu.memref_slice %arg2[%add3A_11, %dma_start3A_144] : memref<20480x64xf32, #tpu.memory_space<hbm>> -> memref<128x64xf32, #tpu.memory_space<hbm>>
      tpu.enqueue_dma source(%dma_start3A_145 : memref<128x64xf32, #tpu.memory_space<hbm>>) target(%dma_start3A_143 : memref<128x64xf32, #tpu.memory_space<vmem_shared>>) target_semaphore(%run_scoped3A : memref<!tpu.dma_semaphore, #tpu.memory_space<semaphore_mem>>)
      %dma_wait3A = arith.constant 0 : i32
      %dma_wait3A_146 = tpu.memref_slice %arg17[%add3A_13, %dma_wait3A] : memref<10240x64xf32, #tpu.memory_space<vmem_shared>> -> memref<128x64xf32, #tpu.memory_space<vmem_shared>>
      %dma_wait3A_147 = arith.constant 0 : i32
      %dma_wait3A_148 = tpu.memref_slice %arg2[%add3A_11, %dma_wait3A_147] : memref<20480x64xf32, #tpu.memory_space<hbm>> -> memref<128x64xf32, #tpu.memory_space<hbm>>
      tpu.wait_dma2 semaphore(%run_scoped3A : memref<!tpu.dma_semaphore, #tpu.memory_space<semaphore_mem>>) src(%dma_wait3A_148 : memref<128x64xf32, #tpu.memory_space<hbm>>) dst(%dma_wait3A_146 : memref<128x64xf32, #tpu.memory_space<vmem_shared>>)
      tpu.yield
    }) : () -> ()
    %add3A_14 = arith.addi %mul3A_0, %mul3A_2 : i32
    %add3A_15 = arith.constant 256 : i32
    %add3A_16 = arith.addi %add3A_14, %add3A_15 : i32
    %add3A_17 = arith.constant 256 : i32
    %add3A_18 = arith.addi %mul3A_2, %add3A_17 : i32
    "tpu.region"() ({
      %run_scoped3A = tpu.sem_alloc : memref<!tpu.dma_semaphore, #tpu.memory_space<semaphore_mem>>
      %dma_start3A = arith.constant 0 : i32
      %dma_start3A_143 = tpu.memref_slice %arg17[%add3A_18, %dma_start3A] : memref<10240x64xf32, #tpu.memory_space<vmem_shared>> -> memref<128x64xf32, #tpu.memory_space<vmem_shared>>
      %dma_start3A_144 = arith.constant 0 : i32
      %dma_start3A_145 = tpu.memref_slice %arg2[%add3A_16, %dma_start3A_144] : memref<20480x64xf32, #tpu.memory_space<hbm>> -> memref<128x64xf32, #tpu.memory_space<hbm>>
      tpu.enqueue_dma source(%dma_start3A_145 : memref<128x64xf32, #tpu.memory_space<hbm>>) target(%dma_start3A_143 : memref<128x64xf32, #tpu.memory_space<vmem_shared>>) target_semaphore(%run_scoped3A : memref<!tpu.dma_semaphore, #tpu.memory_space<semaphore_mem>>)
      %dma_wait3A = arith.constant 0 : i32
      %dma_wait3A_146 = tpu.memref_slice %arg17[%add3A_18, %dma_wait3A] : memref<10240x64xf32, #tpu.memory_space<vmem_shared>> -> memref<128x64xf32, #tpu.memory_space<vmem_shared>>
      %dma_wait3A_147 = arith.constant 0 : i32
      %dma_wait3A_148 = tpu.memref_slice %arg2[%add3A_16, %dma_wait3A_147] : memref<20480x64xf32, #tpu.memory_space<hbm>> -> memref<128x64xf32, #tpu.memory_space<hbm>>
      tpu.wait_dma2 semaphore(%run_scoped3A : memref<!tpu.dma_semaphore, #tpu.memory_space<semaphore_mem>>) src(%dma_wait3A_148 : memref<128x64xf32, #tpu.memory_space<hbm>>) dst(%dma_wait3A_146 : memref<128x64xf32, #tpu.memory_space<vmem_shared>>)
      tpu.yield
    }) : () -> ()
    %add3A_19 = arith.addi %mul3A_0, %mul3A_2 : i32
    %add3A_20 = arith.constant 384 : i32
    %add3A_21 = arith.addi %add3A_19, %add3A_20 : i32
    %add3A_22 = arith.constant 384 : i32
    %add3A_23 = arith.addi %mul3A_2, %add3A_22 : i32
    "tpu.region"() ({
      %run_scoped3A = tpu.sem_alloc : memref<!tpu.dma_semaphore, #tpu.memory_space<semaphore_mem>>
      %dma_start3A = arith.constant 0 : i32
      %dma_start3A_143 = tpu.memref_slice %arg17[%add3A_23, %dma_start3A] : memref<10240x64xf32, #tpu.memory_space<vmem_shared>> -> memref<128x64xf32, #tpu.memory_space<vmem_shared>>
      %dma_start3A_144 = arith.constant 0 : i32
      %dma_start3A_145 = tpu.memref_slice %arg2[%add3A_21, %dma_start3A_144] : memref<20480x64xf32, #tpu.memory_space<hbm>> -> memref<128x64xf32, #tpu.memory_space<hbm>>
      tpu.enqueue_dma source(%dma_start3A_145 : memref<128x64xf32, #tpu.memory_space<hbm>>) target(%dma_start3A_143 : memref<128x64xf32, #tpu.memory_space<vmem_shared>>) target_semaphore(%run_scoped3A : memref<!tpu.dma_semaphore, #tpu.memory_space<semaphore_mem>>)
      %dma_wait3A = arith.constant 0 : i32
      %dma_wait3A_146 = tpu.memref_slice %arg17[%add3A_23, %dma_wait3A] : memref<10240x64xf32, #tpu.memory_space<vmem_shared>> -> memref<128x64xf32, #tpu.memory_space<vmem_shared>>
      %dma_wait3A_147 = arith.constant 0 : i32
      %dma_wait3A_148 = tpu.memref_slice %arg2[%add3A_21, %dma_wait3A_147] : memref<20480x64xf32, #tpu.memory_space<hbm>> -> memref<128x64xf32, #tpu.memory_space<hbm>>
      tpu.wait_dma2 semaphore(%run_scoped3A : memref<!tpu.dma_semaphore, #tpu.memory_space<semaphore_mem>>) src(%dma_wait3A_148 : memref<128x64xf32, #tpu.memory_space<hbm>>) dst(%dma_wait3A_146 : memref<128x64xf32, #tpu.memory_space<vmem_shared>>)
      tpu.yield
    }) : () -> ()
    %add3A_24 = arith.addi %mul3A_0, %mul3A_2 : i32
    %add3A_25 = arith.constant 512 : i32
    %add3A_26 = arith.addi %add3A_24, %add3A_25 : i32
    %add3A_27 = arith.constant 512 : i32
    %add3A_28 = arith.addi %mul3A_2, %add3A_27 : i32
    "tpu.region"() ({
      %run_scoped3A = tpu.sem_alloc : memref<!tpu.dma_semaphore, #tpu.memory_space<semaphore_mem>>
      %dma_start3A = arith.constant 0 : i32
      %dma_start3A_143 = tpu.memref_slice %arg17[%add3A_28, %dma_start3A] : memref<10240x64xf32, #tpu.memory_space<vmem_shared>> -> memref<128x64xf32, #tpu.memory_space<vmem_shared>>
      %dma_start3A_144 = arith.constant 0 : i32
      %dma_start3A_145 = tpu.memref_slice %arg2[%add3A_26, %dma_start3A_144] : memref<20480x64xf32, #tpu.memory_space<hbm>> -> memref<128x64xf32, #tpu.memory_space<hbm>>
      tpu.enqueue_dma source(%dma_start3A_145 : memref<128x64xf32, #tpu.memory_space<hbm>>) target(%dma_start3A_143 : memref<128x64xf32, #tpu.memory_space<vmem_shared>>) target_semaphore(%run_scoped3A : memref<!tpu.dma_semaphore, #tpu.memory_space<semaphore_mem>>)
      %dma_wait3A = arith.constant 0 : i32
      %dma_wait3A_146 = tpu.memref_slice %arg17[%add3A_28, %dma_wait3A] : memref<10240x64xf32, #tpu.memory_space<vmem_shared>> -> memref<128x64xf32, #tpu.memory_space<vmem_shared>>
      %dma_wait3A_147 = arith.constant 0 : i32
      %dma_wait3A_148 = tpu.memref_slice %arg2[%add3A_26, %dma_wait3A_147] : memref<20480x64xf32, #tpu.memory_space<hbm>> -> memref<128x64xf32, #tpu.memory_space<hbm>>
      tpu.wait_dma2 semaphore(%run_scoped3A : memref<!tpu.dma_semaphore, #tpu.memory_space<semaphore_mem>>) src(%dma_wait3A_148 : memref<128x64xf32, #tpu.memory_space<hbm>>) dst(%dma_wait3A_146 : memref<128x64xf32, #tpu.memory_space<vmem_shared>>)
      tpu.yield
    }) : () -> ()
    %broadcast_in_dim3A = arith.constant 0.000000e+00 : f32
    %broadcast_in_dim3A_29 = vector.broadcast %broadcast_in_dim3A : f32 to vector<16xf32>
    %scan3A = arith.constant 0 : i32
    %scan3A_30 = arith.constant 128 : i32
    %scan3A_31 = arith.addi %scan3A, %scan3A_30 : i32
    %scan3A_32 = arith.constant 1 : i32
    scf.for %scan3A_143 = %scan3A to %scan3A_31 step %scan3A_32  : i32 {
      %mul3A_144 = arith.constant 1 : i32
      %mul3A_145 = arith.muli %scan3A_143, %mul3A_144 : i32
      %add3A_146 = arith.constant 0 : i32
      %add3A_147 = arith.addi %add3A_146, %mul3A_145 : i32
      %swap3A = arith.index_cast %add3A_147 : i32 to index
      %swap3A_148 = arith.constant 0 : index
      %swap3A_149 = tpu.vector_load %arg12[%swap3A, %swap3A_148] {strides = array<i32>} : memref<128x64xf32, #tpu.memory_space<vmem>>, vector<16xf32>,
      tpu.vector_store %arg12[%swap3A, %swap3A_148], %broadcast_in_dim3A_29 {strides = array<i32>} : memref<128x64xf32, #tpu.memory_space<vmem>>, vector<16xf32>,
      %swap3A_150 = arith.index_cast %add3A_147 : i32 to index
      %swap3A_151 = arith.constant 16 : index
      %swap3A_152 = tpu.vector_load %arg12[%swap3A_150, %swap3A_151] {strides = array<i32>} : memref<128x64xf32, #tpu.memory_space<vmem>>, vector<16xf32>,
      tpu.vector_store %arg12[%swap3A_150, %swap3A_151], %broadcast_in_dim3A_29 {strides = array<i32>} : memref<128x64xf32, #tpu.memory_space<vmem>>, vector<16xf32>,
      %swap3A_153 = arith.index_cast %add3A_147 : i32 to index
      %swap3A_154 = arith.constant 32 : index
      %swap3A_155 = tpu.vector_load %arg12[%swap3A_153, %swap3A_154] {strides = array<i32>} : memref<128x64xf32, #tpu.memory_space<vmem>>, vector<16xf32>,
      tpu.vector_store %arg12[%swap3A_153, %swap3A_154], %broadcast_in_dim3A_29 {strides = array<i32>} : memref<128x64xf32, #tpu.memory_space<vmem>>, vector<16xf32>,
      %swap3A_156 = arith.index_cast %add3A_147 : i32 to index
      %swap3A_157 = arith.constant 48 : index
      %swap3A_158 = tpu.vector_load %arg12[%swap3A_156, %swap3A_157] {strides = array<i32>} : memref<128x64xf32, #tpu.memory_space<vmem>>, vector<16xf32>,
      tpu.vector_store %arg12[%swap3A_156, %swap3A_157], %broadcast_in_dim3A_29 {strides = array<i32>} : memref<128x64xf32, #tpu.memory_space<vmem>>, vector<16xf32>,
    }
    %scan3A_33 = arith.constant 128 : i32
    %add3A_34 = arith.constant 0 : i32
    %add3A_35 = arith.addi %mul3A_2, %add3A_34 : i32
    "tpu.region"() ({
      %run_scoped3A = tpu.sem_alloc : memref<!tpu.dma_semaphore, #tpu.memory_space<semaphore_mem>>
      %dma_start3A = arith.constant 0 : i32
      %dma_start3A_143 = tpu.memref_slice %arg18[%add3A_35, %dma_start3A] : memref<10240x64xf32, #tpu.memory_space<vmem_shared>> -> memref<128x64xf32, #tpu.memory_space<vmem_shared>>
      %dma_start3A_144 = arith.constant 0 : i32
      %dma_start3A_145 = tpu.memref_slice %arg18[%add3A_35, %dma_start3A_144] : memref<10240x64xf32, #tpu.memory_space<vmem_shared>> -> memref<128x64xf32, #tpu.memory_space<vmem_shared>>
      tpu.enqueue_dma source(%arg12 : memref<128x64xf32, #tpu.memory_space<vmem>>) target(%dma_start3A_145 : memref<128x64xf32, #tpu.memory_space<vmem_shared>>) target_semaphore(%run_scoped3A : memref<!tpu.dma_semaphore, #tpu.memory_space<semaphore_mem>>)
      %dma_wait3A = arith.constant 0 : i32
      %dma_wait3A_146 = tpu.memref_slice %arg18[%add3A_35, %dma_wait3A] : memref<10240x64xf32, #tpu.memory_space<vmem_shared>> -> memref<128x64xf32, #tpu.memory_space<vmem_shared>>
      %dma_wait3A_147 = arith.constant 0 : i32
      %dma_wait3A_148 = tpu.memref_slice %arg18[%add3A_35, %dma_wait3A_147] : memref<10240x64xf32, #tpu.memory_space<vmem_shared>> -> memref<128x64xf32, #tpu.memory_space<vmem_shared>>
      tpu.wait_dma2 semaphore(%run_scoped3A : memref<!tpu.dma_semaphore, #tpu.memory_space<semaphore_mem>>) src(%arg12 : memref<128x64xf32, #tpu.memory_space<vmem>>) dst(%dma_wait3A_148 : memref<128x64xf32, #tpu.memory_space<vmem_shared>>)
      tpu.yield
    }) : () -> ()
    %add3A_36 = arith.constant 128 : i32
    %add3A_37 = arith.addi %mul3A_2, %add3A_36 : i32
    "tpu.region"() ({
      %run_scoped3A = tpu.sem_alloc : memref<!tpu.dma_semaphore, #tpu.memory_space<semaphore_mem>>
      %dma_start3A = arith.constant 0 : i32
      %dma_start3A_143 = tpu.memref_slice %arg18[%add3A_37, %dma_start3A] : memref<10240x64xf32, #tpu.memory_space<vmem_shared>> -> memref<128x64xf32, #tpu.memory_space<vmem_shared>>
      %dma_start3A_144 = arith.constant 0 : i32
      %dma_start3A_145 = tpu.memref_slice %arg18[%add3A_37, %dma_start3A_144] : memref<10240x64xf32, #tpu.memory_space<vmem_shared>> -> memref<128x64xf32, #tpu.memory_space<vmem_shared>>
      tpu.enqueue_dma source(%arg12 : memref<128x64xf32, #tpu.memory_space<vmem>>) target(%dma_start3A_145 : memref<128x64xf32, #tpu.memory_space<vmem_shared>>) target_semaphore(%run_scoped3A : memref<!tpu.dma_semaphore, #tpu.memory_space<semaphore_mem>>)
      %dma_wait3A = arith.constant 0 : i32
      %dma_wait3A_146 = tpu.memref_slice %arg18[%add3A_37, %dma_wait3A] : memref<10240x64xf32, #tpu.memory_space<vmem_shared>> -> memref<128x64xf32, #tpu.memory_space<vmem_shared>>
      %dma_wait3A_147 = arith.constant 0 : i32
      %dma_wait3A_148 = tpu.memref_slice %arg18[%add3A_37, %dma_wait3A_147] : memref<10240x64xf32, #tpu.memory_space<vmem_shared>> -> memref<128x64xf32, #tpu.memory_space<vmem_shared>>
      tpu.wait_dma2 semaphore(%run_scoped3A : memref<!tpu.dma_semaphore, #tpu.memory_space<semaphore_mem>>) src(%arg12 : memref<128x64xf32, #tpu.memory_space<vmem>>) dst(%dma_wait3A_148 : memref<128x64xf32, #tpu.memory_space<vmem_shared>>)
      tpu.yield
    }) : () -> ()
    %add3A_38 = arith.constant 256 : i32
    %add3A_39 = arith.addi %mul3A_2, %add3A_38 : i32
    "tpu.region"() ({
      %run_scoped3A = tpu.sem_alloc : memref<!tpu.dma_semaphore, #tpu.memory_space<semaphore_mem>>
      %dma_start3A = arith.constant 0 : i32
      %dma_start3A_143 = tpu.memref_slice %arg18[%add3A_39, %dma_start3A] : memref<10240x64xf32, #tpu.memory_space<vmem_shared>> -> memref<128x64xf32, #tpu.memory_space<vmem_shared>>
      %dma_start3A_144 = arith.constant 0 : i32
      %dma_start3A_145 = tpu.memref_slice %arg18[%add3A_39, %dma_start3A_144] : memref<10240x64xf32, #tpu.memory_space<vmem_shared>> -> memref<128x64xf32, #tpu.memory_space<vmem_shared>>
      tpu.enqueue_dma source(%arg12 : memref<128x64xf32, #tpu.memory_space<vmem>>) target(%dma_start3A_145 : memref<128x64xf32, #tpu.memory_space<vmem_shared>>) target_semaphore(%run_scoped3A : memref<!tpu.dma_semaphore, #tpu.memory_space<semaphore_mem>>)
      %dma_wait3A = arith.constant 0 : i32
      %dma_wait3A_146 = tpu.memref_slice %arg18[%add3A_39, %dma_wait3A] : memref<10240x64xf32, #tpu.memory_space<vmem_shared>> -> memref<128x64xf32, #tpu.memory_space<vmem_shared>>
      %dma_wait3A_147 = arith.constant 0 : i32
      %dma_wait3A_148 = tpu.memref_slice %arg18[%add3A_39, %dma_wait3A_147] : memref<10240x64xf32, #tpu.memory_space<vmem_shared>> -> memref<128x64xf32, #tpu.memory_space<vmem_shared>>
      tpu.wait_dma2 semaphore(%run_scoped3A : memref<!tpu.dma_semaphore, #tpu.memory_space<semaphore_mem>>) src(%arg12 : memref<128x64xf32, #tpu.memory_space<vmem>>) dst(%dma_wait3A_148 : memref<128x64xf32, #tpu.memory_space<vmem_shared>>)
      tpu.yield
    }) : () -> ()
    %add3A_40 = arith.constant 384 : i32
    %add3A_41 = arith.addi %mul3A_2, %add3A_40 : i32
    "tpu.region"() ({
      %run_scoped3A = tpu.sem_alloc : memref<!tpu.dma_semaphore, #tpu.memory_space<semaphore_mem>>
      %dma_start3A = arith.constant 0 : i32
      %dma_start3A_143 = tpu.memref_slice %arg18[%add3A_41, %dma_start3A] : memref<10240x64xf32, #tpu.memory_space<vmem_shared>> -> memref<128x64xf32, #tpu.memory_space<vmem_shared>>
      %dma_start3A_144 = arith.constant 0 : i32
      %dma_start3A_145 = tpu.memref_slice %arg18[%add3A_41, %dma_start3A_144] : memref<10240x64xf32, #tpu.memory_space<vmem_shared>> -> memref<128x64xf32, #tpu.memory_space<vmem_shared>>
      tpu.enqueue_dma source(%arg12 : memref<128x64xf32, #tpu.memory_space<vmem>>) target(%dma_start3A_145 : memref<128x64xf32, #tpu.memory_space<vmem_shared>>) target_semaphore(%run_scoped3A : memref<!tpu.dma_semaphore, #tpu.memory_space<semaphore_mem>>)
      %dma_wait3A = arith.constant 0 : i32
      %dma_wait3A_146 = tpu.memref_slice %arg18[%add3A_41, %dma_wait3A] : memref<10240x64xf32, #tpu.memory_space<vmem_shared>> -> memref<128x64xf32, #tpu.memory_space<vmem_shared>>
      %dma_wait3A_147 = arith.constant 0 : i32
      %dma_wait3A_148 = tpu.memref_slice %arg18[%add3A_41, %dma_wait3A_147] : memref<10240x64xf32, #tpu.memory_space<vmem_shared>> -> memref<128x64xf32, #tpu.memory_space<vmem_shared>>
      tpu.wait_dma2 semaphore(%run_scoped3A : memref<!tpu.dma_semaphore, #tpu.memory_space<semaphore_mem>>) src(%arg12 : memref<128x64xf32, #tpu.memory_space<vmem>>) dst(%dma_wait3A_148 : memref<128x64xf32, #tpu.memory_space<vmem_shared>>)
      tpu.yield
    }) : () -> ()
    %add3A_42 = arith.constant 512 : i32
    %add3A_43 = arith.addi %mul3A_2, %add3A_42 : i32
    "tpu.region"() ({
      %run_scoped3A = tpu.sem_alloc : memref<!tpu.dma_semaphore, #tpu.memory_space<semaphore_mem>>
      %dma_start3A = arith.constant 0 : i32
      %dma_start3A_143 = tpu.memref_slice %arg18[%add3A_43, %dma_start3A] : memref<10240x64xf32, #tpu.memory_space<vmem_shared>> -> memref<128x64xf32, #tpu.memory_space<vmem_shared>>
      %dma_start3A_144 = arith.constant 0 : i32
      %dma_start3A_145 = tpu.memref_slice %arg18[%add3A_43, %dma_start3A_144] : memref<10240x64xf32, #tpu.memory_space<vmem_shared>> -> memref<128x64xf32, #tpu.memory_space<vmem_shared>>
      tpu.enqueue_dma source(%arg12 : memref<128x64xf32, #tpu.memory_space<vmem>>) target(%dma_start3A_145 : memref<128x64xf32, #tpu.memory_space<vmem_shared>>) target_semaphore(%run_scoped3A : memref<!tpu.dma_semaphore, #tpu.memory_space<semaphore_mem>>)
      %dma_wait3A = arith.constant 0 : i32
      %dma_wait3A_146 = tpu.memref_slice %arg18[%add3A_43, %dma_wait3A] : memref<10240x64xf32, #tpu.memory_space<vmem_shared>> -> memref<128x64xf32, #tpu.memory_space<vmem_shared>>
      %dma_wait3A_147 = arith.constant 0 : i32
      %dma_wait3A_148 = tpu.memref_slice %arg18[%add3A_43, %dma_wait3A_147] : memref<10240x64xf32, #tpu.memory_space<vmem_shared>> -> memref<128x64xf32, #tpu.memory_space<vmem_shared>>
      tpu.wait_dma2 semaphore(%run_scoped3A : memref<!tpu.dma_semaphore, #tpu.memory_space<semaphore_mem>>) src(%arg12 : memref<128x64xf32, #tpu.memory_space<vmem>>) dst(%dma_wait3A_148 : memref<128x64xf32, #tpu.memory_space<vmem_shared>>)
      tpu.yield
    }) : () -> ()
    %barrier3A = arith.constant 0 : index
    tpu.barrier barrier_id(%barrier3A)
    %broadcast_in_dim3A_44 = arith.constant 1.000000e+00 : f32
    %broadcast_in_dim3A_45 = vector.broadcast %broadcast_in_dim3A_44 : f32 to vector<16xf32>
    %scan3A_46 = arith.constant 0 : i32
    %scan3A_47 = arith.constant 128 : i32
    %scan3A_48 = arith.addi %scan3A_46, %scan3A_47 : i32
    %scan3A_49 = arith.constant 1 : i32
    scf.for %scan3A_143 = %scan3A_46 to %scan3A_48 step %scan3A_49  : i32 {
      %mul3A_144 = arith.constant 1 : i32
      %mul3A_145 = arith.muli %scan3A_143, %mul3A_144 : i32
      %add3A_146 = arith.constant 0 : i32
      %add3A_147 = arith.addi %add3A_146, %mul3A_145 : i32
      %swap3A = arith.index_cast %add3A_147 : i32 to index
      %swap3A_148 = arith.constant 0 : index
      %swap3A_149 = tpu.vector_load %arg12[%swap3A, %swap3A_148] {strides = array<i32>} : memref<128x64xf32, #tpu.memory_space<vmem>>, vector<16xf32>,
      tpu.vector_store %arg12[%swap3A, %swap3A_148], %broadcast_in_dim3A_45 {strides = array<i32>} : memref<128x64xf32, #tpu.memory_space<vmem>>, vector<16xf32>,
      %swap3A_150 = arith.index_cast %add3A_147 : i32 to index
      %swap3A_151 = arith.constant 16 : index
      %swap3A_152 = tpu.vector_load %arg12[%swap3A_150, %swap3A_151] {strides = array<i32>} : memref<128x64xf32, #tpu.memory_space<vmem>>, vector<16xf32>,
      tpu.vector_store %arg12[%swap3A_150, %swap3A_151], %broadcast_in_dim3A_45 {strides = array<i32>} : memref<128x64xf32, #tpu.memory_space<vmem>>, vector<16xf32>,
      %swap3A_153 = arith.index_cast %add3A_147 : i32 to index
      %swap3A_154 = arith.constant 32 : index
      %swap3A_155 = tpu.vector_load %arg12[%swap3A_153, %swap3A_154] {strides = array<i32>} : memref<128x64xf32, #tpu.memory_space<vmem>>, vector<16xf32>,
      tpu.vector_store %arg12[%swap3A_153, %swap3A_154], %broadcast_in_dim3A_45 {strides = array<i32>} : memref<128x64xf32, #tpu.memory_space<vmem>>, vector<16xf32>,
      %swap3A_156 = arith.index_cast %add3A_147 : i32 to index
      %swap3A_157 = arith.constant 48 : index
      %swap3A_158 = tpu.vector_load %arg12[%swap3A_156, %swap3A_157] {strides = array<i32>} : memref<128x64xf32, #tpu.memory_space<vmem>>, vector<16xf32>,
      tpu.vector_store %arg12[%swap3A_156, %swap3A_157], %broadcast_in_dim3A_45 {strides = array<i32>} : memref<128x64xf32, #tpu.memory_space<vmem>>, vector<16xf32>,
    }
    %scan3A_50 = arith.constant 128 : i32
    %scan3A_51 = arith.constant 0 : i32
    %scan3A_52 = arith.constant 20 : i32
    %scan3A_53 = arith.addi %scan3A_51, %scan3A_52 : i32
    %scan3A_54 = arith.constant 1 : i32
    scf.for %scan3A_143 = %scan3A_51 to %scan3A_53 step %scan3A_54  : i32 {
      %mul3A_144 = arith.constant 1 : i32
      %mul3A_145 = arith.muli %scan3A_143, %mul3A_144 : i32
      %add3A_146 = arith.constant 0 : i32
      %add3A_147 = arith.addi %add3A_146, %mul3A_145 : i32
      %add3A_148 = arith.addi %mul3A_4, %add3A_147 : i32
      "tpu.region"() ({
        %run_scoped3A_156 = tpu.sem_alloc : memref<!tpu.dma_semaphore, #tpu.memory_space<semaphore_mem>>
        %dma_start3A = arith.constant 0 : i32
        %dma_start3A_157 = arith.constant 0 : i32
        %dma_start3A_158 = tpu.memref_slice %arg5[%add3A_148, %dma_start3A, %dma_start3A_157] : memref<320x8x128xi32, #tpu.memory_space<hbm>> -> memref<1x8x128xi32, #tpu.memory_space<hbm>>
        %dma_start3A_159 = tpu.memref_squeeze %dma_start3A_158 : memref<1x8x128xi32, #tpu.memory_space<hbm>> -> memref<8x128xi32, #tpu.memory_space<hbm>>
        %dma_start3A_160 = arith.constant 0 : i32
        %dma_start3A_161 = arith.constant 0 : i32
        %dma_start3A_162 = tpu.memref_slice %arg5[%add3A_148, %dma_start3A_160, %dma_start3A_161] : memref<320x8x128xi32, #tpu.memory_space<hbm>> -> memref<1x8x128xi32, #tpu.memory_space<hbm>>
        %dma_start3A_163 = tpu.memref_squeeze %dma_start3A_162 : memref<1x8x128xi32, #tpu.memory_space<hbm>> -> memref<8x128xi32, #tpu.memory_space<hbm>>
        tpu.enqueue_dma source(%dma_start3A_163 : memref<8x128xi32, #tpu.memory_space<hbm>>) target(%arg10 : memref<8x128xi32, #tpu.memory_space<vmem>>) target_semaphore(%run_scoped3A_156 : memref<!tpu.dma_semaphore, #tpu.memory_space<semaphore_mem>>)
        %dma_wait3A = arith.constant 0 : i32
        %dma_wait3A_164 = arith.constant 0 : i32
        %dma_wait3A_165 = tpu.memref_slice %arg5[%add3A_148, %dma_wait3A, %dma_wait3A_164] : memref<320x8x128xi32, #tpu.memory_space<hbm>> -> memref<1x8x128xi32, #tpu.memory_space<hbm>>
        %dma_wait3A_166 = tpu.memref_squeeze %dma_wait3A_165 : memref<1x8x128xi32, #tpu.memory_space<hbm>> -> memref<8x128xi32, #tpu.memory_space<hbm>>
        %dma_wait3A_167 = arith.constant 0 : i32
        %dma_wait3A_168 = arith.constant 0 : i32
        %dma_wait3A_169 = tpu.memref_slice %arg5[%add3A_148, %dma_wait3A_167, %dma_wait3A_168] : memref<320x8x128xi32, #tpu.memory_space<hbm>> -> memref<1x8x128xi32, #tpu.memory_space<hbm>>
        %dma_wait3A_170 = tpu.memref_squeeze %dma_wait3A_169 : memref<1x8x128xi32, #tpu.memory_space<hbm>> -> memref<8x128xi32, #tpu.memory_space<hbm>>
        tpu.wait_dma2 semaphore(%run_scoped3A_156 : memref<!tpu.dma_semaphore, #tpu.memory_space<semaphore_mem>>) src(%dma_wait3A_170 : memref<8x128xi32, #tpu.memory_space<hbm>>) dst(%arg10 : memref<8x128xi32, #tpu.memory_space<vmem>>)
        tpu.yield
      }) : () -> ()
      %run_scoped3A = arith.constant 0 : i32
      "tpu.region"() ({
        %run_scoped3A_156 = tpu.sem_alloc : memref<!tpu.dma_semaphore, #tpu.memory_space<semaphore_mem>>
        %dma_start3A = arith.constant 0 : i32
        %dma_start3A_157 = tpu.memref_slice %arg10[%run_scoped3A, %dma_start3A] : memref<8x128xi32, #tpu.memory_space<vmem>> -> memref<1x128xi32, #tpu.memory_space<vmem>>
        %dma_start3A_158 = tpu.memref_squeeze %dma_start3A_157 : memref<1x128xi32, #tpu.memory_space<vmem>> -> memref<128xi32, #tpu.memory_space<vmem>>
        %dma_start3A_159 = arith.constant 0 : i32
        %dma_start3A_160 = arith.constant 0 : i32
        %dma_start3A_161 = tpu.memref_slice %arg18[%dma_start3A_159, %dma_start3A_160] : memref<10240x64xf32, #tpu.memory_space<vmem_shared>> -> memref<10240x64xf32, #tpu.memory_space<vmem_shared>>
        tpu.enqueue_indirect_dma source(%arg12 : memref<128x64xf32, #tpu.memory_space<vmem>>) target(%dma_start3A_161 : memref<10240x64xf32, #tpu.memory_space<vmem_shared>>) offsets(%dma_start3A_158 : memref<128xi32, #tpu.memory_space<vmem>>) semaphore(%run_scoped3A_156 : memref<!tpu.dma_semaphore, #tpu.memory_space<semaphore_mem>>) {add = true}
        %dma_wait3A = arith.constant 0 : i32
        %dma_wait3A_162 = tpu.memref_slice %arg10[%run_scoped3A, %dma_wait3A] : memref<8x128xi32, #tpu.memory_space<vmem>> -> memref<1x128xi32, #tpu.memory_space<vmem>>
        %dma_wait3A_163 = tpu.memref_squeeze %dma_wait3A_162 : memref<1x128xi32, #tpu.memory_space<vmem>> -> memref<128xi32, #tpu.memory_space<vmem>>
        %dma_wait3A_164 = arith.constant 0 : i32
        %dma_wait3A_165 = arith.constant 0 : i32
        %dma_wait3A_166 = tpu.memref_slice %arg18[%dma_wait3A_164, %dma_wait3A_165] : memref<10240x64xf32, #tpu.memory_space<vmem_shared>> -> memref<10240x64xf32, #tpu.memory_space<vmem_shared>>
        tpu.wait_indirect_dma semaphore(%run_scoped3A_156 : memref<!tpu.dma_semaphore, #tpu.memory_space<semaphore_mem>>) src(%arg12 : memref<128x64xf32, #tpu.memory_space<vmem>>) dst(%dma_wait3A_166 : memref<10240x64xf32, #tpu.memory_space<vmem_shared>>)
        tpu.yield
      }) : () -> ()
      %run_scoped3A_149 = arith.constant 1 : i32
      "tpu.region"() ({
        %run_scoped3A_156 = tpu.sem_alloc : memref<!tpu.dma_semaphore, #tpu.memory_space<semaphore_mem>>
        %dma_start3A = arith.constant 0 : i32
        %dma_start3A_157 = tpu.memref_slice %arg10[%run_scoped3A_149, %dma_start3A] : memref<8x128xi32, #tpu.memory_space<vmem>> -> memref<1x128xi32, #tpu.memory_space<vmem>>
        %dma_start3A_158 = tpu.memref_squeeze %dma_start3A_157 : memref<1x128xi32, #tpu.memory_space<vmem>> -> memref<128xi32, #tpu.memory_space<vmem>>
        %dma_start3A_159 = arith.constant 0 : i32
        %dma_start3A_160 = arith.constant 0 : i32
        %dma_start3A_161 = tpu.memref_slice %arg18[%dma_start3A_159, %dma_start3A_160] : memref<10240x64xf32, #tpu.memory_space<vmem_shared>> -> memref<10240x64xf32, #tpu.memory_space<vmem_shared>>
        tpu.enqueue_indirect_dma source(%arg12 : memref<128x64xf32, #tpu.memory_space<vmem>>) target(%dma_start3A_161 : memref<10240x64xf32, #tpu.memory_space<vmem_shared>>) offsets(%dma_start3A_158 : memref<128xi32, #tpu.memory_space<vmem>>) semaphore(%run_scoped3A_156 : memref<!tpu.dma_semaphore, #tpu.memory_space<semaphore_mem>>) {add = true}
        %dma_wait3A = arith.constant 0 : i32
        %dma_wait3A_162 = tpu.memref_slice %arg10[%run_scoped3A_149, %dma_wait3A] : memref<8x128xi32, #tpu.memory_space<vmem>> -> memref<1x128xi32, #tpu.memory_space<vmem>>
        %dma_wait3A_163 = tpu.memref_squeeze %dma_wait3A_162 : memref<1x128xi32, #tpu.memory_space<vmem>> -> memref<128xi32, #tpu.memory_space<vmem>>
        %dma_wait3A_164 = arith.constant 0 : i32
        %dma_wait3A_165 = arith.constant 0 : i32
        %dma_wait3A_166 = tpu.memref_slice %arg18[%dma_wait3A_164, %dma_wait3A_165] : memref<10240x64xf32, #tpu.memory_space<vmem_shared>> -> memref<10240x64xf32, #tpu.memory_space<vmem_shared>>
        tpu.wait_indirect_dma semaphore(%run_scoped3A_156 : memref<!tpu.dma_semaphore, #tpu.memory_space<semaphore_mem>>) src(%arg12 : memref<128x64xf32, #tpu.memory_space<vmem>>) dst(%dma_wait3A_166 : memref<10240x64xf32, #tpu.memory_space<vmem_shared>>)
        tpu.yield
      }) : () -> ()
      %run_scoped3A_150 = arith.constant 2 : i32
      "tpu.region"() ({
        %run_scoped3A_156 = tpu.sem_alloc : memref<!tpu.dma_semaphore, #tpu.memory_space<semaphore_mem>>
        %dma_start3A = arith.constant 0 : i32
        %dma_start3A_157 = tpu.memref_slice %arg10[%run_scoped3A_150, %dma_start3A] : memref<8x128xi32, #tpu.memory_space<vmem>> -> memref<1x128xi32, #tpu.memory_space<vmem>>
        %dma_start3A_158 = tpu.memref_squeeze %dma_start3A_157 : memref<1x128xi32, #tpu.memory_space<vmem>> -> memref<128xi32, #tpu.memory_space<vmem>>
        %dma_start3A_159 = arith.constant 0 : i32
        %dma_start3A_160 = arith.constant 0 : i32
        %dma_start3A_161 = tpu.memref_slice %arg18[%dma_start3A_159, %dma_start3A_160] : memref<10240x64xf32, #tpu.memory_space<vmem_shared>> -> memref<10240x64xf32, #tpu.memory_space<vmem_shared>>
        tpu.enqueue_indirect_dma source(%arg12 : memref<128x64xf32, #tpu.memory_space<vmem>>) target(%dma_start3A_161 : memref<10240x64xf32, #tpu.memory_space<vmem_shared>>) offsets(%dma_start3A_158 : memref<128xi32, #tpu.memory_space<vmem>>) semaphore(%run_scoped3A_156 : memref<!tpu.dma_semaphore, #tpu.memory_space<semaphore_mem>>) {add = true}
        %dma_wait3A = arith.constant 0 : i32
        %dma_wait3A_162 = tpu.memref_slice %arg10[%run_scoped3A_150, %dma_wait3A] : memref<8x128xi32, #tpu.memory_space<vmem>> -> memref<1x128xi32, #tpu.memory_space<vmem>>
        %dma_wait3A_163 = tpu.memref_squeeze %dma_wait3A_162 : memref<1x128xi32, #tpu.memory_space<vmem>> -> memref<128xi32, #tpu.memory_space<vmem>>
        %dma_wait3A_164 = arith.constant 0 : i32
        %dma_wait3A_165 = arith.constant 0 : i32
        %dma_wait3A_166 = tpu.memref_slice %arg18[%dma_wait3A_164, %dma_wait3A_165] : memref<10240x64xf32, #tpu.memory_space<vmem_shared>> -> memref<10240x64xf32, #tpu.memory_space<vmem_shared>>
        tpu.wait_indirect_dma semaphore(%run_scoped3A_156 : memref<!tpu.dma_semaphore, #tpu.memory_space<semaphore_mem>>) src(%arg12 : memref<128x64xf32, #tpu.memory_space<vmem>>) dst(%dma_wait3A_166 : memref<10240x64xf32, #tpu.memory_space<vmem_shared>>)
        tpu.yield
      }) : () -> ()
      %run_scoped3A_151 = arith.constant 3 : i32
      "tpu.region"() ({
        %run_scoped3A_156 = tpu.sem_alloc : memref<!tpu.dma_semaphore, #tpu.memory_space<semaphore_mem>>
        %dma_start3A = arith.constant 0 : i32
        %dma_start3A_157 = tpu.memref_slice %arg10[%run_scoped3A_151, %dma_start3A] : memref<8x128xi32, #tpu.memory_space<vmem>> -> memref<1x128xi32, #tpu.memory_space<vmem>>
        %dma_start3A_158 = tpu.memref_squeeze %dma_start3A_157 : memref<1x128xi32, #tpu.memory_space<vmem>> -> memref<128xi32, #tpu.memory_space<vmem>>
        %dma_start3A_159 = arith.constant 0 : i32
        %dma_start3A_160 = arith.constant 0 : i32
        %dma_start3A_161 = tpu.memref_slice %arg18[%dma_start3A_159, %dma_start3A_160] : memref<10240x64xf32, #tpu.memory_space<vmem_shared>> -> memref<10240x64xf32, #tpu.memory_space<vmem_shared>>
        tpu.enqueue_indirect_dma source(%arg12 : memref<128x64xf32, #tpu.memory_space<vmem>>) target(%dma_start3A_161 : memref<10240x64xf32, #tpu.memory_space<vmem_shared>>) offsets(%dma_start3A_158 : memref<128xi32, #tpu.memory_space<vmem>>) semaphore(%run_scoped3A_156 : memref<!tpu.dma_semaphore, #tpu.memory_space<semaphore_mem>>) {add = true}
        %dma_wait3A = arith.constant 0 : i32
        %dma_wait3A_162 = tpu.memref_slice %arg10[%run_scoped3A_151, %dma_wait3A] : memref<8x128xi32, #tpu.memory_space<vmem>> -> memref<1x128xi32, #tpu.memory_space<vmem>>
        %dma_wait3A_163 = tpu.memref_squeeze %dma_wait3A_162 : memref<1x128xi32, #tpu.memory_space<vmem>> -> memref<128xi32, #tpu.memory_space<vmem>>
        %dma_wait3A_164 = arith.constant 0 : i32
        %dma_wait3A_165 = arith.constant 0 : i32
        %dma_wait3A_166 = tpu.memref_slice %arg18[%dma_wait3A_164, %dma_wait3A_165] : memref<10240x64xf32, #tpu.memory_space<vmem_shared>> -> memref<10240x64xf32, #tpu.memory_space<vmem_shared>>
        tpu.wait_indirect_dma semaphore(%run_scoped3A_156 : memref<!tpu.dma_semaphore, #tpu.memory_space<semaphore_mem>>) src(%arg12 : memref<128x64xf32, #tpu.memory_space<vmem>>) dst(%dma_wait3A_166 : memref<10240x64xf32, #tpu.memory_space<vmem_shared>>)
        tpu.yield
      }) : () -> ()
      %run_scoped3A_152 = arith.constant 4 : i32
      "tpu.region"() ({
        %run_scoped3A_156 = tpu.sem_alloc : memref<!tpu.dma_semaphore, #tpu.memory_space<semaphore_mem>>
        %dma_start3A = arith.constant 0 : i32
        %dma_start3A_157 = tpu.memref_slice %arg10[%run_scoped3A_152, %dma_start3A] : memref<8x128xi32, #tpu.memory_space<vmem>> -> memref<1x128xi32, #tpu.memory_space<vmem>>
        %dma_start3A_158 = tpu.memref_squeeze %dma_start3A_157 : memref<1x128xi32, #tpu.memory_space<vmem>> -> memref<128xi32, #tpu.memory_space<vmem>>
        %dma_start3A_159 = arith.constant 0 : i32
        %dma_start3A_160 = arith.constant 0 : i32
        %dma_start3A_161 = tpu.memref_slice %arg18[%dma_start3A_159, %dma_start3A_160] : memref<10240x64xf32, #tpu.memory_space<vmem_shared>> -> memref<10240x64xf32, #tpu.memory_space<vmem_shared>>
        tpu.enqueue_indirect_dma source(%arg12 : memref<128x64xf32, #tpu.memory_space<vmem>>) target(%dma_start3A_161 : memref<10240x64xf32, #tpu.memory_space<vmem_shared>>) offsets(%dma_start3A_158 : memref<128xi32, #tpu.memory_space<vmem>>) semaphore(%run_scoped3A_156 : memref<!tpu.dma_semaphore, #tpu.memory_space<semaphore_mem>>) {add = true}
        %dma_wait3A = arith.constant 0 : i32
        %dma_wait3A_162 = tpu.memref_slice %arg10[%run_scoped3A_152, %dma_wait3A] : memref<8x128xi32, #tpu.memory_space<vmem>> -> memref<1x128xi32, #tpu.memory_space<vmem>>
        %dma_wait3A_163 = tpu.memref_squeeze %dma_wait3A_162 : memref<1x128xi32, #tpu.memory_space<vmem>> -> memref<128xi32, #tpu.memory_space<vmem>>
        %dma_wait3A_164 = arith.constant 0 : i32
        %dma_wait3A_165 = arith.constant 0 : i32
        %dma_wait3A_166 = tpu.memref_slice %arg18[%dma_wait3A_164, %dma_wait3A_165] : memref<10240x64xf32, #tpu.memory_space<vmem_shared>> -> memref<10240x64xf32, #tpu.memory_space<vmem_shared>>
        tpu.wait_indirect_dma semaphore(%run_scoped3A_156 : memref<!tpu.dma_semaphore, #tpu.memory_space<semaphore_mem>>) src(%arg12 : memref<128x64xf32, #tpu.memory_space<vmem>>) dst(%dma_wait3A_166 : memref<10240x64xf32, #tpu.memory_space<vmem_shared>>)
        tpu.yield
      }) : () -> ()
      %run_scoped3A_153 = arith.constant 5 : i32
      "tpu.region"() ({
        %run_scoped3A_156 = tpu.sem_alloc : memref<!tpu.dma_semaphore, #tpu.memory_space<semaphore_mem>>
        %dma_start3A = arith.constant 0 : i32
        %dma_start3A_157 = tpu.memref_slice %arg10[%run_scoped3A_153, %dma_start3A] : memref<8x128xi32, #tpu.memory_space<vmem>> -> memref<1x128xi32, #tpu.memory_space<vmem>>
        %dma_start3A_158 = tpu.memref_squeeze %dma_start3A_157 : memref<1x128xi32, #tpu.memory_space<vmem>> -> memref<128xi32, #tpu.memory_space<vmem>>
        %dma_start3A_159 = arith.constant 0 : i32
        %dma_start3A_160 = arith.constant 0 : i32
        %dma_start3A_161 = tpu.memref_slice %arg18[%dma_start3A_159, %dma_start3A_160] : memref<10240x64xf32, #tpu.memory_space<vmem_shared>> -> memref<10240x64xf32, #tpu.memory_space<vmem_shared>>
        tpu.enqueue_indirect_dma source(%arg12 : memref<128x64xf32, #tpu.memory_space<vmem>>) target(%dma_start3A_161 : memref<10240x64xf32, #tpu.memory_space<vmem_shared>>) offsets(%dma_start3A_158 : memref<128xi32, #tpu.memory_space<vmem>>) semaphore(%run_scoped3A_156 : memref<!tpu.dma_semaphore, #tpu.memory_space<semaphore_mem>>) {add = true}
        %dma_wait3A = arith.constant 0 : i32
        %dma_wait3A_162 = tpu.memref_slice %arg10[%run_scoped3A_153, %dma_wait3A] : memref<8x128xi32, #tpu.memory_space<vmem>> -> memref<1x128xi32, #tpu.memory_space<vmem>>
        %dma_wait3A_163 = tpu.memref_squeeze %dma_wait3A_162 : memref<1x128xi32, #tpu.memory_space<vmem>> -> memref<128xi32, #tpu.memory_space<vmem>>
        %dma_wait3A_164 = arith.constant 0 : i32
        %dma_wait3A_165 = arith.constant 0 : i32
        %dma_wait3A_166 = tpu.memref_slice %arg18[%dma_wait3A_164, %dma_wait3A_165] : memref<10240x64xf32, #tpu.memory_space<vmem_shared>> -> memref<10240x64xf32, #tpu.memory_space<vmem_shared>>
        tpu.wait_indirect_dma semaphore(%run_scoped3A_156 : memref<!tpu.dma_semaphore, #tpu.memory_space<semaphore_mem>>) src(%arg12 : memref<128x64xf32, #tpu.memory_space<vmem>>) dst(%dma_wait3A_166 : memref<10240x64xf32, #tpu.memory_space<vmem_shared>>)
        tpu.yield
      }) : () -> ()
      %run_scoped3A_154 = arith.constant 6 : i32
      "tpu.region"() ({
        %run_scoped3A_156 = tpu.sem_alloc : memref<!tpu.dma_semaphore, #tpu.memory_space<semaphore_mem>>
        %dma_start3A = arith.constant 0 : i32
        %dma_start3A_157 = tpu.memref_slice %arg10[%run_scoped3A_154, %dma_start3A] : memref<8x128xi32, #tpu.memory_space<vmem>> -> memref<1x128xi32, #tpu.memory_space<vmem>>
        %dma_start3A_158 = tpu.memref_squeeze %dma_start3A_157 : memref<1x128xi32, #tpu.memory_space<vmem>> -> memref<128xi32, #tpu.memory_space<vmem>>
        %dma_start3A_159 = arith.constant 0 : i32
        %dma_start3A_160 = arith.constant 0 : i32
        %dma_start3A_161 = tpu.memref_slice %arg18[%dma_start3A_159, %dma_start3A_160] : memref<10240x64xf32, #tpu.memory_space<vmem_shared>> -> memref<10240x64xf32, #tpu.memory_space<vmem_shared>>
        tpu.enqueue_indirect_dma source(%arg12 : memref<128x64xf32, #tpu.memory_space<vmem>>) target(%dma_start3A_161 : memref<10240x64xf32, #tpu.memory_space<vmem_shared>>) offsets(%dma_start3A_158 : memref<128xi32, #tpu.memory_space<vmem>>) semaphore(%run_scoped3A_156 : memref<!tpu.dma_semaphore, #tpu.memory_space<semaphore_mem>>) {add = true}
        %dma_wait3A = arith.constant 0 : i32
        %dma_wait3A_162 = tpu.memref_slice %arg10[%run_scoped3A_154, %dma_wait3A] : memref<8x128xi32, #tpu.memory_space<vmem>> -> memref<1x128xi32, #tpu.memory_space<vmem>>
        %dma_wait3A_163 = tpu.memref_squeeze %dma_wait3A_162 : memref<1x128xi32, #tpu.memory_space<vmem>> -> memref<128xi32, #tpu.memory_space<vmem>>
        %dma_wait3A_164 = arith.constant 0 : i32
        %dma_wait3A_165 = arith.constant 0 : i32
        %dma_wait3A_166 = tpu.memref_slice %arg18[%dma_wait3A_164, %dma_wait3A_165] : memref<10240x64xf32, #tpu.memory_space<vmem_shared>> -> memref<10240x64xf32, #tpu.memory_space<vmem_shared>>
        tpu.wait_indirect_dma semaphore(%run_scoped3A_156 : memref<!tpu.dma_semaphore, #tpu.memory_space<semaphore_mem>>) src(%arg12 : memref<128x64xf32, #tpu.memory_space<vmem>>) dst(%dma_wait3A_166 : memref<10240x64xf32, #tpu.memory_space<vmem_shared>>)
        tpu.yield
      }) : () -> ()
      %run_scoped3A_155 = arith.constant 7 : i32
      "tpu.region"() ({
        %run_scoped3A_156 = tpu.sem_alloc : memref<!tpu.dma_semaphore, #tpu.memory_space<semaphore_mem>>
        %dma_start3A = arith.constant 0 : i32
        %dma_start3A_157 = tpu.memref_slice %arg10[%run_scoped3A_155, %dma_start3A] : memref<8x128xi32, #tpu.memory_space<vmem>> -> memref<1x128xi32, #tpu.memory_space<vmem>>
        %dma_start3A_158 = tpu.memref_squeeze %dma_start3A_157 : memref<1x128xi32, #tpu.memory_space<vmem>> -> memref<128xi32, #tpu.memory_space<vmem>>
        %dma_start3A_159 = arith.constant 0 : i32
        %dma_start3A_160 = arith.constant 0 : i32
        %dma_start3A_161 = tpu.memref_slice %arg18[%dma_start3A_159, %dma_start3A_160] : memref<10240x64xf32, #tpu.memory_space<vmem_shared>> -> memref<10240x64xf32, #tpu.memory_space<vmem_shared>>
        tpu.enqueue_indirect_dma source(%arg12 : memref<128x64xf32, #tpu.memory_space<vmem>>) target(%dma_start3A_161 : memref<10240x64xf32, #tpu.memory_space<vmem_shared>>) offsets(%dma_start3A_158 : memref<128xi32, #tpu.memory_space<vmem>>) semaphore(%run_scoped3A_156 : memref<!tpu.dma_semaphore, #tpu.memory_space<semaphore_mem>>) {add = true}
        %dma_wait3A = arith.constant 0 : i32
        %dma_wait3A_162 = tpu.memref_slice %arg10[%run_scoped3A_155, %dma_wait3A] : memref<8x128xi32, #tpu.memory_space<vmem>> -> memref<1x128xi32, #tpu.memory_space<vmem>>
        %dma_wait3A_163 = tpu.memref_squeeze %dma_wait3A_162 : memref<1x128xi32, #tpu.memory_space<vmem>> -> memref<128xi32, #tpu.memory_space<vmem>>
        %dma_wait3A_164 = arith.constant 0 : i32
        %dma_wait3A_165 = arith.constant 0 : i32
        %dma_wait3A_166 = tpu.memref_slice %arg18[%dma_wait3A_164, %dma_wait3A_165] : memref<10240x64xf32, #tpu.memory_space<vmem_shared>> -> memref<10240x64xf32, #tpu.memory_space<vmem_shared>>
        tpu.wait_indirect_dma semaphore(%run_scoped3A_156 : memref<!tpu.dma_semaphore, #tpu.memory_space<semaphore_mem>>) src(%arg12 : memref<128x64xf32, #tpu.memory_space<vmem>>) dst(%dma_wait3A_166 : memref<10240x64xf32, #tpu.memory_space<vmem_shared>>)
        tpu.yield
      }) : () -> ()
    }
    %scan3A_55 = arith.constant 20 : i32
    %barrier3A_56 = arith.constant 0 : index
    tpu.barrier barrier_id(%barrier3A_56)
    %add3A_57 = arith.constant 0 : i32
    %add3A_58 = arith.addi %mul3A_2, %add3A_57 : i32
    "tpu.region"() ({
      %run_scoped3A = tpu.sem_alloc : memref<!tpu.dma_semaphore, #tpu.memory_space<semaphore_mem>>
      %dma_start3A = arith.constant 0 : i32
      %dma_start3A_143 = tpu.memref_slice %arg18[%add3A_58, %dma_start3A] : memref<10240x64xf32, #tpu.memory_space<vmem_shared>> -> memref<128x64xf32, #tpu.memory_space<vmem_shared>>
      %dma_start3A_144 = arith.constant 0 : i32
      %dma_start3A_145 = tpu.memref_slice %arg18[%add3A_58, %dma_start3A_144] : memref<10240x64xf32, #tpu.memory_space<vmem_shared>> -> memref<128x64xf32, #tpu.memory_space<vmem_shared>>
      tpu.enqueue_dma source(%dma_start3A_145 : memref<128x64xf32, #tpu.memory_space<vmem_shared>>) target(%arg16 : memref<128x64xf32, #tpu.memory_space<vmem>>) target_semaphore(%run_scoped3A : memref<!tpu.dma_semaphore, #tpu.memory_space<semaphore_mem>>)
      %dma_wait3A = arith.constant 0 : i32
      %dma_wait3A_146 = tpu.memref_slice %arg18[%add3A_58, %dma_wait3A] : memref<10240x64xf32, #tpu.memory_space<vmem_shared>> -> memref<128x64xf32, #tpu.memory_space<vmem_shared>>
      %dma_wait3A_147 = arith.constant 0 : i32
      %dma_wait3A_148 = tpu.memref_slice %arg18[%add3A_58, %dma_wait3A_147] : memref<10240x64xf32, #tpu.memory_space<vmem_shared>> -> memref<128x64xf32, #tpu.memory_space<vmem_shared>>
      tpu.wait_dma2 semaphore(%run_scoped3A : memref<!tpu.dma_semaphore, #tpu.memory_space<semaphore_mem>>) src(%dma_wait3A_148 : memref<128x64xf32, #tpu.memory_space<vmem_shared>>) dst(%arg16 : memref<128x64xf32, #tpu.memory_space<vmem>>)
      tpu.yield
    }) : () -> ()
    %scan3A_59 = arith.constant 0 : i32
    %scan3A_60 = arith.constant 128 : i32
    %scan3A_61 = arith.addi %scan3A_59, %scan3A_60 : i32
    %scan3A_62 = arith.constant 1 : i32
    scf.for %scan3A_143 = %scan3A_59 to %scan3A_61 step %scan3A_62  : i32 {
      %mul3A_144 = arith.constant 1 : i32
      %mul3A_145 = arith.muli %scan3A_143, %mul3A_144 : i32
      %add3A_146 = arith.constant 0 : i32
      %add3A_147 = arith.addi %add3A_146, %mul3A_145 : i32
      %get3A = arith.index_cast %add3A_147 : i32 to index
      %get3A_148 = arith.constant 0 : index
      %get3A_149 = tpu.vector_load %arg16[%get3A, %get3A_148] {strides = array<i32>} : memref<128x64xf32, #tpu.memory_space<vmem>>, vector<16xf32>,
      %max3A = arith.constant 1.000000e+00 : f32
      %max3A_150 = vector.broadcast %max3A : f32 to vector<16xf32>
      %max3A_151 = arith.maximumf %get3A_149, %max3A_150 : vector<16xf32>
      %div3A = arith.constant 0.899999976 : f32
      %div3A_152 = vector.broadcast %div3A : f32 to vector<16xf32>
      %div3A_153 = arith.divf %div3A_152, %max3A_151 : vector<16xf32>
      %reduce_max3A = arith.constant true
      %reduce_max3A_154 = vector.broadcast %reduce_max3A : i1 to vector<16xi1>
      %reduce_max3A_155 = tpu.scan <max>, %div3A_153 masked %reduce_max3A_154 : vector<16xf32>, vector<16xi1> -> vector<16xf32>
      %reduce_max3A_156 = vector.extract %reduce_max3A_155[15] : f32 from vector<16xf32>
      %add3A_157 = arith.constant 0 : i32
      %add3A_158 = arith.addi %add3A_157, %add3A_147 : i32
      %swap3A = arith.index_cast %add3A_158 : i32 to index
      %swap3A_159 = memref.load %arg19[%swap3A] : memref<640xf32, #tpu.memory_space<smem>>
      memref.store %reduce_max3A_156, %arg19[%swap3A] : memref<640xf32, #tpu.memory_space<smem>>
      %mul3A_160 = arith.constant 1.11111116 : f32
      %mul3A_161 = vector.broadcast %mul3A_160 : f32 to vector<16xf32>
      %mul3A_162 = arith.mulf %max3A_151, %mul3A_161 : vector<16xf32>
      %reduce_max3A_163 = arith.constant true
      %reduce_max3A_164 = vector.broadcast %reduce_max3A_163 : i1 to vector<16xi1>
      %reduce_max3A_165 = tpu.scan <max>, %mul3A_162 masked %reduce_max3A_164 : vector<16xf32>, vector<16xi1> -> vector<16xf32>
      %reduce_max3A_166 = vector.extract %reduce_max3A_165[15] : f32 from vector<16xf32>
      %add3A_167 = arith.constant 0 : i32
      %add3A_168 = arith.addi %add3A_167, %add3A_147 : i32
      %swap3A_169 = arith.index_cast %add3A_168 : i32 to index
      %swap3A_170 = memref.load %arg20[%swap3A_169] : memref<640xf32, #tpu.memory_space<smem>>
      memref.store %reduce_max3A_166, %arg20[%swap3A_169] : memref<640xf32, #tpu.memory_space<smem>>
    }
    %scan3A_63 = arith.constant 128 : i32
    %add3A_64 = arith.constant 128 : i32
    %add3A_65 = arith.addi %mul3A_2, %add3A_64 : i32
    "tpu.region"() ({
      %run_scoped3A = tpu.sem_alloc : memref<!tpu.dma_semaphore, #tpu.memory_space<semaphore_mem>>
      %dma_start3A = arith.constant 0 : i32
      %dma_start3A_143 = tpu.memref_slice %arg18[%add3A_65, %dma_start3A] : memref<10240x64xf32, #tpu.memory_space<vmem_shared>> -> memref<128x64xf32, #tpu.memory_space<vmem_shared>>
      %dma_start3A_144 = arith.constant 0 : i32
      %dma_start3A_145 = tpu.memref_slice %arg18[%add3A_65, %dma_start3A_144] : memref<10240x64xf32, #tpu.memory_space<vmem_shared>> -> memref<128x64xf32, #tpu.memory_space<vmem_shared>>
      tpu.enqueue_dma source(%dma_start3A_145 : memref<128x64xf32, #tpu.memory_space<vmem_shared>>) target(%arg16 : memref<128x64xf32, #tpu.memory_space<vmem>>) target_semaphore(%run_scoped3A : memref<!tpu.dma_semaphore, #tpu.memory_space<semaphore_mem>>)
      %dma_wait3A = arith.constant 0 : i32
      %dma_wait3A_146 = tpu.memref_slice %arg18[%add3A_65, %dma_wait3A] : memref<10240x64xf32, #tpu.memory_space<vmem_shared>> -> memref<128x64xf32, #tpu.memory_space<vmem_shared>>
      %dma_wait3A_147 = arith.constant 0 : i32
      %dma_wait3A_148 = tpu.memref_slice %arg18[%add3A_65, %dma_wait3A_147] : memref<10240x64xf32, #tpu.memory_space<vmem_shared>> -> memref<128x64xf32, #tpu.memory_space<vmem_shared>>
      tpu.wait_dma2 semaphore(%run_scoped3A : memref<!tpu.dma_semaphore, #tpu.memory_space<semaphore_mem>>) src(%dma_wait3A_148 : memref<128x64xf32, #tpu.memory_space<vmem_shared>>) dst(%arg16 : memref<128x64xf32, #tpu.memory_space<vmem>>)
      tpu.yield
    }) : () -> ()
    %scan3A_66 = arith.constant 0 : i32
    %scan3A_67 = arith.constant 128 : i32
    %scan3A_68 = arith.addi %scan3A_66, %scan3A_67 : i32
    %scan3A_69 = arith.constant 1 : i32
    scf.for %scan3A_143 = %scan3A_66 to %scan3A_68 step %scan3A_69  : i32 {
      %mul3A_144 = arith.constant 1 : i32
      %mul3A_145 = arith.muli %scan3A_143, %mul3A_144 : i32
      %add3A_146 = arith.constant 0 : i32
      %add3A_147 = arith.addi %add3A_146, %mul3A_145 : i32
      %get3A = arith.index_cast %add3A_147 : i32 to index
      %get3A_148 = arith.constant 0 : index
      %get3A_149 = tpu.vector_load %arg16[%get3A, %get3A_148] {strides = array<i32>} : memref<128x64xf32, #tpu.memory_space<vmem>>, vector<16xf32>,
      %max3A = arith.constant 1.000000e+00 : f32
      %max3A_150 = vector.broadcast %max3A : f32 to vector<16xf32>
      %max3A_151 = arith.maximumf %get3A_149, %max3A_150 : vector<16xf32>
      %div3A = arith.constant 0.899999976 : f32
      %div3A_152 = vector.broadcast %div3A : f32 to vector<16xf32>
      %div3A_153 = arith.divf %div3A_152, %max3A_151 : vector<16xf32>
      %reduce_max3A = arith.constant true
      %reduce_max3A_154 = vector.broadcast %reduce_max3A : i1 to vector<16xi1>
      %reduce_max3A_155 = tpu.scan <max>, %div3A_153 masked %reduce_max3A_154 : vector<16xf32>, vector<16xi1> -> vector<16xf32>
      %reduce_max3A_156 = vector.extract %reduce_max3A_155[15] : f32 from vector<16xf32>
      %add3A_157 = arith.constant 128 : i32
      %add3A_158 = arith.addi %add3A_157, %add3A_147 : i32
      %swap3A = arith.index_cast %add3A_158 : i32 to index
      %swap3A_159 = memref.load %arg19[%swap3A] : memref<640xf32, #tpu.memory_space<smem>>
      memref.store %reduce_max3A_156, %arg19[%swap3A] : memref<640xf32, #tpu.memory_space<smem>>
      %mul3A_160 = arith.constant 1.11111116 : f32
      %mul3A_161 = vector.broadcast %mul3A_160 : f32 to vector<16xf32>
      %mul3A_162 = arith.mulf %max3A_151, %mul3A_161 : vector<16xf32>
      %reduce_max3A_163 = arith.constant true
      %reduce_max3A_164 = vector.broadcast %reduce_max3A_163 : i1 to vector<16xi1>
      %reduce_max3A_165 = tpu.scan <max>, %mul3A_162 masked %reduce_max3A_164 : vector<16xf32>, vector<16xi1> -> vector<16xf32>
      %reduce_max3A_166 = vector.extract %reduce_max3A_165[15] : f32 from vector<16xf32>
      %add3A_167 = arith.constant 128 : i32
      %add3A_168 = arith.addi %add3A_167, %add3A_147 : i32
      %swap3A_169 = arith.index_cast %add3A_168 : i32 to index
      %swap3A_170 = memref.load %arg20[%swap3A_169] : memref<640xf32, #tpu.memory_space<smem>>
      memref.store %reduce_max3A_166, %arg20[%swap3A_169] : memref<640xf32, #tpu.memory_space<smem>>
    }
    %scan3A_70 = arith.constant 128 : i32
    %add3A_71 = arith.constant 256 : i32
    %add3A_72 = arith.addi %mul3A_2, %add3A_71 : i32
    "tpu.region"() ({
      %run_scoped3A = tpu.sem_alloc : memref<!tpu.dma_semaphore, #tpu.memory_space<semaphore_mem>>
      %dma_start3A = arith.constant 0 : i32
      %dma_start3A_143 = tpu.memref_slice %arg18[%add3A_72, %dma_start3A] : memref<10240x64xf32, #tpu.memory_space<vmem_shared>> -> memref<128x64xf32, #tpu.memory_space<vmem_shared>>
      %dma_start3A_144 = arith.constant 0 : i32
      %dma_start3A_145 = tpu.memref_slice %arg18[%add3A_72, %dma_start3A_144] : memref<10240x64xf32, #tpu.memory_space<vmem_shared>> -> memref<128x64xf32, #tpu.memory_space<vmem_shared>>
      tpu.enqueue_dma source(%dma_start3A_145 : memref<128x64xf32, #tpu.memory_space<vmem_shared>>) target(%arg16 : memref<128x64xf32, #tpu.memory_space<vmem>>) target_semaphore(%run_scoped3A : memref<!tpu.dma_semaphore, #tpu.memory_space<semaphore_mem>>)
      %dma_wait3A = arith.constant 0 : i32
      %dma_wait3A_146 = tpu.memref_slice %arg18[%add3A_72, %dma_wait3A] : memref<10240x64xf32, #tpu.memory_space<vmem_shared>> -> memref<128x64xf32, #tpu.memory_space<vmem_shared>>
      %dma_wait3A_147 = arith.constant 0 : i32
      %dma_wait3A_148 = tpu.memref_slice %arg18[%add3A_72, %dma_wait3A_147] : memref<10240x64xf32, #tpu.memory_space<vmem_shared>> -> memref<128x64xf32, #tpu.memory_space<vmem_shared>>
      tpu.wait_dma2 semaphore(%run_scoped3A : memref<!tpu.dma_semaphore, #tpu.memory_space<semaphore_mem>>) src(%dma_wait3A_148 : memref<128x64xf32, #tpu.memory_space<vmem_shared>>) dst(%arg16 : memref<128x64xf32, #tpu.memory_space<vmem>>)
      tpu.yield
    }) : () -> ()
    %scan3A_73 = arith.constant 0 : i32
    %scan3A_74 = arith.constant 128 : i32
    %scan3A_75 = arith.addi %scan3A_73, %scan3A_74 : i32
    %scan3A_76 = arith.constant 1 : i32
    scf.for %scan3A_143 = %scan3A_73 to %scan3A_75 step %scan3A_76  : i32 {
      %mul3A_144 = arith.constant 1 : i32
      %mul3A_145 = arith.muli %scan3A_143, %mul3A_144 : i32
      %add3A_146 = arith.constant 0 : i32
      %add3A_147 = arith.addi %add3A_146, %mul3A_145 : i32
      %get3A = arith.index_cast %add3A_147 : i32 to index
      %get3A_148 = arith.constant 0 : index
      %get3A_149 = tpu.vector_load %arg16[%get3A, %get3A_148] {strides = array<i32>} : memref<128x64xf32, #tpu.memory_space<vmem>>, vector<16xf32>,
      %max3A = arith.constant 1.000000e+00 : f32
      %max3A_150 = vector.broadcast %max3A : f32 to vector<16xf32>
      %max3A_151 = arith.maximumf %get3A_149, %max3A_150 : vector<16xf32>
      %div3A = arith.constant 0.899999976 : f32
      %div3A_152 = vector.broadcast %div3A : f32 to vector<16xf32>
      %div3A_153 = arith.divf %div3A_152, %max3A_151 : vector<16xf32>
      %reduce_max3A = arith.constant true
      %reduce_max3A_154 = vector.broadcast %reduce_max3A : i1 to vector<16xi1>
      %reduce_max3A_155 = tpu.scan <max>, %div3A_153 masked %reduce_max3A_154 : vector<16xf32>, vector<16xi1> -> vector<16xf32>
      %reduce_max3A_156 = vector.extract %reduce_max3A_155[15] : f32 from vector<16xf32>
      %add3A_157 = arith.constant 256 : i32
      %add3A_158 = arith.addi %add3A_157, %add3A_147 : i32
      %swap3A = arith.index_cast %add3A_158 : i32 to index
      %swap3A_159 = memref.load %arg19[%swap3A] : memref<640xf32, #tpu.memory_space<smem>>
      memref.store %reduce_max3A_156, %arg19[%swap3A] : memref<640xf32, #tpu.memory_space<smem>>
      %mul3A_160 = arith.constant 1.11111116 : f32
      %mul3A_161 = vector.broadcast %mul3A_160 : f32 to vector<16xf32>
      %mul3A_162 = arith.mulf %max3A_151, %mul3A_161 : vector<16xf32>
      %reduce_max3A_163 = arith.constant true
      %reduce_max3A_164 = vector.broadcast %reduce_max3A_163 : i1 to vector<16xi1>
      %reduce_max3A_165 = tpu.scan <max>, %mul3A_162 masked %reduce_max3A_164 : vector<16xf32>, vector<16xi1> -> vector<16xf32>
      %reduce_max3A_166 = vector.extract %reduce_max3A_165[15] : f32 from vector<16xf32>
      %add3A_167 = arith.constant 256 : i32
      %add3A_168 = arith.addi %add3A_167, %add3A_147 : i32
      %swap3A_169 = arith.index_cast %add3A_168 : i32 to index
      %swap3A_170 = memref.load %arg20[%swap3A_169] : memref<640xf32, #tpu.memory_space<smem>>
      memref.store %reduce_max3A_166, %arg20[%swap3A_169] : memref<640xf32, #tpu.memory_space<smem>>
    }
    %scan3A_77 = arith.constant 128 : i32
    %add3A_78 = arith.constant 384 : i32
    %add3A_79 = arith.addi %mul3A_2, %add3A_78 : i32
    "tpu.region"() ({
      %run_scoped3A = tpu.sem_alloc : memref<!tpu.dma_semaphore, #tpu.memory_space<semaphore_mem>>
      %dma_start3A = arith.constant 0 : i32
      %dma_start3A_143 = tpu.memref_slice %arg18[%add3A_79, %dma_start3A] : memref<10240x64xf32, #tpu.memory_space<vmem_shared>> -> memref<128x64xf32, #tpu.memory_space<vmem_shared>>
      %dma_start3A_144 = arith.constant 0 : i32
      %dma_start3A_145 = tpu.memref_slice %arg18[%add3A_79, %dma_start3A_144] : memref<10240x64xf32, #tpu.memory_space<vmem_shared>> -> memref<128x64xf32, #tpu.memory_space<vmem_shared>>
      tpu.enqueue_dma source(%dma_start3A_145 : memref<128x64xf32, #tpu.memory_space<vmem_shared>>) target(%arg16 : memref<128x64xf32, #tpu.memory_space<vmem>>) target_semaphore(%run_scoped3A : memref<!tpu.dma_semaphore, #tpu.memory_space<semaphore_mem>>)
      %dma_wait3A = arith.constant 0 : i32
      %dma_wait3A_146 = tpu.memref_slice %arg18[%add3A_79, %dma_wait3A] : memref<10240x64xf32, #tpu.memory_space<vmem_shared>> -> memref<128x64xf32, #tpu.memory_space<vmem_shared>>
      %dma_wait3A_147 = arith.constant 0 : i32
      %dma_wait3A_148 = tpu.memref_slice %arg18[%add3A_79, %dma_wait3A_147] : memref<10240x64xf32, #tpu.memory_space<vmem_shared>> -> memref<128x64xf32, #tpu.memory_space<vmem_shared>>
      tpu.wait_dma2 semaphore(%run_scoped3A : memref<!tpu.dma_semaphore, #tpu.memory_space<semaphore_mem>>) src(%dma_wait3A_148 : memref<128x64xf32, #tpu.memory_space<vmem_shared>>) dst(%arg16 : memref<128x64xf32, #tpu.memory_space<vmem>>)
      tpu.yield
    }) : () -> ()
    %scan3A_80 = arith.constant 0 : i32
    %scan3A_81 = arith.constant 128 : i32
    %scan3A_82 = arith.addi %scan3A_80, %scan3A_81 : i32
    %scan3A_83 = arith.constant 1 : i32
    scf.for %scan3A_143 = %scan3A_80 to %scan3A_82 step %scan3A_83  : i32 {
      %mul3A_144 = arith.constant 1 : i32
      %mul3A_145 = arith.muli %scan3A_143, %mul3A_144 : i32
      %add3A_146 = arith.constant 0 : i32
      %add3A_147 = arith.addi %add3A_146, %mul3A_145 : i32
      %get3A = arith.index_cast %add3A_147 : i32 to index
      %get3A_148 = arith.constant 0 : index
      %get3A_149 = tpu.vector_load %arg16[%get3A, %get3A_148] {strides = array<i32>} : memref<128x64xf32, #tpu.memory_space<vmem>>, vector<16xf32>,
      %max3A = arith.constant 1.000000e+00 : f32
      %max3A_150 = vector.broadcast %max3A : f32 to vector<16xf32>
      %max3A_151 = arith.maximumf %get3A_149, %max3A_150 : vector<16xf32>
      %div3A = arith.constant 0.899999976 : f32
      %div3A_152 = vector.broadcast %div3A : f32 to vector<16xf32>
      %div3A_153 = arith.divf %div3A_152, %max3A_151 : vector<16xf32>
      %reduce_max3A = arith.constant true
      %reduce_max3A_154 = vector.broadcast %reduce_max3A : i1 to vector<16xi1>
      %reduce_max3A_155 = tpu.scan <max>, %div3A_153 masked %reduce_max3A_154 : vector<16xf32>, vector<16xi1> -> vector<16xf32>
      %reduce_max3A_156 = vector.extract %reduce_max3A_155[15] : f32 from vector<16xf32>
      %add3A_157 = arith.constant 384 : i32
      %add3A_158 = arith.addi %add3A_157, %add3A_147 : i32
      %swap3A = arith.index_cast %add3A_158 : i32 to index
      %swap3A_159 = memref.load %arg19[%swap3A] : memref<640xf32, #tpu.memory_space<smem>>
      memref.store %reduce_max3A_156, %arg19[%swap3A] : memref<640xf32, #tpu.memory_space<smem>>
      %mul3A_160 = arith.constant 1.11111116 : f32
      %mul3A_161 = vector.broadcast %mul3A_160 : f32 to vector<16xf32>
      %mul3A_162 = arith.mulf %max3A_151, %mul3A_161 : vector<16xf32>
      %reduce_max3A_163 = arith.constant true
      %reduce_max3A_164 = vector.broadcast %reduce_max3A_163 : i1 to vector<16xi1>
      %reduce_max3A_165 = tpu.scan <max>, %mul3A_162 masked %reduce_max3A_164 : vector<16xf32>, vector<16xi1> -> vector<16xf32>
      %reduce_max3A_166 = vector.extract %reduce_max3A_165[15] : f32 from vector<16xf32>
      %add3A_167 = arith.constant 384 : i32
      %add3A_168 = arith.addi %add3A_167, %add3A_147 : i32
      %swap3A_169 = arith.index_cast %add3A_168 : i32 to index
      %swap3A_170 = memref.load %arg20[%swap3A_169] : memref<640xf32, #tpu.memory_space<smem>>
      memref.store %reduce_max3A_166, %arg20[%swap3A_169] : memref<640xf32, #tpu.memory_space<smem>>
    }
    %scan3A_84 = arith.constant 128 : i32
    %add3A_85 = arith.constant 512 : i32
    %add3A_86 = arith.addi %mul3A_2, %add3A_85 : i32
    "tpu.region"() ({
      %run_scoped3A = tpu.sem_alloc : memref<!tpu.dma_semaphore, #tpu.memory_space<semaphore_mem>>
      %dma_start3A = arith.constant 0 : i32
      %dma_start3A_143 = tpu.memref_slice %arg18[%add3A_86, %dma_start3A] : memref<10240x64xf32, #tpu.memory_space<vmem_shared>> -> memref<128x64xf32, #tpu.memory_space<vmem_shared>>
      %dma_start3A_144 = arith.constant 0 : i32
      %dma_start3A_145 = tpu.memref_slice %arg18[%add3A_86, %dma_start3A_144] : memref<10240x64xf32, #tpu.memory_space<vmem_shared>> -> memref<128x64xf32, #tpu.memory_space<vmem_shared>>
      tpu.enqueue_dma source(%dma_start3A_145 : memref<128x64xf32, #tpu.memory_space<vmem_shared>>) target(%arg16 : memref<128x64xf32, #tpu.memory_space<vmem>>) target_semaphore(%run_scoped3A : memref<!tpu.dma_semaphore, #tpu.memory_space<semaphore_mem>>)
      %dma_wait3A = arith.constant 0 : i32
      %dma_wait3A_146 = tpu.memref_slice %arg18[%add3A_86, %dma_wait3A] : memref<10240x64xf32, #tpu.memory_space<vmem_shared>> -> memref<128x64xf32, #tpu.memory_space<vmem_shared>>
      %dma_wait3A_147 = arith.constant 0 : i32
      %dma_wait3A_148 = tpu.memref_slice %arg18[%add3A_86, %dma_wait3A_147] : memref<10240x64xf32, #tpu.memory_space<vmem_shared>> -> memref<128x64xf32, #tpu.memory_space<vmem_shared>>
      tpu.wait_dma2 semaphore(%run_scoped3A : memref<!tpu.dma_semaphore, #tpu.memory_space<semaphore_mem>>) src(%dma_wait3A_148 : memref<128x64xf32, #tpu.memory_space<vmem_shared>>) dst(%arg16 : memref<128x64xf32, #tpu.memory_space<vmem>>)
      tpu.yield
    }) : () -> ()
    %scan3A_87 = arith.constant 0 : i32
    %scan3A_88 = arith.constant 128 : i32
    %scan3A_89 = arith.addi %scan3A_87, %scan3A_88 : i32
    %scan3A_90 = arith.constant 1 : i32
    scf.for %scan3A_143 = %scan3A_87 to %scan3A_89 step %scan3A_90  : i32 {
      %mul3A_144 = arith.constant 1 : i32
      %mul3A_145 = arith.muli %scan3A_143, %mul3A_144 : i32
      %add3A_146 = arith.constant 0 : i32
      %add3A_147 = arith.addi %add3A_146, %mul3A_145 : i32
      %get3A = arith.index_cast %add3A_147 : i32 to index
      %get3A_148 = arith.constant 0 : index
      %get3A_149 = tpu.vector_load %arg16[%get3A, %get3A_148] {strides = array<i32>} : memref<128x64xf32, #tpu.memory_space<vmem>>, vector<16xf32>,
      %max3A = arith.constant 1.000000e+00 : f32
      %max3A_150 = vector.broadcast %max3A : f32 to vector<16xf32>
      %max3A_151 = arith.maximumf %get3A_149, %max3A_150 : vector<16xf32>
      %div3A = arith.constant 0.899999976 : f32
      %div3A_152 = vector.broadcast %div3A : f32 to vector<16xf32>
      %div3A_153 = arith.divf %div3A_152, %max3A_151 : vector<16xf32>
      %reduce_max3A = arith.constant true
      %reduce_max3A_154 = vector.broadcast %reduce_max3A : i1 to vector<16xi1>
      %reduce_max3A_155 = tpu.scan <max>, %div3A_153 masked %reduce_max3A_154 : vector<16xf32>, vector<16xi1> -> vector<16xf32>
      %reduce_max3A_156 = vector.extract %reduce_max3A_155[15] : f32 from vector<16xf32>
      %add3A_157 = arith.constant 512 : i32
      %add3A_158 = arith.addi %add3A_157, %add3A_147 : i32
      %swap3A = arith.index_cast %add3A_158 : i32 to index
      %swap3A_159 = memref.load %arg19[%swap3A] : memref<640xf32, #tpu.memory_space<smem>>
      memref.store %reduce_max3A_156, %arg19[%swap3A] : memref<640xf32, #tpu.memory_space<smem>>
      %mul3A_160 = arith.constant 1.11111116 : f32
      %mul3A_161 = vector.broadcast %mul3A_160 : f32 to vector<16xf32>
      %mul3A_162 = arith.mulf %max3A_151, %mul3A_161 : vector<16xf32>
      %reduce_max3A_163 = arith.constant true
      %reduce_max3A_164 = vector.broadcast %reduce_max3A_163 : i1 to vector<16xi1>
      %reduce_max3A_165 = tpu.scan <max>, %mul3A_162 masked %reduce_max3A_164 : vector<16xf32>, vector<16xi1> -> vector<16xf32>
      %reduce_max3A_166 = vector.extract %reduce_max3A_165[15] : f32 from vector<16xf32>
      %add3A_167 = arith.constant 512 : i32
      %add3A_168 = arith.addi %add3A_167, %add3A_147 : i32
      %swap3A_169 = arith.index_cast %add3A_168 : i32 to index
      %swap3A_170 = memref.load %arg20[%swap3A_169] : memref<640xf32, #tpu.memory_space<smem>>
      memref.store %reduce_max3A_166, %arg20[%swap3A_169] : memref<640xf32, #tpu.memory_space<smem>>
    }
    %scan3A_91 = arith.constant 128 : i32
    %add3A_92 = arith.constant 0 : i32
    %add3A_93 = arith.addi %mul3A_2, %add3A_92 : i32
    %add3A_94 = arith.addi %mul3A_0, %add3A_93 : i32
    "tpu.region"() ({
      %run_scoped3A = tpu.sem_alloc : memref<!tpu.dma_semaphore, #tpu.memory_space<semaphore_mem>>
      %dma_start3A = arith.constant 0 : i32
      %dma_start3A_143 = tpu.memref_slice %arg3[%add3A_94, %dma_start3A] : memref<20480x64xf32, #tpu.memory_space<hbm>> -> memref<128x64xf32, #tpu.memory_space<hbm>>
      %dma_start3A_144 = arith.constant 0 : i32
      %dma_start3A_145 = tpu.memref_slice %arg3[%add3A_94, %dma_start3A_144] : memref<20480x64xf32, #tpu.memory_space<hbm>> -> memref<128x64xf32, #tpu.memory_space<hbm>>
      tpu.enqueue_dma source(%dma_start3A_145 : memref<128x64xf32, #tpu.memory_space<hbm>>) target(%arg16 : memref<128x64xf32, #tpu.memory_space<vmem>>) target_semaphore(%run_scoped3A : memref<!tpu.dma_semaphore, #tpu.memory_space<semaphore_mem>>)
      %dma_wait3A = arith.constant 0 : i32
      %dma_wait3A_146 = tpu.memref_slice %arg3[%add3A_94, %dma_wait3A] : memref<20480x64xf32, #tpu.memory_space<hbm>> -> memref<128x64xf32, #tpu.memory_space<hbm>>
      %dma_wait3A_147 = arith.constant 0 : i32
      %dma_wait3A_148 = tpu.memref_slice %arg3[%add3A_94, %dma_wait3A_147] : memref<20480x64xf32, #tpu.memory_space<hbm>> -> memref<128x64xf32, #tpu.memory_space<hbm>>
      tpu.wait_dma2 semaphore(%run_scoped3A : memref<!tpu.dma_semaphore, #tpu.memory_space<semaphore_mem>>) src(%dma_wait3A_148 : memref<128x64xf32, #tpu.memory_space<hbm>>) dst(%arg16 : memref<128x64xf32, #tpu.memory_space<vmem>>)
      tpu.yield
    }) : () -> ()
    %scan3A_95 = arith.constant 0 : i32
    %scan3A_96 = arith.constant 128 : i32
    %scan3A_97 = arith.addi %scan3A_95, %scan3A_96 : i32
    %scan3A_98 = arith.constant 1 : i32
    scf.for %scan3A_143 = %scan3A_95 to %scan3A_97 step %scan3A_98  : i32 {
      %mul3A_144 = arith.constant 1 : i32
      %mul3A_145 = arith.muli %scan3A_143, %mul3A_144 : i32
      %add3A_146 = arith.constant 0 : i32
      %add3A_147 = arith.addi %add3A_146, %mul3A_145 : i32
      %add3A_148 = arith.constant 0 : i32
      %add3A_149 = arith.addi %add3A_148, %add3A_147 : i32
      %get3A = arith.index_cast %add3A_149 : i32 to index
      %get3A_150 = memref.load %arg20[%get3A] : memref<640xf32, #tpu.memory_space<smem>>
      %get3A_151 = arith.index_cast %add3A_147 : i32 to index
      %get3A_152 = arith.constant 0 : index
      %get3A_153 = tpu.vector_load %arg16[%get3A_151, %get3A_152] {strides = array<i32>} : memref<128x64xf32, #tpu.memory_space<vmem>>, vector<16xf32>,
      %mul3A_154 = vector.broadcast %get3A_150 : f32 to vector<16xf32>
      %mul3A_155 = arith.mulf %get3A_153, %mul3A_154 : vector<16xf32>
      %swap3A = arith.index_cast %add3A_147 : i32 to index
      %swap3A_156 = arith.constant 0 : index
      %swap3A_157 = tpu.vector_load %arg16[%swap3A, %swap3A_156] {strides = array<i32>} : memref<128x64xf32, #tpu.memory_space<vmem>>, vector<16xf32>,
      tpu.vector_store %arg16[%swap3A, %swap3A_156], %mul3A_155 {strides = array<i32>} : memref<128x64xf32, #tpu.memory_space<vmem>>, vector<16xf32>,
      %get3A_158 = arith.index_cast %add3A_147 : i32 to index
      %get3A_159 = arith.constant 16 : index
      %get3A_160 = tpu.vector_load %arg16[%get3A_158, %get3A_159] {strides = array<i32>} : memref<128x64xf32, #tpu.memory_space<vmem>>, vector<16xf32>,
      %mul3A_161 = vector.broadcast %get3A_150 : f32 to vector<16xf32>
      %mul3A_162 = arith.mulf %get3A_160, %mul3A_161 : vector<16xf32>
      %swap3A_163 = arith.index_cast %add3A_147 : i32 to index
      %swap3A_164 = arith.constant 16 : index
      %swap3A_165 = tpu.vector_load %arg16[%swap3A_163, %swap3A_164] {strides = array<i32>} : memref<128x64xf32, #tpu.memory_space<vmem>>, vector<16xf32>,
      tpu.vector_store %arg16[%swap3A_163, %swap3A_164], %mul3A_162 {strides = array<i32>} : memref<128x64xf32, #tpu.memory_space<vmem>>, vector<16xf32>,
      %get3A_166 = arith.index_cast %add3A_147 : i32 to index
      %get3A_167 = arith.constant 32 : index
      %get3A_168 = tpu.vector_load %arg16[%get3A_166, %get3A_167] {strides = array<i32>} : memref<128x64xf32, #tpu.memory_space<vmem>>, vector<16xf32>,
      %mul3A_169 = vector.broadcast %get3A_150 : f32 to vector<16xf32>
      %mul3A_170 = arith.mulf %get3A_168, %mul3A_169 : vector<16xf32>
      %swap3A_171 = arith.index_cast %add3A_147 : i32 to index
      %swap3A_172 = arith.constant 32 : index
      %swap3A_173 = tpu.vector_load %arg16[%swap3A_171, %swap3A_172] {strides = array<i32>} : memref<128x64xf32, #tpu.memory_space<vmem>>, vector<16xf32>,
      tpu.vector_store %arg16[%swap3A_171, %swap3A_172], %mul3A_170 {strides = array<i32>} : memref<128x64xf32, #tpu.memory_space<vmem>>, vector<16xf32>,
      %get3A_174 = arith.index_cast %add3A_147 : i32 to index
      %get3A_175 = arith.constant 48 : index
      %get3A_176 = tpu.vector_load %arg16[%get3A_174, %get3A_175] {strides = array<i32>} : memref<128x64xf32, #tpu.memory_space<vmem>>, vector<16xf32>,
      %mul3A_177 = vector.broadcast %get3A_150 : f32 to vector<16xf32>
      %mul3A_178 = arith.mulf %get3A_176, %mul3A_177 : vector<16xf32>
      %swap3A_179 = arith.index_cast %add3A_147 : i32 to index
      %swap3A_180 = arith.constant 48 : index
      %swap3A_181 = tpu.vector_load %arg16[%swap3A_179, %swap3A_180] {strides = array<i32>} : memref<128x64xf32, #tpu.memory_space<vmem>>, vector<16xf32>,
      tpu.vector_store %arg16[%swap3A_179, %swap3A_180], %mul3A_178 {strides = array<i32>} : memref<128x64xf32, #tpu.memory_space<vmem>>, vector<16xf32>,
    }
    %scan3A_99 = arith.constant 128 : i32
    %add3A_100 = arith.addi %mul3A_0, %add3A_93 : i32
    "tpu.region"() ({
      %run_scoped3A = tpu.sem_alloc : memref<!tpu.dma_semaphore, #tpu.memory_space<semaphore_mem>>
      %dma_start3A = arith.constant 0 : i32
      %dma_start3A_143 = tpu.memref_slice %arg7[%add3A_100, %dma_start3A] : memref<20480x64xf32, #tpu.memory_space<hbm>> -> memref<128x64xf32, #tpu.memory_space<hbm>>
      %dma_start3A_144 = arith.constant 0 : i32
      %dma_start3A_145 = tpu.memref_slice %arg7[%add3A_100, %dma_start3A_144] : memref<20480x64xf32, #tpu.memory_space<hbm>> -> memref<128x64xf32, #tpu.memory_space<hbm>>
      tpu.enqueue_dma source(%arg16 : memref<128x64xf32, #tpu.memory_space<vmem>>) target(%dma_start3A_145 : memref<128x64xf32, #tpu.memory_space<hbm>>) target_semaphore(%run_scoped3A : memref<!tpu.dma_semaphore, #tpu.memory_space<semaphore_mem>>)
      %dma_wait3A = arith.constant 0 : i32
      %dma_wait3A_146 = tpu.memref_slice %arg7[%add3A_100, %dma_wait3A] : memref<20480x64xf32, #tpu.memory_space<hbm>> -> memref<128x64xf32, #tpu.memory_space<hbm>>
      %dma_wait3A_147 = arith.constant 0 : i32
      %dma_wait3A_148 = tpu.memref_slice %arg7[%add3A_100, %dma_wait3A_147] : memref<20480x64xf32, #tpu.memory_space<hbm>> -> memref<128x64xf32, #tpu.memory_space<hbm>>
      tpu.wait_dma2 semaphore(%run_scoped3A : memref<!tpu.dma_semaphore, #tpu.memory_space<semaphore_mem>>) src(%arg16 : memref<128x64xf32, #tpu.memory_space<vmem>>) dst(%dma_wait3A_148 : memref<128x64xf32, #tpu.memory_space<hbm>>)
      tpu.yield
    }) : () -> ()
    "tpu.region"() ({
      %run_scoped3A = tpu.sem_alloc : memref<!tpu.dma_semaphore, #tpu.memory_space<semaphore_mem>>
      %dma_start3A = arith.constant 0 : i32
      %dma_start3A_143 = tpu.memref_slice %arg18[%add3A_93, %dma_start3A] : memref<10240x64xf32, #tpu.memory_space<vmem_shared>> -> memref<128x64xf32, #tpu.memory_space<vmem_shared>>
      %dma_start3A_144 = arith.constant 0 : i32
      %dma_start3A_145 = tpu.memref_slice %arg18[%add3A_93, %dma_start3A_144] : memref<10240x64xf32, #tpu.memory_space<vmem_shared>> -> memref<128x64xf32, #tpu.memory_space<vmem_shared>>
      tpu.enqueue_dma source(%arg16 : memref<128x64xf32, #tpu.memory_space<vmem>>) target(%dma_start3A_145 : memref<128x64xf32, #tpu.memory_space<vmem_shared>>) target_semaphore(%run_scoped3A : memref<!tpu.dma_semaphore, #tpu.memory_space<semaphore_mem>>)
      %dma_wait3A = arith.constant 0 : i32
      %dma_wait3A_146 = tpu.memref_slice %arg18[%add3A_93, %dma_wait3A] : memref<10240x64xf32, #tpu.memory_space<vmem_shared>> -> memref<128x64xf32, #tpu.memory_space<vmem_shared>>
      %dma_wait3A_147 = arith.constant 0 : i32
      %dma_wait3A_148 = tpu.memref_slice %arg18[%add3A_93, %dma_wait3A_147] : memref<10240x64xf32, #tpu.memory_space<vmem_shared>> -> memref<128x64xf32, #tpu.memory_space<vmem_shared>>
      tpu.wait_dma2 semaphore(%run_scoped3A : memref<!tpu.dma_semaphore, #tpu.memory_space<semaphore_mem>>) src(%arg16 : memref<128x64xf32, #tpu.memory_space<vmem>>) dst(%dma_wait3A_148 : memref<128x64xf32, #tpu.memory_space<vmem_shared>>)
      tpu.yield
    }) : () -> ()
    %add3A_101 = arith.constant 128 : i32
    %add3A_102 = arith.addi %mul3A_2, %add3A_101 : i32
    %add3A_103 = arith.addi %mul3A_0, %add3A_102 : i32
    "tpu.region"() ({
      %run_scoped3A = tpu.sem_alloc : memref<!tpu.dma_semaphore, #tpu.memory_space<semaphore_mem>>
      %dma_start3A = arith.constant 0 : i32
      %dma_start3A_143 = tpu.memref_slice %arg3[%add3A_103, %dma_start3A] : memref<20480x64xf32, #tpu.memory_space<hbm>> -> memref<128x64xf32, #tpu.memory_space<hbm>>
      %dma_start3A_144 = arith.constant 0 : i32
      %dma_start3A_145 = tpu.memref_slice %arg3[%add3A_103, %dma_start3A_144] : memref<20480x64xf32, #tpu.memory_space<hbm>> -> memref<128x64xf32, #tpu.memory_space<hbm>>
      tpu.enqueue_dma source(%dma_start3A_145 : memref<128x64xf32, #tpu.memory_space<hbm>>) target(%arg16 : memref<128x64xf32, #tpu.memory_space<vmem>>) target_semaphore(%run_scoped3A : memref<!tpu.dma_semaphore, #tpu.memory_space<semaphore_mem>>)
      %dma_wait3A = arith.constant 0 : i32
      %dma_wait3A_146 = tpu.memref_slice %arg3[%add3A_103, %dma_wait3A] : memref<20480x64xf32, #tpu.memory_space<hbm>> -> memref<128x64xf32, #tpu.memory_space<hbm>>
      %dma_wait3A_147 = arith.constant 0 : i32
      %dma_wait3A_148 = tpu.memref_slice %arg3[%add3A_103, %dma_wait3A_147] : memref<20480x64xf32, #tpu.memory_space<hbm>> -> memref<128x64xf32, #tpu.memory_space<hbm>>
      tpu.wait_dma2 semaphore(%run_scoped3A : memref<!tpu.dma_semaphore, #tpu.memory_space<semaphore_mem>>) src(%dma_wait3A_148 : memref<128x64xf32, #tpu.memory_space<hbm>>) dst(%arg16 : memref<128x64xf32, #tpu.memory_space<vmem>>)
      tpu.yield
    }) : () -> ()
    %scan3A_104 = arith.constant 0 : i32
    %scan3A_105 = arith.constant 128 : i32
    %scan3A_106 = arith.addi %scan3A_104, %scan3A_105 : i32
    %scan3A_107 = arith.constant 1 : i32
    scf.for %scan3A_143 = %scan3A_104 to %scan3A_106 step %scan3A_107  : i32 {
      %mul3A_144 = arith.constant 1 : i32
      %mul3A_145 = arith.muli %scan3A_143, %mul3A_144 : i32
      %add3A_146 = arith.constant 0 : i32
      %add3A_147 = arith.addi %add3A_146, %mul3A_145 : i32
      %add3A_148 = arith.constant 128 : i32
      %add3A_149 = arith.addi %add3A_148, %add3A_147 : i32
      %get3A = arith.index_cast %add3A_149 : i32 to index
      %get3A_150 = memref.load %arg20[%get3A] : memref<640xf32, #tpu.memory_space<smem>>
      %get3A_151 = arith.index_cast %add3A_147 : i32 to index
      %get3A_152 = arith.constant 0 : index
      %get3A_153 = tpu.vector_load %arg16[%get3A_151, %get3A_152] {strides = array<i32>} : memref<128x64xf32, #tpu.memory_space<vmem>>, vector<16xf32>,
      %mul3A_154 = vector.broadcast %get3A_150 : f32 to vector<16xf32>
      %mul3A_155 = arith.mulf %get3A_153, %mul3A_154 : vector<16xf32>
      %swap3A = arith.index_cast %add3A_147 : i32 to index
      %swap3A_156 = arith.constant 0 : index
      %swap3A_157 = tpu.vector_load %arg16[%swap3A, %swap3A_156] {strides = array<i32>} : memref<128x64xf32, #tpu.memory_space<vmem>>, vector<16xf32>,
      tpu.vector_store %arg16[%swap3A, %swap3A_156], %mul3A_155 {strides = array<i32>} : memref<128x64xf32, #tpu.memory_space<vmem>>, vector<16xf32>,
      %get3A_158 = arith.index_cast %add3A_147 : i32 to index
      %get3A_159 = arith.constant 16 : index
      %get3A_160 = tpu.vector_load %arg16[%get3A_158, %get3A_159] {strides = array<i32>} : memref<128x64xf32, #tpu.memory_space<vmem>>, vector<16xf32>,
      %mul3A_161 = vector.broadcast %get3A_150 : f32 to vector<16xf32>
      %mul3A_162 = arith.mulf %get3A_160, %mul3A_161 : vector<16xf32>
      %swap3A_163 = arith.index_cast %add3A_147 : i32 to index
      %swap3A_164 = arith.constant 16 : index
      %swap3A_165 = tpu.vector_load %arg16[%swap3A_163, %swap3A_164] {strides = array<i32>} : memref<128x64xf32, #tpu.memory_space<vmem>>, vector<16xf32>,
      tpu.vector_store %arg16[%swap3A_163, %swap3A_164], %mul3A_162 {strides = array<i32>} : memref<128x64xf32, #tpu.memory_space<vmem>>, vector<16xf32>,
      %get3A_166 = arith.index_cast %add3A_147 : i32 to index
      %get3A_167 = arith.constant 32 : index
      %get3A_168 = tpu.vector_load %arg16[%get3A_166, %get3A_167] {strides = array<i32>} : memref<128x64xf32, #tpu.memory_space<vmem>>, vector<16xf32>,
      %mul3A_169 = vector.broadcast %get3A_150 : f32 to vector<16xf32>
      %mul3A_170 = arith.mulf %get3A_168, %mul3A_169 : vector<16xf32>
      %swap3A_171 = arith.index_cast %add3A_147 : i32 to index
      %swap3A_172 = arith.constant 32 : index
      %swap3A_173 = tpu.vector_load %arg16[%swap3A_171, %swap3A_172] {strides = array<i32>} : memref<128x64xf32, #tpu.memory_space<vmem>>, vector<16xf32>,
      tpu.vector_store %arg16[%swap3A_171, %swap3A_172], %mul3A_170 {strides = array<i32>} : memref<128x64xf32, #tpu.memory_space<vmem>>, vector<16xf32>,
      %get3A_174 = arith.index_cast %add3A_147 : i32 to index
      %get3A_175 = arith.constant 48 : index
      %get3A_176 = tpu.vector_load %arg16[%get3A_174, %get3A_175] {strides = array<i32>} : memref<128x64xf32, #tpu.memory_space<vmem>>, vector<16xf32>,
      %mul3A_177 = vector.broadcast %get3A_150 : f32 to vector<16xf32>
      %mul3A_178 = arith.mulf %get3A_176, %mul3A_177 : vector<16xf32>
      %swap3A_179 = arith.index_cast %add3A_147 : i32 to index
      %swap3A_180 = arith.constant 48 : index
      %swap3A_181 = tpu.vector_load %arg16[%swap3A_179, %swap3A_180] {strides = array<i32>} : memref<128x64xf32, #tpu.memory_space<vmem>>, vector<16xf32>,
      tpu.vector_store %arg16[%swap3A_179, %swap3A_180], %mul3A_178 {strides = array<i32>} : memref<128x64xf32, #tpu.memory_space<vmem>>, vector<16xf32>,
    }
    %scan3A_108 = arith.constant 128 : i32
    %add3A_109 = arith.addi %mul3A_0, %add3A_102 : i32
    "tpu.region"() ({
      %run_scoped3A = tpu.sem_alloc : memref<!tpu.dma_semaphore, #tpu.memory_space<semaphore_mem>>
      %dma_start3A = arith.constant 0 : i32
      %dma_start3A_143 = tpu.memref_slice %arg7[%add3A_109, %dma_start3A] : memref<20480x64xf32, #tpu.memory_space<hbm>> -> memref<128x64xf32, #tpu.memory_space<hbm>>
      %dma_start3A_144 = arith.constant 0 : i32
      %dma_start3A_145 = tpu.memref_slice %arg7[%add3A_109, %dma_start3A_144] : memref<20480x64xf32, #tpu.memory_space<hbm>> -> memref<128x64xf32, #tpu.memory_space<hbm>>
      tpu.enqueue_dma source(%arg16 : memref<128x64xf32, #tpu.memory_space<vmem>>) target(%dma_start3A_145 : memref<128x64xf32, #tpu.memory_space<hbm>>) target_semaphore(%run_scoped3A : memref<!tpu.dma_semaphore, #tpu.memory_space<semaphore_mem>>)
      %dma_wait3A = arith.constant 0 : i32
      %dma_wait3A_146 = tpu.memref_slice %arg7[%add3A_109, %dma_wait3A] : memref<20480x64xf32, #tpu.memory_space<hbm>> -> memref<128x64xf32, #tpu.memory_space<hbm>>
      %dma_wait3A_147 = arith.constant 0 : i32
      %dma_wait3A_148 = tpu.memref_slice %arg7[%add3A_109, %dma_wait3A_147] : memref<20480x64xf32, #tpu.memory_space<hbm>> -> memref<128x64xf32, #tpu.memory_space<hbm>>
      tpu.wait_dma2 semaphore(%run_scoped3A : memref<!tpu.dma_semaphore, #tpu.memory_space<semaphore_mem>>) src(%arg16 : memref<128x64xf32, #tpu.memory_space<vmem>>) dst(%dma_wait3A_148 : memref<128x64xf32, #tpu.memory_space<hbm>>)
      tpu.yield
    }) : () -> ()
    "tpu.region"() ({
      %run_scoped3A = tpu.sem_alloc : memref<!tpu.dma_semaphore, #tpu.memory_space<semaphore_mem>>
      %dma_start3A = arith.constant 0 : i32
      %dma_start3A_143 = tpu.memref_slice %arg18[%add3A_102, %dma_start3A] : memref<10240x64xf32, #tpu.memory_space<vmem_shared>> -> memref<128x64xf32, #tpu.memory_space<vmem_shared>>
      %dma_start3A_144 = arith.constant 0 : i32
      %dma_start3A_145 = tpu.memref_slice %arg18[%add3A_102, %dma_start3A_144] : memref<10240x64xf32, #tpu.memory_space<vmem_shared>> -> memref<128x64xf32, #tpu.memory_space<vmem_shared>>
      tpu.enqueue_dma source(%arg16 : memref<128x64xf32, #tpu.memory_space<vmem>>) target(%dma_start3A_145 : memref<128x64xf32, #tpu.memory_space<vmem_shared>>) target_semaphore(%run_scoped3A : memref<!tpu.dma_semaphore, #tpu.memory_space<semaphore_mem>>)
      %dma_wait3A = arith.constant 0 : i32
      %dma_wait3A_146 = tpu.memref_slice %arg18[%add3A_102, %dma_wait3A] : memref<10240x64xf32, #tpu.memory_space<vmem_shared>> -> memref<128x64xf32, #tpu.memory_space<vmem_shared>>
      %dma_wait3A_147 = arith.constant 0 : i32
      %dma_wait3A_148 = tpu.memref_slice %arg18[%add3A_102, %dma_wait3A_147] : memref<10240x64xf32, #tpu.memory_space<vmem_shared>> -> memref<128x64xf32, #tpu.memory_space<vmem_shared>>
      tpu.wait_dma2 semaphore(%run_scoped3A : memref<!tpu.dma_semaphore, #tpu.memory_space<semaphore_mem>>) src(%arg16 : memref<128x64xf32, #tpu.memory_space<vmem>>) dst(%dma_wait3A_148 : memref<128x64xf32, #tpu.memory_space<vmem_shared>>)
      tpu.yield
    }) : () -> ()
    %add3A_110 = arith.constant 256 : i32
    %add3A_111 = arith.addi %mul3A_2, %add3A_110 : i32
    %add3A_112 = arith.addi %mul3A_0, %add3A_111 : i32
    "tpu.region"() ({
      %run_scoped3A = tpu.sem_alloc : memref<!tpu.dma_semaphore, #tpu.memory_space<semaphore_mem>>
      %dma_start3A = arith.constant 0 : i32
      %dma_start3A_143 = tpu.memref_slice %arg3[%add3A_112, %dma_start3A] : memref<20480x64xf32, #tpu.memory_space<hbm>> -> memref<128x64xf32, #tpu.memory_space<hbm>>
      %dma_start3A_144 = arith.constant 0 : i32
      %dma_start3A_145 = tpu.memref_slice %arg3[%add3A_112, %dma_start3A_144] : memref<20480x64xf32, #tpu.memory_space<hbm>> -> memref<128x64xf32, #tpu.memory_space<hbm>>
      tpu.enqueue_dma source(%dma_start3A_145 : memref<128x64xf32, #tpu.memory_space<hbm>>) target(%arg16 : memref<128x64xf32, #tpu.memory_space<vmem>>) target_semaphore(%run_scoped3A : memref<!tpu.dma_semaphore, #tpu.memory_space<semaphore_mem>>)
      %dma_wait3A = arith.constant 0 : i32
      %dma_wait3A_146 = tpu.memref_slice %arg3[%add3A_112, %dma_wait3A] : memref<20480x64xf32, #tpu.memory_space<hbm>> -> memref<128x64xf32, #tpu.memory_space<hbm>>
      %dma_wait3A_147 = arith.constant 0 : i32
      %dma_wait3A_148 = tpu.memref_slice %arg3[%add3A_112, %dma_wait3A_147] : memref<20480x64xf32, #tpu.memory_space<hbm>> -> memref<128x64xf32, #tpu.memory_space<hbm>>
      tpu.wait_dma2 semaphore(%run_scoped3A : memref<!tpu.dma_semaphore, #tpu.memory_space<semaphore_mem>>) src(%dma_wait3A_148 : memref<128x64xf32, #tpu.memory_space<hbm>>) dst(%arg16 : memref<128x64xf32, #tpu.memory_space<vmem>>)
      tpu.yield
    }) : () -> ()
    %scan3A_113 = arith.constant 0 : i32
    %scan3A_114 = arith.constant 128 : i32
    %scan3A_115 = arith.addi %scan3A_113, %scan3A_114 : i32
    %scan3A_116 = arith.constant 1 : i32
    scf.for %scan3A_143 = %scan3A_113 to %scan3A_115 step %scan3A_116  : i32 {
      %mul3A_144 = arith.constant 1 : i32
      %mul3A_145 = arith.muli %scan3A_143, %mul3A_144 : i32
      %add3A_146 = arith.constant 0 : i32
      %add3A_147 = arith.addi %add3A_146, %mul3A_145 : i32
      %add3A_148 = arith.constant 256 : i32
      %add3A_149 = arith.addi %add3A_148, %add3A_147 : i32
      %get3A = arith.index_cast %add3A_149 : i32 to index
      %get3A_150 = memref.load %arg20[%get3A] : memref<640xf32, #tpu.memory_space<smem>>
      %get3A_151 = arith.index_cast %add3A_147 : i32 to index
      %get3A_152 = arith.constant 0 : index
      %get3A_153 = tpu.vector_load %arg16[%get3A_151, %get3A_152] {strides = array<i32>} : memref<128x64xf32, #tpu.memory_space<vmem>>, vector<16xf32>,
      %mul3A_154 = vector.broadcast %get3A_150 : f32 to vector<16xf32>
      %mul3A_155 = arith.mulf %get3A_153, %mul3A_154 : vector<16xf32>
      %swap3A = arith.index_cast %add3A_147 : i32 to index
      %swap3A_156 = arith.constant 0 : index
      %swap3A_157 = tpu.vector_load %arg16[%swap3A, %swap3A_156] {strides = array<i32>} : memref<128x64xf32, #tpu.memory_space<vmem>>, vector<16xf32>,
      tpu.vector_store %arg16[%swap3A, %swap3A_156], %mul3A_155 {strides = array<i32>} : memref<128x64xf32, #tpu.memory_space<vmem>>, vector<16xf32>,
      %get3A_158 = arith.index_cast %add3A_147 : i32 to index
      %get3A_159 = arith.constant 16 : index
      %get3A_160 = tpu.vector_load %arg16[%get3A_158, %get3A_159] {strides = array<i32>} : memref<128x64xf32, #tpu.memory_space<vmem>>, vector<16xf32>,
      %mul3A_161 = vector.broadcast %get3A_150 : f32 to vector<16xf32>
      %mul3A_162 = arith.mulf %get3A_160, %mul3A_161 : vector<16xf32>
      %swap3A_163 = arith.index_cast %add3A_147 : i32 to index
      %swap3A_164 = arith.constant 16 : index
      %swap3A_165 = tpu.vector_load %arg16[%swap3A_163, %swap3A_164] {strides = array<i32>} : memref<128x64xf32, #tpu.memory_space<vmem>>, vector<16xf32>,
      tpu.vector_store %arg16[%swap3A_163, %swap3A_164], %mul3A_162 {strides = array<i32>} : memref<128x64xf32, #tpu.memory_space<vmem>>, vector<16xf32>,
      %get3A_166 = arith.index_cast %add3A_147 : i32 to index
      %get3A_167 = arith.constant 32 : index
      %get3A_168 = tpu.vector_load %arg16[%get3A_166, %get3A_167] {strides = array<i32>} : memref<128x64xf32, #tpu.memory_space<vmem>>, vector<16xf32>,
      %mul3A_169 = vector.broadcast %get3A_150 : f32 to vector<16xf32>
      %mul3A_170 = arith.mulf %get3A_168, %mul3A_169 : vector<16xf32>
      %swap3A_171 = arith.index_cast %add3A_147 : i32 to index
      %swap3A_172 = arith.constant 32 : index
      %swap3A_173 = tpu.vector_load %arg16[%swap3A_171, %swap3A_172] {strides = array<i32>} : memref<128x64xf32, #tpu.memory_space<vmem>>, vector<16xf32>,
      tpu.vector_store %arg16[%swap3A_171, %swap3A_172], %mul3A_170 {strides = array<i32>} : memref<128x64xf32, #tpu.memory_space<vmem>>, vector<16xf32>,
      %get3A_174 = arith.index_cast %add3A_147 : i32 to index
      %get3A_175 = arith.constant 48 : index
      %get3A_176 = tpu.vector_load %arg16[%get3A_174, %get3A_175] {strides = array<i32>} : memref<128x64xf32, #tpu.memory_space<vmem>>, vector<16xf32>,
      %mul3A_177 = vector.broadcast %get3A_150 : f32 to vector<16xf32>
      %mul3A_178 = arith.mulf %get3A_176, %mul3A_177 : vector<16xf32>
      %swap3A_179 = arith.index_cast %add3A_147 : i32 to index
      %swap3A_180 = arith.constant 48 : index
      %swap3A_181 = tpu.vector_load %arg16[%swap3A_179, %swap3A_180] {strides = array<i32>} : memref<128x64xf32, #tpu.memory_space<vmem>>, vector<16xf32>,
      tpu.vector_store %arg16[%swap3A_179, %swap3A_180], %mul3A_178 {strides = array<i32>} : memref<128x64xf32, #tpu.memory_space<vmem>>, vector<16xf32>,
    }
    %scan3A_117 = arith.constant 128 : i32
    %add3A_118 = arith.addi %mul3A_0, %add3A_111 : i32
    "tpu.region"() ({
      %run_scoped3A = tpu.sem_alloc : memref<!tpu.dma_semaphore, #tpu.memory_space<semaphore_mem>>
      %dma_start3A = arith.constant 0 : i32
      %dma_start3A_143 = tpu.memref_slice %arg7[%add3A_118, %dma_start3A] : memref<20480x64xf32, #tpu.memory_space<hbm>> -> memref<128x64xf32, #tpu.memory_space<hbm>>
      %dma_start3A_144 = arith.constant 0 : i32
      %dma_start3A_145 = tpu.memref_slice %arg7[%add3A_118, %dma_start3A_144] : memref<20480x64xf32, #tpu.memory_space<hbm>> -> memref<128x64xf32, #tpu.memory_space<hbm>>
      tpu.enqueue_dma source(%arg16 : memref<128x64xf32, #tpu.memory_space<vmem>>) target(%dma_start3A_145 : memref<128x64xf32, #tpu.memory_space<hbm>>) target_semaphore(%run_scoped3A : memref<!tpu.dma_semaphore, #tpu.memory_space<semaphore_mem>>)
      %dma_wait3A = arith.constant 0 : i32
      %dma_wait3A_146 = tpu.memref_slice %arg7[%add3A_118, %dma_wait3A] : memref<20480x64xf32, #tpu.memory_space<hbm>> -> memref<128x64xf32, #tpu.memory_space<hbm>>
      %dma_wait3A_147 = arith.constant 0 : i32
      %dma_wait3A_148 = tpu.memref_slice %arg7[%add3A_118, %dma_wait3A_147] : memref<20480x64xf32, #tpu.memory_space<hbm>> -> memref<128x64xf32, #tpu.memory_space<hbm>>
      tpu.wait_dma2 semaphore(%run_scoped3A : memref<!tpu.dma_semaphore, #tpu.memory_space<semaphore_mem>>) src(%arg16 : memref<128x64xf32, #tpu.memory_space<vmem>>) dst(%dma_wait3A_148 : memref<128x64xf32, #tpu.memory_space<hbm>>)
      tpu.yield
    }) : () -> ()
    "tpu.region"() ({
      %run_scoped3A = tpu.sem_alloc : memref<!tpu.dma_semaphore, #tpu.memory_space<semaphore_mem>>
      %dma_start3A = arith.constant 0 : i32
      %dma_start3A_143 = tpu.memref_slice %arg18[%add3A_111, %dma_start3A] : memref<10240x64xf32, #tpu.memory_space<vmem_shared>> -> memref<128x64xf32, #tpu.memory_space<vmem_shared>>
      %dma_start3A_144 = arith.constant 0 : i32
      %dma_start3A_145 = tpu.memref_slice %arg18[%add3A_111, %dma_start3A_144] : memref<10240x64xf32, #tpu.memory_space<vmem_shared>> -> memref<128x64xf32, #tpu.memory_space<vmem_shared>>
      tpu.enqueue_dma source(%arg16 : memref<128x64xf32, #tpu.memory_space<vmem>>) target(%dma_start3A_145 : memref<128x64xf32, #tpu.memory_space<vmem_shared>>) target_semaphore(%run_scoped3A : memref<!tpu.dma_semaphore, #tpu.memory_space<semaphore_mem>>)
      %dma_wait3A = arith.constant 0 : i32
      %dma_wait3A_146 = tpu.memref_slice %arg18[%add3A_111, %dma_wait3A] : memref<10240x64xf32, #tpu.memory_space<vmem_shared>> -> memref<128x64xf32, #tpu.memory_space<vmem_shared>>
      %dma_wait3A_147 = arith.constant 0 : i32
      %dma_wait3A_148 = tpu.memref_slice %arg18[%add3A_111, %dma_wait3A_147] : memref<10240x64xf32, #tpu.memory_space<vmem_shared>> -> memref<128x64xf32, #tpu.memory_space<vmem_shared>>
      tpu.wait_dma2 semaphore(%run_scoped3A : memref<!tpu.dma_semaphore, #tpu.memory_space<semaphore_mem>>) src(%arg16 : memref<128x64xf32, #tpu.memory_space<vmem>>) dst(%dma_wait3A_148 : memref<128x64xf32, #tpu.memory_space<vmem_shared>>)
      tpu.yield
    }) : () -> ()
    %add3A_119 = arith.constant 384 : i32
    %add3A_120 = arith.addi %mul3A_2, %add3A_119 : i32
    %add3A_121 = arith.addi %mul3A_0, %add3A_120 : i32
    "tpu.region"() ({
      %run_scoped3A = tpu.sem_alloc : memref<!tpu.dma_semaphore, #tpu.memory_space<semaphore_mem>>
      %dma_start3A = arith.constant 0 : i32
      %dma_start3A_143 = tpu.memref_slice %arg3[%add3A_121, %dma_start3A] : memref<20480x64xf32, #tpu.memory_space<hbm>> -> memref<128x64xf32, #tpu.memory_space<hbm>>
      %dma_start3A_144 = arith.constant 0 : i32
      %dma_start3A_145 = tpu.memref_slice %arg3[%add3A_121, %dma_start3A_144] : memref<20480x64xf32, #tpu.memory_space<hbm>> -> memref<128x64xf32, #tpu.memory_space<hbm>>
      tpu.enqueue_dma source(%dma_start3A_145 : memref<128x64xf32, #tpu.memory_space<hbm>>) target(%arg16 : memref<128x64xf32, #tpu.memory_space<vmem>>) target_semaphore(%run_scoped3A : memref<!tpu.dma_semaphore, #tpu.memory_space<semaphore_mem>>)
      %dma_wait3A = arith.constant 0 : i32
      %dma_wait3A_146 = tpu.memref_slice %arg3[%add3A_121, %dma_wait3A] : memref<20480x64xf32, #tpu.memory_space<hbm>> -> memref<128x64xf32, #tpu.memory_space<hbm>>
      %dma_wait3A_147 = arith.constant 0 : i32
      %dma_wait3A_148 = tpu.memref_slice %arg3[%add3A_121, %dma_wait3A_147] : memref<20480x64xf32, #tpu.memory_space<hbm>> -> memref<128x64xf32, #tpu.memory_space<hbm>>
      tpu.wait_dma2 semaphore(%run_scoped3A : memref<!tpu.dma_semaphore, #tpu.memory_space<semaphore_mem>>) src(%dma_wait3A_148 : memref<128x64xf32, #tpu.memory_space<hbm>>) dst(%arg16 : memref<128x64xf32, #tpu.memory_space<vmem>>)
      tpu.yield
    }) : () -> ()
    %scan3A_122 = arith.constant 0 : i32
    %scan3A_123 = arith.constant 128 : i32
    %scan3A_124 = arith.addi %scan3A_122, %scan3A_123 : i32
    %scan3A_125 = arith.constant 1 : i32
    scf.for %scan3A_143 = %scan3A_122 to %scan3A_124 step %scan3A_125  : i32 {
      %mul3A_144 = arith.constant 1 : i32
      %mul3A_145 = arith.muli %scan3A_143, %mul3A_144 : i32
      %add3A_146 = arith.constant 0 : i32
      %add3A_147 = arith.addi %add3A_146, %mul3A_145 : i32
      %add3A_148 = arith.constant 384 : i32
      %add3A_149 = arith.addi %add3A_148, %add3A_147 : i32
      %get3A = arith.index_cast %add3A_149 : i32 to index
      %get3A_150 = memref.load %arg20[%get3A] : memref<640xf32, #tpu.memory_space<smem>>
      %get3A_151 = arith.index_cast %add3A_147 : i32 to index
      %get3A_152 = arith.constant 0 : index
      %get3A_153 = tpu.vector_load %arg16[%get3A_151, %get3A_152] {strides = array<i32>} : memref<128x64xf32, #tpu.memory_space<vmem>>, vector<16xf32>,
      %mul3A_154 = vector.broadcast %get3A_150 : f32 to vector<16xf32>
      %mul3A_155 = arith.mulf %get3A_153, %mul3A_154 : vector<16xf32>
      %swap3A = arith.index_cast %add3A_147 : i32 to index
      %swap3A_156 = arith.constant 0 : index
      %swap3A_157 = tpu.vector_load %arg16[%swap3A, %swap3A_156] {strides = array<i32>} : memref<128x64xf32, #tpu.memory_space<vmem>>, vector<16xf32>,
      tpu.vector_store %arg16[%swap3A, %swap3A_156], %mul3A_155 {strides = array<i32>} : memref<128x64xf32, #tpu.memory_space<vmem>>, vector<16xf32>,
      %get3A_158 = arith.index_cast %add3A_147 : i32 to index
      %get3A_159 = arith.constant 16 : index
      %get3A_160 = tpu.vector_load %arg16[%get3A_158, %get3A_159] {strides = array<i32>} : memref<128x64xf32, #tpu.memory_space<vmem>>, vector<16xf32>,
      %mul3A_161 = vector.broadcast %get3A_150 : f32 to vector<16xf32>
      %mul3A_162 = arith.mulf %get3A_160, %mul3A_161 : vector<16xf32>
      %swap3A_163 = arith.index_cast %add3A_147 : i32 to index
      %swap3A_164 = arith.constant 16 : index
      %swap3A_165 = tpu.vector_load %arg16[%swap3A_163, %swap3A_164] {strides = array<i32>} : memref<128x64xf32, #tpu.memory_space<vmem>>, vector<16xf32>,
      tpu.vector_store %arg16[%swap3A_163, %swap3A_164], %mul3A_162 {strides = array<i32>} : memref<128x64xf32, #tpu.memory_space<vmem>>, vector<16xf32>,
      %get3A_166 = arith.index_cast %add3A_147 : i32 to index
      %get3A_167 = arith.constant 32 : index
      %get3A_168 = tpu.vector_load %arg16[%get3A_166, %get3A_167] {strides = array<i32>} : memref<128x64xf32, #tpu.memory_space<vmem>>, vector<16xf32>,
      %mul3A_169 = vector.broadcast %get3A_150 : f32 to vector<16xf32>
      %mul3A_170 = arith.mulf %get3A_168, %mul3A_169 : vector<16xf32>
      %swap3A_171 = arith.index_cast %add3A_147 : i32 to index
      %swap3A_172 = arith.constant 32 : index
      %swap3A_173 = tpu.vector_load %arg16[%swap3A_171, %swap3A_172] {strides = array<i32>} : memref<128x64xf32, #tpu.memory_space<vmem>>, vector<16xf32>,
      tpu.vector_store %arg16[%swap3A_171, %swap3A_172], %mul3A_170 {strides = array<i32>} : memref<128x64xf32, #tpu.memory_space<vmem>>, vector<16xf32>,
      %get3A_174 = arith.index_cast %add3A_147 : i32 to index
      %get3A_175 = arith.constant 48 : index
      %get3A_176 = tpu.vector_load %arg16[%get3A_174, %get3A_175] {strides = array<i32>} : memref<128x64xf32, #tpu.memory_space<vmem>>, vector<16xf32>,
      %mul3A_177 = vector.broadcast %get3A_150 : f32 to vector<16xf32>
      %mul3A_178 = arith.mulf %get3A_176, %mul3A_177 : vector<16xf32>
      %swap3A_179 = arith.index_cast %add3A_147 : i32 to index
      %swap3A_180 = arith.constant 48 : index
      %swap3A_181 = tpu.vector_load %arg16[%swap3A_179, %swap3A_180] {strides = array<i32>} : memref<128x64xf32, #tpu.memory_space<vmem>>, vector<16xf32>,
      tpu.vector_store %arg16[%swap3A_179, %swap3A_180], %mul3A_178 {strides = array<i32>} : memref<128x64xf32, #tpu.memory_space<vmem>>, vector<16xf32>,
    }
    %scan3A_126 = arith.constant 128 : i32
    %add3A_127 = arith.addi %mul3A_0, %add3A_120 : i32
    "tpu.region"() ({
      %run_scoped3A = tpu.sem_alloc : memref<!tpu.dma_semaphore, #tpu.memory_space<semaphore_mem>>
      %dma_start3A = arith.constant 0 : i32
      %dma_start3A_143 = tpu.memref_slice %arg7[%add3A_127, %dma_start3A] : memref<20480x64xf32, #tpu.memory_space<hbm>> -> memref<128x64xf32, #tpu.memory_space<hbm>>
      %dma_start3A_144 = arith.constant 0 : i32
      %dma_start3A_145 = tpu.memref_slice %arg7[%add3A_127, %dma_start3A_144] : memref<20480x64xf32, #tpu.memory_space<hbm>> -> memref<128x64xf32, #tpu.memory_space<hbm>>
      tpu.enqueue_dma source(%arg16 : memref<128x64xf32, #tpu.memory_space<vmem>>) target(%dma_start3A_145 : memref<128x64xf32, #tpu.memory_space<hbm>>) target_semaphore(%run_scoped3A : memref<!tpu.dma_semaphore, #tpu.memory_space<semaphore_mem>>)
      %dma_wait3A = arith.constant 0 : i32
      %dma_wait3A_146 = tpu.memref_slice %arg7[%add3A_127, %dma_wait3A] : memref<20480x64xf32, #tpu.memory_space<hbm>> -> memref<128x64xf32, #tpu.memory_space<hbm>>
      %dma_wait3A_147 = arith.constant 0 : i32
      %dma_wait3A_148 = tpu.memref_slice %arg7[%add3A_127, %dma_wait3A_147] : memref<20480x64xf32, #tpu.memory_space<hbm>> -> memref<128x64xf32, #tpu.memory_space<hbm>>
      tpu.wait_dma2 semaphore(%run_scoped3A : memref<!tpu.dma_semaphore, #tpu.memory_space<semaphore_mem>>) src(%arg16 : memref<128x64xf32, #tpu.memory_space<vmem>>) dst(%dma_wait3A_148 : memref<128x64xf32, #tpu.memory_space<hbm>>)
      tpu.yield
    }) : () -> ()
    "tpu.region"() ({
      %run_scoped3A = tpu.sem_alloc : memref<!tpu.dma_semaphore, #tpu.memory_space<semaphore_mem>>
      %dma_start3A = arith.constant 0 : i32
      %dma_start3A_143 = tpu.memref_slice %arg18[%add3A_120, %dma_start3A] : memref<10240x64xf32, #tpu.memory_space<vmem_shared>> -> memref<128x64xf32, #tpu.memory_space<vmem_shared>>
      %dma_start3A_144 = arith.constant 0 : i32
      %dma_start3A_145 = tpu.memref_slice %arg18[%add3A_120, %dma_start3A_144] : memref<10240x64xf32, #tpu.memory_space<vmem_shared>> -> memref<128x64xf32, #tpu.memory_space<vmem_shared>>
      tpu.enqueue_dma source(%arg16 : memref<128x64xf32, #tpu.memory_space<vmem>>) target(%dma_start3A_145 : memref<128x64xf32, #tpu.memory_space<vmem_shared>>) target_semaphore(%run_scoped3A : memref<!tpu.dma_semaphore, #tpu.memory_space<semaphore_mem>>)
      %dma_wait3A = arith.constant 0 : i32
      %dma_wait3A_146 = tpu.memref_slice %arg18[%add3A_120, %dma_wait3A] : memref<10240x64xf32, #tpu.memory_space<vmem_shared>> -> memref<128x64xf32, #tpu.memory_space<vmem_shared>>
      %dma_wait3A_147 = arith.constant 0 : i32
      %dma_wait3A_148 = tpu.memref_slice %arg18[%add3A_120, %dma_wait3A_147] : memref<10240x64xf32, #tpu.memory_space<vmem_shared>> -> memref<128x64xf32, #tpu.memory_space<vmem_shared>>
      tpu.wait_dma2 semaphore(%run_scoped3A : memref<!tpu.dma_semaphore, #tpu.memory_space<semaphore_mem>>) src(%arg16 : memref<128x64xf32, #tpu.memory_space<vmem>>) dst(%dma_wait3A_148 : memref<128x64xf32, #tpu.memory_space<vmem_shared>>)
      tpu.yield
    }) : () -> ()
    %add3A_128 = arith.constant 512 : i32
    %add3A_129 = arith.addi %mul3A_2, %add3A_128 : i32
    %add3A_130 = arith.addi %mul3A_0, %add3A_129 : i32
    "tpu.region"() ({
      %run_scoped3A = tpu.sem_alloc : memref<!tpu.dma_semaphore, #tpu.memory_space<semaphore_mem>>
      %dma_start3A = arith.constant 0 : i32
      %dma_start3A_143 = tpu.memref_slice %arg3[%add3A_130, %dma_start3A] : memref<20480x64xf32, #tpu.memory_space<hbm>> -> memref<128x64xf32, #tpu.memory_space<hbm>>
      %dma_start3A_144 = arith.constant 0 : i32
      %dma_start3A_145 = tpu.memref_slice %arg3[%add3A_130, %dma_start3A_144] : memref<20480x64xf32, #tpu.memory_space<hbm>> -> memref<128x64xf32, #tpu.memory_space<hbm>>
      tpu.enqueue_dma source(%dma_start3A_145 : memref<128x64xf32, #tpu.memory_space<hbm>>) target(%arg16 : memref<128x64xf32, #tpu.memory_space<vmem>>) target_semaphore(%run_scoped3A : memref<!tpu.dma_semaphore, #tpu.memory_space<semaphore_mem>>)
      %dma_wait3A = arith.constant 0 : i32
      %dma_wait3A_146 = tpu.memref_slice %arg3[%add3A_130, %dma_wait3A] : memref<20480x64xf32, #tpu.memory_space<hbm>> -> memref<128x64xf32, #tpu.memory_space<hbm>>
      %dma_wait3A_147 = arith.constant 0 : i32
      %dma_wait3A_148 = tpu.memref_slice %arg3[%add3A_130, %dma_wait3A_147] : memref<20480x64xf32, #tpu.memory_space<hbm>> -> memref<128x64xf32, #tpu.memory_space<hbm>>
      tpu.wait_dma2 semaphore(%run_scoped3A : memref<!tpu.dma_semaphore, #tpu.memory_space<semaphore_mem>>) src(%dma_wait3A_148 : memref<128x64xf32, #tpu.memory_space<hbm>>) dst(%arg16 : memref<128x64xf32, #tpu.memory_space<vmem>>)
      tpu.yield
    }) : () -> ()
    %scan3A_131 = arith.constant 0 : i32
    %scan3A_132 = arith.constant 128 : i32
    %scan3A_133 = arith.addi %scan3A_131, %scan3A_132 : i32
    %scan3A_134 = arith.constant 1 : i32
    scf.for %scan3A_143 = %scan3A_131 to %scan3A_133 step %scan3A_134  : i32 {
      %mul3A_144 = arith.constant 1 : i32
      %mul3A_145 = arith.muli %scan3A_143, %mul3A_144 : i32
      %add3A_146 = arith.constant 0 : i32
      %add3A_147 = arith.addi %add3A_146, %mul3A_145 : i32
      %add3A_148 = arith.constant 512 : i32
      %add3A_149 = arith.addi %add3A_148, %add3A_147 : i32
      %get3A = arith.index_cast %add3A_149 : i32 to index
      %get3A_150 = memref.load %arg20[%get3A] : memref<640xf32, #tpu.memory_space<smem>>
      %get3A_151 = arith.index_cast %add3A_147 : i32 to index
      %get3A_152 = arith.constant 0 : index
      %get3A_153 = tpu.vector_load %arg16[%get3A_151, %get3A_152] {strides = array<i32>} : memref<128x64xf32, #tpu.memory_space<vmem>>, vector<16xf32>,
      %mul3A_154 = vector.broadcast %get3A_150 : f32 to vector<16xf32>
      %mul3A_155 = arith.mulf %get3A_153, %mul3A_154 : vector<16xf32>
      %swap3A = arith.index_cast %add3A_147 : i32 to index
      %swap3A_156 = arith.constant 0 : index
      %swap3A_157 = tpu.vector_load %arg16[%swap3A, %swap3A_156] {strides = array<i32>} : memref<128x64xf32, #tpu.memory_space<vmem>>, vector<16xf32>,
      tpu.vector_store %arg16[%swap3A, %swap3A_156], %mul3A_155 {strides = array<i32>} : memref<128x64xf32, #tpu.memory_space<vmem>>, vector<16xf32>,
      %get3A_158 = arith.index_cast %add3A_147 : i32 to index
      %get3A_159 = arith.constant 16 : index
      %get3A_160 = tpu.vector_load %arg16[%get3A_158, %get3A_159] {strides = array<i32>} : memref<128x64xf32, #tpu.memory_space<vmem>>, vector<16xf32>,
      %mul3A_161 = vector.broadcast %get3A_150 : f32 to vector<16xf32>
      %mul3A_162 = arith.mulf %get3A_160, %mul3A_161 : vector<16xf32>
      %swap3A_163 = arith.index_cast %add3A_147 : i32 to index
      %swap3A_164 = arith.constant 16 : index
      %swap3A_165 = tpu.vector_load %arg16[%swap3A_163, %swap3A_164] {strides = array<i32>} : memref<128x64xf32, #tpu.memory_space<vmem>>, vector<16xf32>,
      tpu.vector_store %arg16[%swap3A_163, %swap3A_164], %mul3A_162 {strides = array<i32>} : memref<128x64xf32, #tpu.memory_space<vmem>>, vector<16xf32>,
      %get3A_166 = arith.index_cast %add3A_147 : i32 to index
      %get3A_167 = arith.constant 32 : index
      %get3A_168 = tpu.vector_load %arg16[%get3A_166, %get3A_167] {strides = array<i32>} : memref<128x64xf32, #tpu.memory_space<vmem>>, vector<16xf32>,
      %mul3A_169 = vector.broadcast %get3A_150 : f32 to vector<16xf32>
      %mul3A_170 = arith.mulf %get3A_168, %mul3A_169 : vector<16xf32>
      %swap3A_171 = arith.index_cast %add3A_147 : i32 to index
      %swap3A_172 = arith.constant 32 : index
      %swap3A_173 = tpu.vector_load %arg16[%swap3A_171, %swap3A_172] {strides = array<i32>} : memref<128x64xf32, #tpu.memory_space<vmem>>, vector<16xf32>,
      tpu.vector_store %arg16[%swap3A_171, %swap3A_172], %mul3A_170 {strides = array<i32>} : memref<128x64xf32, #tpu.memory_space<vmem>>, vector<16xf32>,
      %get3A_174 = arith.index_cast %add3A_147 : i32 to index
      %get3A_175 = arith.constant 48 : index
      %get3A_176 = tpu.vector_load %arg16[%get3A_174, %get3A_175] {strides = array<i32>} : memref<128x64xf32, #tpu.memory_space<vmem>>, vector<16xf32>,
      %mul3A_177 = vector.broadcast %get3A_150 : f32 to vector<16xf32>
      %mul3A_178 = arith.mulf %get3A_176, %mul3A_177 : vector<16xf32>
      %swap3A_179 = arith.index_cast %add3A_147 : i32 to index
      %swap3A_180 = arith.constant 48 : index
      %swap3A_181 = tpu.vector_load %arg16[%swap3A_179, %swap3A_180] {strides = array<i32>} : memref<128x64xf32, #tpu.memory_space<vmem>>, vector<16xf32>,
      tpu.vector_store %arg16[%swap3A_179, %swap3A_180], %mul3A_178 {strides = array<i32>} : memref<128x64xf32, #tpu.memory_space<vmem>>, vector<16xf32>,
    }
    %scan3A_135 = arith.constant 128 : i32
    %add3A_136 = arith.addi %mul3A_0, %add3A_129 : i32
    "tpu.region"() ({
      %run_scoped3A = tpu.sem_alloc : memref<!tpu.dma_semaphore, #tpu.memory_space<semaphore_mem>>
      %dma_start3A = arith.constant 0 : i32
      %dma_start3A_143 = tpu.memref_slice %arg7[%add3A_136, %dma_start3A] : memref<20480x64xf32, #tpu.memory_space<hbm>> -> memref<128x64xf32, #tpu.memory_space<hbm>>
      %dma_start3A_144 = arith.constant 0 : i32
      %dma_start3A_145 = tpu.memref_slice %arg7[%add3A_136, %dma_start3A_144] : memref<20480x64xf32, #tpu.memory_space<hbm>> -> memref<128x64xf32, #tpu.memory_space<hbm>>
      tpu.enqueue_dma source(%arg16 : memref<128x64xf32, #tpu.memory_space<vmem>>) target(%dma_start3A_145 : memref<128x64xf32, #tpu.memory_space<hbm>>) target_semaphore(%run_scoped3A : memref<!tpu.dma_semaphore, #tpu.memory_space<semaphore_mem>>)
      %dma_wait3A = arith.constant 0 : i32
      %dma_wait3A_146 = tpu.memref_slice %arg7[%add3A_136, %dma_wait3A] : memref<20480x64xf32, #tpu.memory_space<hbm>> -> memref<128x64xf32, #tpu.memory_space<hbm>>
      %dma_wait3A_147 = arith.constant 0 : i32
      %dma_wait3A_148 = tpu.memref_slice %arg7[%add3A_136, %dma_wait3A_147] : memref<20480x64xf32, #tpu.memory_space<hbm>> -> memref<128x64xf32, #tpu.memory_space<hbm>>
      tpu.wait_dma2 semaphore(%run_scoped3A : memref<!tpu.dma_semaphore, #tpu.memory_space<semaphore_mem>>) src(%arg16 : memref<128x64xf32, #tpu.memory_space<vmem>>) dst(%dma_wait3A_148 : memref<128x64xf32, #tpu.memory_space<hbm>>)
      tpu.yield
    }) : () -> ()
    "tpu.region"() ({
      %run_scoped3A = tpu.sem_alloc : memref<!tpu.dma_semaphore, #tpu.memory_space<semaphore_mem>>
      %dma_start3A = arith.constant 0 : i32
      %dma_start3A_143 = tpu.memref_slice %arg18[%add3A_129, %dma_start3A] : memref<10240x64xf32, #tpu.memory_space<vmem_shared>> -> memref<128x64xf32, #tpu.memory_space<vmem_shared>>
      %dma_start3A_144 = arith.constant 0 : i32
      %dma_start3A_145 = tpu.memref_slice %arg18[%add3A_129, %dma_start3A_144] : memref<10240x64xf32, #tpu.memory_space<vmem_shared>> -> memref<128x64xf32, #tpu.memory_space<vmem_shared>>
      tpu.enqueue_dma source(%arg16 : memref<128x64xf32, #tpu.memory_space<vmem>>) target(%dma_start3A_145 : memref<128x64xf32, #tpu.memory_space<vmem_shared>>) target_semaphore(%run_scoped3A : memref<!tpu.dma_semaphore, #tpu.memory_space<semaphore_mem>>)
      %dma_wait3A = arith.constant 0 : i32
      %dma_wait3A_146 = tpu.memref_slice %arg18[%add3A_129, %dma_wait3A] : memref<10240x64xf32, #tpu.memory_space<vmem_shared>> -> memref<128x64xf32, #tpu.memory_space<vmem_shared>>
      %dma_wait3A_147 = arith.constant 0 : i32
      %dma_wait3A_148 = tpu.memref_slice %arg18[%add3A_129, %dma_wait3A_147] : memref<10240x64xf32, #tpu.memory_space<vmem_shared>> -> memref<128x64xf32, #tpu.memory_space<vmem_shared>>
      tpu.wait_dma2 semaphore(%run_scoped3A : memref<!tpu.dma_semaphore, #tpu.memory_space<semaphore_mem>>) src(%arg16 : memref<128x64xf32, #tpu.memory_space<vmem>>) dst(%dma_wait3A_148 : memref<128x64xf32, #tpu.memory_space<vmem_shared>>)
      tpu.yield
    }) : () -> ()
    %barrier3A_137 = arith.constant 0 : index
    tpu.barrier barrier_id(%barrier3A_137)
    %scan3A_138 = arith.constant 0 : i32
    %scan3A_139 = arith.constant 10 : i32
    %scan3A_140 = arith.addi %scan3A_138, %scan3A_139 : i32
    %scan3A_141 = arith.constant 1 : i32
    scf.for %scan3A_143 = %scan3A_138 to %scan3A_140 step %scan3A_141  : i32 {
      %mul3A_144 = arith.constant 1 : i32
      %mul3A_145 = arith.muli %scan3A_143, %mul3A_144 : i32
      %add3A_146 = arith.constant 0 : i32
      %add3A_147 = arith.addi %add3A_146, %mul3A_145 : i32
      "tpu.region"() ({
        %run_scoped3A = tpu.sem_alloc : memref<!tpu.dma_semaphore, #tpu.memory_space<semaphore_mem>>
        %dma_start3A_281 = arith.constant 0 : i32
        %dma_start3A_282 = arith.constant 0 : i32
        %dma_start3A_283 = tpu.memref_slice %arg4[%mul3A_4, %dma_start3A_281, %dma_start3A_282] : memref<320x8x128xi32, #tpu.memory_space<hbm>> -> memref<1x8x128xi32, #tpu.memory_space<hbm>>
        %dma_start3A_284 = tpu.memref_squeeze %dma_start3A_283 : memref<1x8x128xi32, #tpu.memory_space<hbm>> -> memref<8x128xi32, #tpu.memory_space<hbm>>
        %dma_start3A_285 = arith.constant 0 : i32
        %dma_start3A_286 = arith.constant 0 : i32
        %dma_start3A_287 = tpu.memref_slice %arg4[%mul3A_4, %dma_start3A_285, %dma_start3A_286] : memref<320x8x128xi32, #tpu.memory_space<hbm>> -> memref<1x8x128xi32, #tpu.memory_space<hbm>>
        %dma_start3A_288 = tpu.memref_squeeze %dma_start3A_287 : memref<1x8x128xi32, #tpu.memory_space<hbm>> -> memref<8x128xi32, #tpu.memory_space<hbm>>
        tpu.enqueue_dma source(%dma_start3A_288 : memref<8x128xi32, #tpu.memory_space<hbm>>) target(%arg8 : memref<8x128xi32, #tpu.memory_space<vmem>>) target_semaphore(%run_scoped3A : memref<!tpu.dma_semaphore, #tpu.memory_space<semaphore_mem>>)
        %dma_wait3A_289 = arith.constant 0 : i32
        %dma_wait3A_290 = arith.constant 0 : i32
        %dma_wait3A_291 = tpu.memref_slice %arg4[%mul3A_4, %dma_wait3A_289, %dma_wait3A_290] : memref<320x8x128xi32, #tpu.memory_space<hbm>> -> memref<1x8x128xi32, #tpu.memory_space<hbm>>
        %dma_wait3A_292 = tpu.memref_squeeze %dma_wait3A_291 : memref<1x8x128xi32, #tpu.memory_space<hbm>> -> memref<8x128xi32, #tpu.memory_space<hbm>>
        %dma_wait3A_293 = arith.constant 0 : i32
        %dma_wait3A_294 = arith.constant 0 : i32
        %dma_wait3A_295 = tpu.memref_slice %arg4[%mul3A_4, %dma_wait3A_293, %dma_wait3A_294] : memref<320x8x128xi32, #tpu.memory_space<hbm>> -> memref<1x8x128xi32, #tpu.memory_space<hbm>>
        %dma_wait3A_296 = tpu.memref_squeeze %dma_wait3A_295 : memref<1x8x128xi32, #tpu.memory_space<hbm>> -> memref<8x128xi32, #tpu.memory_space<hbm>>
        tpu.wait_dma2 semaphore(%run_scoped3A : memref<!tpu.dma_semaphore, #tpu.memory_space<semaphore_mem>>) src(%dma_wait3A_296 : memref<8x128xi32, #tpu.memory_space<hbm>>) dst(%arg8 : memref<8x128xi32, #tpu.memory_space<vmem>>)
        tpu.yield
      }) : () -> ()
      "tpu.region"() ({
        %run_scoped3A = tpu.sem_alloc : memref<!tpu.dma_semaphore, #tpu.memory_space<semaphore_mem>>
        %dma_start3A_281 = arith.constant 0 : i32
        %dma_start3A_282 = arith.constant 0 : i32
        %dma_start3A_283 = tpu.memref_slice %arg5[%mul3A_4, %dma_start3A_281, %dma_start3A_282] : memref<320x8x128xi32, #tpu.memory_space<hbm>> -> memref<1x8x128xi32, #tpu.memory_space<hbm>>
        %dma_start3A_284 = tpu.memref_squeeze %dma_start3A_283 : memref<1x8x128xi32, #tpu.memory_space<hbm>> -> memref<8x128xi32, #tpu.memory_space<hbm>>
        %dma_start3A_285 = arith.constant 0 : i32
        %dma_start3A_286 = arith.constant 0 : i32
        %dma_start3A_287 = tpu.memref_slice %arg5[%mul3A_4, %dma_start3A_285, %dma_start3A_286] : memref<320x8x128xi32, #tpu.memory_space<hbm>> -> memref<1x8x128xi32, #tpu.memory_space<hbm>>
        %dma_start3A_288 = tpu.memref_squeeze %dma_start3A_287 : memref<1x8x128xi32, #tpu.memory_space<hbm>> -> memref<8x128xi32, #tpu.memory_space<hbm>>
        tpu.enqueue_dma source(%dma_start3A_288 : memref<8x128xi32, #tpu.memory_space<hbm>>) target(%arg10 : memref<8x128xi32, #tpu.memory_space<vmem>>) target_semaphore(%run_scoped3A : memref<!tpu.dma_semaphore, #tpu.memory_space<semaphore_mem>>)
        %dma_wait3A_289 = arith.constant 0 : i32
        %dma_wait3A_290 = arith.constant 0 : i32
        %dma_wait3A_291 = tpu.memref_slice %arg5[%mul3A_4, %dma_wait3A_289, %dma_wait3A_290] : memref<320x8x128xi32, #tpu.memory_space<hbm>> -> memref<1x8x128xi32, #tpu.memory_space<hbm>>
        %dma_wait3A_292 = tpu.memref_squeeze %dma_wait3A_291 : memref<1x8x128xi32, #tpu.memory_space<hbm>> -> memref<8x128xi32, #tpu.memory_space<hbm>>
        %dma_wait3A_293 = arith.constant 0 : i32
        %dma_wait3A_294 = arith.constant 0 : i32
        %dma_wait3A_295 = tpu.memref_slice %arg5[%mul3A_4, %dma_wait3A_293, %dma_wait3A_294] : memref<320x8x128xi32, #tpu.memory_space<hbm>> -> memref<1x8x128xi32, #tpu.memory_space<hbm>>
        %dma_wait3A_296 = tpu.memref_squeeze %dma_wait3A_295 : memref<1x8x128xi32, #tpu.memory_space<hbm>> -> memref<8x128xi32, #tpu.memory_space<hbm>>
        tpu.wait_dma2 semaphore(%run_scoped3A : memref<!tpu.dma_semaphore, #tpu.memory_space<semaphore_mem>>) src(%dma_wait3A_296 : memref<8x128xi32, #tpu.memory_space<hbm>>) dst(%arg10 : memref<8x128xi32, #tpu.memory_space<vmem>>)
        tpu.yield
      }) : () -> ()
      %scan3A_148 = arith.constant 0 : i32
      %scan3A_149 = arith.constant 10 : i32
      %scan3A_150 = arith.addi %scan3A_148, %scan3A_149 : i32
      %scan3A_151 = arith.constant 1 : i32
      scf.for %scan3A_281 = %scan3A_148 to %scan3A_150 step %scan3A_151  : i32 {
        %mul3A_282 = arith.constant 1 : i32
        %mul3A_283 = arith.muli %scan3A_281, %mul3A_282 : i32
        %add3A_284 = arith.constant 0 : i32
        %add3A_285 = arith.addi %add3A_284, %mul3A_283 : i32
        %mul3A_286 = arith.constant 2 : i32
        %mul3A_287 = arith.muli %mul3A_286, %add3A_285 : i32
        %eq3A = arith.constant 0 : i32
        %eq3A_288 = arith.cmpi eq, %add3A_285, %eq3A : i32
        %not3A = arith.constant true
        %not3A_289 = arith.xori %eq3A_288, %not3A : i1
        %convert_element_type3A = arith.extui %not3A_289 : i1 to i32
        %cond3A = arith.constant 0 : i32
        %cond3A_290 = arith.cmpi ne, %convert_element_type3A, %cond3A : i32
        scf.if %cond3A_290 {
          %dma_wait3A_784 = arith.constant 0 : i32
          %dma_wait3A_785 = arith.constant 0 : i32
          %dma_wait3A_786 = tpu.memref_slice %arg10[%dma_wait3A_784, %dma_wait3A_785] : memref<8x128xi32, #tpu.memory_space<vmem>> -> memref<1x128xi32, #tpu.memory_space<vmem>>
          %dma_wait3A_787 = tpu.memref_squeeze %dma_wait3A_786 : memref<1x128xi32, #tpu.memory_space<vmem>> -> memref<128xi32, #tpu.memory_space<vmem>>
          %dma_wait3A_788 = arith.constant 0 : i32
          %dma_wait3A_789 = arith.constant 0 : i32
          %dma_wait3A_790 = tpu.memref_slice %arg18[%dma_wait3A_788, %dma_wait3A_789] : memref<10240x64xf32, #tpu.memory_space<vmem_shared>> -> memref<10240x64xf32, #tpu.memory_space<vmem_shared>>
          tpu.wait_indirect_dma semaphore(%arg25 : memref<!tpu.dma_semaphore, #tpu.memory_space<semaphore_mem>>) src(%arg12 : memref<128x64xf32, #tpu.memory_space<vmem>>) dst(%dma_wait3A_790 : memref<10240x64xf32, #tpu.memory_space<vmem_shared>>)
        } else {
        }
        %dma_start3A_291 = arith.constant 0 : i32
        %dma_start3A_292 = arith.constant 0 : i32
        %dma_start3A_293 = tpu.memref_slice %arg8[%dma_start3A_291, %dma_start3A_292] : memref<8x128xi32, #tpu.memory_space<vmem>> -> memref<1x128xi32, #tpu.memory_space<vmem>>
        %dma_start3A_294 = tpu.memref_squeeze %dma_start3A_293 : memref<1x128xi32, #tpu.memory_space<vmem>> -> memref<128xi32, #tpu.memory_space<vmem>>
        %dma_start3A_295 = arith.constant 0 : i32
        %dma_start3A_296 = arith.constant 0 : i32
        %dma_start3A_297 = tpu.memref_slice %arg17[%dma_start3A_295, %dma_start3A_296] : memref<10240x64xf32, #tpu.memory_space<vmem_shared>> -> memref<10240x64xf32, #tpu.memory_space<vmem_shared>>
        tpu.enqueue_indirect_dma source(%dma_start3A_297 : memref<10240x64xf32, #tpu.memory_space<vmem_shared>>) target(%arg12 : memref<128x64xf32, #tpu.memory_space<vmem>>) offsets(%dma_start3A_294 : memref<128xi32, #tpu.memory_space<vmem>>) semaphore(%arg21 : memref<!tpu.dma_semaphore, #tpu.memory_space<semaphore_mem>>)
        %not3A_298 = arith.constant true
        %not3A_299 = arith.xori %eq3A_288, %not3A_298 : i1
        %convert_element_type3A_300 = arith.extui %not3A_299 : i1 to i32
        %cond3A_301 = arith.constant 0 : i32
        %cond3A_302 = arith.cmpi ne, %convert_element_type3A_300, %cond3A_301 : i32
        scf.if %cond3A_302 {
          %dma_wait3A_784 = arith.constant 1 : i32
          %dma_wait3A_785 = arith.constant 0 : i32
          %dma_wait3A_786 = tpu.memref_slice %arg10[%dma_wait3A_784, %dma_wait3A_785] : memref<8x128xi32, #tpu.memory_space<vmem>> -> memref<1x128xi32, #tpu.memory_space<vmem>>
          %dma_wait3A_787 = tpu.memref_squeeze %dma_wait3A_786 : memref<1x128xi32, #tpu.memory_space<vmem>> -> memref<128xi32, #tpu.memory_space<vmem>>
          %dma_wait3A_788 = arith.constant 0 : i32
          %dma_wait3A_789 = arith.constant 0 : i32
          %dma_wait3A_790 = tpu.memref_slice %arg18[%dma_wait3A_788, %dma_wait3A_789] : memref<10240x64xf32, #tpu.memory_space<vmem_shared>> -> memref<10240x64xf32, #tpu.memory_space<vmem_shared>>
          tpu.wait_indirect_dma semaphore(%arg26 : memref<!tpu.dma_semaphore, #tpu.memory_space<semaphore_mem>>) src(%arg13 : memref<128x64xf32, #tpu.memory_space<vmem>>) dst(%dma_wait3A_790 : memref<10240x64xf32, #tpu.memory_space<vmem_shared>>)
        } else {
        }
        %dma_start3A_303 = arith.constant 1 : i32
        %dma_start3A_304 = arith.constant 0 : i32
        %dma_start3A_305 = tpu.memref_slice %arg8[%dma_start3A_303, %dma_start3A_304] : memref<8x128xi32, #tpu.memory_space<vmem>> -> memref<1x128xi32, #tpu.memory_space<vmem>>
        %dma_start3A_306 = tpu.memref_squeeze %dma_start3A_305 : memref<1x128xi32, #tpu.memory_space<vmem>> -> memref<128xi32, #tpu.memory_space<vmem>>
        %dma_start3A_307 = arith.constant 0 : i32
        %dma_start3A_308 = arith.constant 0 : i32
        %dma_start3A_309 = tpu.memref_slice %arg17[%dma_start3A_307, %dma_start3A_308] : memref<10240x64xf32, #tpu.memory_space<vmem_shared>> -> memref<10240x64xf32, #tpu.memory_space<vmem_shared>>
        tpu.enqueue_indirect_dma source(%dma_start3A_309 : memref<10240x64xf32, #tpu.memory_space<vmem_shared>>) target(%arg13 : memref<128x64xf32, #tpu.memory_space<vmem>>) offsets(%dma_start3A_306 : memref<128xi32, #tpu.memory_space<vmem>>) semaphore(%arg22 : memref<!tpu.dma_semaphore, #tpu.memory_space<semaphore_mem>>)
        %not3A_310 = arith.constant true
        %not3A_311 = arith.xori %eq3A_288, %not3A_310 : i1
        %convert_element_type3A_312 = arith.extui %not3A_311 : i1 to i32
        %cond3A_313 = arith.constant 0 : i32
        %cond3A_314 = arith.cmpi ne, %convert_element_type3A_312, %cond3A_313 : i32
        scf.if %cond3A_314 {
          %dma_wait3A_784 = arith.constant 2 : i32
          %dma_wait3A_785 = arith.constant 0 : i32
          %dma_wait3A_786 = tpu.memref_slice %arg10[%dma_wait3A_784, %dma_wait3A_785] : memref<8x128xi32, #tpu.memory_space<vmem>> -> memref<1x128xi32, #tpu.memory_space<vmem>>
          %dma_wait3A_787 = tpu.memref_squeeze %dma_wait3A_786 : memref<1x128xi32, #tpu.memory_space<vmem>> -> memref<128xi32, #tpu.memory_space<vmem>>
          %dma_wait3A_788 = arith.constant 0 : i32
          %dma_wait3A_789 = arith.constant 0 : i32
          %dma_wait3A_790 = tpu.memref_slice %arg18[%dma_wait3A_788, %dma_wait3A_789] : memref<10240x64xf32, #tpu.memory_space<vmem_shared>> -> memref<10240x64xf32, #tpu.memory_space<vmem_shared>>
          tpu.wait_indirect_dma semaphore(%arg27 : memref<!tpu.dma_semaphore, #tpu.memory_space<semaphore_mem>>) src(%arg14 : memref<128x64xf32, #tpu.memory_space<vmem>>) dst(%dma_wait3A_790 : memref<10240x64xf32, #tpu.memory_space<vmem_shared>>)
        } else {
        }
        %dma_start3A_315 = arith.constant 2 : i32
        %dma_start3A_316 = arith.constant 0 : i32
        %dma_start3A_317 = tpu.memref_slice %arg8[%dma_start3A_315, %dma_start3A_316] : memref<8x128xi32, #tpu.memory_space<vmem>> -> memref<1x128xi32, #tpu.memory_space<vmem>>
        %dma_start3A_318 = tpu.memref_squeeze %dma_start3A_317 : memref<1x128xi32, #tpu.memory_space<vmem>> -> memref<128xi32, #tpu.memory_space<vmem>>
        %dma_start3A_319 = arith.constant 0 : i32
        %dma_start3A_320 = arith.constant 0 : i32
        %dma_start3A_321 = tpu.memref_slice %arg17[%dma_start3A_319, %dma_start3A_320] : memref<10240x64xf32, #tpu.memory_space<vmem_shared>> -> memref<10240x64xf32, #tpu.memory_space<vmem_shared>>
        tpu.enqueue_indirect_dma source(%dma_start3A_321 : memref<10240x64xf32, #tpu.memory_space<vmem_shared>>) target(%arg14 : memref<128x64xf32, #tpu.memory_space<vmem>>) offsets(%dma_start3A_318 : memref<128xi32, #tpu.memory_space<vmem>>) semaphore(%arg23 : memref<!tpu.dma_semaphore, #tpu.memory_space<semaphore_mem>>)
        %dma_wait3A_322 = arith.constant 0 : i32
        %dma_wait3A_323 = arith.constant 0 : i32
        %dma_wait3A_324 = tpu.memref_slice %arg8[%dma_wait3A_322, %dma_wait3A_323] : memref<8x128xi32, #tpu.memory_space<vmem>> -> memref<1x128xi32, #tpu.memory_space<vmem>>
        %dma_wait3A_325 = tpu.memref_squeeze %dma_wait3A_324 : memref<1x128xi32, #tpu.memory_space<vmem>> -> memref<128xi32, #tpu.memory_space<vmem>>
        %dma_wait3A_326 = arith.constant 0 : i32
        %dma_wait3A_327 = arith.constant 0 : i32
        %dma_wait3A_328 = tpu.memref_slice %arg17[%dma_wait3A_326, %dma_wait3A_327] : memref<10240x64xf32, #tpu.memory_space<vmem_shared>> -> memref<10240x64xf32, #tpu.memory_space<vmem_shared>>
        tpu.wait_indirect_dma semaphore(%arg21 : memref<!tpu.dma_semaphore, #tpu.memory_space<semaphore_mem>>) src(%dma_wait3A_328 : memref<10240x64xf32, #tpu.memory_space<vmem_shared>>) dst(%arg12 : memref<128x64xf32, #tpu.memory_space<vmem>>)
        %dma_start3A_329 = arith.constant 0 : i32
        %dma_start3A_330 = arith.constant 0 : i32
        %dma_start3A_331 = tpu.memref_slice %arg10[%dma_start3A_329, %dma_start3A_330] : memref<8x128xi32, #tpu.memory_space<vmem>> -> memref<1x128xi32, #tpu.memory_space<vmem>>
        %dma_start3A_332 = tpu.memref_squeeze %dma_start3A_331 : memref<1x128xi32, #tpu.memory_space<vmem>> -> memref<128xi32, #tpu.memory_space<vmem>>
        %dma_start3A_333 = arith.constant 0 : i32
        %dma_start3A_334 = arith.constant 0 : i32
        %dma_start3A_335 = tpu.memref_slice %arg18[%dma_start3A_333, %dma_start3A_334] : memref<10240x64xf32, #tpu.memory_space<vmem_shared>> -> memref<10240x64xf32, #tpu.memory_space<vmem_shared>>
        tpu.enqueue_indirect_dma source(%arg12 : memref<128x64xf32, #tpu.memory_space<vmem>>) target(%dma_start3A_335 : memref<10240x64xf32, #tpu.memory_space<vmem_shared>>) offsets(%dma_start3A_332 : memref<128xi32, #tpu.memory_space<vmem>>) semaphore(%arg25 : memref<!tpu.dma_semaphore, #tpu.memory_space<semaphore_mem>>) {add = true}
        %not3A_336 = arith.constant true
        %not3A_337 = arith.xori %eq3A_288, %not3A_336 : i1
        %convert_element_type3A_338 = arith.extui %not3A_337 : i1 to i32
        %cond3A_339 = arith.constant 0 : i32
        %cond3A_340 = arith.cmpi ne, %convert_element_type3A_338, %cond3A_339 : i32
        scf.if %cond3A_340 {
          %dma_wait3A_784 = arith.constant 3 : i32
          %dma_wait3A_785 = arith.constant 0 : i32
          %dma_wait3A_786 = tpu.memref_slice %arg10[%dma_wait3A_784, %dma_wait3A_785] : memref<8x128xi32, #tpu.memory_space<vmem>> -> memref<1x128xi32, #tpu.memory_space<vmem>>
          %dma_wait3A_787 = tpu.memref_squeeze %dma_wait3A_786 : memref<1x128xi32, #tpu.memory_space<vmem>> -> memref<128xi32, #tpu.memory_space<vmem>>
          %dma_wait3A_788 = arith.constant 0 : i32
          %dma_wait3A_789 = arith.constant 0 : i32
          %dma_wait3A_790 = tpu.memref_slice %arg18[%dma_wait3A_788, %dma_wait3A_789] : memref<10240x64xf32, #tpu.memory_space<vmem_shared>> -> memref<10240x64xf32, #tpu.memory_space<vmem_shared>>
          tpu.wait_indirect_dma semaphore(%arg28 : memref<!tpu.dma_semaphore, #tpu.memory_space<semaphore_mem>>) src(%arg15 : memref<128x64xf32, #tpu.memory_space<vmem>>) dst(%dma_wait3A_790 : memref<10240x64xf32, #tpu.memory_space<vmem_shared>>)
        } else {
        }
        %dma_start3A_341 = arith.constant 3 : i32
        %dma_start3A_342 = arith.constant 0 : i32
        %dma_start3A_343 = tpu.memref_slice %arg8[%dma_start3A_341, %dma_start3A_342] : memref<8x128xi32, #tpu.memory_space<vmem>> -> memref<1x128xi32, #tpu.memory_space<vmem>>
        %dma_start3A_344 = tpu.memref_squeeze %dma_start3A_343 : memref<1x128xi32, #tpu.memory_space<vmem>> -> memref<128xi32, #tpu.memory_space<vmem>>
        %dma_start3A_345 = arith.constant 0 : i32
        %dma_start3A_346 = arith.constant 0 : i32
        %dma_start3A_347 = tpu.memref_slice %arg17[%dma_start3A_345, %dma_start3A_346] : memref<10240x64xf32, #tpu.memory_space<vmem_shared>> -> memref<10240x64xf32, #tpu.memory_space<vmem_shared>>
        tpu.enqueue_indirect_dma source(%dma_start3A_347 : memref<10240x64xf32, #tpu.memory_space<vmem_shared>>) target(%arg15 : memref<128x64xf32, #tpu.memory_space<vmem>>) offsets(%dma_start3A_344 : memref<128xi32, #tpu.memory_space<vmem>>) semaphore(%arg24 : memref<!tpu.dma_semaphore, #tpu.memory_space<semaphore_mem>>)
        %add3A_348 = arith.addi %mul3A_4, %mul3A_287 : i32
        %add3A_349 = arith.constant 1 : i32
        %add3A_350 = arith.addi %add3A_348, %add3A_349 : i32
        %dma_start3A_351 = arith.constant 0 : i32
        %dma_start3A_352 = arith.constant 0 : i32
        %dma_start3A_353 = tpu.memref_slice %arg4[%add3A_350, %dma_start3A_351, %dma_start3A_352] : memref<320x8x128xi32, #tpu.memory_space<hbm>> -> memref<1x8x128xi32, #tpu.memory_space<hbm>>
        %dma_start3A_354 = tpu.memref_squeeze %dma_start3A_353 : memref<1x8x128xi32, #tpu.memory_space<hbm>> -> memref<8x128xi32, #tpu.memory_space<hbm>>
        %dma_start3A_355 = arith.constant 0 : i32
        %dma_start3A_356 = arith.constant 0 : i32
        %dma_start3A_357 = tpu.memref_slice %arg4[%add3A_350, %dma_start3A_355, %dma_start3A_356] : memref<320x8x128xi32, #tpu.memory_space<hbm>> -> memref<1x8x128xi32, #tpu.memory_space<hbm>>
        %dma_start3A_358 = tpu.memref_squeeze %dma_start3A_357 : memref<1x8x128xi32, #tpu.memory_space<hbm>> -> memref<8x128xi32, #tpu.memory_space<hbm>>
        tpu.enqueue_dma source(%dma_start3A_358 : memref<8x128xi32, #tpu.memory_space<hbm>>) target(%arg9 : memref<8x128xi32, #tpu.memory_space<vmem>>) target_semaphore(%arg29 : memref<!tpu.dma_semaphore, #tpu.memory_space<semaphore_mem>>)
        %add3A_359 = arith.addi %mul3A_4, %mul3A_287 : i32
        %add3A_360 = arith.constant 1 : i32
        %add3A_361 = arith.addi %add3A_359, %add3A_360 : i32
        %dma_start3A_362 = arith.constant 0 : i32
        %dma_start3A_363 = arith.constant 0 : i32
        %dma_start3A_364 = tpu.memref_slice %arg5[%add3A_361, %dma_start3A_362, %dma_start3A_363] : memref<320x8x128xi32, #tpu.memory_space<hbm>> -> memref<1x8x128xi32, #tpu.memory_space<hbm>>
        %dma_start3A_365 = tpu.memref_squeeze %dma_start3A_364 : memref<1x8x128xi32, #tpu.memory_space<hbm>> -> memref<8x128xi32, #tpu.memory_space<hbm>>
        %dma_start3A_366 = arith.constant 0 : i32
        %dma_start3A_367 = arith.constant 0 : i32
        %dma_start3A_368 = tpu.memref_slice %arg5[%add3A_361, %dma_start3A_366, %dma_start3A_367] : memref<320x8x128xi32, #tpu.memory_space<hbm>> -> memref<1x8x128xi32, #tpu.memory_space<hbm>>
        %dma_start3A_369 = tpu.memref_squeeze %dma_start3A_368 : memref<1x8x128xi32, #tpu.memory_space<hbm>> -> memref<8x128xi32, #tpu.memory_space<hbm>>
        tpu.enqueue_dma source(%dma_start3A_369 : memref<8x128xi32, #tpu.memory_space<hbm>>) target(%arg11 : memref<8x128xi32, #tpu.memory_space<vmem>>) target_semaphore(%arg29 : memref<!tpu.dma_semaphore, #tpu.memory_space<semaphore_mem>>)
        %dma_wait3A_370 = arith.constant 1 : i32
        %dma_wait3A_371 = arith.constant 0 : i32
        %dma_wait3A_372 = tpu.memref_slice %arg8[%dma_wait3A_370, %dma_wait3A_371] : memref<8x128xi32, #tpu.memory_space<vmem>> -> memref<1x128xi32, #tpu.memory_space<vmem>>
        %dma_wait3A_373 = tpu.memref_squeeze %dma_wait3A_372 : memref<1x128xi32, #tpu.memory_space<vmem>> -> memref<128xi32, #tpu.memory_space<vmem>>
        %dma_wait3A_374 = arith.constant 0 : i32
        %dma_wait3A_375 = arith.constant 0 : i32
        %dma_wait3A_376 = tpu.memref_slice %arg17[%dma_wait3A_374, %dma_wait3A_375] : memref<10240x64xf32, #tpu.memory_space<vmem_shared>> -> memref<10240x64xf32, #tpu.memory_space<vmem_shared>>
        tpu.wait_indirect_dma semaphore(%arg22 : memref<!tpu.dma_semaphore, #tpu.memory_space<semaphore_mem>>) src(%dma_wait3A_376 : memref<10240x64xf32, #tpu.memory_space<vmem_shared>>) dst(%arg13 : memref<128x64xf32, #tpu.memory_space<vmem>>)
        %dma_start3A_377 = arith.constant 1 : i32
        %dma_start3A_378 = arith.constant 0 : i32
        %dma_start3A_379 = tpu.memref_slice %arg10[%dma_start3A_377, %dma_start3A_378] : memref<8x128xi32, #tpu.memory_space<vmem>> -> memref<1x128xi32, #tpu.memory_space<vmem>>
        %dma_start3A_380 = tpu.memref_squeeze %dma_start3A_379 : memref<1x128xi32, #tpu.memory_space<vmem>> -> memref<128xi32, #tpu.memory_space<vmem>>
        %dma_start3A_381 = arith.constant 0 : i32
        %dma_start3A_382 = arith.constant 0 : i32
        %dma_start3A_383 = tpu.memref_slice %arg18[%dma_start3A_381, %dma_start3A_382] : memref<10240x64xf32, #tpu.memory_space<vmem_shared>> -> memref<10240x64xf32, #tpu.memory_space<vmem_shared>>
        tpu.enqueue_indirect_dma source(%arg13 : memref<128x64xf32, #tpu.memory_space<vmem>>) target(%dma_start3A_383 : memref<10240x64xf32, #tpu.memory_space<vmem_shared>>) offsets(%dma_start3A_380 : memref<128xi32, #tpu.memory_space<vmem>>) semaphore(%arg26 : memref<!tpu.dma_semaphore, #tpu.memory_space<semaphore_mem>>) {add = true}
        %dma_wait3A_384 = arith.constant 4 : i32
        %dma_wait3A_385 = arith.constant 0 : i32
        %dma_wait3A_386 = tpu.memref_slice %arg10[%dma_wait3A_384, %dma_wait3A_385] : memref<8x128xi32, #tpu.memory_space<vmem>> -> memref<1x128xi32, #tpu.memory_space<vmem>>
        %dma_wait3A_387 = tpu.memref_squeeze %dma_wait3A_386 : memref<1x128xi32, #tpu.memory_space<vmem>> -> memref<128xi32, #tpu.memory_space<vmem>>
        %dma_wait3A_388 = arith.constant 0 : i32
        %dma_wait3A_389 = arith.constant 0 : i32
        %dma_wait3A_390 = tpu.memref_slice %arg18[%dma_wait3A_388, %dma_wait3A_389] : memref<10240x64xf32, #tpu.memory_space<vmem_shared>> -> memref<10240x64xf32, #tpu.memory_space<vmem_shared>>
        tpu.wait_indirect_dma semaphore(%arg25 : memref<!tpu.dma_semaphore, #tpu.memory_space<semaphore_mem>>) src(%arg12 : memref<128x64xf32, #tpu.memory_space<vmem>>) dst(%dma_wait3A_390 : memref<10240x64xf32, #tpu.memory_space<vmem_shared>>)
        %dma_start3A_391 = arith.constant 4 : i32
        %dma_start3A_392 = arith.constant 0 : i32
        %dma_start3A_393 = tpu.memref_slice %arg8[%dma_start3A_391, %dma_start3A_392] : memref<8x128xi32, #tpu.memory_space<vmem>> -> memref<1x128xi32, #tpu.memory_space<vmem>>
        %dma_start3A_394 = tpu.memref_squeeze %dma_start3A_393 : memref<1x128xi32, #tpu.memory_space<vmem>> -> memref<128xi32, #tpu.memory_space<vmem>>
        %dma_start3A_395 = arith.constant 0 : i32
        %dma_start3A_396 = arith.constant 0 : i32
        %dma_start3A_397 = tpu.memref_slice %arg17[%dma_start3A_395, %dma_start3A_396] : memref<10240x64xf32, #tpu.memory_space<vmem_shared>> -> memref<10240x64xf32, #tpu.memory_space<vmem_shared>>
        tpu.enqueue_indirect_dma source(%dma_start3A_397 : memref<10240x64xf32, #tpu.memory_space<vmem_shared>>) target(%arg12 : memref<128x64xf32, #tpu.memory_space<vmem>>) offsets(%dma_start3A_394 : memref<128xi32, #tpu.memory_space<vmem>>) semaphore(%arg21 : memref<!tpu.dma_semaphore, #tpu.memory_space<semaphore_mem>>)
        %dma_wait3A_398 = arith.constant 2 : i32
        %dma_wait3A_399 = arith.constant 0 : i32
        %dma_wait3A_400 = tpu.memref_slice %arg8[%dma_wait3A_398, %dma_wait3A_399] : memref<8x128xi32, #tpu.memory_space<vmem>> -> memref<1x128xi32, #tpu.memory_space<vmem>>
        %dma_wait3A_401 = tpu.memref_squeeze %dma_wait3A_400 : memref<1x128xi32, #tpu.memory_space<vmem>> -> memref<128xi32, #tpu.memory_space<vmem>>
        %dma_wait3A_402 = arith.constant 0 : i32
        %dma_wait3A_403 = arith.constant 0 : i32
        %dma_wait3A_404 = tpu.memref_slice %arg17[%dma_wait3A_402, %dma_wait3A_403] : memref<10240x64xf32, #tpu.memory_space<vmem_shared>> -> memref<10240x64xf32, #tpu.memory_space<vmem_shared>>
        tpu.wait_indirect_dma semaphore(%arg23 : memref<!tpu.dma_semaphore, #tpu.memory_space<semaphore_mem>>) src(%dma_wait3A_404 : memref<10240x64xf32, #tpu.memory_space<vmem_shared>>) dst(%arg14 : memref<128x64xf32, #tpu.memory_space<vmem>>)
        %dma_start3A_405 = arith.constant 2 : i32
        %dma_start3A_406 = arith.constant 0 : i32
        %dma_start3A_407 = tpu.memref_slice %arg10[%dma_start3A_405, %dma_start3A_406] : memref<8x128xi32, #tpu.memory_space<vmem>> -> memref<1x128xi32, #tpu.memory_space<vmem>>
        %dma_start3A_408 = tpu.memref_squeeze %dma_start3A_407 : memref<1x128xi32, #tpu.memory_space<vmem>> -> memref<128xi32, #tpu.memory_space<vmem>>
        %dma_start3A_409 = arith.constant 0 : i32
        %dma_start3A_410 = arith.constant 0 : i32
        %dma_start3A_411 = tpu.memref_slice %arg18[%dma_start3A_409, %dma_start3A_410] : memref<10240x64xf32, #tpu.memory_space<vmem_shared>> -> memref<10240x64xf32, #tpu.memory_space<vmem_shared>>
        tpu.enqueue_indirect_dma source(%arg14 : memref<128x64xf32, #tpu.memory_space<vmem>>) target(%dma_start3A_411 : memref<10240x64xf32, #tpu.memory_space<vmem_shared>>) offsets(%dma_start3A_408 : memref<128xi32, #tpu.memory_space<vmem>>) semaphore(%arg27 : memref<!tpu.dma_semaphore, #tpu.memory_space<semaphore_mem>>) {add = true}
        %dma_wait3A_412 = arith.constant 5 : i32
        %dma_wait3A_413 = arith.constant 0 : i32
        %dma_wait3A_414 = tpu.memref_slice %arg10[%dma_wait3A_412, %dma_wait3A_413] : memref<8x128xi32, #tpu.memory_space<vmem>> -> memref<1x128xi32, #tpu.memory_space<vmem>>
        %dma_wait3A_415 = tpu.memref_squeeze %dma_wait3A_414 : memref<1x128xi32, #tpu.memory_space<vmem>> -> memref<128xi32, #tpu.memory_space<vmem>>
        %dma_wait3A_416 = arith.constant 0 : i32
        %dma_wait3A_417 = arith.constant 0 : i32
        %dma_wait3A_418 = tpu.memref_slice %arg18[%dma_wait3A_416, %dma_wait3A_417] : memref<10240x64xf32, #tpu.memory_space<vmem_shared>> -> memref<10240x64xf32, #tpu.memory_space<vmem_shared>>
        tpu.wait_indirect_dma semaphore(%arg26 : memref<!tpu.dma_semaphore, #tpu.memory_space<semaphore_mem>>) src(%arg13 : memref<128x64xf32, #tpu.memory_space<vmem>>) dst(%dma_wait3A_418 : memref<10240x64xf32, #tpu.memory_space<vmem_shared>>)
        %dma_start3A_419 = arith.constant 5 : i32
        %dma_start3A_420 = arith.constant 0 : i32
        %dma_start3A_421 = tpu.memref_slice %arg8[%dma_start3A_419, %dma_start3A_420] : memref<8x128xi32, #tpu.memory_space<vmem>> -> memref<1x128xi32, #tpu.memory_space<vmem>>
        %dma_start3A_422 = tpu.memref_squeeze %dma_start3A_421 : memref<1x128xi32, #tpu.memory_space<vmem>> -> memref<128xi32, #tpu.memory_space<vmem>>
        %dma_start3A_423 = arith.constant 0 : i32
        %dma_start3A_424 = arith.constant 0 : i32
        %dma_start3A_425 = tpu.memref_slice %arg17[%dma_start3A_423, %dma_start3A_424] : memref<10240x64xf32, #tpu.memory_space<vmem_shared>> -> memref<10240x64xf32, #tpu.memory_space<vmem_shared>>
        tpu.enqueue_indirect_dma source(%dma_start3A_425 : memref<10240x64xf32, #tpu.memory_space<vmem_shared>>) target(%arg13 : memref<128x64xf32, #tpu.memory_space<vmem>>) offsets(%dma_start3A_422 : memref<128xi32, #tpu.memory_space<vmem>>) semaphore(%arg22 : memref<!tpu.dma_semaphore, #tpu.memory_space<semaphore_mem>>)
        %dma_wait3A_426 = arith.constant 3 : i32
        %dma_wait3A_427 = arith.constant 0 : i32
        %dma_wait3A_428 = tpu.memref_slice %arg8[%dma_wait3A_426, %dma_wait3A_427] : memref<8x128xi32, #tpu.memory_space<vmem>> -> memref<1x128xi32, #tpu.memory_space<vmem>>
        %dma_wait3A_429 = tpu.memref_squeeze %dma_wait3A_428 : memref<1x128xi32, #tpu.memory_space<vmem>> -> memref<128xi32, #tpu.memory_space<vmem>>
        %dma_wait3A_430 = arith.constant 0 : i32
        %dma_wait3A_431 = arith.constant 0 : i32
        %dma_wait3A_432 = tpu.memref_slice %arg17[%dma_wait3A_430, %dma_wait3A_431] : memref<10240x64xf32, #tpu.memory_space<vmem_shared>> -> memref<10240x64xf32, #tpu.memory_space<vmem_shared>>
        tpu.wait_indirect_dma semaphore(%arg24 : memref<!tpu.dma_semaphore, #tpu.memory_space<semaphore_mem>>) src(%dma_wait3A_432 : memref<10240x64xf32, #tpu.memory_space<vmem_shared>>) dst(%arg15 : memref<128x64xf32, #tpu.memory_space<vmem>>)
        %dma_start3A_433 = arith.constant 3 : i32
        %dma_start3A_434 = arith.constant 0 : i32
        %dma_start3A_435 = tpu.memref_slice %arg10[%dma_start3A_433, %dma_start3A_434] : memref<8x128xi32, #tpu.memory_space<vmem>> -> memref<1x128xi32, #tpu.memory_space<vmem>>
        %dma_start3A_436 = tpu.memref_squeeze %dma_start3A_435 : memref<1x128xi32, #tpu.memory_space<vmem>> -> memref<128xi32, #tpu.memory_space<vmem>>
        %dma_start3A_437 = arith.constant 0 : i32
        %dma_start3A_438 = arith.constant 0 : i32
        %dma_start3A_439 = tpu.memref_slice %arg18[%dma_start3A_437, %dma_start3A_438] : memref<10240x64xf32, #tpu.memory_space<vmem_shared>> -> memref<10240x64xf32, #tpu.memory_space<vmem_shared>>
        tpu.enqueue_indirect_dma source(%arg15 : memref<128x64xf32, #tpu.memory_space<vmem>>) target(%dma_start3A_439 : memref<10240x64xf32, #tpu.memory_space<vmem_shared>>) offsets(%dma_start3A_436 : memref<128xi32, #tpu.memory_space<vmem>>) semaphore(%arg28 : memref<!tpu.dma_semaphore, #tpu.memory_space<semaphore_mem>>) {add = true}
        %dma_wait3A_440 = arith.constant 6 : i32
        %dma_wait3A_441 = arith.constant 0 : i32
        %dma_wait3A_442 = tpu.memref_slice %arg10[%dma_wait3A_440, %dma_wait3A_441] : memref<8x128xi32, #tpu.memory_space<vmem>> -> memref<1x128xi32, #tpu.memory_space<vmem>>
        %dma_wait3A_443 = tpu.memref_squeeze %dma_wait3A_442 : memref<1x128xi32, #tpu.memory_space<vmem>> -> memref<128xi32, #tpu.memory_space<vmem>>
        %dma_wait3A_444 = arith.constant 0 : i32
        %dma_wait3A_445 = arith.constant 0 : i32
        %dma_wait3A_446 = tpu.memref_slice %arg18[%dma_wait3A_444, %dma_wait3A_445] : memref<10240x64xf32, #tpu.memory_space<vmem_shared>> -> memref<10240x64xf32, #tpu.memory_space<vmem_shared>>
        tpu.wait_indirect_dma semaphore(%arg27 : memref<!tpu.dma_semaphore, #tpu.memory_space<semaphore_mem>>) src(%arg14 : memref<128x64xf32, #tpu.memory_space<vmem>>) dst(%dma_wait3A_446 : memref<10240x64xf32, #tpu.memory_space<vmem_shared>>)
        %dma_start3A_447 = arith.constant 6 : i32
        %dma_start3A_448 = arith.constant 0 : i32
        %dma_start3A_449 = tpu.memref_slice %arg8[%dma_start3A_447, %dma_start3A_448] : memref<8x128xi32, #tpu.memory_space<vmem>> -> memref<1x128xi32, #tpu.memory_space<vmem>>
        %dma_start3A_450 = tpu.memref_squeeze %dma_start3A_449 : memref<1x128xi32, #tpu.memory_space<vmem>> -> memref<128xi32, #tpu.memory_space<vmem>>
        %dma_start3A_451 = arith.constant 0 : i32
        %dma_start3A_452 = arith.constant 0 : i32
        %dma_start3A_453 = tpu.memref_slice %arg17[%dma_start3A_451, %dma_start3A_452] : memref<10240x64xf32, #tpu.memory_space<vmem_shared>> -> memref<10240x64xf32, #tpu.memory_space<vmem_shared>>
        tpu.enqueue_indirect_dma source(%dma_start3A_453 : memref<10240x64xf32, #tpu.memory_space<vmem_shared>>) target(%arg14 : memref<128x64xf32, #tpu.memory_space<vmem>>) offsets(%dma_start3A_450 : memref<128xi32, #tpu.memory_space<vmem>>) semaphore(%arg23 : memref<!tpu.dma_semaphore, #tpu.memory_space<semaphore_mem>>)
        %dma_wait3A_454 = arith.constant 4 : i32
        %dma_wait3A_455 = arith.constant 0 : i32
        %dma_wait3A_456 = tpu.memref_slice %arg8[%dma_wait3A_454, %dma_wait3A_455] : memref<8x128xi32, #tpu.memory_space<vmem>> -> memref<1x128xi32, #tpu.memory_space<vmem>>
        %dma_wait3A_457 = tpu.memref_squeeze %dma_wait3A_456 : memref<1x128xi32, #tpu.memory_space<vmem>> -> memref<128xi32, #tpu.memory_space<vmem>>
        %dma_wait3A_458 = arith.constant 0 : i32
        %dma_wait3A_459 = arith.constant 0 : i32
        %dma_wait3A_460 = tpu.memref_slice %arg17[%dma_wait3A_458, %dma_wait3A_459] : memref<10240x64xf32, #tpu.memory_space<vmem_shared>> -> memref<10240x64xf32, #tpu.memory_space<vmem_shared>>
        tpu.wait_indirect_dma semaphore(%arg21 : memref<!tpu.dma_semaphore, #tpu.memory_space<semaphore_mem>>) src(%dma_wait3A_460 : memref<10240x64xf32, #tpu.memory_space<vmem_shared>>) dst(%arg12 : memref<128x64xf32, #tpu.memory_space<vmem>>)
        %dma_start3A_461 = arith.constant 4 : i32
        %dma_start3A_462 = arith.constant 0 : i32
        %dma_start3A_463 = tpu.memref_slice %arg10[%dma_start3A_461, %dma_start3A_462] : memref<8x128xi32, #tpu.memory_space<vmem>> -> memref<1x128xi32, #tpu.memory_space<vmem>>
        %dma_start3A_464 = tpu.memref_squeeze %dma_start3A_463 : memref<1x128xi32, #tpu.memory_space<vmem>> -> memref<128xi32, #tpu.memory_space<vmem>>
        %dma_start3A_465 = arith.constant 0 : i32
        %dma_start3A_466 = arith.constant 0 : i32
        %dma_start3A_467 = tpu.memref_slice %arg18[%dma_start3A_465, %dma_start3A_466] : memref<10240x64xf32, #tpu.memory_space<vmem_shared>> -> memref<10240x64xf32, #tpu.memory_space<vmem_shared>>
        tpu.enqueue_indirect_dma source(%arg12 : memref<128x64xf32, #tpu.memory_space<vmem>>) target(%dma_start3A_467 : memref<10240x64xf32, #tpu.memory_space<vmem_shared>>) offsets(%dma_start3A_464 : memref<128xi32, #tpu.memory_space<vmem>>) semaphore(%arg25 : memref<!tpu.dma_semaphore, #tpu.memory_space<semaphore_mem>>) {add = true}
        %dma_wait3A_468 = arith.constant 7 : i32
        %dma_wait3A_469 = arith.constant 0 : i32
        %dma_wait3A_470 = tpu.memref_slice %arg10[%dma_wait3A_468, %dma_wait3A_469] : memref<8x128xi32, #tpu.memory_space<vmem>> -> memref<1x128xi32, #tpu.memory_space<vmem>>
        %dma_wait3A_471 = tpu.memref_squeeze %dma_wait3A_470 : memref<1x128xi32, #tpu.memory_space<vmem>> -> memref<128xi32, #tpu.memory_space<vmem>>
        %dma_wait3A_472 = arith.constant 0 : i32
        %dma_wait3A_473 = arith.constant 0 : i32
        %dma_wait3A_474 = tpu.memref_slice %arg18[%dma_wait3A_472, %dma_wait3A_473] : memref<10240x64xf32, #tpu.memory_space<vmem_shared>> -> memref<10240x64xf32, #tpu.memory_space<vmem_shared>>
        tpu.wait_indirect_dma semaphore(%arg28 : memref<!tpu.dma_semaphore, #tpu.memory_space<semaphore_mem>>) src(%arg15 : memref<128x64xf32, #tpu.memory_space<vmem>>) dst(%dma_wait3A_474 : memref<10240x64xf32, #tpu.memory_space<vmem_shared>>)
        %dma_start3A_475 = arith.constant 7 : i32
        %dma_start3A_476 = arith.constant 0 : i32
        %dma_start3A_477 = tpu.memref_slice %arg8[%dma_start3A_475, %dma_start3A_476] : memref<8x128xi32, #tpu.memory_space<vmem>> -> memref<1x128xi32, #tpu.memory_space<vmem>>
        %dma_start3A_478 = tpu.memref_squeeze %dma_start3A_477 : memref<1x128xi32, #tpu.memory_space<vmem>> -> memref<128xi32, #tpu.memory_space<vmem>>
        %dma_start3A_479 = arith.constant 0 : i32
        %dma_start3A_480 = arith.constant 0 : i32
        %dma_start3A_481 = tpu.memref_slice %arg17[%dma_start3A_479, %dma_start3A_480] : memref<10240x64xf32, #tpu.memory_space<vmem_shared>> -> memref<10240x64xf32, #tpu.memory_space<vmem_shared>>
        tpu.enqueue_indirect_dma source(%dma_start3A_481 : memref<10240x64xf32, #tpu.memory_space<vmem_shared>>) target(%arg15 : memref<128x64xf32, #tpu.memory_space<vmem>>) offsets(%dma_start3A_478 : memref<128xi32, #tpu.memory_space<vmem>>) semaphore(%arg24 : memref<!tpu.dma_semaphore, #tpu.memory_space<semaphore_mem>>)
        %dma_wait3A_482 = arith.constant 5 : i32
        %dma_wait3A_483 = arith.constant 0 : i32
        %dma_wait3A_484 = tpu.memref_slice %arg8[%dma_wait3A_482, %dma_wait3A_483] : memref<8x128xi32, #tpu.memory_space<vmem>> -> memref<1x128xi32, #tpu.memory_space<vmem>>
        %dma_wait3A_485 = tpu.memref_squeeze %dma_wait3A_484 : memref<1x128xi32, #tpu.memory_space<vmem>> -> memref<128xi32, #tpu.memory_space<vmem>>
        %dma_wait3A_486 = arith.constant 0 : i32
        %dma_wait3A_487 = arith.constant 0 : i32
        %dma_wait3A_488 = tpu.memref_slice %arg17[%dma_wait3A_486, %dma_wait3A_487] : memref<10240x64xf32, #tpu.memory_space<vmem_shared>> -> memref<10240x64xf32, #tpu.memory_space<vmem_shared>>
        tpu.wait_indirect_dma semaphore(%arg22 : memref<!tpu.dma_semaphore, #tpu.memory_space<semaphore_mem>>) src(%dma_wait3A_488 : memref<10240x64xf32, #tpu.memory_space<vmem_shared>>) dst(%arg13 : memref<128x64xf32, #tpu.memory_space<vmem>>)
        %dma_start3A_489 = arith.constant 5 : i32
        %dma_start3A_490 = arith.constant 0 : i32
        %dma_start3A_491 = tpu.memref_slice %arg10[%dma_start3A_489, %dma_start3A_490] : memref<8x128xi32, #tpu.memory_space<vmem>> -> memref<1x128xi32, #tpu.memory_space<vmem>>
        %dma_start3A_492 = tpu.memref_squeeze %dma_start3A_491 : memref<1x128xi32, #tpu.memory_space<vmem>> -> memref<128xi32, #tpu.memory_space<vmem>>
        %dma_start3A_493 = arith.constant 0 : i32
        %dma_start3A_494 = arith.constant 0 : i32
        %dma_start3A_495 = tpu.memref_slice %arg18[%dma_start3A_493, %dma_start3A_494] : memref<10240x64xf32, #tpu.memory_space<vmem_shared>> -> memref<10240x64xf32, #tpu.memory_space<vmem_shared>>
        tpu.enqueue_indirect_dma source(%arg13 : memref<128x64xf32, #tpu.memory_space<vmem>>) target(%dma_start3A_495 : memref<10240x64xf32, #tpu.memory_space<vmem_shared>>) offsets(%dma_start3A_492 : memref<128xi32, #tpu.memory_space<vmem>>) semaphore(%arg26 : memref<!tpu.dma_semaphore, #tpu.memory_space<semaphore_mem>>) {add = true}
        %dma_wait3A_496 = arith.constant 6 : i32
        %dma_wait3A_497 = arith.constant 0 : i32
        %dma_wait3A_498 = tpu.memref_slice %arg8[%dma_wait3A_496, %dma_wait3A_497] : memref<8x128xi32, #tpu.memory_space<vmem>> -> memref<1x128xi32, #tpu.memory_space<vmem>>
        %dma_wait3A_499 = tpu.memref_squeeze %dma_wait3A_498 : memref<1x128xi32, #tpu.memory_space<vmem>> -> memref<128xi32, #tpu.memory_space<vmem>>
        %dma_wait3A_500 = arith.constant 0 : i32
        %dma_wait3A_501 = arith.constant 0 : i32
        %dma_wait3A_502 = tpu.memref_slice %arg17[%dma_wait3A_500, %dma_wait3A_501] : memref<10240x64xf32, #tpu.memory_space<vmem_shared>> -> memref<10240x64xf32, #tpu.memory_space<vmem_shared>>
        tpu.wait_indirect_dma semaphore(%arg23 : memref<!tpu.dma_semaphore, #tpu.memory_space<semaphore_mem>>) src(%dma_wait3A_502 : memref<10240x64xf32, #tpu.memory_space<vmem_shared>>) dst(%arg14 : memref<128x64xf32, #tpu.memory_space<vmem>>)
        %dma_start3A_503 = arith.constant 6 : i32
        %dma_start3A_504 = arith.constant 0 : i32
        %dma_start3A_505 = tpu.memref_slice %arg10[%dma_start3A_503, %dma_start3A_504] : memref<8x128xi32, #tpu.memory_space<vmem>> -> memref<1x128xi32, #tpu.memory_space<vmem>>
        %dma_start3A_506 = tpu.memref_squeeze %dma_start3A_505 : memref<1x128xi32, #tpu.memory_space<vmem>> -> memref<128xi32, #tpu.memory_space<vmem>>
        %dma_start3A_507 = arith.constant 0 : i32
        %dma_start3A_508 = arith.constant 0 : i32
        %dma_start3A_509 = tpu.memref_slice %arg18[%dma_start3A_507, %dma_start3A_508] : memref<10240x64xf32, #tpu.memory_space<vmem_shared>> -> memref<10240x64xf32, #tpu.memory_space<vmem_shared>>
        tpu.enqueue_indirect_dma source(%arg14 : memref<128x64xf32, #tpu.memory_space<vmem>>) target(%dma_start3A_509 : memref<10240x64xf32, #tpu.memory_space<vmem_shared>>) offsets(%dma_start3A_506 : memref<128xi32, #tpu.memory_space<vmem>>) semaphore(%arg27 : memref<!tpu.dma_semaphore, #tpu.memory_space<semaphore_mem>>) {add = true}
        %dma_wait3A_510 = arith.constant 7 : i32
        %dma_wait3A_511 = arith.constant 0 : i32
        %dma_wait3A_512 = tpu.memref_slice %arg8[%dma_wait3A_510, %dma_wait3A_511] : memref<8x128xi32, #tpu.memory_space<vmem>> -> memref<1x128xi32, #tpu.memory_space<vmem>>
        %dma_wait3A_513 = tpu.memref_squeeze %dma_wait3A_512 : memref<1x128xi32, #tpu.memory_space<vmem>> -> memref<128xi32, #tpu.memory_space<vmem>>
        %dma_wait3A_514 = arith.constant 0 : i32
        %dma_wait3A_515 = arith.constant 0 : i32
        %dma_wait3A_516 = tpu.memref_slice %arg17[%dma_wait3A_514, %dma_wait3A_515] : memref<10240x64xf32, #tpu.memory_space<vmem_shared>> -> memref<10240x64xf32, #tpu.memory_space<vmem_shared>>
        tpu.wait_indirect_dma semaphore(%arg24 : memref<!tpu.dma_semaphore, #tpu.memory_space<semaphore_mem>>) src(%dma_wait3A_516 : memref<10240x64xf32, #tpu.memory_space<vmem_shared>>) dst(%arg15 : memref<128x64xf32, #tpu.memory_space<vmem>>)
        %dma_start3A_517 = arith.constant 7 : i32
        %dma_start3A_518 = arith.constant 0 : i32
        %dma_start3A_519 = tpu.memref_slice %arg10[%dma_start3A_517, %dma_start3A_518] : memref<8x128xi32, #tpu.memory_space<vmem>> -> memref<1x128xi32, #tpu.memory_space<vmem>>
        %dma_start3A_520 = tpu.memref_squeeze %dma_start3A_519 : memref<1x128xi32, #tpu.memory_space<vmem>> -> memref<128xi32, #tpu.memory_space<vmem>>
        %dma_start3A_521 = arith.constant 0 : i32
        %dma_start3A_522 = arith.constant 0 : i32
        %dma_start3A_523 = tpu.memref_slice %arg18[%dma_start3A_521, %dma_start3A_522] : memref<10240x64xf32, #tpu.memory_space<vmem_shared>> -> memref<10240x64xf32, #tpu.memory_space<vmem_shared>>
        tpu.enqueue_indirect_dma source(%arg15 : memref<128x64xf32, #tpu.memory_space<vmem>>) target(%dma_start3A_523 : memref<10240x64xf32, #tpu.memory_space<vmem_shared>>) offsets(%dma_start3A_520 : memref<128xi32, #tpu.memory_space<vmem>>) semaphore(%arg28 : memref<!tpu.dma_semaphore, #tpu.memory_space<semaphore_mem>>) {add = true}
        %add3A_524 = arith.addi %mul3A_4, %mul3A_287 : i32
        %add3A_525 = arith.constant 1 : i32
        %add3A_526 = arith.addi %add3A_524, %add3A_525 : i32
        %dma_wait3A_527 = arith.constant 0 : i32
        %dma_wait3A_528 = arith.constant 0 : i32
        %dma_wait3A_529 = tpu.memref_slice %arg4[%add3A_526, %dma_wait3A_527, %dma_wait3A_528] : memref<320x8x128xi32, #tpu.memory_space<hbm>> -> memref<1x8x128xi32, #tpu.memory_space<hbm>>
        %dma_wait3A_530 = tpu.memref_squeeze %dma_wait3A_529 : memref<1x8x128xi32, #tpu.memory_space<hbm>> -> memref<8x128xi32, #tpu.memory_space<hbm>>
        %dma_wait3A_531 = arith.constant 0 : i32
        %dma_wait3A_532 = arith.constant 0 : i32
        %dma_wait3A_533 = tpu.memref_slice %arg4[%add3A_526, %dma_wait3A_531, %dma_wait3A_532] : memref<320x8x128xi32, #tpu.memory_space<hbm>> -> memref<1x8x128xi32, #tpu.memory_space<hbm>>
        %dma_wait3A_534 = tpu.memref_squeeze %dma_wait3A_533 : memref<1x8x128xi32, #tpu.memory_space<hbm>> -> memref<8x128xi32, #tpu.memory_space<hbm>>
        tpu.wait_dma2 semaphore(%arg29 : memref<!tpu.dma_semaphore, #tpu.memory_space<semaphore_mem>>) src(%dma_wait3A_534 : memref<8x128xi32, #tpu.memory_space<hbm>>) dst(%arg9 : memref<8x128xi32, #tpu.memory_space<vmem>>)
        %add3A_535 = arith.addi %mul3A_4, %mul3A_287 : i32
        %add3A_536 = arith.constant 1 : i32
        %add3A_537 = arith.addi %add3A_535, %add3A_536 : i32
        %dma_wait3A_538 = arith.constant 0 : i32
        %dma_wait3A_539 = arith.constant 0 : i32
        %dma_wait3A_540 = tpu.memref_slice %arg5[%add3A_537, %dma_wait3A_538, %dma_wait3A_539] : memref<320x8x128xi32, #tpu.memory_space<hbm>> -> memref<1x8x128xi32, #tpu.memory_space<hbm>>
        %dma_wait3A_541 = tpu.memref_squeeze %dma_wait3A_540 : memref<1x8x128xi32, #tpu.memory_space<hbm>> -> memref<8x128xi32, #tpu.memory_space<hbm>>
        %dma_wait3A_542 = arith.constant 0 : i32
        %dma_wait3A_543 = arith.constant 0 : i32
        %dma_wait3A_544 = tpu.memref_slice %arg5[%add3A_537, %dma_wait3A_542, %dma_wait3A_543] : memref<320x8x128xi32, #tpu.memory_space<hbm>> -> memref<1x8x128xi32, #tpu.memory_space<hbm>>
        %dma_wait3A_545 = tpu.memref_squeeze %dma_wait3A_544 : memref<1x8x128xi32, #tpu.memory_space<hbm>> -> memref<8x128xi32, #tpu.memory_space<hbm>>
        tpu.wait_dma2 semaphore(%arg29 : memref<!tpu.dma_semaphore, #tpu.memory_space<semaphore_mem>>) src(%dma_wait3A_545 : memref<8x128xi32, #tpu.memory_space<hbm>>) dst(%arg11 : memref<8x128xi32, #tpu.memory_space<vmem>>)
        %add3A_546 = arith.constant 1 : i32
        %add3A_547 = arith.addi %mul3A_287, %add3A_546 : i32
        %eq3A_548 = arith.constant 9 : i32
        %eq3A_549 = arith.cmpi eq, %add3A_285, %eq3A_548 : i32
        %dma_wait3A_550 = arith.constant 0 : i32
        %dma_wait3A_551 = arith.constant 0 : i32
        %dma_wait3A_552 = tpu.memref_slice %arg11[%dma_wait3A_550, %dma_wait3A_551] : memref<8x128xi32, #tpu.memory_space<vmem>> -> memref<1x128xi32, #tpu.memory_space<vmem>>
        %dma_wait3A_553 = tpu.memref_squeeze %dma_wait3A_552 : memref<1x128xi32, #tpu.memory_space<vmem>> -> memref<128xi32, #tpu.memory_space<vmem>>
        %dma_wait3A_554 = arith.constant 0 : i32
        %dma_wait3A_555 = arith.constant 0 : i32
        %dma_wait3A_556 = tpu.memref_slice %arg18[%dma_wait3A_554, %dma_wait3A_555] : memref<10240x64xf32, #tpu.memory_space<vmem_shared>> -> memref<10240x64xf32, #tpu.memory_space<vmem_shared>>
        tpu.wait_indirect_dma semaphore(%arg25 : memref<!tpu.dma_semaphore, #tpu.memory_space<semaphore_mem>>) src(%arg12 : memref<128x64xf32, #tpu.memory_space<vmem>>) dst(%dma_wait3A_556 : memref<10240x64xf32, #tpu.memory_space<vmem_shared>>)
        %dma_start3A_557 = arith.constant 0 : i32
        %dma_start3A_558 = arith.constant 0 : i32
        %dma_start3A_559 = tpu.memref_slice %arg9[%dma_start3A_557, %dma_start3A_558] : memref<8x128xi32, #tpu.memory_space<vmem>> -> memref<1x128xi32, #tpu.memory_space<vmem>>
        %dma_start3A_560 = tpu.memref_squeeze %dma_start3A_559 : memref<1x128xi32, #tpu.memory_space<vmem>> -> memref<128xi32, #tpu.memory_space<vmem>>
        %dma_start3A_561 = arith.constant 0 : i32
        %dma_start3A_562 = arith.constant 0 : i32
        %dma_start3A_563 = tpu.memref_slice %arg17[%dma_start3A_561, %dma_start3A_562] : memref<10240x64xf32, #tpu.memory_space<vmem_shared>> -> memref<10240x64xf32, #tpu.memory_space<vmem_shared>>
        tpu.enqueue_indirect_dma source(%dma_start3A_563 : memref<10240x64xf32, #tpu.memory_space<vmem_shared>>) target(%arg12 : memref<128x64xf32, #tpu.memory_space<vmem>>) offsets(%dma_start3A_560 : memref<128xi32, #tpu.memory_space<vmem>>) semaphore(%arg21 : memref<!tpu.dma_semaphore, #tpu.memory_space<semaphore_mem>>)
        %dma_wait3A_564 = arith.constant 1 : i32
        %dma_wait3A_565 = arith.constant 0 : i32
        %dma_wait3A_566 = tpu.memref_slice %arg11[%dma_wait3A_564, %dma_wait3A_565] : memref<8x128xi32, #tpu.memory_space<vmem>> -> memref<1x128xi32, #tpu.memory_space<vmem>>
        %dma_wait3A_567 = tpu.memref_squeeze %dma_wait3A_566 : memref<1x128xi32, #tpu.memory_space<vmem>> -> memref<128xi32, #tpu.memory_space<vmem>>
        %dma_wait3A_568 = arith.constant 0 : i32
        %dma_wait3A_569 = arith.constant 0 : i32
        %dma_wait3A_570 = tpu.memref_slice %arg18[%dma_wait3A_568, %dma_wait3A_569] : memref<10240x64xf32, #tpu.memory_space<vmem_shared>> -> memref<10240x64xf32, #tpu.memory_space<vmem_shared>>
        tpu.wait_indirect_dma semaphore(%arg26 : memref<!tpu.dma_semaphore, #tpu.memory_space<semaphore_mem>>) src(%arg13 : memref<128x64xf32, #tpu.memory_space<vmem>>) dst(%dma_wait3A_570 : memref<10240x64xf32, #tpu.memory_space<vmem_shared>>)
        %dma_start3A_571 = arith.constant 1 : i32
        %dma_start3A_572 = arith.constant 0 : i32
        %dma_start3A_573 = tpu.memref_slice %arg9[%dma_start3A_571, %dma_start3A_572] : memref<8x128xi32, #tpu.memory_space<vmem>> -> memref<1x128xi32, #tpu.memory_space<vmem>>
        %dma_start3A_574 = tpu.memref_squeeze %dma_start3A_573 : memref<1x128xi32, #tpu.memory_space<vmem>> -> memref<128xi32, #tpu.memory_space<vmem>>
        %dma_start3A_575 = arith.constant 0 : i32
        %dma_start3A_576 = arith.constant 0 : i32
        %dma_start3A_577 = tpu.memref_slice %arg17[%dma_start3A_575, %dma_start3A_576] : memref<10240x64xf32, #tpu.memory_space<vmem_shared>> -> memref<10240x64xf32, #tpu.memory_space<vmem_shared>>
        tpu.enqueue_indirect_dma source(%dma_start3A_577 : memref<10240x64xf32, #tpu.memory_space<vmem_shared>>) target(%arg13 : memref<128x64xf32, #tpu.memory_space<vmem>>) offsets(%dma_start3A_574 : memref<128xi32, #tpu.memory_space<vmem>>) semaphore(%arg22 : memref<!tpu.dma_semaphore, #tpu.memory_space<semaphore_mem>>)
        %dma_wait3A_578 = arith.constant 2 : i32
        %dma_wait3A_579 = arith.constant 0 : i32
        %dma_wait3A_580 = tpu.memref_slice %arg11[%dma_wait3A_578, %dma_wait3A_579] : memref<8x128xi32, #tpu.memory_space<vmem>> -> memref<1x128xi32, #tpu.memory_space<vmem>>
        %dma_wait3A_581 = tpu.memref_squeeze %dma_wait3A_580 : memref<1x128xi32, #tpu.memory_space<vmem>> -> memref<128xi32, #tpu.memory_space<vmem>>
        %dma_wait3A_582 = arith.constant 0 : i32
        %dma_wait3A_583 = arith.constant 0 : i32
        %dma_wait3A_584 = tpu.memref_slice %arg18[%dma_wait3A_582, %dma_wait3A_583] : memref<10240x64xf32, #tpu.memory_space<vmem_shared>> -> memref<10240x64xf32, #tpu.memory_space<vmem_shared>>
        tpu.wait_indirect_dma semaphore(%arg27 : memref<!tpu.dma_semaphore, #tpu.memory_space<semaphore_mem>>) src(%arg14 : memref<128x64xf32, #tpu.memory_space<vmem>>) dst(%dma_wait3A_584 : memref<10240x64xf32, #tpu.memory_space<vmem_shared>>)
        %dma_start3A_585 = arith.constant 2 : i32
        %dma_start3A_586 = arith.constant 0 : i32
        %dma_start3A_587 = tpu.memref_slice %arg9[%dma_start3A_585, %dma_start3A_586] : memref<8x128xi32, #tpu.memory_space<vmem>> -> memref<1x128xi32, #tpu.memory_space<vmem>>
        %dma_start3A_588 = tpu.memref_squeeze %dma_start3A_587 : memref<1x128xi32, #tpu.memory_space<vmem>> -> memref<128xi32, #tpu.memory_space<vmem>>
        %dma_start3A_589 = arith.constant 0 : i32
        %dma_start3A_590 = arith.constant 0 : i32
        %dma_start3A_591 = tpu.memref_slice %arg17[%dma_start3A_589, %dma_start3A_590] : memref<10240x64xf32, #tpu.memory_space<vmem_shared>> -> memref<10240x64xf32, #tpu.memory_space<vmem_shared>>
        tpu.enqueue_indirect_dma source(%dma_start3A_591 : memref<10240x64xf32, #tpu.memory_space<vmem_shared>>) target(%arg14 : memref<128x64xf32, #tpu.memory_space<vmem>>) offsets(%dma_start3A_588 : memref<128xi32, #tpu.memory_space<vmem>>) semaphore(%arg23 : memref<!tpu.dma_semaphore, #tpu.memory_space<semaphore_mem>>)
        %dma_wait3A_592 = arith.constant 0 : i32
        %dma_wait3A_593 = arith.constant 0 : i32
        %dma_wait3A_594 = tpu.memref_slice %arg9[%dma_wait3A_592, %dma_wait3A_593] : memref<8x128xi32, #tpu.memory_space<vmem>> -> memref<1x128xi32, #tpu.memory_space<vmem>>
        %dma_wait3A_595 = tpu.memref_squeeze %dma_wait3A_594 : memref<1x128xi32, #tpu.memory_space<vmem>> -> memref<128xi32, #tpu.memory_space<vmem>>
        %dma_wait3A_596 = arith.constant 0 : i32
        %dma_wait3A_597 = arith.constant 0 : i32
        %dma_wait3A_598 = tpu.memref_slice %arg17[%dma_wait3A_596, %dma_wait3A_597] : memref<10240x64xf32, #tpu.memory_space<vmem_shared>> -> memref<10240x64xf32, #tpu.memory_space<vmem_shared>>
        tpu.wait_indirect_dma semaphore(%arg21 : memref<!tpu.dma_semaphore, #tpu.memory_space<semaphore_mem>>) src(%dma_wait3A_598 : memref<10240x64xf32, #tpu.memory_space<vmem_shared>>) dst(%arg12 : memref<128x64xf32, #tpu.memory_space<vmem>>)
        %dma_start3A_599 = arith.constant 0 : i32
        %dma_start3A_600 = arith.constant 0 : i32
        %dma_start3A_601 = tpu.memref_slice %arg11[%dma_start3A_599, %dma_start3A_600] : memref<8x128xi32, #tpu.memory_space<vmem>> -> memref<1x128xi32, #tpu.memory_space<vmem>>
        %dma_start3A_602 = tpu.memref_squeeze %dma_start3A_601 : memref<1x128xi32, #tpu.memory_space<vmem>> -> memref<128xi32, #tpu.memory_space<vmem>>
        %dma_start3A_603 = arith.constant 0 : i32
        %dma_start3A_604 = arith.constant 0 : i32
        %dma_start3A_605 = tpu.memref_slice %arg18[%dma_start3A_603, %dma_start3A_604] : memref<10240x64xf32, #tpu.memory_space<vmem_shared>> -> memref<10240x64xf32, #tpu.memory_space<vmem_shared>>
        tpu.enqueue_indirect_dma source(%arg12 : memref<128x64xf32, #tpu.memory_space<vmem>>) target(%dma_start3A_605 : memref<10240x64xf32, #tpu.memory_space<vmem_shared>>) offsets(%dma_start3A_602 : memref<128xi32, #tpu.memory_space<vmem>>) semaphore(%arg25 : memref<!tpu.dma_semaphore, #tpu.memory_space<semaphore_mem>>) {add = true}
        %dma_wait3A_606 = arith.constant 3 : i32
        %dma_wait3A_607 = arith.constant 0 : i32
        %dma_wait3A_608 = tpu.memref_slice %arg11[%dma_wait3A_606, %dma_wait3A_607] : memref<8x128xi32, #tpu.memory_space<vmem>> -> memref<1x128xi32, #tpu.memory_space<vmem>>
        %dma_wait3A_609 = tpu.memref_squeeze %dma_wait3A_608 : memref<1x128xi32, #tpu.memory_space<vmem>> -> memref<128xi32, #tpu.memory_space<vmem>>
        %dma_wait3A_610 = arith.constant 0 : i32
        %dma_wait3A_611 = arith.constant 0 : i32
        %dma_wait3A_612 = tpu.memref_slice %arg18[%dma_wait3A_610, %dma_wait3A_611] : memref<10240x64xf32, #tpu.memory_space<vmem_shared>> -> memref<10240x64xf32, #tpu.memory_space<vmem_shared>>
        tpu.wait_indirect_dma semaphore(%arg28 : memref<!tpu.dma_semaphore, #tpu.memory_space<semaphore_mem>>) src(%arg15 : memref<128x64xf32, #tpu.memory_space<vmem>>) dst(%dma_wait3A_612 : memref<10240x64xf32, #tpu.memory_space<vmem_shared>>)
        %dma_start3A_613 = arith.constant 3 : i32
        %dma_start3A_614 = arith.constant 0 : i32
        %dma_start3A_615 = tpu.memref_slice %arg9[%dma_start3A_613, %dma_start3A_614] : memref<8x128xi32, #tpu.memory_space<vmem>> -> memref<1x128xi32, #tpu.memory_space<vmem>>
        %dma_start3A_616 = tpu.memref_squeeze %dma_start3A_615 : memref<1x128xi32, #tpu.memory_space<vmem>> -> memref<128xi32, #tpu.memory_space<vmem>>
        %dma_start3A_617 = arith.constant 0 : i32
        %dma_start3A_618 = arith.constant 0 : i32
        %dma_start3A_619 = tpu.memref_slice %arg17[%dma_start3A_617, %dma_start3A_618] : memref<10240x64xf32, #tpu.memory_space<vmem_shared>> -> memref<10240x64xf32, #tpu.memory_space<vmem_shared>>
        tpu.enqueue_indirect_dma source(%dma_start3A_619 : memref<10240x64xf32, #tpu.memory_space<vmem_shared>>) target(%arg15 : memref<128x64xf32, #tpu.memory_space<vmem>>) offsets(%dma_start3A_616 : memref<128xi32, #tpu.memory_space<vmem>>) semaphore(%arg24 : memref<!tpu.dma_semaphore, #tpu.memory_space<semaphore_mem>>)
        %not3A_620 = arith.constant true
        %not3A_621 = arith.xori %eq3A_549, %not3A_620 : i1
        %convert_element_type3A_622 = arith.extui %not3A_621 : i1 to i32
        %cond3A_623 = arith.constant 0 : i32
        %cond3A_624 = arith.cmpi ne, %convert_element_type3A_622, %cond3A_623 : i32
        scf.if %cond3A_624 {
          %add3A_784 = arith.addi %mul3A_4, %add3A_547 : i32
          %add3A_785 = arith.constant 1 : i32
          %add3A_786 = arith.addi %add3A_784, %add3A_785 : i32
          %dma_start3A_787 = arith.constant 0 : i32
          %dma_start3A_788 = arith.constant 0 : i32
          %dma_start3A_789 = tpu.memref_slice %arg4[%add3A_786, %dma_start3A_787, %dma_start3A_788] : memref<320x8x128xi32, #tpu.memory_space<hbm>> -> memref<1x8x128xi32, #tpu.memory_space<hbm>>
          %dma_start3A_790 = tpu.memref_squeeze %dma_start3A_789 : memref<1x8x128xi32, #tpu.memory_space<hbm>> -> memref<8x128xi32, #tpu.memory_space<hbm>>
          %dma_start3A_791 = arith.constant 0 : i32
          %dma_start3A_792 = arith.constant 0 : i32
          %dma_start3A_793 = tpu.memref_slice %arg4[%add3A_786, %dma_start3A_791, %dma_start3A_792] : memref<320x8x128xi32, #tpu.memory_space<hbm>> -> memref<1x8x128xi32, #tpu.memory_space<hbm>>
          %dma_start3A_794 = tpu.memref_squeeze %dma_start3A_793 : memref<1x8x128xi32, #tpu.memory_space<hbm>> -> memref<8x128xi32, #tpu.memory_space<hbm>>
          tpu.enqueue_dma source(%dma_start3A_794 : memref<8x128xi32, #tpu.memory_space<hbm>>) target(%arg8 : memref<8x128xi32, #tpu.memory_space<vmem>>) target_semaphore(%arg29 : memref<!tpu.dma_semaphore, #tpu.memory_space<semaphore_mem>>)
          %add3A_795 = arith.addi %mul3A_4, %add3A_547 : i32
          %add3A_796 = arith.constant 1 : i32
          %add3A_797 = arith.addi %add3A_795, %add3A_796 : i32
          %dma_start3A_798 = arith.constant 0 : i32
          %dma_start3A_799 = arith.constant 0 : i32
          %dma_start3A_800 = tpu.memref_slice %arg5[%add3A_797, %dma_start3A_798, %dma_start3A_799] : memref<320x8x128xi32, #tpu.memory_space<hbm>> -> memref<1x8x128xi32, #tpu.memory_space<hbm>>
          %dma_start3A_801 = tpu.memref_squeeze %dma_start3A_800 : memref<1x8x128xi32, #tpu.memory_space<hbm>> -> memref<8x128xi32, #tpu.memory_space<hbm>>
          %dma_start3A_802 = arith.constant 0 : i32
          %dma_start3A_803 = arith.constant 0 : i32
          %dma_start3A_804 = tpu.memref_slice %arg5[%add3A_797, %dma_start3A_802, %dma_start3A_803] : memref<320x8x128xi32, #tpu.memory_space<hbm>> -> memref<1x8x128xi32, #tpu.memory_space<hbm>>
          %dma_start3A_805 = tpu.memref_squeeze %dma_start3A_804 : memref<1x8x128xi32, #tpu.memory_space<hbm>> -> memref<8x128xi32, #tpu.memory_space<hbm>>
          tpu.enqueue_dma source(%dma_start3A_805 : memref<8x128xi32, #tpu.memory_space<hbm>>) target(%arg10 : memref<8x128xi32, #tpu.memory_space<vmem>>) target_semaphore(%arg29 : memref<!tpu.dma_semaphore, #tpu.memory_space<semaphore_mem>>)
        } else {
        }
        %dma_wait3A_625 = arith.constant 1 : i32
        %dma_wait3A_626 = arith.constant 0 : i32
        %dma_wait3A_627 = tpu.memref_slice %arg9[%dma_wait3A_625, %dma_wait3A_626] : memref<8x128xi32, #tpu.memory_space<vmem>> -> memref<1x128xi32, #tpu.memory_space<vmem>>
        %dma_wait3A_628 = tpu.memref_squeeze %dma_wait3A_627 : memref<1x128xi32, #tpu.memory_space<vmem>> -> memref<128xi32, #tpu.memory_space<vmem>>
        %dma_wait3A_629 = arith.constant 0 : i32
        %dma_wait3A_630 = arith.constant 0 : i32
        %dma_wait3A_631 = tpu.memref_slice %arg17[%dma_wait3A_629, %dma_wait3A_630] : memref<10240x64xf32, #tpu.memory_space<vmem_shared>> -> memref<10240x64xf32, #tpu.memory_space<vmem_shared>>
        tpu.wait_indirect_dma semaphore(%arg22 : memref<!tpu.dma_semaphore, #tpu.memory_space<semaphore_mem>>) src(%dma_wait3A_631 : memref<10240x64xf32, #tpu.memory_space<vmem_shared>>) dst(%arg13 : memref<128x64xf32, #tpu.memory_space<vmem>>)
        %dma_start3A_632 = arith.constant 1 : i32
        %dma_start3A_633 = arith.constant 0 : i32
        %dma_start3A_634 = tpu.memref_slice %arg11[%dma_start3A_632, %dma_start3A_633] : memref<8x128xi32, #tpu.memory_space<vmem>> -> memref<1x128xi32, #tpu.memory_space<vmem>>
        %dma_start3A_635 = tpu.memref_squeeze %dma_start3A_634 : memref<1x128xi32, #tpu.memory_space<vmem>> -> memref<128xi32, #tpu.memory_space<vmem>>
        %dma_start3A_636 = arith.constant 0 : i32
        %dma_start3A_637 = arith.constant 0 : i32
        %dma_start3A_638 = tpu.memref_slice %arg18[%dma_start3A_636, %dma_start3A_637] : memref<10240x64xf32, #tpu.memory_space<vmem_shared>> -> memref<10240x64xf32, #tpu.memory_space<vmem_shared>>
        tpu.enqueue_indirect_dma source(%arg13 : memref<128x64xf32, #tpu.memory_space<vmem>>) target(%dma_start3A_638 : memref<10240x64xf32, #tpu.memory_space<vmem_shared>>) offsets(%dma_start3A_635 : memref<128xi32, #tpu.memory_space<vmem>>) semaphore(%arg26 : memref<!tpu.dma_semaphore, #tpu.memory_space<semaphore_mem>>) {add = true}
        %dma_wait3A_639 = arith.constant 4 : i32
        %dma_wait3A_640 = arith.constant 0 : i32
        %dma_wait3A_641 = tpu.memref_slice %arg11[%dma_wait3A_639, %dma_wait3A_640] : memref<8x128xi32, #tpu.memory_space<vmem>> -> memref<1x128xi32, #tpu.memory_space<vmem>>
        %dma_wait3A_642 = tpu.memref_squeeze %dma_wait3A_641 : memref<1x128xi32, #tpu.memory_space<vmem>> -> memref<128xi32, #tpu.memory_space<vmem>>
        %dma_wait3A_643 = arith.constant 0 : i32
        %dma_wait3A_644 = arith.constant 0 : i32
        %dma_wait3A_645 = tpu.memref_slice %arg18[%dma_wait3A_643, %dma_wait3A_644] : memref<10240x64xf32, #tpu.memory_space<vmem_shared>> -> memref<10240x64xf32, #tpu.memory_space<vmem_shared>>
        tpu.wait_indirect_dma semaphore(%arg25 : memref<!tpu.dma_semaphore, #tpu.memory_space<semaphore_mem>>) src(%arg12 : memref<128x64xf32, #tpu.memory_space<vmem>>) dst(%dma_wait3A_645 : memref<10240x64xf32, #tpu.memory_space<vmem_shared>>)
        %dma_start3A_646 = arith.constant 4 : i32
        %dma_start3A_647 = arith.constant 0 : i32
        %dma_start3A_648 = tpu.memref_slice %arg9[%dma_start3A_646, %dma_start3A_647] : memref<8x128xi32, #tpu.memory_space<vmem>> -> memref<1x128xi32, #tpu.memory_space<vmem>>
        %dma_start3A_649 = tpu.memref_squeeze %dma_start3A_648 : memref<1x128xi32, #tpu.memory_space<vmem>> -> memref<128xi32, #tpu.memory_space<vmem>>
        %dma_start3A_650 = arith.constant 0 : i32
        %dma_start3A_651 = arith.constant 0 : i32
        %dma_start3A_652 = tpu.memref_slice %arg17[%dma_start3A_650, %dma_start3A_651] : memref<10240x64xf32, #tpu.memory_space<vmem_shared>> -> memref<10240x64xf32, #tpu.memory_space<vmem_shared>>
        tpu.enqueue_indirect_dma source(%dma_start3A_652 : memref<10240x64xf32, #tpu.memory_space<vmem_shared>>) target(%arg12 : memref<128x64xf32, #tpu.memory_space<vmem>>) offsets(%dma_start3A_649 : memref<128xi32, #tpu.memory_space<vmem>>) semaphore(%arg21 : memref<!tpu.dma_semaphore, #tpu.memory_space<semaphore_mem>>)
        %dma_wait3A_653 = arith.constant 2 : i32
        %dma_wait3A_654 = arith.constant 0 : i32
        %dma_wait3A_655 = tpu.memref_slice %arg9[%dma_wait3A_653, %dma_wait3A_654] : memref<8x128xi32, #tpu.memory_space<vmem>> -> memref<1x128xi32, #tpu.memory_space<vmem>>
        %dma_wait3A_656 = tpu.memref_squeeze %dma_wait3A_655 : memref<1x128xi32, #tpu.memory_space<vmem>> -> memref<128xi32, #tpu.memory_space<vmem>>
        %dma_wait3A_657 = arith.constant 0 : i32
        %dma_wait3A_658 = arith.constant 0 : i32
        %dma_wait3A_659 = tpu.memref_slice %arg17[%dma_wait3A_657, %dma_wait3A_658] : memref<10240x64xf32, #tpu.memory_space<vmem_shared>> -> memref<10240x64xf32, #tpu.memory_space<vmem_shared>>
        tpu.wait_indirect_dma semaphore(%arg23 : memref<!tpu.dma_semaphore, #tpu.memory_space<semaphore_mem>>) src(%dma_wait3A_659 : memref<10240x64xf32, #tpu.memory_space<vmem_shared>>) dst(%arg14 : memref<128x64xf32, #tpu.memory_space<vmem>>)
        %dma_start3A_660 = arith.constant 2 : i32
        %dma_start3A_661 = arith.constant 0 : i32
        %dma_start3A_662 = tpu.memref_slice %arg11[%dma_start3A_660, %dma_start3A_661] : memref<8x128xi32, #tpu.memory_space<vmem>> -> memref<1x128xi32, #tpu.memory_space<vmem>>
        %dma_start3A_663 = tpu.memref_squeeze %dma_start3A_662 : memref<1x128xi32, #tpu.memory_space<vmem>> -> memref<128xi32, #tpu.memory_space<vmem>>
        %dma_start3A_664 = arith.constant 0 : i32
        %dma_start3A_665 = arith.constant 0 : i32
        %dma_start3A_666 = tpu.memref_slice %arg18[%dma_start3A_664, %dma_start3A_665] : memref<10240x64xf32, #tpu.memory_space<vmem_shared>> -> memref<10240x64xf32, #tpu.memory_space<vmem_shared>>
        tpu.enqueue_indirect_dma source(%arg14 : memref<128x64xf32, #tpu.memory_space<vmem>>) target(%dma_start3A_666 : memref<10240x64xf32, #tpu.memory_space<vmem_shared>>) offsets(%dma_start3A_663 : memref<128xi32, #tpu.memory_space<vmem>>) semaphore(%arg27 : memref<!tpu.dma_semaphore, #tpu.memory_space<semaphore_mem>>) {add = true}
        %dma_wait3A_667 = arith.constant 5 : i32
        %dma_wait3A_668 = arith.constant 0 : i32
        %dma_wait3A_669 = tpu.memref_slice %arg11[%dma_wait3A_667, %dma_wait3A_668] : memref<8x128xi32, #tpu.memory_space<vmem>> -> memref<1x128xi32, #tpu.memory_space<vmem>>
        %dma_wait3A_670 = tpu.memref_squeeze %dma_wait3A_669 : memref<1x128xi32, #tpu.memory_space<vmem>> -> memref<128xi32, #tpu.memory_space<vmem>>
        %dma_wait3A_671 = arith.constant 0 : i32
        %dma_wait3A_672 = arith.constant 0 : i32
        %dma_wait3A_673 = tpu.memref_slice %arg18[%dma_wait3A_671, %dma_wait3A_672] : memref<10240x64xf32, #tpu.memory_space<vmem_shared>> -> memref<10240x64xf32, #tpu.memory_space<vmem_shared>>
        tpu.wait_indirect_dma semaphore(%arg26 : memref<!tpu.dma_semaphore, #tpu.memory_space<semaphore_mem>>) src(%arg13 : memref<128x64xf32, #tpu.memory_space<vmem>>) dst(%dma_wait3A_673 : memref<10240x64xf32, #tpu.memory_space<vmem_shared>>)
        %dma_start3A_674 = arith.constant 5 : i32
        %dma_start3A_675 = arith.constant 0 : i32
        %dma_start3A_676 = tpu.memref_slice %arg9[%dma_start3A_674, %dma_start3A_675] : memref<8x128xi32, #tpu.memory_space<vmem>> -> memref<1x128xi32, #tpu.memory_space<vmem>>
        %dma_start3A_677 = tpu.memref_squeeze %dma_start3A_676 : memref<1x128xi32, #tpu.memory_space<vmem>> -> memref<128xi32, #tpu.memory_space<vmem>>
        %dma_start3A_678 = arith.constant 0 : i32
        %dma_start3A_679 = arith.constant 0 : i32
        %dma_start3A_680 = tpu.memref_slice %arg17[%dma_start3A_678, %dma_start3A_679] : memref<10240x64xf32, #tpu.memory_space<vmem_shared>> -> memref<10240x64xf32, #tpu.memory_space<vmem_shared>>
        tpu.enqueue_indirect_dma source(%dma_start3A_680 : memref<10240x64xf32, #tpu.memory_space<vmem_shared>>) target(%arg13 : memref<128x64xf32, #tpu.memory_space<vmem>>) offsets(%dma_start3A_677 : memref<128xi32, #tpu.memory_space<vmem>>) semaphore(%arg22 : memref<!tpu.dma_semaphore, #tpu.memory_space<semaphore_mem>>)
        %dma_wait3A_681 = arith.constant 3 : i32
        %dma_wait3A_682 = arith.constant 0 : i32
        %dma_wait3A_683 = tpu.memref_slice %arg9[%dma_wait3A_681, %dma_wait3A_682] : memref<8x128xi32, #tpu.memory_space<vmem>> -> memref<1x128xi32, #tpu.memory_space<vmem>>
        %dma_wait3A_684 = tpu.memref_squeeze %dma_wait3A_683 : memref<1x128xi32, #tpu.memory_space<vmem>> -> memref<128xi32, #tpu.memory_space<vmem>>
        %dma_wait3A_685 = arith.constant 0 : i32
        %dma_wait3A_686 = arith.constant 0 : i32
        %dma_wait3A_687 = tpu.memref_slice %arg17[%dma_wait3A_685, %dma_wait3A_686] : memref<10240x64xf32, #tpu.memory_space<vmem_shared>> -> memref<10240x64xf32, #tpu.memory_space<vmem_shared>>
        tpu.wait_indirect_dma semaphore(%arg24 : memref<!tpu.dma_semaphore, #tpu.memory_space<semaphore_mem>>) src(%dma_wait3A_687 : memref<10240x64xf32, #tpu.memory_space<vmem_shared>>) dst(%arg15 : memref<128x64xf32, #tpu.memory_space<vmem>>)
        %dma_start3A_688 = arith.constant 3 : i32
        %dma_start3A_689 = arith.constant 0 : i32
        %dma_start3A_690 = tpu.memref_slice %arg11[%dma_start3A_688, %dma_start3A_689] : memref<8x128xi32, #tpu.memory_space<vmem>> -> memref<1x128xi32, #tpu.memory_space<vmem>>
        %dma_start3A_691 = tpu.memref_squeeze %dma_start3A_690 : memref<1x128xi32, #tpu.memory_space<vmem>> -> memref<128xi32, #tpu.memory_space<vmem>>
        %dma_start3A_692 = arith.constant 0 : i32
        %dma_start3A_693 = arith.constant 0 : i32
        %dma_start3A_694 = tpu.memref_slice %arg18[%dma_start3A_692, %dma_start3A_693] : memref<10240x64xf32, #tpu.memory_space<vmem_shared>> -> memref<10240x64xf32, #tpu.memory_space<vmem_shared>>
        tpu.enqueue_indirect_dma source(%arg15 : memref<128x64xf32, #tpu.memory_space<vmem>>) target(%dma_start3A_694 : memref<10240x64xf32, #tpu.memory_space<vmem_shared>>) offsets(%dma_start3A_691 : memref<128xi32, #tpu.memory_space<vmem>>) semaphore(%arg28 : memref<!tpu.dma_semaphore, #tpu.memory_space<semaphore_mem>>) {add = true}
        %dma_wait3A_695 = arith.constant 6 : i32
        %dma_wait3A_696 = arith.constant 0 : i32
        %dma_wait3A_697 = tpu.memref_slice %arg11[%dma_wait3A_695, %dma_wait3A_696] : memref<8x128xi32, #tpu.memory_space<vmem>> -> memref<1x128xi32, #tpu.memory_space<vmem>>
        %dma_wait3A_698 = tpu.memref_squeeze %dma_wait3A_697 : memref<1x128xi32, #tpu.memory_space<vmem>> -> memref<128xi32, #tpu.memory_space<vmem>>
        %dma_wait3A_699 = arith.constant 0 : i32
        %dma_wait3A_700 = arith.constant 0 : i32
        %dma_wait3A_701 = tpu.memref_slice %arg18[%dma_wait3A_699, %dma_wait3A_700] : memref<10240x64xf32, #tpu.memory_space<vmem_shared>> -> memref<10240x64xf32, #tpu.memory_space<vmem_shared>>
        tpu.wait_indirect_dma semaphore(%arg27 : memref<!tpu.dma_semaphore, #tpu.memory_space<semaphore_mem>>) src(%arg14 : memref<128x64xf32, #tpu.memory_space<vmem>>) dst(%dma_wait3A_701 : memref<10240x64xf32, #tpu.memory_space<vmem_shared>>)
        %dma_start3A_702 = arith.constant 6 : i32
        %dma_start3A_703 = arith.constant 0 : i32
        %dma_start3A_704 = tpu.memref_slice %arg9[%dma_start3A_702, %dma_start3A_703] : memref<8x128xi32, #tpu.memory_space<vmem>> -> memref<1x128xi32, #tpu.memory_space<vmem>>
        %dma_start3A_705 = tpu.memref_squeeze %dma_start3A_704 : memref<1x128xi32, #tpu.memory_space<vmem>> -> memref<128xi32, #tpu.memory_space<vmem>>
        %dma_start3A_706 = arith.constant 0 : i32
        %dma_start3A_707 = arith.constant 0 : i32
        %dma_start3A_708 = tpu.memref_slice %arg17[%dma_start3A_706, %dma_start3A_707] : memref<10240x64xf32, #tpu.memory_space<vmem_shared>> -> memref<10240x64xf32, #tpu.memory_space<vmem_shared>>
        tpu.enqueue_indirect_dma source(%dma_start3A_708 : memref<10240x64xf32, #tpu.memory_space<vmem_shared>>) target(%arg14 : memref<128x64xf32, #tpu.memory_space<vmem>>) offsets(%dma_start3A_705 : memref<128xi32, #tpu.memory_space<vmem>>) semaphore(%arg23 : memref<!tpu.dma_semaphore, #tpu.memory_space<semaphore_mem>>)
        %dma_wait3A_709 = arith.constant 4 : i32
        %dma_wait3A_710 = arith.constant 0 : i32
        %dma_wait3A_711 = tpu.memref_slice %arg9[%dma_wait3A_709, %dma_wait3A_710] : memref<8x128xi32, #tpu.memory_space<vmem>> -> memref<1x128xi32, #tpu.memory_space<vmem>>
        %dma_wait3A_712 = tpu.memref_squeeze %dma_wait3A_711 : memref<1x128xi32, #tpu.memory_space<vmem>> -> memref<128xi32, #tpu.memory_space<vmem>>
        %dma_wait3A_713 = arith.constant 0 : i32
        %dma_wait3A_714 = arith.constant 0 : i32
        %dma_wait3A_715 = tpu.memref_slice %arg17[%dma_wait3A_713, %dma_wait3A_714] : memref<10240x64xf32, #tpu.memory_space<vmem_shared>> -> memref<10240x64xf32, #tpu.memory_space<vmem_shared>>
        tpu.wait_indirect_dma semaphore(%arg21 : memref<!tpu.dma_semaphore, #tpu.memory_space<semaphore_mem>>) src(%dma_wait3A_715 : memref<10240x64xf32, #tpu.memory_space<vmem_shared>>) dst(%arg12 : memref<128x64xf32, #tpu.memory_space<vmem>>)
        %dma_start3A_716 = arith.constant 4 : i32
        %dma_start3A_717 = arith.constant 0 : i32
        %dma_start3A_718 = tpu.memref_slice %arg11[%dma_start3A_716, %dma_start3A_717] : memref<8x128xi32, #tpu.memory_space<vmem>> -> memref<1x128xi32, #tpu.memory_space<vmem>>
        %dma_start3A_719 = tpu.memref_squeeze %dma_start3A_718 : memref<1x128xi32, #tpu.memory_space<vmem>> -> memref<128xi32, #tpu.memory_space<vmem>>
        %dma_start3A_720 = arith.constant 0 : i32
        %dma_start3A_721 = arith.constant 0 : i32
        %dma_start3A_722 = tpu.memref_slice %arg18[%dma_start3A_720, %dma_start3A_721] : memref<10240x64xf32, #tpu.memory_space<vmem_shared>> -> memref<10240x64xf32, #tpu.memory_space<vmem_shared>>
        tpu.enqueue_indirect_dma source(%arg12 : memref<128x64xf32, #tpu.memory_space<vmem>>) target(%dma_start3A_722 : memref<10240x64xf32, #tpu.memory_space<vmem_shared>>) offsets(%dma_start3A_719 : memref<128xi32, #tpu.memory_space<vmem>>) semaphore(%arg25 : memref<!tpu.dma_semaphore, #tpu.memory_space<semaphore_mem>>) {add = true}
        %dma_wait3A_723 = arith.constant 7 : i32
        %dma_wait3A_724 = arith.constant 0 : i32
        %dma_wait3A_725 = tpu.memref_slice %arg11[%dma_wait3A_723, %dma_wait3A_724] : memref<8x128xi32, #tpu.memory_space<vmem>> -> memref<1x128xi32, #tpu.memory_space<vmem>>
        %dma_wait3A_726 = tpu.memref_squeeze %dma_wait3A_725 : memref<1x128xi32, #tpu.memory_space<vmem>> -> memref<128xi32, #tpu.memory_space<vmem>>
        %dma_wait3A_727 = arith.constant 0 : i32
        %dma_wait3A_728 = arith.constant 0 : i32
        %dma_wait3A_729 = tpu.memref_slice %arg18[%dma_wait3A_727, %dma_wait3A_728] : memref<10240x64xf32, #tpu.memory_space<vmem_shared>> -> memref<10240x64xf32, #tpu.memory_space<vmem_shared>>
        tpu.wait_indirect_dma semaphore(%arg28 : memref<!tpu.dma_semaphore, #tpu.memory_space<semaphore_mem>>) src(%arg15 : memref<128x64xf32, #tpu.memory_space<vmem>>) dst(%dma_wait3A_729 : memref<10240x64xf32, #tpu.memory_space<vmem_shared>>)
        %dma_start3A_730 = arith.constant 7 : i32
        %dma_start3A_731 = arith.constant 0 : i32
        %dma_start3A_732 = tpu.memref_slice %arg9[%dma_start3A_730, %dma_start3A_731] : memref<8x128xi32, #tpu.memory_space<vmem>> -> memref<1x128xi32, #tpu.memory_space<vmem>>
        %dma_start3A_733 = tpu.memref_squeeze %dma_start3A_732 : memref<1x128xi32, #tpu.memory_space<vmem>> -> memref<128xi32, #tpu.memory_space<vmem>>
        %dma_start3A_734 = arith.constant 0 : i32
        %dma_start3A_735 = arith.constant 0 : i32
        %dma_start3A_736 = tpu.memref_slice %arg17[%dma_start3A_734, %dma_start3A_735] : memref<10240x64xf32, #tpu.memory_space<vmem_shared>> -> memref<10240x64xf32, #tpu.memory_space<vmem_shared>>
        tpu.enqueue_indirect_dma source(%dma_start3A_736 : memref<10240x64xf32, #tpu.memory_space<vmem_shared>>) target(%arg15 : memref<128x64xf32, #tpu.memory_space<vmem>>) offsets(%dma_start3A_733 : memref<128xi32, #tpu.memory_space<vmem>>) semaphore(%arg24 : memref<!tpu.dma_semaphore, #tpu.memory_space<semaphore_mem>>)
        %dma_wait3A_737 = arith.constant 5 : i32
        %dma_wait3A_738 = arith.constant 0 : i32
        %dma_wait3A_739 = tpu.memref_slice %arg9[%dma_wait3A_737, %dma_wait3A_738] : memref<8x128xi32, #tpu.memory_space<vmem>> -> memref<1x128xi32, #tpu.memory_space<vmem>>
        %dma_wait3A_740 = tpu.memref_squeeze %dma_wait3A_739 : memref<1x128xi32, #tpu.memory_space<vmem>> -> memref<128xi32, #tpu.memory_space<vmem>>
        %dma_wait3A_741 = arith.constant 0 : i32
        %dma_wait3A_742 = arith.constant 0 : i32
        %dma_wait3A_743 = tpu.memref_slice %arg17[%dma_wait3A_741, %dma_wait3A_742] : memref<10240x64xf32, #tpu.memory_space<vmem_shared>> -> memref<10240x64xf32, #tpu.memory_space<vmem_shared>>
        tpu.wait_indirect_dma semaphore(%arg22 : memref<!tpu.dma_semaphore, #tpu.memory_space<semaphore_mem>>) src(%dma_wait3A_743 : memref<10240x64xf32, #tpu.memory_space<vmem_shared>>) dst(%arg13 : memref<128x64xf32, #tpu.memory_space<vmem>>)
        %dma_start3A_744 = arith.constant 5 : i32
        %dma_start3A_745 = arith.constant 0 : i32
        %dma_start3A_746 = tpu.memref_slice %arg11[%dma_start3A_744, %dma_start3A_745] : memref<8x128xi32, #tpu.memory_space<vmem>> -> memref<1x128xi32, #tpu.memory_space<vmem>>
        %dma_start3A_747 = tpu.memref_squeeze %dma_start3A_746 : memref<1x128xi32, #tpu.memory_space<vmem>> -> memref<128xi32, #tpu.memory_space<vmem>>
        %dma_start3A_748 = arith.constant 0 : i32
        %dma_start3A_749 = arith.constant 0 : i32
        %dma_start3A_750 = tpu.memref_slice %arg18[%dma_start3A_748, %dma_start3A_749] : memref<10240x64xf32, #tpu.memory_space<vmem_shared>> -> memref<10240x64xf32, #tpu.memory_space<vmem_shared>>
        tpu.enqueue_indirect_dma source(%arg13 : memref<128x64xf32, #tpu.memory_space<vmem>>) target(%dma_start3A_750 : memref<10240x64xf32, #tpu.memory_space<vmem_shared>>) offsets(%dma_start3A_747 : memref<128xi32, #tpu.memory_space<vmem>>) semaphore(%arg26 : memref<!tpu.dma_semaphore, #tpu.memory_space<semaphore_mem>>) {add = true}
        %dma_wait3A_751 = arith.constant 6 : i32
        %dma_wait3A_752 = arith.constant 0 : i32
        %dma_wait3A_753 = tpu.memref_slice %arg9[%dma_wait3A_751, %dma_wait3A_752] : memref<8x128xi32, #tpu.memory_space<vmem>> -> memref<1x128xi32, #tpu.memory_space<vmem>>
        %dma_wait3A_754 = tpu.memref_squeeze %dma_wait3A_753 : memref<1x128xi32, #tpu.memory_space<vmem>> -> memref<128xi32, #tpu.memory_space<vmem>>
        %dma_wait3A_755 = arith.constant 0 : i32
        %dma_wait3A_756 = arith.constant 0 : i32
        %dma_wait3A_757 = tpu.memref_slice %arg17[%dma_wait3A_755, %dma_wait3A_756] : memref<10240x64xf32, #tpu.memory_space<vmem_shared>> -> memref<10240x64xf32, #tpu.memory_space<vmem_shared>>
        tpu.wait_indirect_dma semaphore(%arg23 : memref<!tpu.dma_semaphore, #tpu.memory_space<semaphore_mem>>) src(%dma_wait3A_757 : memref<10240x64xf32, #tpu.memory_space<vmem_shared>>) dst(%arg14 : memref<128x64xf32, #tpu.memory_space<vmem>>)
        %dma_start3A_758 = arith.constant 6 : i32
        %dma_start3A_759 = arith.constant 0 : i32
        %dma_start3A_760 = tpu.memref_slice %arg11[%dma_start3A_758, %dma_start3A_759] : memref<8x128xi32, #tpu.memory_space<vmem>> -> memref<1x128xi32, #tpu.memory_space<vmem>>
        %dma_start3A_761 = tpu.memref_squeeze %dma_start3A_760 : memref<1x128xi32, #tpu.memory_space<vmem>> -> memref<128xi32, #tpu.memory_space<vmem>>
        %dma_start3A_762 = arith.constant 0 : i32
        %dma_start3A_763 = arith.constant 0 : i32
        %dma_start3A_764 = tpu.memref_slice %arg18[%dma_start3A_762, %dma_start3A_763] : memref<10240x64xf32, #tpu.memory_space<vmem_shared>> -> memref<10240x64xf32, #tpu.memory_space<vmem_shared>>
        tpu.enqueue_indirect_dma source(%arg14 : memref<128x64xf32, #tpu.memory_space<vmem>>) target(%dma_start3A_764 : memref<10240x64xf32, #tpu.memory_space<vmem_shared>>) offsets(%dma_start3A_761 : memref<128xi32, #tpu.memory_space<vmem>>) semaphore(%arg27 : memref<!tpu.dma_semaphore, #tpu.memory_space<semaphore_mem>>) {add = true}
        %dma_wait3A_765 = arith.constant 7 : i32
        %dma_wait3A_766 = arith.constant 0 : i32
        %dma_wait3A_767 = tpu.memref_slice %arg9[%dma_wait3A_765, %dma_wait3A_766] : memref<8x128xi32, #tpu.memory_space<vmem>> -> memref<1x128xi32, #tpu.memory_space<vmem>>
        %dma_wait3A_768 = tpu.memref_squeeze %dma_wait3A_767 : memref<1x128xi32, #tpu.memory_space<vmem>> -> memref<128xi32, #tpu.memory_space<vmem>>
        %dma_wait3A_769 = arith.constant 0 : i32
        %dma_wait3A_770 = arith.constant 0 : i32
        %dma_wait3A_771 = tpu.memref_slice %arg17[%dma_wait3A_769, %dma_wait3A_770] : memref<10240x64xf32, #tpu.memory_space<vmem_shared>> -> memref<10240x64xf32, #tpu.memory_space<vmem_shared>>
        tpu.wait_indirect_dma semaphore(%arg24 : memref<!tpu.dma_semaphore, #tpu.memory_space<semaphore_mem>>) src(%dma_wait3A_771 : memref<10240x64xf32, #tpu.memory_space<vmem_shared>>) dst(%arg15 : memref<128x64xf32, #tpu.memory_space<vmem>>)
        %dma_start3A_772 = arith.constant 7 : i32
        %dma_start3A_773 = arith.constant 0 : i32
        %dma_start3A_774 = tpu.memref_slice %arg11[%dma_start3A_772, %dma_start3A_773] : memref<8x128xi32, #tpu.memory_space<vmem>> -> memref<1x128xi32, #tpu.memory_space<vmem>>
        %dma_start3A_775 = tpu.memref_squeeze %dma_start3A_774 : memref<1x128xi32, #tpu.memory_space<vmem>> -> memref<128xi32, #tpu.memory_space<vmem>>
        %dma_start3A_776 = arith.constant 0 : i32
        %dma_start3A_777 = arith.constant 0 : i32
        %dma_start3A_778 = tpu.memref_slice %arg18[%dma_start3A_776, %dma_start3A_777] : memref<10240x64xf32, #tpu.memory_space<vmem_shared>> -> memref<10240x64xf32, #tpu.memory_space<vmem_shared>>
        tpu.enqueue_indirect_dma source(%arg15 : memref<128x64xf32, #tpu.memory_space<vmem>>) target(%dma_start3A_778 : memref<10240x64xf32, #tpu.memory_space<vmem_shared>>) offsets(%dma_start3A_775 : memref<128xi32, #tpu.memory_space<vmem>>) semaphore(%arg28 : memref<!tpu.dma_semaphore, #tpu.memory_space<semaphore_mem>>) {add = true}
        %not3A_779 = arith.constant true
        %not3A_780 = arith.xori %eq3A_549, %not3A_779 : i1
        %convert_element_type3A_781 = arith.extui %not3A_780 : i1 to i32
        %cond3A_782 = arith.constant 0 : i32
        %cond3A_783 = arith.cmpi ne, %convert_element_type3A_781, %cond3A_782 : i32
        scf.if %cond3A_783 {
          %add3A_784 = arith.addi %mul3A_4, %add3A_547 : i32
          %add3A_785 = arith.constant 1 : i32
          %add3A_786 = arith.addi %add3A_784, %add3A_785 : i32
          %dma_wait3A_787 = arith.constant 0 : i32
          %dma_wait3A_788 = arith.constant 0 : i32
          %dma_wait3A_789 = tpu.memref_slice %arg4[%add3A_786, %dma_wait3A_787, %dma_wait3A_788] : memref<320x8x128xi32, #tpu.memory_space<hbm>> -> memref<1x8x128xi32, #tpu.memory_space<hbm>>
          %dma_wait3A_790 = tpu.memref_squeeze %dma_wait3A_789 : memref<1x8x128xi32, #tpu.memory_space<hbm>> -> memref<8x128xi32, #tpu.memory_space<hbm>>
          %dma_wait3A_791 = arith.constant 0 : i32
          %dma_wait3A_792 = arith.constant 0 : i32
          %dma_wait3A_793 = tpu.memref_slice %arg4[%add3A_786, %dma_wait3A_791, %dma_wait3A_792] : memref<320x8x128xi32, #tpu.memory_space<hbm>> -> memref<1x8x128xi32, #tpu.memory_space<hbm>>
          %dma_wait3A_794 = tpu.memref_squeeze %dma_wait3A_793 : memref<1x8x128xi32, #tpu.memory_space<hbm>> -> memref<8x128xi32, #tpu.memory_space<hbm>>
          tpu.wait_dma2 semaphore(%arg29 : memref<!tpu.dma_semaphore, #tpu.memory_space<semaphore_mem>>) src(%dma_wait3A_794 : memref<8x128xi32, #tpu.memory_space<hbm>>) dst(%arg8 : memref<8x128xi32, #tpu.memory_space<vmem>>)
          %add3A_795 = arith.addi %mul3A_4, %add3A_547 : i32
          %add3A_796 = arith.constant 1 : i32
          %add3A_797 = arith.addi %add3A_795, %add3A_796 : i32
          %dma_wait3A_798 = arith.constant 0 : i32
          %dma_wait3A_799 = arith.constant 0 : i32
          %dma_wait3A_800 = tpu.memref_slice %arg5[%add3A_797, %dma_wait3A_798, %dma_wait3A_799] : memref<320x8x128xi32, #tpu.memory_space<hbm>> -> memref<1x8x128xi32, #tpu.memory_space<hbm>>
          %dma_wait3A_801 = tpu.memref_squeeze %dma_wait3A_800 : memref<1x8x128xi32, #tpu.memory_space<hbm>> -> memref<8x128xi32, #tpu.memory_space<hbm>>
          %dma_wait3A_802 = arith.constant 0 : i32
          %dma_wait3A_803 = arith.constant 0 : i32
          %dma_wait3A_804 = tpu.memref_slice %arg5[%add3A_797, %dma_wait3A_802, %dma_wait3A_803] : memref<320x8x128xi32, #tpu.memory_space<hbm>> -> memref<1x8x128xi32, #tpu.memory_space<hbm>>
          %dma_wait3A_805 = tpu.memref_squeeze %dma_wait3A_804 : memref<1x8x128xi32, #tpu.memory_space<hbm>> -> memref<8x128xi32, #tpu.memory_space<hbm>>
          tpu.wait_dma2 semaphore(%arg29 : memref<!tpu.dma_semaphore, #tpu.memory_space<semaphore_mem>>) src(%dma_wait3A_805 : memref<8x128xi32, #tpu.memory_space<hbm>>) dst(%arg10 : memref<8x128xi32, #tpu.memory_space<vmem>>)
        } else {
        }
      }
      %scan3A_152 = arith.constant 10 : i32
      %dma_wait3A = arith.constant 0 : i32
      %dma_wait3A_153 = arith.constant 0 : i32
      %dma_wait3A_154 = tpu.memref_slice %arg10[%dma_wait3A, %dma_wait3A_153] : memref<8x128xi32, #tpu.memory_space<vmem>> -> memref<1x128xi32, #tpu.memory_space<vmem>>
      %dma_wait3A_155 = tpu.memref_squeeze %dma_wait3A_154 : memref<1x128xi32, #tpu.memory_space<vmem>> -> memref<128xi32, #tpu.memory_space<vmem>>
      %dma_wait3A_156 = arith.constant 0 : i32
      %dma_wait3A_157 = arith.constant 0 : i32
      %dma_wait3A_158 = tpu.memref_slice %arg18[%dma_wait3A_156, %dma_wait3A_157] : memref<10240x64xf32, #tpu.memory_space<vmem_shared>> -> memref<10240x64xf32, #tpu.memory_space<vmem_shared>>
      tpu.wait_indirect_dma semaphore(%arg25 : memref<!tpu.dma_semaphore, #tpu.memory_space<semaphore_mem>>) src(%arg12 : memref<128x64xf32, #tpu.memory_space<vmem>>) dst(%dma_wait3A_158 : memref<10240x64xf32, #tpu.memory_space<vmem_shared>>)
      %dma_wait3A_159 = arith.constant 1 : i32
      %dma_wait3A_160 = arith.constant 0 : i32
      %dma_wait3A_161 = tpu.memref_slice %arg10[%dma_wait3A_159, %dma_wait3A_160] : memref<8x128xi32, #tpu.memory_space<vmem>> -> memref<1x128xi32, #tpu.memory_space<vmem>>
      %dma_wait3A_162 = tpu.memref_squeeze %dma_wait3A_161 : memref<1x128xi32, #tpu.memory_space<vmem>> -> memref<128xi32, #tpu.memory_space<vmem>>
      %dma_wait3A_163 = arith.constant 0 : i32
      %dma_wait3A_164 = arith.constant 0 : i32
      %dma_wait3A_165 = tpu.memref_slice %arg18[%dma_wait3A_163, %dma_wait3A_164] : memref<10240x64xf32, #tpu.memory_space<vmem_shared>> -> memref<10240x64xf32, #tpu.memory_space<vmem_shared>>
      tpu.wait_indirect_dma semaphore(%arg26 : memref<!tpu.dma_semaphore, #tpu.memory_space<semaphore_mem>>) src(%arg13 : memref<128x64xf32, #tpu.memory_space<vmem>>) dst(%dma_wait3A_165 : memref<10240x64xf32, #tpu.memory_space<vmem_shared>>)
      %dma_wait3A_166 = arith.constant 2 : i32
      %dma_wait3A_167 = arith.constant 0 : i32
      %dma_wait3A_168 = tpu.memref_slice %arg10[%dma_wait3A_166, %dma_wait3A_167] : memref<8x128xi32, #tpu.memory_space<vmem>> -> memref<1x128xi32, #tpu.memory_space<vmem>>
      %dma_wait3A_169 = tpu.memref_squeeze %dma_wait3A_168 : memref<1x128xi32, #tpu.memory_space<vmem>> -> memref<128xi32, #tpu.memory_space<vmem>>
      %dma_wait3A_170 = arith.constant 0 : i32
      %dma_wait3A_171 = arith.constant 0 : i32
      %dma_wait3A_172 = tpu.memref_slice %arg18[%dma_wait3A_170, %dma_wait3A_171] : memref<10240x64xf32, #tpu.memory_space<vmem_shared>> -> memref<10240x64xf32, #tpu.memory_space<vmem_shared>>
      tpu.wait_indirect_dma semaphore(%arg27 : memref<!tpu.dma_semaphore, #tpu.memory_space<semaphore_mem>>) src(%arg14 : memref<128x64xf32, #tpu.memory_space<vmem>>) dst(%dma_wait3A_172 : memref<10240x64xf32, #tpu.memory_space<vmem_shared>>)
      %dma_wait3A_173 = arith.constant 3 : i32
      %dma_wait3A_174 = arith.constant 0 : i32
      %dma_wait3A_175 = tpu.memref_slice %arg10[%dma_wait3A_173, %dma_wait3A_174] : memref<8x128xi32, #tpu.memory_space<vmem>> -> memref<1x128xi32, #tpu.memory_space<vmem>>
      %dma_wait3A_176 = tpu.memref_squeeze %dma_wait3A_175 : memref<1x128xi32, #tpu.memory_space<vmem>> -> memref<128xi32, #tpu.memory_space<vmem>>
      %dma_wait3A_177 = arith.constant 0 : i32
      %dma_wait3A_178 = arith.constant 0 : i32
      %dma_wait3A_179 = tpu.memref_slice %arg18[%dma_wait3A_177, %dma_wait3A_178] : memref<10240x64xf32, #tpu.memory_space<vmem_shared>> -> memref<10240x64xf32, #tpu.memory_space<vmem_shared>>
      tpu.wait_indirect_dma semaphore(%arg28 : memref<!tpu.dma_semaphore, #tpu.memory_space<semaphore_mem>>) src(%arg15 : memref<128x64xf32, #tpu.memory_space<vmem>>) dst(%dma_wait3A_179 : memref<10240x64xf32, #tpu.memory_space<vmem_shared>>)
      %barrier3A_180 = arith.constant 0 : index
      tpu.barrier barrier_id(%barrier3A_180)
      %add3A_181 = arith.constant 0 : i32
      %add3A_182 = arith.addi %mul3A_2, %add3A_181 : i32
      "tpu.region"() ({
        %run_scoped3A = tpu.sem_alloc : memref<!tpu.dma_semaphore, #tpu.memory_space<semaphore_mem>>
        %dma_start3A_281 = arith.constant 0 : i32
        %dma_start3A_282 = tpu.memref_slice %arg18[%add3A_182, %dma_start3A_281] : memref<10240x64xf32, #tpu.memory_space<vmem_shared>> -> memref<128x64xf32, #tpu.memory_space<vmem_shared>>
        %dma_start3A_283 = arith.constant 0 : i32
        %dma_start3A_284 = tpu.memref_slice %arg18[%add3A_182, %dma_start3A_283] : memref<10240x64xf32, #tpu.memory_space<vmem_shared>> -> memref<128x64xf32, #tpu.memory_space<vmem_shared>>
        tpu.enqueue_dma source(%dma_start3A_284 : memref<128x64xf32, #tpu.memory_space<vmem_shared>>) target(%arg16 : memref<128x64xf32, #tpu.memory_space<vmem>>) target_semaphore(%run_scoped3A : memref<!tpu.dma_semaphore, #tpu.memory_space<semaphore_mem>>)
        %dma_wait3A_285 = arith.constant 0 : i32
        %dma_wait3A_286 = tpu.memref_slice %arg18[%add3A_182, %dma_wait3A_285] : memref<10240x64xf32, #tpu.memory_space<vmem_shared>> -> memref<128x64xf32, #tpu.memory_space<vmem_shared>>
        %dma_wait3A_287 = arith.constant 0 : i32
        %dma_wait3A_288 = tpu.memref_slice %arg18[%add3A_182, %dma_wait3A_287] : memref<10240x64xf32, #tpu.memory_space<vmem_shared>> -> memref<128x64xf32, #tpu.memory_space<vmem_shared>>
        tpu.wait_dma2 semaphore(%run_scoped3A : memref<!tpu.dma_semaphore, #tpu.memory_space<semaphore_mem>>) src(%dma_wait3A_288 : memref<128x64xf32, #tpu.memory_space<vmem_shared>>) dst(%arg16 : memref<128x64xf32, #tpu.memory_space<vmem>>)
        tpu.yield
      }) : () -> ()
      %add3A_183 = arith.addi %mul3A_0, %add3A_182 : i32
      %dma_start3A = arith.constant 0 : i32
      %dma_start3A_184 = tpu.memref_slice %arg18[%add3A_182, %dma_start3A] : memref<10240x64xf32, #tpu.memory_space<vmem_shared>> -> memref<128x64xf32, #tpu.memory_space<vmem_shared>>
      %dma_start3A_185 = arith.constant 0 : i32
      %dma_start3A_186 = tpu.memref_slice %arg7[%add3A_183, %dma_start3A_185] : memref<20480x64xf32, #tpu.memory_space<hbm>> -> memref<128x64xf32, #tpu.memory_space<hbm>>
      tpu.enqueue_dma source(%dma_start3A_186 : memref<128x64xf32, #tpu.memory_space<hbm>>) target(%dma_start3A_184 : memref<128x64xf32, #tpu.memory_space<vmem_shared>>) target_semaphore(%arg29 : memref<!tpu.dma_semaphore, #tpu.memory_space<semaphore_mem>>)
      %scan3A_187 = arith.constant 0 : i32
      %scan3A_188 = arith.constant 128 : i32
      %scan3A_189 = arith.addi %scan3A_187, %scan3A_188 : i32
      %scan3A_190 = arith.constant 1 : i32
      scf.for %scan3A_281 = %scan3A_187 to %scan3A_189 step %scan3A_190  : i32 {
        %mul3A_282 = arith.constant 1 : i32
        %mul3A_283 = arith.muli %scan3A_281, %mul3A_282 : i32
        %add3A_284 = arith.constant 0 : i32
        %add3A_285 = arith.addi %add3A_284, %mul3A_283 : i32
        %add3A_286 = arith.constant 0 : i32
        %add3A_287 = arith.addi %add3A_286, %add3A_285 : i32
        %get3A = arith.index_cast %add3A_287 : i32 to index
        %get3A_288 = memref.load %arg19[%get3A] : memref<640xf32, #tpu.memory_space<smem>>
        %get3A_289 = arith.index_cast %add3A_285 : i32 to index
        %get3A_290 = arith.constant 0 : index
        %get3A_291 = tpu.vector_load %arg16[%get3A_289, %get3A_290] {strides = array<i32>} : memref<128x64xf32, #tpu.memory_space<vmem>>, vector<16xf32>,
        %mul3A_292 = vector.broadcast %get3A_288 : f32 to vector<16xf32>
        %mul3A_293 = arith.mulf %get3A_291, %mul3A_292 : vector<16xf32>
        %swap3A = arith.index_cast %add3A_285 : i32 to index
        %swap3A_294 = arith.constant 0 : index
        %swap3A_295 = tpu.vector_load %arg16[%swap3A, %swap3A_294] {strides = array<i32>} : memref<128x64xf32, #tpu.memory_space<vmem>>, vector<16xf32>,
        tpu.vector_store %arg16[%swap3A, %swap3A_294], %mul3A_293 {strides = array<i32>} : memref<128x64xf32, #tpu.memory_space<vmem>>, vector<16xf32>,
        %get3A_296 = arith.index_cast %add3A_285 : i32 to index
        %get3A_297 = arith.constant 16 : index
        %get3A_298 = tpu.vector_load %arg16[%get3A_296, %get3A_297] {strides = array<i32>} : memref<128x64xf32, #tpu.memory_space<vmem>>, vector<16xf32>,
        %mul3A_299 = vector.broadcast %get3A_288 : f32 to vector<16xf32>
        %mul3A_300 = arith.mulf %get3A_298, %mul3A_299 : vector<16xf32>
        %swap3A_301 = arith.index_cast %add3A_285 : i32 to index
        %swap3A_302 = arith.constant 16 : index
        %swap3A_303 = tpu.vector_load %arg16[%swap3A_301, %swap3A_302] {strides = array<i32>} : memref<128x64xf32, #tpu.memory_space<vmem>>, vector<16xf32>,
        tpu.vector_store %arg16[%swap3A_301, %swap3A_302], %mul3A_300 {strides = array<i32>} : memref<128x64xf32, #tpu.memory_space<vmem>>, vector<16xf32>,
        %get3A_304 = arith.index_cast %add3A_285 : i32 to index
        %get3A_305 = arith.constant 32 : index
        %get3A_306 = tpu.vector_load %arg16[%get3A_304, %get3A_305] {strides = array<i32>} : memref<128x64xf32, #tpu.memory_space<vmem>>, vector<16xf32>,
        %mul3A_307 = vector.broadcast %get3A_288 : f32 to vector<16xf32>
        %mul3A_308 = arith.mulf %get3A_306, %mul3A_307 : vector<16xf32>
        %swap3A_309 = arith.index_cast %add3A_285 : i32 to index
        %swap3A_310 = arith.constant 32 : index
        %swap3A_311 = tpu.vector_load %arg16[%swap3A_309, %swap3A_310] {strides = array<i32>} : memref<128x64xf32, #tpu.memory_space<vmem>>, vector<16xf32>,
        tpu.vector_store %arg16[%swap3A_309, %swap3A_310], %mul3A_308 {strides = array<i32>} : memref<128x64xf32, #tpu.memory_space<vmem>>, vector<16xf32>,
        %get3A_312 = arith.index_cast %add3A_285 : i32 to index
        %get3A_313 = arith.constant 48 : index
        %get3A_314 = tpu.vector_load %arg16[%get3A_312, %get3A_313] {strides = array<i32>} : memref<128x64xf32, #tpu.memory_space<vmem>>, vector<16xf32>,
        %mul3A_315 = vector.broadcast %get3A_288 : f32 to vector<16xf32>
        %mul3A_316 = arith.mulf %get3A_314, %mul3A_315 : vector<16xf32>
        %swap3A_317 = arith.index_cast %add3A_285 : i32 to index
        %swap3A_318 = arith.constant 48 : index
        %swap3A_319 = tpu.vector_load %arg16[%swap3A_317, %swap3A_318] {strides = array<i32>} : memref<128x64xf32, #tpu.memory_space<vmem>>, vector<16xf32>,
        tpu.vector_store %arg16[%swap3A_317, %swap3A_318], %mul3A_316 {strides = array<i32>} : memref<128x64xf32, #tpu.memory_space<vmem>>, vector<16xf32>,
      }
      %scan3A_191 = arith.constant 128 : i32
      "tpu.region"() ({
        %run_scoped3A = tpu.sem_alloc : memref<!tpu.dma_semaphore, #tpu.memory_space<semaphore_mem>>
        %dma_start3A_281 = arith.constant 0 : i32
        %dma_start3A_282 = tpu.memref_slice %arg17[%add3A_182, %dma_start3A_281] : memref<10240x64xf32, #tpu.memory_space<vmem_shared>> -> memref<128x64xf32, #tpu.memory_space<vmem_shared>>
        %dma_start3A_283 = arith.constant 0 : i32
        %dma_start3A_284 = tpu.memref_slice %arg17[%add3A_182, %dma_start3A_283] : memref<10240x64xf32, #tpu.memory_space<vmem_shared>> -> memref<128x64xf32, #tpu.memory_space<vmem_shared>>
        tpu.enqueue_dma source(%arg16 : memref<128x64xf32, #tpu.memory_space<vmem>>) target(%dma_start3A_284 : memref<128x64xf32, #tpu.memory_space<vmem_shared>>) target_semaphore(%run_scoped3A : memref<!tpu.dma_semaphore, #tpu.memory_space<semaphore_mem>>)
        %dma_wait3A_285 = arith.constant 0 : i32
        %dma_wait3A_286 = tpu.memref_slice %arg17[%add3A_182, %dma_wait3A_285] : memref<10240x64xf32, #tpu.memory_space<vmem_shared>> -> memref<128x64xf32, #tpu.memory_space<vmem_shared>>
        %dma_wait3A_287 = arith.constant 0 : i32
        %dma_wait3A_288 = tpu.memref_slice %arg17[%add3A_182, %dma_wait3A_287] : memref<10240x64xf32, #tpu.memory_space<vmem_shared>> -> memref<128x64xf32, #tpu.memory_space<vmem_shared>>
        tpu.wait_dma2 semaphore(%run_scoped3A : memref<!tpu.dma_semaphore, #tpu.memory_space<semaphore_mem>>) src(%arg16 : memref<128x64xf32, #tpu.memory_space<vmem>>) dst(%dma_wait3A_288 : memref<128x64xf32, #tpu.memory_space<vmem_shared>>)
        tpu.yield
      }) : () -> ()
      %add3A_192 = arith.addi %mul3A_0, %add3A_182 : i32
      "tpu.region"() ({
        %run_scoped3A = tpu.sem_alloc : memref<!tpu.dma_semaphore, #tpu.memory_space<semaphore_mem>>
        %dma_start3A_281 = arith.constant 0 : i32
        %dma_start3A_282 = tpu.memref_slice %arg6[%add3A_192, %dma_start3A_281] : memref<20480x64xf32, #tpu.memory_space<hbm>> -> memref<128x64xf32, #tpu.memory_space<hbm>>
        %dma_start3A_283 = arith.constant 0 : i32
        %dma_start3A_284 = tpu.memref_slice %arg6[%add3A_192, %dma_start3A_283] : memref<20480x64xf32, #tpu.memory_space<hbm>> -> memref<128x64xf32, #tpu.memory_space<hbm>>
        tpu.enqueue_dma source(%arg16 : memref<128x64xf32, #tpu.memory_space<vmem>>) target(%dma_start3A_284 : memref<128x64xf32, #tpu.memory_space<hbm>>) target_semaphore(%run_scoped3A : memref<!tpu.dma_semaphore, #tpu.memory_space<semaphore_mem>>)
        %dma_wait3A_285 = arith.constant 0 : i32
        %dma_wait3A_286 = tpu.memref_slice %arg6[%add3A_192, %dma_wait3A_285] : memref<20480x64xf32, #tpu.memory_space<hbm>> -> memref<128x64xf32, #tpu.memory_space<hbm>>
        %dma_wait3A_287 = arith.constant 0 : i32
        %dma_wait3A_288 = tpu.memref_slice %arg6[%add3A_192, %dma_wait3A_287] : memref<20480x64xf32, #tpu.memory_space<hbm>> -> memref<128x64xf32, #tpu.memory_space<hbm>>
        tpu.wait_dma2 semaphore(%run_scoped3A : memref<!tpu.dma_semaphore, #tpu.memory_space<semaphore_mem>>) src(%arg16 : memref<128x64xf32, #tpu.memory_space<vmem>>) dst(%dma_wait3A_288 : memref<128x64xf32, #tpu.memory_space<hbm>>)
        tpu.yield
      }) : () -> ()
      %add3A_193 = arith.constant 128 : i32
      %add3A_194 = arith.addi %mul3A_2, %add3A_193 : i32
      "tpu.region"() ({
        %run_scoped3A = tpu.sem_alloc : memref<!tpu.dma_semaphore, #tpu.memory_space<semaphore_mem>>
        %dma_start3A_281 = arith.constant 0 : i32
        %dma_start3A_282 = tpu.memref_slice %arg18[%add3A_194, %dma_start3A_281] : memref<10240x64xf32, #tpu.memory_space<vmem_shared>> -> memref<128x64xf32, #tpu.memory_space<vmem_shared>>
        %dma_start3A_283 = arith.constant 0 : i32
        %dma_start3A_284 = tpu.memref_slice %arg18[%add3A_194, %dma_start3A_283] : memref<10240x64xf32, #tpu.memory_space<vmem_shared>> -> memref<128x64xf32, #tpu.memory_space<vmem_shared>>
        tpu.enqueue_dma source(%dma_start3A_284 : memref<128x64xf32, #tpu.memory_space<vmem_shared>>) target(%arg16 : memref<128x64xf32, #tpu.memory_space<vmem>>) target_semaphore(%run_scoped3A : memref<!tpu.dma_semaphore, #tpu.memory_space<semaphore_mem>>)
        %dma_wait3A_285 = arith.constant 0 : i32
        %dma_wait3A_286 = tpu.memref_slice %arg18[%add3A_194, %dma_wait3A_285] : memref<10240x64xf32, #tpu.memory_space<vmem_shared>> -> memref<128x64xf32, #tpu.memory_space<vmem_shared>>
        %dma_wait3A_287 = arith.constant 0 : i32
        %dma_wait3A_288 = tpu.memref_slice %arg18[%add3A_194, %dma_wait3A_287] : memref<10240x64xf32, #tpu.memory_space<vmem_shared>> -> memref<128x64xf32, #tpu.memory_space<vmem_shared>>
        tpu.wait_dma2 semaphore(%run_scoped3A : memref<!tpu.dma_semaphore, #tpu.memory_space<semaphore_mem>>) src(%dma_wait3A_288 : memref<128x64xf32, #tpu.memory_space<vmem_shared>>) dst(%arg16 : memref<128x64xf32, #tpu.memory_space<vmem>>)
        tpu.yield
      }) : () -> ()
      %add3A_195 = arith.addi %mul3A_0, %add3A_194 : i32
      %dma_start3A_196 = arith.constant 0 : i32
      %dma_start3A_197 = tpu.memref_slice %arg18[%add3A_194, %dma_start3A_196] : memref<10240x64xf32, #tpu.memory_space<vmem_shared>> -> memref<128x64xf32, #tpu.memory_space<vmem_shared>>
      %dma_start3A_198 = arith.constant 0 : i32
      %dma_start3A_199 = tpu.memref_slice %arg7[%add3A_195, %dma_start3A_198] : memref<20480x64xf32, #tpu.memory_space<hbm>> -> memref<128x64xf32, #tpu.memory_space<hbm>>
      tpu.enqueue_dma source(%dma_start3A_199 : memref<128x64xf32, #tpu.memory_space<hbm>>) target(%dma_start3A_197 : memref<128x64xf32, #tpu.memory_space<vmem_shared>>) target_semaphore(%arg29 : memref<!tpu.dma_semaphore, #tpu.memory_space<semaphore_mem>>)
      %scan3A_200 = arith.constant 0 : i32
      %scan3A_201 = arith.constant 128 : i32
      %scan3A_202 = arith.addi %scan3A_200, %scan3A_201 : i32
      %scan3A_203 = arith.constant 1 : i32
      scf.for %scan3A_281 = %scan3A_200 to %scan3A_202 step %scan3A_203  : i32 {
        %mul3A_282 = arith.constant 1 : i32
        %mul3A_283 = arith.muli %scan3A_281, %mul3A_282 : i32
        %add3A_284 = arith.constant 0 : i32
        %add3A_285 = arith.addi %add3A_284, %mul3A_283 : i32
        %add3A_286 = arith.constant 128 : i32
        %add3A_287 = arith.addi %add3A_286, %add3A_285 : i32
        %get3A = arith.index_cast %add3A_287 : i32 to index
        %get3A_288 = memref.load %arg19[%get3A] : memref<640xf32, #tpu.memory_space<smem>>
        %get3A_289 = arith.index_cast %add3A_285 : i32 to index
        %get3A_290 = arith.constant 0 : index
        %get3A_291 = tpu.vector_load %arg16[%get3A_289, %get3A_290] {strides = array<i32>} : memref<128x64xf32, #tpu.memory_space<vmem>>, vector<16xf32>,
        %mul3A_292 = vector.broadcast %get3A_288 : f32 to vector<16xf32>
        %mul3A_293 = arith.mulf %get3A_291, %mul3A_292 : vector<16xf32>
        %swap3A = arith.index_cast %add3A_285 : i32 to index
        %swap3A_294 = arith.constant 0 : index
        %swap3A_295 = tpu.vector_load %arg16[%swap3A, %swap3A_294] {strides = array<i32>} : memref<128x64xf32, #tpu.memory_space<vmem>>, vector<16xf32>,
        tpu.vector_store %arg16[%swap3A, %swap3A_294], %mul3A_293 {strides = array<i32>} : memref<128x64xf32, #tpu.memory_space<vmem>>, vector<16xf32>,
        %get3A_296 = arith.index_cast %add3A_285 : i32 to index
        %get3A_297 = arith.constant 16 : index
        %get3A_298 = tpu.vector_load %arg16[%get3A_296, %get3A_297] {strides = array<i32>} : memref<128x64xf32, #tpu.memory_space<vmem>>, vector<16xf32>,
        %mul3A_299 = vector.broadcast %get3A_288 : f32 to vector<16xf32>
        %mul3A_300 = arith.mulf %get3A_298, %mul3A_299 : vector<16xf32>
        %swap3A_301 = arith.index_cast %add3A_285 : i32 to index
        %swap3A_302 = arith.constant 16 : index
        %swap3A_303 = tpu.vector_load %arg16[%swap3A_301, %swap3A_302] {strides = array<i32>} : memref<128x64xf32, #tpu.memory_space<vmem>>, vector<16xf32>,
        tpu.vector_store %arg16[%swap3A_301, %swap3A_302], %mul3A_300 {strides = array<i32>} : memref<128x64xf32, #tpu.memory_space<vmem>>, vector<16xf32>,
        %get3A_304 = arith.index_cast %add3A_285 : i32 to index
        %get3A_305 = arith.constant 32 : index
        %get3A_306 = tpu.vector_load %arg16[%get3A_304, %get3A_305] {strides = array<i32>} : memref<128x64xf32, #tpu.memory_space<vmem>>, vector<16xf32>,
        %mul3A_307 = vector.broadcast %get3A_288 : f32 to vector<16xf32>
        %mul3A_308 = arith.mulf %get3A_306, %mul3A_307 : vector<16xf32>
        %swap3A_309 = arith.index_cast %add3A_285 : i32 to index
        %swap3A_310 = arith.constant 32 : index
        %swap3A_311 = tpu.vector_load %arg16[%swap3A_309, %swap3A_310] {strides = array<i32>} : memref<128x64xf32, #tpu.memory_space<vmem>>, vector<16xf32>,
        tpu.vector_store %arg16[%swap3A_309, %swap3A_310], %mul3A_308 {strides = array<i32>} : memref<128x64xf32, #tpu.memory_space<vmem>>, vector<16xf32>,
        %get3A_312 = arith.index_cast %add3A_285 : i32 to index
        %get3A_313 = arith.constant 48 : index
        %get3A_314 = tpu.vector_load %arg16[%get3A_312, %get3A_313] {strides = array<i32>} : memref<128x64xf32, #tpu.memory_space<vmem>>, vector<16xf32>,
        %mul3A_315 = vector.broadcast %get3A_288 : f32 to vector<16xf32>
        %mul3A_316 = arith.mulf %get3A_314, %mul3A_315 : vector<16xf32>
        %swap3A_317 = arith.index_cast %add3A_285 : i32 to index
        %swap3A_318 = arith.constant 48 : index
        %swap3A_319 = tpu.vector_load %arg16[%swap3A_317, %swap3A_318] {strides = array<i32>} : memref<128x64xf32, #tpu.memory_space<vmem>>, vector<16xf32>,
        tpu.vector_store %arg16[%swap3A_317, %swap3A_318], %mul3A_316 {strides = array<i32>} : memref<128x64xf32, #tpu.memory_space<vmem>>, vector<16xf32>,
      }
      %scan3A_204 = arith.constant 128 : i32
      "tpu.region"() ({
        %run_scoped3A = tpu.sem_alloc : memref<!tpu.dma_semaphore, #tpu.memory_space<semaphore_mem>>
        %dma_start3A_281 = arith.constant 0 : i32
        %dma_start3A_282 = tpu.memref_slice %arg17[%add3A_194, %dma_start3A_281] : memref<10240x64xf32, #tpu.memory_space<vmem_shared>> -> memref<128x64xf32, #tpu.memory_space<vmem_shared>>
        %dma_start3A_283 = arith.constant 0 : i32
        %dma_start3A_284 = tpu.memref_slice %arg17[%add3A_194, %dma_start3A_283] : memref<10240x64xf32, #tpu.memory_space<vmem_shared>> -> memref<128x64xf32, #tpu.memory_space<vmem_shared>>
        tpu.enqueue_dma source(%arg16 : memref<128x64xf32, #tpu.memory_space<vmem>>) target(%dma_start3A_284 : memref<128x64xf32, #tpu.memory_space<vmem_shared>>) target_semaphore(%run_scoped3A : memref<!tpu.dma_semaphore, #tpu.memory_space<semaphore_mem>>)
        %dma_wait3A_285 = arith.constant 0 : i32
        %dma_wait3A_286 = tpu.memref_slice %arg17[%add3A_194, %dma_wait3A_285] : memref<10240x64xf32, #tpu.memory_space<vmem_shared>> -> memref<128x64xf32, #tpu.memory_space<vmem_shared>>
        %dma_wait3A_287 = arith.constant 0 : i32
        %dma_wait3A_288 = tpu.memref_slice %arg17[%add3A_194, %dma_wait3A_287] : memref<10240x64xf32, #tpu.memory_space<vmem_shared>> -> memref<128x64xf32, #tpu.memory_space<vmem_shared>>
        tpu.wait_dma2 semaphore(%run_scoped3A : memref<!tpu.dma_semaphore, #tpu.memory_space<semaphore_mem>>) src(%arg16 : memref<128x64xf32, #tpu.memory_space<vmem>>) dst(%dma_wait3A_288 : memref<128x64xf32, #tpu.memory_space<vmem_shared>>)
        tpu.yield
      }) : () -> ()
      %add3A_205 = arith.addi %mul3A_0, %add3A_194 : i32
      "tpu.region"() ({
        %run_scoped3A = tpu.sem_alloc : memref<!tpu.dma_semaphore, #tpu.memory_space<semaphore_mem>>
        %dma_start3A_281 = arith.constant 0 : i32
        %dma_start3A_282 = tpu.memref_slice %arg6[%add3A_205, %dma_start3A_281] : memref<20480x64xf32, #tpu.memory_space<hbm>> -> memref<128x64xf32, #tpu.memory_space<hbm>>
        %dma_start3A_283 = arith.constant 0 : i32
        %dma_start3A_284 = tpu.memref_slice %arg6[%add3A_205, %dma_start3A_283] : memref<20480x64xf32, #tpu.memory_space<hbm>> -> memref<128x64xf32, #tpu.memory_space<hbm>>
        tpu.enqueue_dma source(%arg16 : memref<128x64xf32, #tpu.memory_space<vmem>>) target(%dma_start3A_284 : memref<128x64xf32, #tpu.memory_space<hbm>>) target_semaphore(%run_scoped3A : memref<!tpu.dma_semaphore, #tpu.memory_space<semaphore_mem>>)
        %dma_wait3A_285 = arith.constant 0 : i32
        %dma_wait3A_286 = tpu.memref_slice %arg6[%add3A_205, %dma_wait3A_285] : memref<20480x64xf32, #tpu.memory_space<hbm>> -> memref<128x64xf32, #tpu.memory_space<hbm>>
        %dma_wait3A_287 = arith.constant 0 : i32
        %dma_wait3A_288 = tpu.memref_slice %arg6[%add3A_205, %dma_wait3A_287] : memref<20480x64xf32, #tpu.memory_space<hbm>> -> memref<128x64xf32, #tpu.memory_space<hbm>>
        tpu.wait_dma2 semaphore(%run_scoped3A : memref<!tpu.dma_semaphore, #tpu.memory_space<semaphore_mem>>) src(%arg16 : memref<128x64xf32, #tpu.memory_space<vmem>>) dst(%dma_wait3A_288 : memref<128x64xf32, #tpu.memory_space<hbm>>)
        tpu.yield
      }) : () -> ()
      %add3A_206 = arith.constant 256 : i32
      %add3A_207 = arith.addi %mul3A_2, %add3A_206 : i32
      "tpu.region"() ({
        %run_scoped3A = tpu.sem_alloc : memref<!tpu.dma_semaphore, #tpu.memory_space<semaphore_mem>>
        %dma_start3A_281 = arith.constant 0 : i32
        %dma_start3A_282 = tpu.memref_slice %arg18[%add3A_207, %dma_start3A_281] : memref<10240x64xf32, #tpu.memory_space<vmem_shared>> -> memref<128x64xf32, #tpu.memory_space<vmem_shared>>
        %dma_start3A_283 = arith.constant 0 : i32
        %dma_start3A_284 = tpu.memref_slice %arg18[%add3A_207, %dma_start3A_283] : memref<10240x64xf32, #tpu.memory_space<vmem_shared>> -> memref<128x64xf32, #tpu.memory_space<vmem_shared>>
        tpu.enqueue_dma source(%dma_start3A_284 : memref<128x64xf32, #tpu.memory_space<vmem_shared>>) target(%arg16 : memref<128x64xf32, #tpu.memory_space<vmem>>) target_semaphore(%run_scoped3A : memref<!tpu.dma_semaphore, #tpu.memory_space<semaphore_mem>>)
        %dma_wait3A_285 = arith.constant 0 : i32
        %dma_wait3A_286 = tpu.memref_slice %arg18[%add3A_207, %dma_wait3A_285] : memref<10240x64xf32, #tpu.memory_space<vmem_shared>> -> memref<128x64xf32, #tpu.memory_space<vmem_shared>>
        %dma_wait3A_287 = arith.constant 0 : i32
        %dma_wait3A_288 = tpu.memref_slice %arg18[%add3A_207, %dma_wait3A_287] : memref<10240x64xf32, #tpu.memory_space<vmem_shared>> -> memref<128x64xf32, #tpu.memory_space<vmem_shared>>
        tpu.wait_dma2 semaphore(%run_scoped3A : memref<!tpu.dma_semaphore, #tpu.memory_space<semaphore_mem>>) src(%dma_wait3A_288 : memref<128x64xf32, #tpu.memory_space<vmem_shared>>) dst(%arg16 : memref<128x64xf32, #tpu.memory_space<vmem>>)
        tpu.yield
      }) : () -> ()
      %add3A_208 = arith.addi %mul3A_0, %add3A_207 : i32
      %dma_start3A_209 = arith.constant 0 : i32
      %dma_start3A_210 = tpu.memref_slice %arg18[%add3A_207, %dma_start3A_209] : memref<10240x64xf32, #tpu.memory_space<vmem_shared>> -> memref<128x64xf32, #tpu.memory_space<vmem_shared>>
      %dma_start3A_211 = arith.constant 0 : i32
      %dma_start3A_212 = tpu.memref_slice %arg7[%add3A_208, %dma_start3A_211] : memref<20480x64xf32, #tpu.memory_space<hbm>> -> memref<128x64xf32, #tpu.memory_space<hbm>>
      tpu.enqueue_dma source(%dma_start3A_212 : memref<128x64xf32, #tpu.memory_space<hbm>>) target(%dma_start3A_210 : memref<128x64xf32, #tpu.memory_space<vmem_shared>>) target_semaphore(%arg29 : memref<!tpu.dma_semaphore, #tpu.memory_space<semaphore_mem>>)
      %scan3A_213 = arith.constant 0 : i32
      %scan3A_214 = arith.constant 128 : i32
      %scan3A_215 = arith.addi %scan3A_213, %scan3A_214 : i32
      %scan3A_216 = arith.constant 1 : i32
      scf.for %scan3A_281 = %scan3A_213 to %scan3A_215 step %scan3A_216  : i32 {
        %mul3A_282 = arith.constant 1 : i32
        %mul3A_283 = arith.muli %scan3A_281, %mul3A_282 : i32
        %add3A_284 = arith.constant 0 : i32
        %add3A_285 = arith.addi %add3A_284, %mul3A_283 : i32
        %add3A_286 = arith.constant 256 : i32
        %add3A_287 = arith.addi %add3A_286, %add3A_285 : i32
        %get3A = arith.index_cast %add3A_287 : i32 to index
        %get3A_288 = memref.load %arg19[%get3A] : memref<640xf32, #tpu.memory_space<smem>>
        %get3A_289 = arith.index_cast %add3A_285 : i32 to index
        %get3A_290 = arith.constant 0 : index
        %get3A_291 = tpu.vector_load %arg16[%get3A_289, %get3A_290] {strides = array<i32>} : memref<128x64xf32, #tpu.memory_space<vmem>>, vector<16xf32>,
        %mul3A_292 = vector.broadcast %get3A_288 : f32 to vector<16xf32>
        %mul3A_293 = arith.mulf %get3A_291, %mul3A_292 : vector<16xf32>
        %swap3A = arith.index_cast %add3A_285 : i32 to index
        %swap3A_294 = arith.constant 0 : index
        %swap3A_295 = tpu.vector_load %arg16[%swap3A, %swap3A_294] {strides = array<i32>} : memref<128x64xf32, #tpu.memory_space<vmem>>, vector<16xf32>,
        tpu.vector_store %arg16[%swap3A, %swap3A_294], %mul3A_293 {strides = array<i32>} : memref<128x64xf32, #tpu.memory_space<vmem>>, vector<16xf32>,
        %get3A_296 = arith.index_cast %add3A_285 : i32 to index
        %get3A_297 = arith.constant 16 : index
        %get3A_298 = tpu.vector_load %arg16[%get3A_296, %get3A_297] {strides = array<i32>} : memref<128x64xf32, #tpu.memory_space<vmem>>, vector<16xf32>,
        %mul3A_299 = vector.broadcast %get3A_288 : f32 to vector<16xf32>
        %mul3A_300 = arith.mulf %get3A_298, %mul3A_299 : vector<16xf32>
        %swap3A_301 = arith.index_cast %add3A_285 : i32 to index
        %swap3A_302 = arith.constant 16 : index
        %swap3A_303 = tpu.vector_load %arg16[%swap3A_301, %swap3A_302] {strides = array<i32>} : memref<128x64xf32, #tpu.memory_space<vmem>>, vector<16xf32>,
        tpu.vector_store %arg16[%swap3A_301, %swap3A_302], %mul3A_300 {strides = array<i32>} : memref<128x64xf32, #tpu.memory_space<vmem>>, vector<16xf32>,
        %get3A_304 = arith.index_cast %add3A_285 : i32 to index
        %get3A_305 = arith.constant 32 : index
        %get3A_306 = tpu.vector_load %arg16[%get3A_304, %get3A_305] {strides = array<i32>} : memref<128x64xf32, #tpu.memory_space<vmem>>, vector<16xf32>,
        %mul3A_307 = vector.broadcast %get3A_288 : f32 to vector<16xf32>
        %mul3A_308 = arith.mulf %get3A_306, %mul3A_307 : vector<16xf32>
        %swap3A_309 = arith.index_cast %add3A_285 : i32 to index
        %swap3A_310 = arith.constant 32 : index
        %swap3A_311 = tpu.vector_load %arg16[%swap3A_309, %swap3A_310] {strides = array<i32>} : memref<128x64xf32, #tpu.memory_space<vmem>>, vector<16xf32>,
        tpu.vector_store %arg16[%swap3A_309, %swap3A_310], %mul3A_308 {strides = array<i32>} : memref<128x64xf32, #tpu.memory_space<vmem>>, vector<16xf32>,
        %get3A_312 = arith.index_cast %add3A_285 : i32 to index
        %get3A_313 = arith.constant 48 : index
        %get3A_314 = tpu.vector_load %arg16[%get3A_312, %get3A_313] {strides = array<i32>} : memref<128x64xf32, #tpu.memory_space<vmem>>, vector<16xf32>,
        %mul3A_315 = vector.broadcast %get3A_288 : f32 to vector<16xf32>
        %mul3A_316 = arith.mulf %get3A_314, %mul3A_315 : vector<16xf32>
        %swap3A_317 = arith.index_cast %add3A_285 : i32 to index
        %swap3A_318 = arith.constant 48 : index
        %swap3A_319 = tpu.vector_load %arg16[%swap3A_317, %swap3A_318] {strides = array<i32>} : memref<128x64xf32, #tpu.memory_space<vmem>>, vector<16xf32>,
        tpu.vector_store %arg16[%swap3A_317, %swap3A_318], %mul3A_316 {strides = array<i32>} : memref<128x64xf32, #tpu.memory_space<vmem>>, vector<16xf32>,
      }
      %scan3A_217 = arith.constant 128 : i32
      "tpu.region"() ({
        %run_scoped3A = tpu.sem_alloc : memref<!tpu.dma_semaphore, #tpu.memory_space<semaphore_mem>>
        %dma_start3A_281 = arith.constant 0 : i32
        %dma_start3A_282 = tpu.memref_slice %arg17[%add3A_207, %dma_start3A_281] : memref<10240x64xf32, #tpu.memory_space<vmem_shared>> -> memref<128x64xf32, #tpu.memory_space<vmem_shared>>
        %dma_start3A_283 = arith.constant 0 : i32
        %dma_start3A_284 = tpu.memref_slice %arg17[%add3A_207, %dma_start3A_283] : memref<10240x64xf32, #tpu.memory_space<vmem_shared>> -> memref<128x64xf32, #tpu.memory_space<vmem_shared>>
        tpu.enqueue_dma source(%arg16 : memref<128x64xf32, #tpu.memory_space<vmem>>) target(%dma_start3A_284 : memref<128x64xf32, #tpu.memory_space<vmem_shared>>) target_semaphore(%run_scoped3A : memref<!tpu.dma_semaphore, #tpu.memory_space<semaphore_mem>>)
        %dma_wait3A_285 = arith.constant 0 : i32
        %dma_wait3A_286 = tpu.memref_slice %arg17[%add3A_207, %dma_wait3A_285] : memref<10240x64xf32, #tpu.memory_space<vmem_shared>> -> memref<128x64xf32, #tpu.memory_space<vmem_shared>>
        %dma_wait3A_287 = arith.constant 0 : i32
        %dma_wait3A_288 = tpu.memref_slice %arg17[%add3A_207, %dma_wait3A_287] : memref<10240x64xf32, #tpu.memory_space<vmem_shared>> -> memref<128x64xf32, #tpu.memory_space<vmem_shared>>
        tpu.wait_dma2 semaphore(%run_scoped3A : memref<!tpu.dma_semaphore, #tpu.memory_space<semaphore_mem>>) src(%arg16 : memref<128x64xf32, #tpu.memory_space<vmem>>) dst(%dma_wait3A_288 : memref<128x64xf32, #tpu.memory_space<vmem_shared>>)
        tpu.yield
      }) : () -> ()
      %add3A_218 = arith.addi %mul3A_0, %add3A_207 : i32
      "tpu.region"() ({
        %run_scoped3A = tpu.sem_alloc : memref<!tpu.dma_semaphore, #tpu.memory_space<semaphore_mem>>
        %dma_start3A_281 = arith.constant 0 : i32
        %dma_start3A_282 = tpu.memref_slice %arg6[%add3A_218, %dma_start3A_281] : memref<20480x64xf32, #tpu.memory_space<hbm>> -> memref<128x64xf32, #tpu.memory_space<hbm>>
        %dma_start3A_283 = arith.constant 0 : i32
        %dma_start3A_284 = tpu.memref_slice %arg6[%add3A_218, %dma_start3A_283] : memref<20480x64xf32, #tpu.memory_space<hbm>> -> memref<128x64xf32, #tpu.memory_space<hbm>>
        tpu.enqueue_dma source(%arg16 : memref<128x64xf32, #tpu.memory_space<vmem>>) target(%dma_start3A_284 : memref<128x64xf32, #tpu.memory_space<hbm>>) target_semaphore(%run_scoped3A : memref<!tpu.dma_semaphore, #tpu.memory_space<semaphore_mem>>)
        %dma_wait3A_285 = arith.constant 0 : i32
        %dma_wait3A_286 = tpu.memref_slice %arg6[%add3A_218, %dma_wait3A_285] : memref<20480x64xf32, #tpu.memory_space<hbm>> -> memref<128x64xf32, #tpu.memory_space<hbm>>
        %dma_wait3A_287 = arith.constant 0 : i32
        %dma_wait3A_288 = tpu.memref_slice %arg6[%add3A_218, %dma_wait3A_287] : memref<20480x64xf32, #tpu.memory_space<hbm>> -> memref<128x64xf32, #tpu.memory_space<hbm>>
        tpu.wait_dma2 semaphore(%run_scoped3A : memref<!tpu.dma_semaphore, #tpu.memory_space<semaphore_mem>>) src(%arg16 : memref<128x64xf32, #tpu.memory_space<vmem>>) dst(%dma_wait3A_288 : memref<128x64xf32, #tpu.memory_space<hbm>>)
        tpu.yield
      }) : () -> ()
      %add3A_219 = arith.constant 384 : i32
      %add3A_220 = arith.addi %mul3A_2, %add3A_219 : i32
      "tpu.region"() ({
        %run_scoped3A = tpu.sem_alloc : memref<!tpu.dma_semaphore, #tpu.memory_space<semaphore_mem>>
        %dma_start3A_281 = arith.constant 0 : i32
        %dma_start3A_282 = tpu.memref_slice %arg18[%add3A_220, %dma_start3A_281] : memref<10240x64xf32, #tpu.memory_space<vmem_shared>> -> memref<128x64xf32, #tpu.memory_space<vmem_shared>>
        %dma_start3A_283 = arith.constant 0 : i32
        %dma_start3A_284 = tpu.memref_slice %arg18[%add3A_220, %dma_start3A_283] : memref<10240x64xf32, #tpu.memory_space<vmem_shared>> -> memref<128x64xf32, #tpu.memory_space<vmem_shared>>
        tpu.enqueue_dma source(%dma_start3A_284 : memref<128x64xf32, #tpu.memory_space<vmem_shared>>) target(%arg16 : memref<128x64xf32, #tpu.memory_space<vmem>>) target_semaphore(%run_scoped3A : memref<!tpu.dma_semaphore, #tpu.memory_space<semaphore_mem>>)
        %dma_wait3A_285 = arith.constant 0 : i32
        %dma_wait3A_286 = tpu.memref_slice %arg18[%add3A_220, %dma_wait3A_285] : memref<10240x64xf32, #tpu.memory_space<vmem_shared>> -> memref<128x64xf32, #tpu.memory_space<vmem_shared>>
        %dma_wait3A_287 = arith.constant 0 : i32
        %dma_wait3A_288 = tpu.memref_slice %arg18[%add3A_220, %dma_wait3A_287] : memref<10240x64xf32, #tpu.memory_space<vmem_shared>> -> memref<128x64xf32, #tpu.memory_space<vmem_shared>>
        tpu.wait_dma2 semaphore(%run_scoped3A : memref<!tpu.dma_semaphore, #tpu.memory_space<semaphore_mem>>) src(%dma_wait3A_288 : memref<128x64xf32, #tpu.memory_space<vmem_shared>>) dst(%arg16 : memref<128x64xf32, #tpu.memory_space<vmem>>)
        tpu.yield
      }) : () -> ()
      %add3A_221 = arith.addi %mul3A_0, %add3A_220 : i32
      %dma_start3A_222 = arith.constant 0 : i32
      %dma_start3A_223 = tpu.memref_slice %arg18[%add3A_220, %dma_start3A_222] : memref<10240x64xf32, #tpu.memory_space<vmem_shared>> -> memref<128x64xf32, #tpu.memory_space<vmem_shared>>
      %dma_start3A_224 = arith.constant 0 : i32
      %dma_start3A_225 = tpu.memref_slice %arg7[%add3A_221, %dma_start3A_224] : memref<20480x64xf32, #tpu.memory_space<hbm>> -> memref<128x64xf32, #tpu.memory_space<hbm>>
      tpu.enqueue_dma source(%dma_start3A_225 : memref<128x64xf32, #tpu.memory_space<hbm>>) target(%dma_start3A_223 : memref<128x64xf32, #tpu.memory_space<vmem_shared>>) target_semaphore(%arg29 : memref<!tpu.dma_semaphore, #tpu.memory_space<semaphore_mem>>)
      %scan3A_226 = arith.constant 0 : i32
      %scan3A_227 = arith.constant 128 : i32
      %scan3A_228 = arith.addi %scan3A_226, %scan3A_227 : i32
      %scan3A_229 = arith.constant 1 : i32
      scf.for %scan3A_281 = %scan3A_226 to %scan3A_228 step %scan3A_229  : i32 {
        %mul3A_282 = arith.constant 1 : i32
        %mul3A_283 = arith.muli %scan3A_281, %mul3A_282 : i32
        %add3A_284 = arith.constant 0 : i32
        %add3A_285 = arith.addi %add3A_284, %mul3A_283 : i32
        %add3A_286 = arith.constant 384 : i32
        %add3A_287 = arith.addi %add3A_286, %add3A_285 : i32
        %get3A = arith.index_cast %add3A_287 : i32 to index
        %get3A_288 = memref.load %arg19[%get3A] : memref<640xf32, #tpu.memory_space<smem>>
        %get3A_289 = arith.index_cast %add3A_285 : i32 to index
        %get3A_290 = arith.constant 0 : index
        %get3A_291 = tpu.vector_load %arg16[%get3A_289, %get3A_290] {strides = array<i32>} : memref<128x64xf32, #tpu.memory_space<vmem>>, vector<16xf32>,
        %mul3A_292 = vector.broadcast %get3A_288 : f32 to vector<16xf32>
        %mul3A_293 = arith.mulf %get3A_291, %mul3A_292 : vector<16xf32>
        %swap3A = arith.index_cast %add3A_285 : i32 to index
        %swap3A_294 = arith.constant 0 : index
        %swap3A_295 = tpu.vector_load %arg16[%swap3A, %swap3A_294] {strides = array<i32>} : memref<128x64xf32, #tpu.memory_space<vmem>>, vector<16xf32>,
        tpu.vector_store %arg16[%swap3A, %swap3A_294], %mul3A_293 {strides = array<i32>} : memref<128x64xf32, #tpu.memory_space<vmem>>, vector<16xf32>,
        %get3A_296 = arith.index_cast %add3A_285 : i32 to index
        %get3A_297 = arith.constant 16 : index
        %get3A_298 = tpu.vector_load %arg16[%get3A_296, %get3A_297] {strides = array<i32>} : memref<128x64xf32, #tpu.memory_space<vmem>>, vector<16xf32>,
        %mul3A_299 = vector.broadcast %get3A_288 : f32 to vector<16xf32>
        %mul3A_300 = arith.mulf %get3A_298, %mul3A_299 : vector<16xf32>
        %swap3A_301 = arith.index_cast %add3A_285 : i32 to index
        %swap3A_302 = arith.constant 16 : index
        %swap3A_303 = tpu.vector_load %arg16[%swap3A_301, %swap3A_302] {strides = array<i32>} : memref<128x64xf32, #tpu.memory_space<vmem>>, vector<16xf32>,
        tpu.vector_store %arg16[%swap3A_301, %swap3A_302], %mul3A_300 {strides = array<i32>} : memref<128x64xf32, #tpu.memory_space<vmem>>, vector<16xf32>,
        %get3A_304 = arith.index_cast %add3A_285 : i32 to index
        %get3A_305 = arith.constant 32 : index
        %get3A_306 = tpu.vector_load %arg16[%get3A_304, %get3A_305] {strides = array<i32>} : memref<128x64xf32, #tpu.memory_space<vmem>>, vector<16xf32>,
        %mul3A_307 = vector.broadcast %get3A_288 : f32 to vector<16xf32>
        %mul3A_308 = arith.mulf %get3A_306, %mul3A_307 : vector<16xf32>
        %swap3A_309 = arith.index_cast %add3A_285 : i32 to index
        %swap3A_310 = arith.constant 32 : index
        %swap3A_311 = tpu.vector_load %arg16[%swap3A_309, %swap3A_310] {strides = array<i32>} : memref<128x64xf32, #tpu.memory_space<vmem>>, vector<16xf32>,
        tpu.vector_store %arg16[%swap3A_309, %swap3A_310], %mul3A_308 {strides = array<i32>} : memref<128x64xf32, #tpu.memory_space<vmem>>, vector<16xf32>,
        %get3A_312 = arith.index_cast %add3A_285 : i32 to index
        %get3A_313 = arith.constant 48 : index
        %get3A_314 = tpu.vector_load %arg16[%get3A_312, %get3A_313] {strides = array<i32>} : memref<128x64xf32, #tpu.memory_space<vmem>>, vector<16xf32>,
        %mul3A_315 = vector.broadcast %get3A_288 : f32 to vector<16xf32>
        %mul3A_316 = arith.mulf %get3A_314, %mul3A_315 : vector<16xf32>
        %swap3A_317 = arith.index_cast %add3A_285 : i32 to index
        %swap3A_318 = arith.constant 48 : index
        %swap3A_319 = tpu.vector_load %arg16[%swap3A_317, %swap3A_318] {strides = array<i32>} : memref<128x64xf32, #tpu.memory_space<vmem>>, vector<16xf32>,
        tpu.vector_store %arg16[%swap3A_317, %swap3A_318], %mul3A_316 {strides = array<i32>} : memref<128x64xf32, #tpu.memory_space<vmem>>, vector<16xf32>,
      }
      %scan3A_230 = arith.constant 128 : i32
      "tpu.region"() ({
        %run_scoped3A = tpu.sem_alloc : memref<!tpu.dma_semaphore, #tpu.memory_space<semaphore_mem>>
        %dma_start3A_281 = arith.constant 0 : i32
        %dma_start3A_282 = tpu.memref_slice %arg17[%add3A_220, %dma_start3A_281] : memref<10240x64xf32, #tpu.memory_space<vmem_shared>> -> memref<128x64xf32, #tpu.memory_space<vmem_shared>>
        %dma_start3A_283 = arith.constant 0 : i32
        %dma_start3A_284 = tpu.memref_slice %arg17[%add3A_220, %dma_start3A_283] : memref<10240x64xf32, #tpu.memory_space<vmem_shared>> -> memref<128x64xf32, #tpu.memory_space<vmem_shared>>
        tpu.enqueue_dma source(%arg16 : memref<128x64xf32, #tpu.memory_space<vmem>>) target(%dma_start3A_284 : memref<128x64xf32, #tpu.memory_space<vmem_shared>>) target_semaphore(%run_scoped3A : memref<!tpu.dma_semaphore, #tpu.memory_space<semaphore_mem>>)
        %dma_wait3A_285 = arith.constant 0 : i32
        %dma_wait3A_286 = tpu.memref_slice %arg17[%add3A_220, %dma_wait3A_285] : memref<10240x64xf32, #tpu.memory_space<vmem_shared>> -> memref<128x64xf32, #tpu.memory_space<vmem_shared>>
        %dma_wait3A_287 = arith.constant 0 : i32
        %dma_wait3A_288 = tpu.memref_slice %arg17[%add3A_220, %dma_wait3A_287] : memref<10240x64xf32, #tpu.memory_space<vmem_shared>> -> memref<128x64xf32, #tpu.memory_space<vmem_shared>>
        tpu.wait_dma2 semaphore(%run_scoped3A : memref<!tpu.dma_semaphore, #tpu.memory_space<semaphore_mem>>) src(%arg16 : memref<128x64xf32, #tpu.memory_space<vmem>>) dst(%dma_wait3A_288 : memref<128x64xf32, #tpu.memory_space<vmem_shared>>)
        tpu.yield
      }) : () -> ()
      %add3A_231 = arith.addi %mul3A_0, %add3A_220 : i32
      "tpu.region"() ({
        %run_scoped3A = tpu.sem_alloc : memref<!tpu.dma_semaphore, #tpu.memory_space<semaphore_mem>>
        %dma_start3A_281 = arith.constant 0 : i32
        %dma_start3A_282 = tpu.memref_slice %arg6[%add3A_231, %dma_start3A_281] : memref<20480x64xf32, #tpu.memory_space<hbm>> -> memref<128x64xf32, #tpu.memory_space<hbm>>
        %dma_start3A_283 = arith.constant 0 : i32
        %dma_start3A_284 = tpu.memref_slice %arg6[%add3A_231, %dma_start3A_283] : memref<20480x64xf32, #tpu.memory_space<hbm>> -> memref<128x64xf32, #tpu.memory_space<hbm>>
        tpu.enqueue_dma source(%arg16 : memref<128x64xf32, #tpu.memory_space<vmem>>) target(%dma_start3A_284 : memref<128x64xf32, #tpu.memory_space<hbm>>) target_semaphore(%run_scoped3A : memref<!tpu.dma_semaphore, #tpu.memory_space<semaphore_mem>>)
        %dma_wait3A_285 = arith.constant 0 : i32
        %dma_wait3A_286 = tpu.memref_slice %arg6[%add3A_231, %dma_wait3A_285] : memref<20480x64xf32, #tpu.memory_space<hbm>> -> memref<128x64xf32, #tpu.memory_space<hbm>>
        %dma_wait3A_287 = arith.constant 0 : i32
        %dma_wait3A_288 = tpu.memref_slice %arg6[%add3A_231, %dma_wait3A_287] : memref<20480x64xf32, #tpu.memory_space<hbm>> -> memref<128x64xf32, #tpu.memory_space<hbm>>
        tpu.wait_dma2 semaphore(%run_scoped3A : memref<!tpu.dma_semaphore, #tpu.memory_space<semaphore_mem>>) src(%arg16 : memref<128x64xf32, #tpu.memory_space<vmem>>) dst(%dma_wait3A_288 : memref<128x64xf32, #tpu.memory_space<hbm>>)
        tpu.yield
      }) : () -> ()
      %add3A_232 = arith.constant 512 : i32
      %add3A_233 = arith.addi %mul3A_2, %add3A_232 : i32
      "tpu.region"() ({
        %run_scoped3A = tpu.sem_alloc : memref<!tpu.dma_semaphore, #tpu.memory_space<semaphore_mem>>
        %dma_start3A_281 = arith.constant 0 : i32
        %dma_start3A_282 = tpu.memref_slice %arg18[%add3A_233, %dma_start3A_281] : memref<10240x64xf32, #tpu.memory_space<vmem_shared>> -> memref<128x64xf32, #tpu.memory_space<vmem_shared>>
        %dma_start3A_283 = arith.constant 0 : i32
        %dma_start3A_284 = tpu.memref_slice %arg18[%add3A_233, %dma_start3A_283] : memref<10240x64xf32, #tpu.memory_space<vmem_shared>> -> memref<128x64xf32, #tpu.memory_space<vmem_shared>>
        tpu.enqueue_dma source(%dma_start3A_284 : memref<128x64xf32, #tpu.memory_space<vmem_shared>>) target(%arg16 : memref<128x64xf32, #tpu.memory_space<vmem>>) target_semaphore(%run_scoped3A : memref<!tpu.dma_semaphore, #tpu.memory_space<semaphore_mem>>)
        %dma_wait3A_285 = arith.constant 0 : i32
        %dma_wait3A_286 = tpu.memref_slice %arg18[%add3A_233, %dma_wait3A_285] : memref<10240x64xf32, #tpu.memory_space<vmem_shared>> -> memref<128x64xf32, #tpu.memory_space<vmem_shared>>
        %dma_wait3A_287 = arith.constant 0 : i32
        %dma_wait3A_288 = tpu.memref_slice %arg18[%add3A_233, %dma_wait3A_287] : memref<10240x64xf32, #tpu.memory_space<vmem_shared>> -> memref<128x64xf32, #tpu.memory_space<vmem_shared>>
        tpu.wait_dma2 semaphore(%run_scoped3A : memref<!tpu.dma_semaphore, #tpu.memory_space<semaphore_mem>>) src(%dma_wait3A_288 : memref<128x64xf32, #tpu.memory_space<vmem_shared>>) dst(%arg16 : memref<128x64xf32, #tpu.memory_space<vmem>>)
        tpu.yield
      }) : () -> ()
      %add3A_234 = arith.addi %mul3A_0, %add3A_233 : i32
      %dma_start3A_235 = arith.constant 0 : i32
      %dma_start3A_236 = tpu.memref_slice %arg18[%add3A_233, %dma_start3A_235] : memref<10240x64xf32, #tpu.memory_space<vmem_shared>> -> memref<128x64xf32, #tpu.memory_space<vmem_shared>>
      %dma_start3A_237 = arith.constant 0 : i32
      %dma_start3A_238 = tpu.memref_slice %arg7[%add3A_234, %dma_start3A_237] : memref<20480x64xf32, #tpu.memory_space<hbm>> -> memref<128x64xf32, #tpu.memory_space<hbm>>
      tpu.enqueue_dma source(%dma_start3A_238 : memref<128x64xf32, #tpu.memory_space<hbm>>) target(%dma_start3A_236 : memref<128x64xf32, #tpu.memory_space<vmem_shared>>) target_semaphore(%arg29 : memref<!tpu.dma_semaphore, #tpu.memory_space<semaphore_mem>>)
      %scan3A_239 = arith.constant 0 : i32
      %scan3A_240 = arith.constant 128 : i32
      %scan3A_241 = arith.addi %scan3A_239, %scan3A_240 : i32
      %scan3A_242 = arith.constant 1 : i32
      scf.for %scan3A_281 = %scan3A_239 to %scan3A_241 step %scan3A_242  : i32 {
        %mul3A_282 = arith.constant 1 : i32
        %mul3A_283 = arith.muli %scan3A_281, %mul3A_282 : i32
        %add3A_284 = arith.constant 0 : i32
        %add3A_285 = arith.addi %add3A_284, %mul3A_283 : i32
        %add3A_286 = arith.constant 512 : i32
        %add3A_287 = arith.addi %add3A_286, %add3A_285 : i32
        %get3A = arith.index_cast %add3A_287 : i32 to index
        %get3A_288 = memref.load %arg19[%get3A] : memref<640xf32, #tpu.memory_space<smem>>
        %get3A_289 = arith.index_cast %add3A_285 : i32 to index
        %get3A_290 = arith.constant 0 : index
        %get3A_291 = tpu.vector_load %arg16[%get3A_289, %get3A_290] {strides = array<i32>} : memref<128x64xf32, #tpu.memory_space<vmem>>, vector<16xf32>,
        %mul3A_292 = vector.broadcast %get3A_288 : f32 to vector<16xf32>
        %mul3A_293 = arith.mulf %get3A_291, %mul3A_292 : vector<16xf32>
        %swap3A = arith.index_cast %add3A_285 : i32 to index
        %swap3A_294 = arith.constant 0 : index
        %swap3A_295 = tpu.vector_load %arg16[%swap3A, %swap3A_294] {strides = array<i32>} : memref<128x64xf32, #tpu.memory_space<vmem>>, vector<16xf32>,
        tpu.vector_store %arg16[%swap3A, %swap3A_294], %mul3A_293 {strides = array<i32>} : memref<128x64xf32, #tpu.memory_space<vmem>>, vector<16xf32>,
        %get3A_296 = arith.index_cast %add3A_285 : i32 to index
        %get3A_297 = arith.constant 16 : index
        %get3A_298 = tpu.vector_load %arg16[%get3A_296, %get3A_297] {strides = array<i32>} : memref<128x64xf32, #tpu.memory_space<vmem>>, vector<16xf32>,
        %mul3A_299 = vector.broadcast %get3A_288 : f32 to vector<16xf32>
        %mul3A_300 = arith.mulf %get3A_298, %mul3A_299 : vector<16xf32>
        %swap3A_301 = arith.index_cast %add3A_285 : i32 to index
        %swap3A_302 = arith.constant 16 : index
        %swap3A_303 = tpu.vector_load %arg16[%swap3A_301, %swap3A_302] {strides = array<i32>} : memref<128x64xf32, #tpu.memory_space<vmem>>, vector<16xf32>,
        tpu.vector_store %arg16[%swap3A_301, %swap3A_302], %mul3A_300 {strides = array<i32>} : memref<128x64xf32, #tpu.memory_space<vmem>>, vector<16xf32>,
        %get3A_304 = arith.index_cast %add3A_285 : i32 to index
        %get3A_305 = arith.constant 32 : index
        %get3A_306 = tpu.vector_load %arg16[%get3A_304, %get3A_305] {strides = array<i32>} : memref<128x64xf32, #tpu.memory_space<vmem>>, vector<16xf32>,
        %mul3A_307 = vector.broadcast %get3A_288 : f32 to vector<16xf32>
        %mul3A_308 = arith.mulf %get3A_306, %mul3A_307 : vector<16xf32>
        %swap3A_309 = arith.index_cast %add3A_285 : i32 to index
        %swap3A_310 = arith.constant 32 : index
        %swap3A_311 = tpu.vector_load %arg16[%swap3A_309, %swap3A_310] {strides = array<i32>} : memref<128x64xf32, #tpu.memory_space<vmem>>, vector<16xf32>,
        tpu.vector_store %arg16[%swap3A_309, %swap3A_310], %mul3A_308 {strides = array<i32>} : memref<128x64xf32, #tpu.memory_space<vmem>>, vector<16xf32>,
        %get3A_312 = arith.index_cast %add3A_285 : i32 to index
        %get3A_313 = arith.constant 48 : index
        %get3A_314 = tpu.vector_load %arg16[%get3A_312, %get3A_313] {strides = array<i32>} : memref<128x64xf32, #tpu.memory_space<vmem>>, vector<16xf32>,
        %mul3A_315 = vector.broadcast %get3A_288 : f32 to vector<16xf32>
        %mul3A_316 = arith.mulf %get3A_314, %mul3A_315 : vector<16xf32>
        %swap3A_317 = arith.index_cast %add3A_285 : i32 to index
        %swap3A_318 = arith.constant 48 : index
        %swap3A_319 = tpu.vector_load %arg16[%swap3A_317, %swap3A_318] {strides = array<i32>} : memref<128x64xf32, #tpu.memory_space<vmem>>, vector<16xf32>,
        tpu.vector_store %arg16[%swap3A_317, %swap3A_318], %mul3A_316 {strides = array<i32>} : memref<128x64xf32, #tpu.memory_space<vmem>>, vector<16xf32>,
      }
      %scan3A_243 = arith.constant 128 : i32
      "tpu.region"() ({
        %run_scoped3A = tpu.sem_alloc : memref<!tpu.dma_semaphore, #tpu.memory_space<semaphore_mem>>
        %dma_start3A_281 = arith.constant 0 : i32
        %dma_start3A_282 = tpu.memref_slice %arg17[%add3A_233, %dma_start3A_281] : memref<10240x64xf32, #tpu.memory_space<vmem_shared>> -> memref<128x64xf32, #tpu.memory_space<vmem_shared>>
        %dma_start3A_283 = arith.constant 0 : i32
        %dma_start3A_284 = tpu.memref_slice %arg17[%add3A_233, %dma_start3A_283] : memref<10240x64xf32, #tpu.memory_space<vmem_shared>> -> memref<128x64xf32, #tpu.memory_space<vmem_shared>>
        tpu.enqueue_dma source(%arg16 : memref<128x64xf32, #tpu.memory_space<vmem>>) target(%dma_start3A_284 : memref<128x64xf32, #tpu.memory_space<vmem_shared>>) target_semaphore(%run_scoped3A : memref<!tpu.dma_semaphore, #tpu.memory_space<semaphore_mem>>)
        %dma_wait3A_285 = arith.constant 0 : i32
        %dma_wait3A_286 = tpu.memref_slice %arg17[%add3A_233, %dma_wait3A_285] : memref<10240x64xf32, #tpu.memory_space<vmem_shared>> -> memref<128x64xf32, #tpu.memory_space<vmem_shared>>
        %dma_wait3A_287 = arith.constant 0 : i32
        %dma_wait3A_288 = tpu.memref_slice %arg17[%add3A_233, %dma_wait3A_287] : memref<10240x64xf32, #tpu.memory_space<vmem_shared>> -> memref<128x64xf32, #tpu.memory_space<vmem_shared>>
        tpu.wait_dma2 semaphore(%run_scoped3A : memref<!tpu.dma_semaphore, #tpu.memory_space<semaphore_mem>>) src(%arg16 : memref<128x64xf32, #tpu.memory_space<vmem>>) dst(%dma_wait3A_288 : memref<128x64xf32, #tpu.memory_space<vmem_shared>>)
        tpu.yield
      }) : () -> ()
      %add3A_244 = arith.addi %mul3A_0, %add3A_233 : i32
      "tpu.region"() ({
        %run_scoped3A = tpu.sem_alloc : memref<!tpu.dma_semaphore, #tpu.memory_space<semaphore_mem>>
        %dma_start3A_281 = arith.constant 0 : i32
        %dma_start3A_282 = tpu.memref_slice %arg6[%add3A_244, %dma_start3A_281] : memref<20480x64xf32, #tpu.memory_space<hbm>> -> memref<128x64xf32, #tpu.memory_space<hbm>>
        %dma_start3A_283 = arith.constant 0 : i32
        %dma_start3A_284 = tpu.memref_slice %arg6[%add3A_244, %dma_start3A_283] : memref<20480x64xf32, #tpu.memory_space<hbm>> -> memref<128x64xf32, #tpu.memory_space<hbm>>
        tpu.enqueue_dma source(%arg16 : memref<128x64xf32, #tpu.memory_space<vmem>>) target(%dma_start3A_284 : memref<128x64xf32, #tpu.memory_space<hbm>>) target_semaphore(%run_scoped3A : memref<!tpu.dma_semaphore, #tpu.memory_space<semaphore_mem>>)
        %dma_wait3A_285 = arith.constant 0 : i32
        %dma_wait3A_286 = tpu.memref_slice %arg6[%add3A_244, %dma_wait3A_285] : memref<20480x64xf32, #tpu.memory_space<hbm>> -> memref<128x64xf32, #tpu.memory_space<hbm>>
        %dma_wait3A_287 = arith.constant 0 : i32
        %dma_wait3A_288 = tpu.memref_slice %arg6[%add3A_244, %dma_wait3A_287] : memref<20480x64xf32, #tpu.memory_space<hbm>> -> memref<128x64xf32, #tpu.memory_space<hbm>>
        tpu.wait_dma2 semaphore(%run_scoped3A : memref<!tpu.dma_semaphore, #tpu.memory_space<semaphore_mem>>) src(%arg16 : memref<128x64xf32, #tpu.memory_space<vmem>>) dst(%dma_wait3A_288 : memref<128x64xf32, #tpu.memory_space<hbm>>)
        tpu.yield
      }) : () -> ()
      %add3A_245 = arith.constant 0 : i32
      %add3A_246 = arith.addi %mul3A_2, %add3A_245 : i32
      %add3A_247 = arith.addi %mul3A_0, %add3A_246 : i32
      %dma_wait3A_248 = arith.constant 0 : i32
      %dma_wait3A_249 = tpu.memref_slice %arg18[%add3A_246, %dma_wait3A_248] : memref<10240x64xf32, #tpu.memory_space<vmem_shared>> -> memref<128x64xf32, #tpu.memory_space<vmem_shared>>
      %dma_wait3A_250 = arith.constant 0 : i32
      %dma_wait3A_251 = tpu.memref_slice %arg7[%add3A_247, %dma_wait3A_250] : memref<20480x64xf32, #tpu.memory_space<hbm>> -> memref<128x64xf32, #tpu.memory_space<hbm>>
      tpu.wait_dma2 semaphore(%arg29 : memref<!tpu.dma_semaphore, #tpu.memory_space<semaphore_mem>>) src(%dma_wait3A_251 : memref<128x64xf32, #tpu.memory_space<hbm>>) dst(%dma_wait3A_249 : memref<128x64xf32, #tpu.memory_space<vmem_shared>>)
      %add3A_252 = arith.constant 128 : i32
      %add3A_253 = arith.addi %mul3A_2, %add3A_252 : i32
      %add3A_254 = arith.addi %mul3A_0, %add3A_253 : i32
      %dma_wait3A_255 = arith.constant 0 : i32
      %dma_wait3A_256 = tpu.memref_slice %arg18[%add3A_253, %dma_wait3A_255] : memref<10240x64xf32, #tpu.memory_space<vmem_shared>> -> memref<128x64xf32, #tpu.memory_space<vmem_shared>>
      %dma_wait3A_257 = arith.constant 0 : i32
      %dma_wait3A_258 = tpu.memref_slice %arg7[%add3A_254, %dma_wait3A_257] : memref<20480x64xf32, #tpu.memory_space<hbm>> -> memref<128x64xf32, #tpu.memory_space<hbm>>
      tpu.wait_dma2 semaphore(%arg29 : memref<!tpu.dma_semaphore, #tpu.memory_space<semaphore_mem>>) src(%dma_wait3A_258 : memref<128x64xf32, #tpu.memory_space<hbm>>) dst(%dma_wait3A_256 : memref<128x64xf32, #tpu.memory_space<vmem_shared>>)
      %add3A_259 = arith.constant 256 : i32
      %add3A_260 = arith.addi %mul3A_2, %add3A_259 : i32
      %add3A_261 = arith.addi %mul3A_0, %add3A_260 : i32
      %dma_wait3A_262 = arith.constant 0 : i32
      %dma_wait3A_263 = tpu.memref_slice %arg18[%add3A_260, %dma_wait3A_262] : memref<10240x64xf32, #tpu.memory_space<vmem_shared>> -> memref<128x64xf32, #tpu.memory_space<vmem_shared>>
      %dma_wait3A_264 = arith.constant 0 : i32
      %dma_wait3A_265 = tpu.memref_slice %arg7[%add3A_261, %dma_wait3A_264] : memref<20480x64xf32, #tpu.memory_space<hbm>> -> memref<128x64xf32, #tpu.memory_space<hbm>>
      tpu.wait_dma2 semaphore(%arg29 : memref<!tpu.dma_semaphore, #tpu.memory_space<semaphore_mem>>) src(%dma_wait3A_265 : memref<128x64xf32, #tpu.memory_space<hbm>>) dst(%dma_wait3A_263 : memref<128x64xf32, #tpu.memory_space<vmem_shared>>)
      %add3A_266 = arith.constant 384 : i32
      %add3A_267 = arith.addi %mul3A_2, %add3A_266 : i32
      %add3A_268 = arith.addi %mul3A_0, %add3A_267 : i32
      %dma_wait3A_269 = arith.constant 0 : i32
      %dma_wait3A_270 = tpu.memref_slice %arg18[%add3A_267, %dma_wait3A_269] : memref<10240x64xf32, #tpu.memory_space<vmem_shared>> -> memref<128x64xf32, #tpu.memory_space<vmem_shared>>
      %dma_wait3A_271 = arith.constant 0 : i32
      %dma_wait3A_272 = tpu.memref_slice %arg7[%add3A_268, %dma_wait3A_271] : memref<20480x64xf32, #tpu.memory_space<hbm>> -> memref<128x64xf32, #tpu.memory_space<hbm>>
      tpu.wait_dma2 semaphore(%arg29 : memref<!tpu.dma_semaphore, #tpu.memory_space<semaphore_mem>>) src(%dma_wait3A_272 : memref<128x64xf32, #tpu.memory_space<hbm>>) dst(%dma_wait3A_270 : memref<128x64xf32, #tpu.memory_space<vmem_shared>>)
      %add3A_273 = arith.constant 512 : i32
      %add3A_274 = arith.addi %mul3A_2, %add3A_273 : i32
      %add3A_275 = arith.addi %mul3A_0, %add3A_274 : i32
      %dma_wait3A_276 = arith.constant 0 : i32
      %dma_wait3A_277 = tpu.memref_slice %arg18[%add3A_274, %dma_wait3A_276] : memref<10240x64xf32, #tpu.memory_space<vmem_shared>> -> memref<128x64xf32, #tpu.memory_space<vmem_shared>>
      %dma_wait3A_278 = arith.constant 0 : i32
      %dma_wait3A_279 = tpu.memref_slice %arg7[%add3A_275, %dma_wait3A_278] : memref<20480x64xf32, #tpu.memory_space<hbm>> -> memref<128x64xf32, #tpu.memory_space<hbm>>
      tpu.wait_dma2 semaphore(%arg29 : memref<!tpu.dma_semaphore, #tpu.memory_space<semaphore_mem>>) src(%dma_wait3A_279 : memref<128x64xf32, #tpu.memory_space<hbm>>) dst(%dma_wait3A_277 : memref<128x64xf32, #tpu.memory_space<vmem_shared>>)
      %barrier3A_280 = arith.constant 0 : index
      tpu.barrier barrier_id(%barrier3A_280)
    }
    %scan3A_142 = arith.constant 10 : i32
    return
  }
}

module attributes {stable_mosaic.version = 14 : i64} {
  func.func @_tc_pre(%arg0: memref<10000x128xf32, #tpu.memory_space<vmem>>, %arg1: memref<128x128xf32, #tpu.memory_space<vmem>>, %arg2: memref<128xf32, #tpu.memory_space<vmem>>, %arg3: memref<4x10000xf32, #tpu.memory_space<vmem>>, %arg4: memref<2x10240x64xf32, #tpu.memory_space<vmem>>, %arg5: memref<2x10240x64xf32, #tpu.memory_space<vmem>>, %arg6: memref<4x128xf32, #tpu.memory_space<vmem>>, %arg7: memref<4x128xf32, #tpu.memory_space<vmem>>) attributes {dimension_semantics = [], scalar_prefetch = 0 : i64, scratch_operands = 0 : i64, tpu.core_type = #tpu.core_type<tc>} {
    %get3A = arith.constant 0 : index
    %get3A_0 = arith.constant 0 : index
    %get3A_1 = vector.load %arg0[%get3A, %get3A_0] : memref<10000x128xf32, #tpu.memory_space<vmem>>, vector<10000x128xf32>
    %get3A_2 = arith.constant 0 : index
    %get3A_3 = arith.constant 0 : index
    %get3A_4 = vector.load %arg1[%get3A_2, %get3A_3] : memref<128x128xf32, #tpu.memory_space<vmem>>, vector<128x128xf32>
    %get3A_5 = arith.constant 0 : index
    %get3A_6 = vector.load %arg2[%get3A_5] : memref<128xf32, #tpu.memory_space<vmem>>, vector<128xf32>
    %get3A_7 = arith.constant 0 : index
    %get3A_8 = arith.constant 0 : index
    %get3A_9 = vector.load %arg3[%get3A_7, %get3A_8] : memref<4x10000xf32, #tpu.memory_space<vmem>>, vector<4x10000xf32>
    %dot_general3A = arith.constant dense<0.000000e+00> : vector<10000x128xf32>
    %dot_general3A_10 = tpu.matmul %get3A_1, %get3A_4, %dot_general3A {dimension_numbers = #tpu.dot_dimension_numbers<[1], [0], [0], [1], [0, 0, 1, 1], [], []>, precision = #tpu.contract_precision<fp32>, transpose_lhs_hint = false} : vector<10000x128xf32>, vector<128x128xf32>, vector<10000x128xf32> -> vector<10000x128xf32>
    %broadcast_in_dim3A = vector.shape_cast %get3A_6 : vector<128xf32> to vector<1x128xf32>
    %add3A = vector.broadcast %broadcast_in_dim3A : vector<1x128xf32> to vector<10000x128xf32>
    %add3A_11 = arith.addf %dot_general3A_10, %add3A : vector<10000x128xf32>
    %mul3A = arith.mulf %add3A_11, %add3A_11 : vector<10000x128xf32>
    %reduce_sum3A = arith.constant dense<0.000000e+00> : vector<10000xf32>
    %reduce_sum3A_12 = vector.multi_reduction <add>, %mul3A, %reduce_sum3A [1] : vector<10000x128xf32> to vector<10000xf32>
    %broadcast_in_dim3A_13 = vector.shape_cast %reduce_sum3A_12 : vector<10000xf32> to vector<10000x1xf32>
    %sqrt3A = math.sqrt %broadcast_in_dim3A_13 : vector<10000x1xf32>
    %max3A = arith.constant 9.99999996E-13 : f32
    %max3A_14 = vector.broadcast %max3A : f32 to vector<10000x1xf32>
    %max3A_15 = arith.maximumf %sqrt3A, %max3A_14 : vector<10000x1xf32>
    %div3A = vector.broadcast %max3A_15 : vector<10000x1xf32> to vector<10000x128xf32>
    %div3A_16 = arith.divf %add3A_11, %div3A : vector<10000x128xf32>
    %reduce_sum3A_17 = arith.constant dense<0.000000e+00> : vector<4xf32>
    %reduce_sum3A_18 = vector.multi_reduction <add>, %get3A_9, %reduce_sum3A_17 [1] : vector<4x10000xf32> to vector<4xf32>
    %div3A_19 = arith.constant 1.000000e+00 : f32
    %div3A_20 = vector.broadcast %div3A_19 : f32 to vector<4xf32>
    %div3A_21 = arith.divf %div3A_20, %reduce_sum3A_18 : vector<4xf32>
    %dot_general3A_22 = arith.constant dense<0.000000e+00> : vector<4x128xf32>
    %dot_general3A_23 = tpu.matmul %get3A_9, %div3A_16, %dot_general3A_22 {dimension_numbers = #tpu.dot_dimension_numbers<[1], [0], [0], [1], [0, 0, 1, 1], [], []>, precision = #tpu.contract_precision<fp32>, transpose_lhs_hint = false} : vector<4x10000xf32>, vector<10000x128xf32>, vector<4x128xf32> -> vector<4x128xf32>
    %broadcast_in_dim3A_24 = vector.shape_cast %div3A_21 : vector<4xf32> to vector<4x1xf32>
    %mul3A_25 = vector.broadcast %broadcast_in_dim3A_24 : vector<4x1xf32> to vector<4x128xf32>
    %mul3A_26 = arith.mulf %dot_general3A_23, %mul3A_25 : vector<4x128xf32>
    %mul3A_27 = arith.mulf %div3A_16, %div3A_16 : vector<10000x128xf32>
    %dot_general3A_28 = arith.constant dense<0.000000e+00> : vector<4x128xf32>
    %dot_general3A_29 = tpu.matmul %get3A_9, %mul3A_27, %dot_general3A_28 {dimension_numbers = #tpu.dot_dimension_numbers<[1], [0], [0], [1], [0, 0, 1, 1], [], []>, precision = #tpu.contract_precision<fp32>, transpose_lhs_hint = false} : vector<4x10000xf32>, vector<10000x128xf32>, vector<4x128xf32> -> vector<4x128xf32>
    %broadcast_in_dim3A_30 = vector.shape_cast %div3A_21 : vector<4xf32> to vector<4x1xf32>
    %mul3A_31 = vector.broadcast %broadcast_in_dim3A_30 : vector<4x1xf32> to vector<4x128xf32>
    %mul3A_32 = arith.mulf %dot_general3A_29, %mul3A_31 : vector<4x128xf32>
    %mul3A_33 = arith.mulf %mul3A_26, %mul3A_26 : vector<4x128xf32>
    %sub3A = arith.subf %mul3A_32, %mul3A_33 : vector<4x128xf32>
    %max3A_34 = arith.constant 0.000000e+00 : f32
    %max3A_35 = vector.broadcast %max3A_34 : f32 to vector<4x128xf32>
    %max3A_36 = arith.maximumf %sub3A, %max3A_35 : vector<4x128xf32>
    %sqrt3A_37 = math.sqrt %max3A_36 : vector<4x128xf32>
    %sqrt3A_38 = math.sqrt %reduce_sum3A_18 : vector<4xf32>
    %broadcast_in_dim3A_39 = vector.shape_cast %sqrt3A_38 : vector<4xf32> to vector<4x1xf32>
    %mul3A_40 = vector.broadcast %broadcast_in_dim3A_39 : vector<4x1xf32> to vector<4x128xf32>
    %mul3A_41 = arith.mulf %sqrt3A_37, %mul3A_40 : vector<4x128xf32>
    %add3A_42 = arith.constant 9.99999971E-10 : f32
    %add3A_43 = vector.broadcast %add3A_42 : f32 to vector<4x128xf32>
    %add3A_44 = arith.addf %mul3A_41, %add3A_43 : vector<4x128xf32>
    %broadcast_in_dim3A_45 = arith.constant 0.000000e+00 : f32
    %broadcast_in_dim3A_46 = vector.broadcast %broadcast_in_dim3A_45 : f32 to vector<10000x128xf32>
    %broadcast_in_dim3A_47 = arith.constant 0.000000e+00 : f32
    %broadcast_in_dim3A_48 = vector.broadcast %broadcast_in_dim3A_47 : f32 to vector<10000x128xf32>
    %slice3A = vector.extract_strided_slice %get3A_9 {offsets = [0, 0], sizes = [1, 10000], strides = [1, 1]} : vector<4x10000xf32> to vector<1x10000xf32>
    %squeeze3A = vector.shape_cast %slice3A : vector<1x10000xf32> to vector<10000xf32>
    %broadcast_in_dim3A_49 = vector.shape_cast %squeeze3A : vector<10000xf32> to vector<10000x1xf32>
    %slice3A_50 = vector.extract_strided_slice %mul3A_26 {offsets = [0, 0], sizes = [1, 128], strides = [1, 1]} : vector<4x128xf32> to vector<1x128xf32>
    %squeeze3A_51 = vector.shape_cast %slice3A_50 : vector<1x128xf32> to vector<128xf32>
    %broadcast_in_dim3A_52 = vector.shape_cast %squeeze3A_51 : vector<128xf32> to vector<1x128xf32>
    %mul3A_53 = vector.broadcast %broadcast_in_dim3A_49 : vector<10000x1xf32> to vector<10000x128xf32>
    %mul3A_54 = vector.broadcast %broadcast_in_dim3A_52 : vector<1x128xf32> to vector<10000x128xf32>
    %mul3A_55 = arith.mulf %mul3A_53, %mul3A_54 : vector<10000x128xf32>
    %add3A_56 = arith.addf %broadcast_in_dim3A_46, %mul3A_55 : vector<10000x128xf32>
    %slice3A_57 = vector.extract_strided_slice %add3A_44 {offsets = [0, 0], sizes = [1, 128], strides = [1, 1]} : vector<4x128xf32> to vector<1x128xf32>
    %squeeze3A_58 = vector.shape_cast %slice3A_57 : vector<1x128xf32> to vector<128xf32>
    %broadcast_in_dim3A_59 = vector.shape_cast %squeeze3A_58 : vector<128xf32> to vector<1x128xf32>
    %mul3A_60 = vector.broadcast %broadcast_in_dim3A_49 : vector<10000x1xf32> to vector<10000x128xf32>
    %mul3A_61 = vector.broadcast %broadcast_in_dim3A_59 : vector<1x128xf32> to vector<10000x128xf32>
    %mul3A_62 = arith.mulf %mul3A_60, %mul3A_61 : vector<10000x128xf32>
    %add3A_63 = arith.addf %broadcast_in_dim3A_48, %mul3A_62 : vector<10000x128xf32>
    %slice3A_64 = vector.extract_strided_slice %get3A_9 {offsets = [1, 0], sizes = [1, 10000], strides = [1, 1]} : vector<4x10000xf32> to vector<1x10000xf32>
    %squeeze3A_65 = vector.shape_cast %slice3A_64 : vector<1x10000xf32> to vector<10000xf32>
    %broadcast_in_dim3A_66 = vector.shape_cast %squeeze3A_65 : vector<10000xf32> to vector<10000x1xf32>
    %slice3A_67 = vector.extract_strided_slice %mul3A_26 {offsets = [1, 0], sizes = [1, 128], strides = [1, 1]} : vector<4x128xf32> to vector<1x128xf32>
    %squeeze3A_68 = vector.shape_cast %slice3A_67 : vector<1x128xf32> to vector<128xf32>
    %broadcast_in_dim3A_69 = vector.shape_cast %squeeze3A_68 : vector<128xf32> to vector<1x128xf32>
    %mul3A_70 = vector.broadcast %broadcast_in_dim3A_66 : vector<10000x1xf32> to vector<10000x128xf32>
    %mul3A_71 = vector.broadcast %broadcast_in_dim3A_69 : vector<1x128xf32> to vector<10000x128xf32>
    %mul3A_72 = arith.mulf %mul3A_70, %mul3A_71 : vector<10000x128xf32>
    %add3A_73 = arith.addf %add3A_56, %mul3A_72 : vector<10000x128xf32>
    %slice3A_74 = vector.extract_strided_slice %add3A_44 {offsets = [1, 0], sizes = [1, 128], strides = [1, 1]} : vector<4x128xf32> to vector<1x128xf32>
    %squeeze3A_75 = vector.shape_cast %slice3A_74 : vector<1x128xf32> to vector<128xf32>
    %broadcast_in_dim3A_76 = vector.shape_cast %squeeze3A_75 : vector<128xf32> to vector<1x128xf32>
    %mul3A_77 = vector.broadcast %broadcast_in_dim3A_66 : vector<10000x1xf32> to vector<10000x128xf32>
    %mul3A_78 = vector.broadcast %broadcast_in_dim3A_76 : vector<1x128xf32> to vector<10000x128xf32>
    %mul3A_79 = arith.mulf %mul3A_77, %mul3A_78 : vector<10000x128xf32>
    %add3A_80 = arith.addf %add3A_63, %mul3A_79 : vector<10000x128xf32>
    %slice3A_81 = vector.extract_strided_slice %get3A_9 {offsets = [2, 0], sizes = [1, 10000], strides = [1, 1]} : vector<4x10000xf32> to vector<1x10000xf32>
    %squeeze3A_82 = vector.shape_cast %slice3A_81 : vector<1x10000xf32> to vector<10000xf32>
    %broadcast_in_dim3A_83 = vector.shape_cast %squeeze3A_82 : vector<10000xf32> to vector<10000x1xf32>
    %slice3A_84 = vector.extract_strided_slice %mul3A_26 {offsets = [2, 0], sizes = [1, 128], strides = [1, 1]} : vector<4x128xf32> to vector<1x128xf32>
    %squeeze3A_85 = vector.shape_cast %slice3A_84 : vector<1x128xf32> to vector<128xf32>
    %broadcast_in_dim3A_86 = vector.shape_cast %squeeze3A_85 : vector<128xf32> to vector<1x128xf32>
    %mul3A_87 = vector.broadcast %broadcast_in_dim3A_83 : vector<10000x1xf32> to vector<10000x128xf32>
    %mul3A_88 = vector.broadcast %broadcast_in_dim3A_86 : vector<1x128xf32> to vector<10000x128xf32>
    %mul3A_89 = arith.mulf %mul3A_87, %mul3A_88 : vector<10000x128xf32>
    %add3A_90 = arith.addf %add3A_73, %mul3A_89 : vector<10000x128xf32>
    %slice3A_91 = vector.extract_strided_slice %add3A_44 {offsets = [2, 0], sizes = [1, 128], strides = [1, 1]} : vector<4x128xf32> to vector<1x128xf32>
    %squeeze3A_92 = vector.shape_cast %slice3A_91 : vector<1x128xf32> to vector<128xf32>
    %broadcast_in_dim3A_93 = vector.shape_cast %squeeze3A_92 : vector<128xf32> to vector<1x128xf32>
    %mul3A_94 = vector.broadcast %broadcast_in_dim3A_83 : vector<10000x1xf32> to vector<10000x128xf32>
    %mul3A_95 = vector.broadcast %broadcast_in_dim3A_93 : vector<1x128xf32> to vector<10000x128xf32>
    %mul3A_96 = arith.mulf %mul3A_94, %mul3A_95 : vector<10000x128xf32>
    %add3A_97 = arith.addf %add3A_80, %mul3A_96 : vector<10000x128xf32>
    %slice3A_98 = vector.extract_strided_slice %get3A_9 {offsets = [3, 0], sizes = [1, 10000], strides = [1, 1]} : vector<4x10000xf32> to vector<1x10000xf32>
    %squeeze3A_99 = vector.shape_cast %slice3A_98 : vector<1x10000xf32> to vector<10000xf32>
    %broadcast_in_dim3A_100 = vector.shape_cast %squeeze3A_99 : vector<10000xf32> to vector<10000x1xf32>
    %slice3A_101 = vector.extract_strided_slice %mul3A_26 {offsets = [3, 0], sizes = [1, 128], strides = [1, 1]} : vector<4x128xf32> to vector<1x128xf32>
    %squeeze3A_102 = vector.shape_cast %slice3A_101 : vector<1x128xf32> to vector<128xf32>
    %broadcast_in_dim3A_103 = vector.shape_cast %squeeze3A_102 : vector<128xf32> to vector<1x128xf32>
    %mul3A_104 = vector.broadcast %broadcast_in_dim3A_100 : vector<10000x1xf32> to vector<10000x128xf32>
    %mul3A_105 = vector.broadcast %broadcast_in_dim3A_103 : vector<1x128xf32> to vector<10000x128xf32>
    %mul3A_106 = arith.mulf %mul3A_104, %mul3A_105 : vector<10000x128xf32>
    %add3A_107 = arith.addf %add3A_90, %mul3A_106 : vector<10000x128xf32>
    %slice3A_108 = vector.extract_strided_slice %add3A_44 {offsets = [3, 0], sizes = [1, 128], strides = [1, 1]} : vector<4x128xf32> to vector<1x128xf32>
    %squeeze3A_109 = vector.shape_cast %slice3A_108 : vector<1x128xf32> to vector<128xf32>
    %broadcast_in_dim3A_110 = vector.shape_cast %squeeze3A_109 : vector<128xf32> to vector<1x128xf32>
    %mul3A_111 = vector.broadcast %broadcast_in_dim3A_100 : vector<10000x1xf32> to vector<10000x128xf32>
    %mul3A_112 = vector.broadcast %broadcast_in_dim3A_110 : vector<1x128xf32> to vector<10000x128xf32>
    %mul3A_113 = arith.mulf %mul3A_111, %mul3A_112 : vector<10000x128xf32>
    %add3A_114 = arith.addf %add3A_97, %mul3A_113 : vector<10000x128xf32>
    %sub3A_115 = arith.subf %div3A_16, %add3A_107 : vector<10000x128xf32>
    %div3A_116 = arith.divf %sub3A_115, %add3A_114 : vector<10000x128xf32>
    %broadcast_in_dim3A_117 = arith.constant 0.000000e+00 : f32
    %broadcast_in_dim3A_118 = vector.broadcast %broadcast_in_dim3A_117 : f32 to vector<240x64xf32>
    %slice3A_119 = vector.extract_strided_slice %div3A_116 {offsets = [0, 0], sizes = [10000, 64], strides = [1, 1]} : vector<10000x128xf32> to vector<10000x64xf32>
    %swap3A = arith.constant 0 : index
    %swap3A_120 = arith.constant 0 : index
    %swap3A_121 = arith.constant 0 : index
    %swap3A_122 = vector.load %arg4[%swap3A, %swap3A_120, %swap3A_121] : memref<2x10240x64xf32, #tpu.memory_space<vmem>>, vector<1x10000x64xf32>
    %swap3A_123 = vector.shape_cast %swap3A_122 : vector<1x10000x64xf32> to vector<10000x64xf32>
    %swap3A_124 = vector.shape_cast %slice3A_119 : vector<10000x64xf32> to vector<1x10000x64xf32>
    tpu.vector_store %arg4[%swap3A, %swap3A_120, %swap3A_121], %swap3A_124 {strides = array<i32>} : memref<2x10240x64xf32, #tpu.memory_space<vmem>>, vector<1x10000x64xf32>,
    %swap3A_125 = arith.constant 0 : index
    %swap3A_126 = arith.constant 10000 : index
    %swap3A_127 = arith.constant 0 : index
    %swap3A_128 = vector.load %arg4[%swap3A_125, %swap3A_126, %swap3A_127] : memref<2x10240x64xf32, #tpu.memory_space<vmem>>, vector<1x240x64xf32>
    %swap3A_129 = vector.shape_cast %swap3A_128 : vector<1x240x64xf32> to vector<240x64xf32>
    %swap3A_130 = vector.shape_cast %broadcast_in_dim3A_118 : vector<240x64xf32> to vector<1x240x64xf32>
    tpu.vector_store %arg4[%swap3A_125, %swap3A_126, %swap3A_127], %swap3A_130 {strides = array<i32>} : memref<2x10240x64xf32, #tpu.memory_space<vmem>>, vector<1x240x64xf32>,
    %mul3A_131 = arith.constant 1.000000e-01 : f32
    %mul3A_132 = vector.broadcast %mul3A_131 : f32 to vector<10000x64xf32>
    %mul3A_133 = arith.mulf %mul3A_132, %slice3A_119 : vector<10000x64xf32>
    %swap3A_134 = arith.constant 0 : index
    %swap3A_135 = arith.constant 0 : index
    %swap3A_136 = arith.constant 0 : index
    %swap3A_137 = vector.load %arg5[%swap3A_134, %swap3A_135, %swap3A_136] : memref<2x10240x64xf32, #tpu.memory_space<vmem>>, vector<1x10000x64xf32>
    %swap3A_138 = vector.shape_cast %swap3A_137 : vector<1x10000x64xf32> to vector<10000x64xf32>
    %swap3A_139 = vector.shape_cast %mul3A_133 : vector<10000x64xf32> to vector<1x10000x64xf32>
    tpu.vector_store %arg5[%swap3A_134, %swap3A_135, %swap3A_136], %swap3A_139 {strides = array<i32>} : memref<2x10240x64xf32, #tpu.memory_space<vmem>>, vector<1x10000x64xf32>,
    %swap3A_140 = arith.constant 0 : index
    %swap3A_141 = arith.constant 10000 : index
    %swap3A_142 = arith.constant 0 : index
    %swap3A_143 = vector.load %arg5[%swap3A_140, %swap3A_141, %swap3A_142] : memref<2x10240x64xf32, #tpu.memory_space<vmem>>, vector<1x240x64xf32>
    %swap3A_144 = vector.shape_cast %swap3A_143 : vector<1x240x64xf32> to vector<240x64xf32>
    %swap3A_145 = vector.shape_cast %broadcast_in_dim3A_118 : vector<240x64xf32> to vector<1x240x64xf32>
    tpu.vector_store %arg5[%swap3A_140, %swap3A_141, %swap3A_142], %swap3A_145 {strides = array<i32>} : memref<2x10240x64xf32, #tpu.memory_space<vmem>>, vector<1x240x64xf32>,
    %slice3A_146 = vector.extract_strided_slice %div3A_116 {offsets = [0, 64], sizes = [10000, 64], strides = [1, 1]} : vector<10000x128xf32> to vector<10000x64xf32>
    %swap3A_147 = arith.constant 1 : index
    %swap3A_148 = arith.constant 0 : index
    %swap3A_149 = arith.constant 0 : index
    %swap3A_150 = vector.load %arg4[%swap3A_147, %swap3A_148, %swap3A_149] : memref<2x10240x64xf32, #tpu.memory_space<vmem>>, vector<1x10000x64xf32>
    %swap3A_151 = vector.shape_cast %swap3A_150 : vector<1x10000x64xf32> to vector<10000x64xf32>
    %swap3A_152 = vector.shape_cast %slice3A_146 : vector<10000x64xf32> to vector<1x10000x64xf32>
    tpu.vector_store %arg4[%swap3A_147, %swap3A_148, %swap3A_149], %swap3A_152 {strides = array<i32>} : memref<2x10240x64xf32, #tpu.memory_space<vmem>>, vector<1x10000x64xf32>,
    %swap3A_153 = arith.constant 1 : index
    %swap3A_154 = arith.constant 10000 : index
    %swap3A_155 = arith.constant 0 : index
    %swap3A_156 = vector.load %arg4[%swap3A_153, %swap3A_154, %swap3A_155] : memref<2x10240x64xf32, #tpu.memory_space<vmem>>, vector<1x240x64xf32>
    %swap3A_157 = vector.shape_cast %swap3A_156 : vector<1x240x64xf32> to vector<240x64xf32>
    %swap3A_158 = vector.shape_cast %broadcast_in_dim3A_118 : vector<240x64xf32> to vector<1x240x64xf32>
    tpu.vector_store %arg4[%swap3A_153, %swap3A_154, %swap3A_155], %swap3A_158 {strides = array<i32>} : memref<2x10240x64xf32, #tpu.memory_space<vmem>>, vector<1x240x64xf32>,
    %mul3A_159 = arith.constant 1.000000e-01 : f32
    %mul3A_160 = vector.broadcast %mul3A_159 : f32 to vector<10000x64xf32>
    %mul3A_161 = arith.mulf %mul3A_160, %slice3A_146 : vector<10000x64xf32>
    %swap3A_162 = arith.constant 1 : index
    %swap3A_163 = arith.constant 0 : index
    %swap3A_164 = arith.constant 0 : index
    %swap3A_165 = vector.load %arg5[%swap3A_162, %swap3A_163, %swap3A_164] : memref<2x10240x64xf32, #tpu.memory_space<vmem>>, vector<1x10000x64xf32>
    %swap3A_166 = vector.shape_cast %swap3A_165 : vector<1x10000x64xf32> to vector<10000x64xf32>
    %swap3A_167 = vector.shape_cast %mul3A_161 : vector<10000x64xf32> to vector<1x10000x64xf32>
    tpu.vector_store %arg5[%swap3A_162, %swap3A_163, %swap3A_164], %swap3A_167 {strides = array<i32>} : memref<2x10240x64xf32, #tpu.memory_space<vmem>>, vector<1x10000x64xf32>,
    %swap3A_168 = arith.constant 1 : index
    %swap3A_169 = arith.constant 10000 : index
    %swap3A_170 = arith.constant 0 : index
    %swap3A_171 = vector.load %arg5[%swap3A_168, %swap3A_169, %swap3A_170] : memref<2x10240x64xf32, #tpu.memory_space<vmem>>, vector<1x240x64xf32>
    %swap3A_172 = vector.shape_cast %swap3A_171 : vector<1x240x64xf32> to vector<240x64xf32>
    %swap3A_173 = vector.shape_cast %broadcast_in_dim3A_118 : vector<240x64xf32> to vector<1x240x64xf32>
    tpu.vector_store %arg5[%swap3A_168, %swap3A_169, %swap3A_170], %swap3A_173 {strides = array<i32>} : memref<2x10240x64xf32, #tpu.memory_space<vmem>>, vector<1x240x64xf32>,
    %swap3A_174 = arith.constant 0 : index
    %swap3A_175 = arith.constant 0 : index
    %swap3A_176 = vector.load %arg6[%swap3A_174, %swap3A_175] : memref<4x128xf32, #tpu.memory_space<vmem>>, vector<4x128xf32>
    tpu.vector_store %arg6[%swap3A_174, %swap3A_175], %mul3A_26 {strides = array<i32>} : memref<4x128xf32, #tpu.memory_space<vmem>>, vector<4x128xf32>,
    %swap3A_177 = arith.constant 0 : index
    %swap3A_178 = arith.constant 0 : index
    %swap3A_179 = vector.load %arg7[%swap3A_177, %swap3A_178] : memref<4x128xf32, #tpu.memory_space<vmem>>, vector<4x128xf32>
    tpu.vector_store %arg7[%swap3A_177, %swap3A_178], %add3A_44 {strides = array<i32>} : memref<4x128xf32, #tpu.memory_space<vmem>>, vector<4x128xf32>,
    return
  }
}

module attributes {stable_mosaic.version = 14 : i64} {
  func.func @_tc_post(%arg0: memref<2x10240x64xf32, #tpu.memory_space<vmem>>, %arg1: memref<4x10000xf32, #tpu.memory_space<vmem>>, %arg2: memref<4x128xf32, #tpu.memory_space<vmem>>, %arg3: memref<4x128xf32, #tpu.memory_space<vmem>>, %arg4: memref<128x128xf32, #tpu.memory_space<vmem>>, %arg5: memref<128xf32, #tpu.memory_space<vmem>>, %arg6: memref<10000x128xf32, #tpu.memory_space<vmem>>) attributes {dimension_semantics = [], scalar_prefetch = 0 : i64, scratch_operands = 0 : i64, tpu.core_type = #tpu.core_type<tc>} {
    %get3A = arith.constant 0 : index
    %get3A_0 = arith.constant 0 : index
    %get3A_1 = vector.load %arg1[%get3A, %get3A_0] : memref<4x10000xf32, #tpu.memory_space<vmem>>, vector<4x10000xf32>
    %get3A_2 = arith.constant 0 : index
    %get3A_3 = arith.constant 0 : index
    %get3A_4 = vector.load %arg2[%get3A_2, %get3A_3] : memref<4x128xf32, #tpu.memory_space<vmem>>, vector<4x128xf32>
    %get3A_5 = arith.constant 0 : index
    %get3A_6 = arith.constant 0 : index
    %get3A_7 = vector.load %arg3[%get3A_5, %get3A_6] : memref<4x128xf32, #tpu.memory_space<vmem>>, vector<4x128xf32>
    %broadcast_in_dim3A = arith.constant 0.000000e+00 : f32
    %broadcast_in_dim3A_8 = vector.broadcast %broadcast_in_dim3A : f32 to vector<10000x128xf32>
    %broadcast_in_dim3A_9 = arith.constant 0.000000e+00 : f32
    %broadcast_in_dim3A_10 = vector.broadcast %broadcast_in_dim3A_9 : f32 to vector<10000x128xf32>
    %slice3A = vector.extract_strided_slice %get3A_1 {offsets = [0, 0], sizes = [1, 10000], strides = [1, 1]} : vector<4x10000xf32> to vector<1x10000xf32>
    %squeeze3A = vector.shape_cast %slice3A : vector<1x10000xf32> to vector<10000xf32>
    %broadcast_in_dim3A_11 = vector.shape_cast %squeeze3A : vector<10000xf32> to vector<10000x1xf32>
    %slice3A_12 = vector.extract_strided_slice %get3A_4 {offsets = [0, 0], sizes = [1, 128], strides = [1, 1]} : vector<4x128xf32> to vector<1x128xf32>
    %squeeze3A_13 = vector.shape_cast %slice3A_12 : vector<1x128xf32> to vector<128xf32>
    %broadcast_in_dim3A_14 = vector.shape_cast %squeeze3A_13 : vector<128xf32> to vector<1x128xf32>
    %mul3A = vector.broadcast %broadcast_in_dim3A_11 : vector<10000x1xf32> to vector<10000x128xf32>
    %mul3A_15 = vector.broadcast %broadcast_in_dim3A_14 : vector<1x128xf32> to vector<10000x128xf32>
    %mul3A_16 = arith.mulf %mul3A, %mul3A_15 : vector<10000x128xf32>
    %add3A = arith.addf %broadcast_in_dim3A_8, %mul3A_16 : vector<10000x128xf32>
    %slice3A_17 = vector.extract_strided_slice %get3A_7 {offsets = [0, 0], sizes = [1, 128], strides = [1, 1]} : vector<4x128xf32> to vector<1x128xf32>
    %squeeze3A_18 = vector.shape_cast %slice3A_17 : vector<1x128xf32> to vector<128xf32>
    %broadcast_in_dim3A_19 = vector.shape_cast %squeeze3A_18 : vector<128xf32> to vector<1x128xf32>
    %mul3A_20 = vector.broadcast %broadcast_in_dim3A_11 : vector<10000x1xf32> to vector<10000x128xf32>
    %mul3A_21 = vector.broadcast %broadcast_in_dim3A_19 : vector<1x128xf32> to vector<10000x128xf32>
    %mul3A_22 = arith.mulf %mul3A_20, %mul3A_21 : vector<10000x128xf32>
    %add3A_23 = arith.addf %broadcast_in_dim3A_10, %mul3A_22 : vector<10000x128xf32>
    %slice3A_24 = vector.extract_strided_slice %get3A_1 {offsets = [1, 0], sizes = [1, 10000], strides = [1, 1]} : vector<4x10000xf32> to vector<1x10000xf32>
    %squeeze3A_25 = vector.shape_cast %slice3A_24 : vector<1x10000xf32> to vector<10000xf32>
    %broadcast_in_dim3A_26 = vector.shape_cast %squeeze3A_25 : vector<10000xf32> to vector<10000x1xf32>
    %slice3A_27 = vector.extract_strided_slice %get3A_4 {offsets = [1, 0], sizes = [1, 128], strides = [1, 1]} : vector<4x128xf32> to vector<1x128xf32>
    %squeeze3A_28 = vector.shape_cast %slice3A_27 : vector<1x128xf32> to vector<128xf32>
    %broadcast_in_dim3A_29 = vector.shape_cast %squeeze3A_28 : vector<128xf32> to vector<1x128xf32>
    %mul3A_30 = vector.broadcast %broadcast_in_dim3A_26 : vector<10000x1xf32> to vector<10000x128xf32>
    %mul3A_31 = vector.broadcast %broadcast_in_dim3A_29 : vector<1x128xf32> to vector<10000x128xf32>
    %mul3A_32 = arith.mulf %mul3A_30, %mul3A_31 : vector<10000x128xf32>
    %add3A_33 = arith.addf %add3A, %mul3A_32 : vector<10000x128xf32>
    %slice3A_34 = vector.extract_strided_slice %get3A_7 {offsets = [1, 0], sizes = [1, 128], strides = [1, 1]} : vector<4x128xf32> to vector<1x128xf32>
    %squeeze3A_35 = vector.shape_cast %slice3A_34 : vector<1x128xf32> to vector<128xf32>
    %broadcast_in_dim3A_36 = vector.shape_cast %squeeze3A_35 : vector<128xf32> to vector<1x128xf32>
    %mul3A_37 = vector.broadcast %broadcast_in_dim3A_26 : vector<10000x1xf32> to vector<10000x128xf32>
    %mul3A_38 = vector.broadcast %broadcast_in_dim3A_36 : vector<1x128xf32> to vector<10000x128xf32>
    %mul3A_39 = arith.mulf %mul3A_37, %mul3A_38 : vector<10000x128xf32>
    %add3A_40 = arith.addf %add3A_23, %mul3A_39 : vector<10000x128xf32>
    %slice3A_41 = vector.extract_strided_slice %get3A_1 {offsets = [2, 0], sizes = [1, 10000], strides = [1, 1]} : vector<4x10000xf32> to vector<1x10000xf32>
    %squeeze3A_42 = vector.shape_cast %slice3A_41 : vector<1x10000xf32> to vector<10000xf32>
    %broadcast_in_dim3A_43 = vector.shape_cast %squeeze3A_42 : vector<10000xf32> to vector<10000x1xf32>
    %slice3A_44 = vector.extract_strided_slice %get3A_4 {offsets = [2, 0], sizes = [1, 128], strides = [1, 1]} : vector<4x128xf32> to vector<1x128xf32>
    %squeeze3A_45 = vector.shape_cast %slice3A_44 : vector<1x128xf32> to vector<128xf32>
    %broadcast_in_dim3A_46 = vector.shape_cast %squeeze3A_45 : vector<128xf32> to vector<1x128xf32>
    %mul3A_47 = vector.broadcast %broadcast_in_dim3A_43 : vector<10000x1xf32> to vector<10000x128xf32>
    %mul3A_48 = vector.broadcast %broadcast_in_dim3A_46 : vector<1x128xf32> to vector<10000x128xf32>
    %mul3A_49 = arith.mulf %mul3A_47, %mul3A_48 : vector<10000x128xf32>
    %add3A_50 = arith.addf %add3A_33, %mul3A_49 : vector<10000x128xf32>
    %slice3A_51 = vector.extract_strided_slice %get3A_7 {offsets = [2, 0], sizes = [1, 128], strides = [1, 1]} : vector<4x128xf32> to vector<1x128xf32>
    %squeeze3A_52 = vector.shape_cast %slice3A_51 : vector<1x128xf32> to vector<128xf32>
    %broadcast_in_dim3A_53 = vector.shape_cast %squeeze3A_52 : vector<128xf32> to vector<1x128xf32>
    %mul3A_54 = vector.broadcast %broadcast_in_dim3A_43 : vector<10000x1xf32> to vector<10000x128xf32>
    %mul3A_55 = vector.broadcast %broadcast_in_dim3A_53 : vector<1x128xf32> to vector<10000x128xf32>
    %mul3A_56 = arith.mulf %mul3A_54, %mul3A_55 : vector<10000x128xf32>
    %add3A_57 = arith.addf %add3A_40, %mul3A_56 : vector<10000x128xf32>
    %slice3A_58 = vector.extract_strided_slice %get3A_1 {offsets = [3, 0], sizes = [1, 10000], strides = [1, 1]} : vector<4x10000xf32> to vector<1x10000xf32>
    %squeeze3A_59 = vector.shape_cast %slice3A_58 : vector<1x10000xf32> to vector<10000xf32>
    %broadcast_in_dim3A_60 = vector.shape_cast %squeeze3A_59 : vector<10000xf32> to vector<10000x1xf32>
    %slice3A_61 = vector.extract_strided_slice %get3A_4 {offsets = [3, 0], sizes = [1, 128], strides = [1, 1]} : vector<4x128xf32> to vector<1x128xf32>
    %squeeze3A_62 = vector.shape_cast %slice3A_61 : vector<1x128xf32> to vector<128xf32>
    %broadcast_in_dim3A_63 = vector.shape_cast %squeeze3A_62 : vector<128xf32> to vector<1x128xf32>
    %mul3A_64 = vector.broadcast %broadcast_in_dim3A_60 : vector<10000x1xf32> to vector<10000x128xf32>
    %mul3A_65 = vector.broadcast %broadcast_in_dim3A_63 : vector<1x128xf32> to vector<10000x128xf32>
    %mul3A_66 = arith.mulf %mul3A_64, %mul3A_65 : vector<10000x128xf32>
    %add3A_67 = arith.addf %add3A_50, %mul3A_66 : vector<10000x128xf32>
    %slice3A_68 = vector.extract_strided_slice %get3A_7 {offsets = [3, 0], sizes = [1, 128], strides = [1, 1]} : vector<4x128xf32> to vector<1x128xf32>
    %squeeze3A_69 = vector.shape_cast %slice3A_68 : vector<1x128xf32> to vector<128xf32>
    %broadcast_in_dim3A_70 = vector.shape_cast %squeeze3A_69 : vector<128xf32> to vector<1x128xf32>
    %mul3A_71 = vector.broadcast %broadcast_in_dim3A_60 : vector<10000x1xf32> to vector<10000x128xf32>
    %mul3A_72 = vector.broadcast %broadcast_in_dim3A_70 : vector<1x128xf32> to vector<10000x128xf32>
    %mul3A_73 = arith.mulf %mul3A_71, %mul3A_72 : vector<10000x128xf32>
    %add3A_74 = arith.addf %add3A_57, %mul3A_73 : vector<10000x128xf32>
    %get3A_75 = arith.constant 0 : index
    %get3A_76 = arith.constant 0 : index
    %get3A_77 = arith.constant 0 : index
    %get3A_78 = vector.load %arg0[%get3A_75, %get3A_76, %get3A_77] : memref<2x10240x64xf32, #tpu.memory_space<vmem>>, vector<1x10000x64xf32>
    %get3A_79 = vector.shape_cast %get3A_78 : vector<1x10000x64xf32> to vector<10000x64xf32>
    %get3A_80 = arith.constant 1 : index
    %get3A_81 = arith.constant 0 : index
    %get3A_82 = arith.constant 0 : index
    %get3A_83 = vector.load %arg0[%get3A_80, %get3A_81, %get3A_82] : memref<2x10240x64xf32, #tpu.memory_space<vmem>>, vector<1x10000x64xf32>
    %get3A_84 = vector.shape_cast %get3A_83 : vector<1x10000x64xf32> to vector<10000x64xf32>
    %concatenate3A = tpu.concatenate %get3A_79, %get3A_84 in 1 : vector<10000x64xf32>, vector<10000x64xf32> -> vector<10000x128xf32>
    %mul3A_85 = arith.mulf %concatenate3A, %add3A_74 : vector<10000x128xf32>
    %add3A_86 = arith.addf %mul3A_85, %add3A_67 : vector<10000x128xf32>
    %get3A_87 = arith.constant 0 : index
    %get3A_88 = arith.constant 0 : index
    %get3A_89 = vector.load %arg4[%get3A_87, %get3A_88] : memref<128x128xf32, #tpu.memory_space<vmem>>, vector<128x128xf32>
    %dot_general3A = arith.constant dense<0.000000e+00> : vector<10000x128xf32>
    %dot_general3A_90 = tpu.matmul %add3A_86, %get3A_89, %dot_general3A {dimension_numbers = #tpu.dot_dimension_numbers<[1], [0], [0], [1], [0, 0, 1, 1], [], []>, precision = #tpu.contract_precision<fp32>, transpose_lhs_hint = false} : vector<10000x128xf32>, vector<128x128xf32>, vector<10000x128xf32> -> vector<10000x128xf32>
    %get3A_91 = arith.constant 0 : index
    %get3A_92 = vector.load %arg5[%get3A_91] : memref<128xf32, #tpu.memory_space<vmem>>, vector<128xf32>
    %broadcast_in_dim3A_93 = vector.shape_cast %get3A_92 : vector<128xf32> to vector<1x128xf32>
    %add3A_94 = vector.broadcast %broadcast_in_dim3A_93 : vector<1x128xf32> to vector<10000x128xf32>
    %add3A_95 = arith.addf %dot_general3A_90, %add3A_94 : vector<10000x128xf32>
    %mul3A_96 = arith.mulf %add3A_95, %add3A_95 : vector<10000x128xf32>
    %reduce_sum3A = arith.constant dense<0.000000e+00> : vector<10000xf32>
    %reduce_sum3A_97 = vector.multi_reduction <add>, %mul3A_96, %reduce_sum3A [1] : vector<10000x128xf32> to vector<10000xf32>
    %broadcast_in_dim3A_98 = vector.shape_cast %reduce_sum3A_97 : vector<10000xf32> to vector<10000x1xf32>
    %sqrt3A = math.sqrt %broadcast_in_dim3A_98 : vector<10000x1xf32>
    %max3A = arith.constant 9.99999996E-13 : f32
    %max3A_99 = vector.broadcast %max3A : f32 to vector<10000x1xf32>
    %max3A_100 = arith.maximumf %sqrt3A, %max3A_99 : vector<10000x1xf32>
    %div3A = vector.broadcast %max3A_100 : vector<10000x1xf32> to vector<10000x128xf32>
    %div3A_101 = arith.divf %add3A_95, %div3A : vector<10000x128xf32>
    %swap3A = arith.constant 0 : index
    %swap3A_102 = arith.constant 0 : index
    %swap3A_103 = vector.load %arg6[%swap3A, %swap3A_102] : memref<10000x128xf32, #tpu.memory_space<vmem>>, vector<10000x128xf32>
    tpu.vector_store %arg6[%swap3A, %swap3A_102], %div3A_101 {strides = array<i32>} : memref<10000x128xf32, #tpu.memory_space<vmem>>, vector<10000x128xf32>,
    return
  }
}

</mosaic_0001>

<sc_bundles>
// kernel: kernel.5.cloned.1.call-start
scs
__scs_entry_jumppad:
0x0: {  	(pc) =	sbr.rel $0x88, $3  }
0x1: {  	(tag) =	ssettag $0x0;
	lr =	simm.s32 $0x1  }
0x2: {  	[smem:$0x3F9A] =	sst lr;
	_ =	strace $0xD0000000  }
0x3: {  	_ = 	snop  }
0x4: {  	_ = 	snop  }
0x5: {  	_ = 	snop  }
0x6: {  	_ = 	snop  }
0x7: {  	_ = 	snop  }
__scs_overlays_trampoline_lowered:
0x8: {  	[smem:$0x3FA9] =	sst s0  }
0x9: {  	[smem:$0x3FAA] =	sst s1  }
0xa: {  	[smem:$0x3FAB] =	sst s2  }
0xb: {  	[smem:$0x3FAC] =	sst s3  }
0xc: {  	[smem:$0x3FAD] =	sst s4  }
0xd: {  	[smem:$0x3FAE] =	sst s5  }
0xe: {  	[smem:$0x3FAF] =	sst s6  }
0xf: {  	[smem:$0x3FB0] =	sst s7  }
0x10: {  	[smem:$0x3FB1] =	sst s8  }
0x11: {  	[smem:$0x3FB2] =	sst s9;
	s0 =	simm.s32 @!p0 $0x0  }
0x12: {  	s1 =	sld [smem:$0x3F98];
	s0 =	simm.s32 @p0 $0x1  }
0x13: {  	[smem:$0x3FB3] =	sst s0;
	s0 =	simm.s32 @!p1 $0x0  }
0x14: {  	s2 =	sld [smem:$0x3F97];
	s0 =	simm.s32 @p1 $0x1  }
0x15: {  	[smem:$0x3FB4] =	sst s0;
	s0 =	simm.s32 @!p2 $0x0  }
0x16: {  	s3 =	sld [smem:$0x3FDB];
	s0 =	simm.s32 @p2 $0x1  }
0x17: {  	s4 =	simm.s32 $0x1BF5;
	[smem:$0x3FB6] =	sst s0  }
0x18: {  	s0 =	sld [smem:$0x3F99];
	_ =	swait.ge [sflag:s4], $0x0  }
0x19: {  	s7 =	sld [smem:$0x3F9A]  }
0x1a: {  	s8 =	sadd.s32 $0xFFFFE003, lr  }
0x1b: {  	s9 =	sadd.s32 $0xFFFFFEF7, lr;
	s5 =	simm.s32 $0xFFFFFFFF;
	p2 =	slt.u32 s8, $0xFFFFF086  }
0x1c: {  	p1 =	slt.u32 s9, $0xF7A;
	s5 =	simm.s32 @!p2 $0x0  }
0x1d: {  	s5 =	simm.s32 @p1 $0x1;
	p0 =	seq.s32 s7, s2  }
0x1e: {  	s7 =	smul.u32 @!p0 $0xF7A, s2;
	p2 =	seq.s32 @!p0 s5, $0x0  }
0x1f: {  	s9 =	smul.u32 $0xF7A, s1;
	s8 =	simm.s32 @!p0 $0x1BF5;
	p2 =	por !p2, p0  }
0x20: {  	[sflag:s8] =	ssyncset.s32 @!p0 $0xFFFFF086;
	s6 =	sadd.s32 @!p0 s3, s7;
	s7 =	simm.s32 @!p0 $0x108  }
0x21: {  	s3 =	sadd.s32 s3, s9;
	s6 =	sadd.s32 @!p0 $0x88, s6;
	s7 =	simm.s32 @p2 $0x1082  }
0x22: {  	[simem:s7], [sflag:s8] =	dma.local @!p0 [hbm:s6], $0xF7A  }
0x23: {  	s9 =	sor.u32 $0xD0000000, s2;
	s6 =	simm.s32 $0x108;
	_ =	swait.ge @!p0 [sflag:s8], $0x0  }
0x24: {  	s3 =	sadd.s32 $0x88, s3;
	s6 =	simm.s32 @!p1 $0x1082;
	[sflag:s4] =	ssyncset.s32 $0xFFFFF086  }
0x25: {  	[simem:s6], [sflag:s4] =	dma.local [hbm:s3], $0xF7A  }
0x26: {  	[smem:$0x3F9A] =	sst s1;
	(tag) =	ssettag s2;
	_ =	strace s9  }
0x27: {  	s1 =	sld [smem:$0x3FAA]  }
0x28: {  	s2 =	sld [smem:$0x3FAB]  }
0x29: {  	s4 =	sld [smem:$0x3FAD]  }
0x2a: {  	p0 =	seq.s32 s5, $0x0;
	s5 =	sld [smem:$0x3FAE]  }
0x2b: {  	s6 =	sld [smem:$0x3FAF]  }
0x2c: {  	s7 =	sld [smem:$0x3FB0]  }
0x2d: {  	s3 =	simm.s32 $0x108;
	s8 =	sld [smem:$0x3FB1]  }
0x2e: {  	s3 =	simm.s32 @!p0 $0x1082;
	s9 =	sld [smem:$0x3FB2]  }
0x2f: {  	lr =	sadd.s32 s0, s3;
	s0 =	sld [smem:$0x3FA9]  }
0x30: {  	s3 =	sld [smem:$0x3FAC]  }
0x31: {  	[smem:$0x3FB5] =	sst s10  }
0x32: {  	s10 =	sld [smem:$0x3FB3];
	_ =	sdelay $0x3  }
0x33: {  	p0 =	seq.s32 s10, $0x1;
	s10 =	sld [smem:$0x3FB5];
	_ =	sdelay $0x3  }
0x34: {  	[smem:$0x3FB5] =	sst s10  }
0x35: {  	s10 =	sld [smem:$0x3FB4];
	_ =	sdelay $0x3  }
0x36: {  	p1 =	seq.s32 s10, $0x1;
	s10 =	sld [smem:$0x3FB5];
	_ =	sdelay $0x3  }
0x37: {  	[smem:$0x3FB5] =	sst s10  }
0x38: {  	s10 =	sld [smem:$0x3FB6]  }
0x39: {  	_ = 	snop;
	(pc) =	sbr.ind lr, $3  }
0x3a: {  	_ = 	snop  }
0x3b: {  	_ = 	snop  }
0x3c: {  	p2 =	seq.s32 s10, $0x1;
	s10 =	sld [smem:$0x3FB5]  }
0x3d: {  	_ =	shalt  }
0x3e: {  	_ =	shalt  }
0x3f: {  	_ =	shalt  }
0x40: {  	_ =	shalt  }
0x41: {  	_ =	shalt  }
0x42: {  	_ =	shalt  }
0x43: {  	_ =	shalt  }
0x44: {  	_ =	shalt  }
0x45: {  	_ =	shalt  }
0x46: {  	_ =	shalt  }
0x47: {  	_ =	shalt  }
0x48: {  	_ =	shalt  }
0x49: {  	_ =	shalt  }
0x4a: {  	_ =	shalt  }
0x4b: {  	_ =	shalt  }
0x4c: {  	_ =	shalt  }
0x4d: {  	_ =	shalt  }
0x4e: {  	_ =	shalt  }
0x4f: {  	_ =	shalt  }
0x50: {  	_ =	shalt  }
0x51: {  	_ =	shalt  }
0x52: {  	_ =	shalt  }
0x53: {  	_ =	shalt  }
0x54: {  	_ =	shalt  }
0x55: {  	_ =	shalt  }
0x56: {  	_ =	shalt  }
0x57: {  	_ =	shalt  }
0x58: {  	_ =	shalt  }
0x59: {  	_ =	shalt  }
0x5a: {  	_ =	shalt  }
0x5b: {  	_ =	shalt  }
0x5c: {  	_ =	shalt  }
0x5d: {  	_ =	shalt  }
0x5e: {  	_ =	shalt  }
0x5f: {  	_ =	shalt  }
0x60: {  	_ =	shalt  }
0x61: {  	_ =	shalt  }
0x62: {  	_ =	shalt  }
0x63: {  	_ =	shalt  }
0x64: {  	_ =	shalt  }
0x65: {  	_ =	shalt  }
0x66: {  	_ =	shalt  }
0x67: {  	_ =	shalt  }
0x68: {  	_ =	shalt  }
0x69: {  	_ =	shalt  }
0x6a: {  	_ =	shalt  }
0x6b: {  	_ =	shalt  }
0x6c: {  	_ =	shalt  }
0x6d: {  	_ =	shalt  }
0x6e: {  	_ =	shalt  }
0x6f: {  	_ =	shalt  }
0x70: {  	_ =	shalt  }
0x71: {  	_ =	shalt  }
0x72: {  	_ =	shalt  }
0x73: {  	_ =	shalt  }
0x74: {  	_ =	shalt  }
0x75: {  	_ =	shalt  }
0x76: {  	_ =	shalt  }
0x77: {  	_ =	shalt  }
0x78: {  	_ =	shalt  }
0x79: {  	_ =	shalt  }
0x7a: {  	_ =	shalt  }
0x7b: {  	_ =	shalt  }
0x7c: {  	_ =	shalt  }
0x7d: {  	_ =	shalt  }
0x7e: {  	_ =	shalt  }
0x7f: {  	_ =	shalt  }
0x80: {  	_ =	shalt  }
0x81: {  	_ =	shalt  }
0x82: {  	_ =	shalt  }
0x83: {  	_ =	shalt  }
0x84: {  	_ =	shalt  }
0x85: {  	_ =	shalt  }
0x86: {  	_ =	shalt  }
0x87: {  	_ =	shalt  }
.Lfunc_end0:
.L_simem_size_0:
called_computation_lowered:
.L_overlay_start_0:
0x88: {  	s2 =	sld [smem:$0x3FD9]  }
0x89: {  	s3 =	sld [smem:$0x3FFE];
	_ =	sdelay $0x1  }
0x8a: {  	s1 =	srdreg.scid  }
0x8b: {  	s0 =	sand.u32 $0x1, s1  }
0x8c: {  	s17 =	sshll.u32 s0, $0xA;
	s2 =	sadd.s32 s3, s2  }
0x8d: {  	s2 =	sadd.s32 s2, s17  }
0x8e: {  	[smem:$0x3FC1] =	sst s2  }
0x8f: {  	_ = 	snop  }
0x90: {  	s2 =	sld [smem:$0x3FD0];
	(tm) =	ssettm $0x1  }
0x91: {  	s18 =	sld [smem:$0x3FFB];
	_ =	sdelay $0x3  }
0x92: {  	_ =	strace s18  }
0x93: {  	s3 =	sld [smem:$0x3FFC];
	_ =	sdelay $0x3  }
0x94: {  	_ =	strace s3  }
0x95: {  	s3 =	sld [smem:$0x3FFD];
	_ =	sdelay $0x3  }
0x96: {  	_ =	strace s3  }
0x97: {  	_ =	strace $0x8FFFFFFF  }
0x98: {  	s19 =	sld [smem:$0x3FDB];
	_ =	sdelay $0x1  }
0x99: {  	s4 =	simm.s32 $_scs_section_size  }
0x9a: {  	s5 =	simm.s32 $_size__tile_overlayer_lowered;
	s6 =	simm.s32 $_tile_overlayer_lowered  }
0x9b: {  	s22 =	simm.s32 $0x1BFF;
	s21 =	sshll.u32 s6, $0x1;
	s3 =	sadd.s32 s4, s19  }
0x9c: {  	s7 =	simm.s32 $0x0;
	s20 =	sshll.u32 s5, $0x1;
	s5 =	sadd.s32 s21, s3  }
0x9d: {  	[timem:s7], [sflag:s22] =	dma.local [hbm:s5], s20  }
0x9e: {  	_ =	swait.ge [sflag:s22], s20  }
0x9f: {  	s4 =	ssub.s32 $0x0, s20;
	[sflag:s22] =	ssyncset.done $0x0  }
0xa0: {  	[sflag:s22] =	ssyncadd.s32 s4;
	_ =	sdelay $0x1  }
0xa1: {  	s23 =	simm.s32 $0x1B8B  }
0xa2: {  	_ =	swait.ge [sflag:s23], $0x1  }
0xa3: {  	[sflag:s23] =	ssyncset.done $0x0  }
0xa4: {  	s25 =	simm.s32 $0x1B8E;
	s24 =	sld [smem:$0x3FFE];
	[sflag:s23] =	ssyncadd.s32 $0xFFFFFFFF  }
0xa5: {  	s26 =	simm.s32 $execute0_lowered;
	[smem:$0x3FD2] =	sst s25  }
0xa6: {  	s5 =	sshll.u32 s26, $0x1;
	_ =	strace $0x80000046;
	[dreg:$0x1] =	wrdreg $0xFFFFFFFF  }
0xa7: {  	s28 =	simm.s32 $_size_execute0_lowered;
	s3 =	sadd.s32 s3, s5;
	[dreg:$0x0] =	wrdreg $0x0  }
0xa8: {  	s5 =	sshll.u32 s28, $0x1;
	[dreg:$0x2] =	wrdreg s3  }
0xa9: {  	[dreg:$0x3] =	wrdreg s5  }
0xaa: {  	[dreg:$0x4] =	wrdreg $0xC0  }
0xab: {  	_ =	task [dreg:s7], $0x5FFFF  }
0xac: {  	[dreg:$0x1] =	wrdreg $0xFFFFFFFF  }
0xad: {  	[dreg:$0x0] =	wrdreg $0x60  }
0xae: {  	[dreg:$0x2] =	wrdreg s24  }
0xaf: {  	[dreg:$0x3] =	wrdreg s2  }
0xb0: {  	[dreg:$0x4] =	wrdreg $0xB0000  }
0xb1: {  	[dreg:$0x5] =	wrdreg $0x150000  }
0xb2: {  	[dreg:$0x6] =	wrdreg $0x9  }
0xb3: {  	_ =	task.clear_ibuf [dreg:s7], $0x7FFFF;
	_ =	strace $0x90000046  }
0xb4: {  	s29 =	simm.s32 $0x9;
	_ =	strace $0x80000048  }
0xb5: {  	_ =	swait.ge [sflag:s29], $0x1  }
0xb6: {  	[sflag:s29] =	ssyncadd.s32 $0xFFFFFFFF  }
0xb7: {  	_ =	strace $0x90000048  }
0xb8: {  	_ =	sfence  }
0xb9: {  	s30 =	sld [smem:$0x0];
	_ =	sdelay $0x2  }
0xba: {  	s31 =	sshll.u32 s1, $0xD;
	s1 =	sshrl.u32 s1, $0x2  }
0xbb: {  	s3 =	sand.u32 $0x4000, s31;
	s1 =	sadd.s32 s1, s30  }
0xbc: {  	s0 =	sor.u32 s3, s0;
	s1 =	sshll.u32 s1, $0x11  }
0xbd: {  	s0 =	sor.u32 s1, s0  }
0xbe: {  	s0 =	sadd.s32 $0x8F2B, s0  }
0xbf: {  	[sflag:s0] =	ssyncadd.remote.s32 $0x1  }
0xc0: {  	_ =	sfence.sel $0xFFFF  }
0xc1: {  	[dreg:$0x0] =	wrdreg $0xFFFFFFFF;
	(pc) =	sbr.abs _section_cstart, $3  }
0xc2: {  	[dreg:$0x1] =	wrdreg $0xFFFFFFFF  }
0xc3: {  	_ =	task.clear_ibuf [dreg:s7], $0x2FFFF;
	_ =	strace $0x9FFFFFFF  }
0xc4: {  	(tm) =	ssettm $0x7FFFFFFF  }
0xc5: {  	_ =	shalt  }
tec
execute0_lowered:
.L_overlay_start_1:
0x0: {  	(tag) =	ssettag $0x1  }
0x1: {  	s0 =	srdreg.scid;
	s4 =	rddreg [dreg:$0x0]  }
0x2: {  	s20 =	stileid.u32;
	s5 =	rddreg [dreg:$0x1]  }
0x3: {  	s1 =	simm.s32 $0x0;
	s0 =	sand.u32 $0x1, s0;
	s3 =	smul.u32 $0x280, s20  }
0x4: {  	s7 =	smul.u32 $0xA00, s20;
	[smem:$0x7FF] =	sst s1;
	s10 =	sadd.s32 $0xA1E00, s4  }
0x5: {  	s12 =	sadd.s32 $0x5BA00, s4;
	s2 =	smul.u32 $0x2800, s0;
	s0 =	ssub.s32 $0x2, s0  }
0x6: {  	s11 =	sadd.s32 s7, s4;
	s9 =	sshrl.u32 s0, $0x1;
	s13 =	sadd.s32 $0x80, s3  }
0x7: {  	s15 =	sadd.s32 $0x100, s3;
	s16 =	sadd.s32 $0x180, s3;
	s6 =	sadd.s32 s3, s2  }
0x8: {  	s0 =	ssub.s32 s0, s9;
	s21 =	sadd.s32 s2, s13;
	s6 =	sshll.u32 s6, $0x3  }
0x9: {  	s22 =	sadd.s32 s2, s15;
	s17 =	sshll.u32 s21, $0x3;
	s19 =	sadd.s32 s10, s6  }
0xa: {  	s18 =	sshll.u32 s22, $0x3;
	s23 =	sadd.s32 s10, s17;
	[dreg:$0x5] =	wrdreg s19  }
0xb: {  	s8 =	sadd.s32 s6, s4;
	s26 =	sadd.s32 s10, s18;
	[dreg:$0x7] =	wrdreg s23  }
0xc: {  	s4 =	sadd.s32 $0x33A00, s4;
	s22 =	sadd.s32 s12, s6;
	[dreg:$0x9] =	wrdreg s26  }
0xd: {  	s3 =	sadd.s32 $0x200, s3;
	s14 =	sadd.s32 s4, s6;
	[dreg:$0xf] =	wrdreg s22  }
0xe: {  	s25 =	sadd.s32 s4, s17;
	s23 =	sadd.s32 s12, s17;
	s17 =	rddreg [dreg:$0x3]  }
0xf: {  	s24 =	sadd.s32 s2, s16;
	s2 =	sadd.s32 s2, s3;
	[dreg:$0x6] =	wrdreg s14  }
0x10: {  	s19 =	sshll.u32 s24, $0x3;
	s24 =	sadd.s32 s12, s18;
	[dreg:$0x10] =	wrdreg s23  }
0x11: {  	s2 =	sshll.u32 s2, $0x3;
	s9 =	sadd.s32 s10, s19;
	[dreg:$0x11] =	wrdreg s24  }
0x12: {  	s14 =	sadd.s32 s10, s2;
	[dreg:$0xb] =	wrdreg s9  }
0x13: {  	s21 =	sadd.s32 s4, s18;
	s26 =	sadd.s32 s12, s19;
	[dreg:$0xd] =	wrdreg s14  }
0x14: {  	s9 =	sadd.s32 s5, s7;
	s5 =	sadd.s32 s4, s19;
	s14 =	rddreg [dreg:$0x2]  }
0x15: {  	s7 =	sadd.s32 s4, s2;
	[dreg:$0x12] =	wrdreg s26;
	s2 =	sadd.s32 s12, s2  }
0x16: {  	s18 =	smov.u32 s21;
	s19 =	smov.u32 s5;
	[dreg:$0x13] =	wrdreg s2  }
0x17: {  	s5 =	sshll.u32 s13, $0x6;
	s13 =	sshll.u32 s16, $0x6;
	s16 =	sadd.s32 $0x1A00, s8  }
0x18: {  	s21 =	sadd.s32 $0x1E00, s8;
	_ =	strace $0x80000047;
	[dreg:$0x14] =	wrdreg s16  }
0x19: {  	s22 =	sadd.s32 $0x2200, s8;
	[dreg:$0x15] =	wrdreg s21  }
0x1a: {  	s23 =	sadd.s32 $0x2600, s8;
	[dreg:$0x16] =	wrdreg s22  }
0x1b: {  	s12 =	sshll.u32 s15, $0x6;
	s8 =	sadd.s32 $0x2A00, s8;
	[dreg:$0x17] =	wrdreg s23  }
0x1c: {  	s10 =	sadd.s32 s12, s17;
	[dreg:$0x18] =	wrdreg s8  }
0x1d: {  	s0 =	smax.u32 s0, $0x1;
	[dreg:$0x1e] =	wrdreg s10  }
0x1e: {  	[smem:$0x7FA] =	sst s0  }
0x1f: {  	[dreg:$0x8] =	wrdreg s25  }
0x20: {  	s15 =	smul.u32 $0xA000, s20;
	[dreg:$0xa] =	wrdreg s18  }
0x21: {  	s29 =	simm.s32 $0x3000;
	s31 =	simm.s32 $0x5;
	[dreg:$0xc] =	wrdreg s19  }
0x22: {  	s28 =	simm.s32 $0x5000;
	s24 =	sadd.s32 s15, s14;
	[smem:$0x7FD] =	sst s9  }
0x23: {  	s30 =	simm.s32 $0x6;
	s6 =	sadd.s32 s15, s17;
	[dreg:$0x19] =	wrdreg s24  }
0x24: {  	s3 =	sshll.u32 s3, $0x6;
	s26 =	sadd.s32 s5, s14;
	[dreg:$0x1a] =	wrdreg s6  }
0x25: {  	s4 =	simm.s32 $0x3;
	s2 =	sadd.s32 s5, s17;
	[dreg:$0x1b] =	wrdreg s26  }
0x26: {  	s8 =	sadd.s32 s12, s14;
	s12 =	sadd.s32 s13, s14;
	[dreg:$0x1c] =	wrdreg s2  }
0x27: {  	s13 =	sadd.s32 s13, s17;
	s15 =	sadd.s32 s3, s14;
	[dreg:$0x1d] =	wrdreg s8  }
0x28: {  	s16 =	sadd.s32 s3, s17;
	s21 =	sshll.u32 s20, $0x6;
	[dreg:$0x1f] =	wrdreg s12  }
0x29: {  	s22 =	smov.u32 s7;
	s23 =	simm.s32 $0xA;
	[smem:$0x7F7] =	sst s13  }
0x2a: {  	s7 =	simm.s32 $0x7000;
	s5 =	simm.s32 $0x1;
	[smem:$0x7F8] =	sst s15  }
0x2b: {  	s0 =	simm.s32 $0x8;
	s3 =	simm.s32 $0x9;
	[smem:$0x7F9] =	sst s16  }
0x2c: {  	s8 =	sadd.s32 $0x29A00, s11;
	[smem:$0x7FB] =	sst s21;
	s26 =	sor.u32 $0x1C0A, s21  }
0x2d: {  	s24 =	simm.s32 $0x1000;
	s16 =	simm.s32 $0x800;
	s21 =	simm.s32 $0x80  }
0x2e: {  	s2 =	simm.s32 $0x4;
	s6 =	simm.s32 $0x7;
	[dreg:$0xe] =	wrdreg s22  }
0x2f: {  	v0 =	vimm.f32 $0.0e+00;
	v1 =	vimm.f32 $1.000000000e+00;
	s11 =	simm.s32 $0x0;
	[smem:$0x7FC] =	sst s26;
	s26 =	simm.s32 $0x2  }
.LBB2_1:
0x30: {  	[smem:$0x7F6] =	sst s11  }
0x31: {  	s12 =	sld [smem:$0x7FC]  }
0x32: {  	s10 =	rddreg [dreg:$0x19]  }
0x33: {  	s9 =	rddreg [dreg:$0x14];
	s10 =	sshrl.u32 s10, $0x3  }
0x34: {  	[spmem:s10], [sflag:s12] =	dma.local [hbm:s9], $0x400  }
0x35: {  	_ =	swait.ge [sflag:s23], $0x400  }
0x36: {  	[sflag:s23] =	ssyncset.done $0x0;
	s11 =	rddreg [dreg:$0x1b]  }
0x37: {  	s13 =	rddreg [dreg:$0x15];
	[sflag:s23] =	ssyncadd.s32 $0xFFFFFC00;
	s10 =	sshrl.u32 s11, $0x3  }
0x38: {  	[spmem:s10], [sflag:s12] =	dma.local [hbm:s13], $0x400  }
0x39: {  	_ =	swait.ge [sflag:s23], $0x400  }
0x3a: {  	[sflag:s23] =	ssyncset.done $0x0;
	s15 =	rddreg [dreg:$0x1d]  }
0x3b: {  	s18 =	rddreg [dreg:$0x16];
	[sflag:s23] =	ssyncadd.s32 $0xFFFFFC00;
	s10 =	sshrl.u32 s15, $0x3  }
0x3c: {  	[spmem:s10], [sflag:s12] =	dma.local [hbm:s18], $0x400  }
0x3d: {  	_ =	swait.ge [sflag:s23], $0x400  }
0x3e: {  	[sflag:s23] =	ssyncset.done $0x0;
	s19 =	rddreg [dreg:$0x1f]  }
0x3f: {  	s20 =	rddreg [dreg:$0x17];
	[sflag:s23] =	ssyncadd.s32 $0xFFFFFC00;
	s10 =	sshrl.u32 s19, $0x3  }
0x40: {  	[spmem:s10], [sflag:s12] =	dma.local [hbm:s20], $0x400  }
0x41: {  	_ =	swait.ge [sflag:s23], $0x400  }
0x42: {  	s22 =	sld [smem:$0x7F8];
	_ =	sdelay $0x1  }
0x43: {  	[sflag:s23] =	ssyncset.done $0x0  }
0x44: {  	s25 =	rddreg [dreg:$0x18];
	[sflag:s23] =	ssyncadd.s32 $0xFFFFFC00;
	s10 =	sshrl.u32 s22, $0x3  }
0x45: {  	[spmem:s10], [sflag:s12] =	dma.local [hbm:s25], $0x400  }
0x46: {  	_ =	swait.ge [sflag:s23], $0x400  }
0x47: {  	[sflag:s23] =	ssyncset.done $0x0  }
0x48: {  	s11 =	simm.s32 $0x100;
	s10 =	simm.s32 $0x0;
	[sflag:s23] =	ssyncadd.s32 $0xFFFFFC00  }
.LBB2_2:
0x49: {  	p0 =	sne.s32 s11, $0x7F00;
	[tilespmem:s10+$0x1030] =	vst v0;
	s13 =	smov.u32 s11;
	s11 =	sadd.s32 $0x100, s11  }
.Ltmp0:
0x4a: {  	[tilespmem:s10+$0x1020] =	vst v0;
	(pc) =	sbr.rel @p0 .LBB2_2-.Ltmp0, $3  }
0x4b: {  	[tilespmem:s10+$0x1000] =	vst v0  }
0x4c: {  	[tilespmem:s10+$0x1010] =	vst v0;
	_ =	sdelay $0x1  }
0x4d: {  	s10 =	sshra.s32 s13, $0x2  }
0x4e: {  	[tilespmem:s10+$0x1030] =	vst v0  }
0x4f: {  	[tilespmem:s10+$0x1020] =	vst v0  }
0x50: {  	[tilespmem:s10+$0x1000] =	vst v0  }
0x51: {  	[tilespmem:s10+$0x1010] =	vst v0;
	s18 =	rddreg [dreg:$0x1a]  }
0x52: {  	[spmem:s18] =	stream.linear.scatter [tilespmem:s24], [sflag:$0xA], $0x2000, $0x38;
	[tilespmem:$0x1F000] =	vst v63  }
0x53: {  	_ =	swait.ge [sflag:s23], $0x2000  }
0x54: {  	[sflag:s23] =	ssyncset.done $0x0  }
0x55: {  	s19 =	rddreg [dreg:$0x1c];
	[sflag:s23] =	ssyncadd.s32 $0xFFFFE000  }
0x56: {  	[spmem:s19] =	stream.linear.scatter [tilespmem:s24], [sflag:$0xA], $0x2000, $0x38;
	[tilespmem:$0x1F000] =	vst v63  }
0x57: {  	_ =	swait.ge [sflag:s23], $0x2000  }
0x58: {  	[sflag:s23] =	ssyncset.done $0x0  }
0x59: {  	s20 =	rddreg [dreg:$0x1e];
	[sflag:s23] =	ssyncadd.s32 $0xFFFFE000  }
0x5a: {  	[spmem:s20] =	stream.linear.scatter [tilespmem:s24], [sflag:$0xA], $0x2000, $0x38;
	[tilespmem:$0x1F000] =	vst v63  }
0x5b: {  	_ =	swait.ge [sflag:s23], $0x2000  }
0x5c: {  	s22 =	sld [smem:$0x7F7]  }
0x5d: {  	[sflag:s23] =	ssyncset.done $0x0  }
0x5e: {  	[sflag:s23] =	ssyncadd.s32 $0xFFFFE000  }
0x5f: {  	[spmem:s22] =	stream.linear.scatter [tilespmem:s24], [sflag:$0xA], $0x2000, $0x38;
	[tilespmem:$0x1F000] =	vst v63  }
0x60: {  	_ =	swait.ge [sflag:s23], $0x2000  }
0x61: {  	s25 =	sld [smem:$0x7F9]  }
0x62: {  	[sflag:s23] =	ssyncset.done $0x0  }
0x63: {  	[sflag:s23] =	ssyncadd.s32 $0xFFFFE000  }
0x64: {  	[spmem:s25] =	stream.linear.scatter [tilespmem:s24], [sflag:$0xA], $0x2000, $0x38;
	[tilespmem:$0x1F000] =	vst v63  }
0x65: {  	_ =	swait.ge [sflag:s23], $0x2000  }
0x66: {  	[sflag:s23] =	ssyncset.done $0x0  }
0x67: {  	s11 =	simm.s32 $0x100;
	[sflag:s23] =	ssyncadd.s32 $0xFFFFE000  }
0x68: {  	s10 =	simm.s32 $0x0;
	s12 =	simm.s32 $0x880;
	[bflag:$0x0] =	sbarrier.arrive $0xFFFF  }
.LBB2_4:
0x69: {  	p0 =	sne.s32 s11, $0x7F00;
	[tilespmem:s10+$0x1030] =	vst v1;
	s13 =	smov.u32 s11;
	s11 =	sadd.s32 $0x100, s11  }
.Ltmp1:
0x6a: {  	[tilespmem:s10+$0x1020] =	vst v1;
	(pc) =	sbr.rel @p0 .LBB2_4-.Ltmp1, $3  }
0x6b: {  	[tilespmem:s10+$0x1000] =	vst v1  }
0x6c: {  	[tilespmem:s10+$0x1010] =	vst v1;
	_ =	sdelay $0x1  }
0x6d: {  	s10 =	sshra.s32 s13, $0x2  }
0x6e: {  	[tilespmem:s10+$0x1030] =	vst v1  }
0x6f: {  	[tilespmem:s10+$0x1020] =	vst v1  }
0x70: {  	[tilespmem:s10+$0x1000] =	vst v1  }
0x71: {  	[tilespmem:s10+$0x1010] =	vst v1;
	s25 =	sadd.s32 $0x0, s8  }
0x72: {  	[tilespmem:s16], [sflag:$0xA] =	stream.linear.gather [hbm4b:s25+s1], $0x400, $0x38;
	[tilespmem:$0x1F000] =	vst v63  }
0x73: {  	_ =	swait.ge [sflag:s23], $0x400  }
0x74: {  	[sflag:s23] =	ssyncset.done $0x0  }
0x75: {  	[sflag:s23] =	ssyncadd.s32 $0xFFFFFC00  }
0x76: {  	[spmem:s17] =	stream.indirect.scatter.add.f32 [tilespmem:s24], [sflag:$0xA], $0x40, s16, s21, $0xb8;
	[tilespmem:$0x1F000] =	vst v63  }
0x77: {  	_ =	swait.ge [sflag:s23], $0x2000  }
0x78: {  	[sflag:s23] =	ssyncset.done $0x0  }
0x79: {  	[sflag:s23] =	ssyncadd.s32 $0xFFFFE000  }
0x7a: {  	[spmem:s17] =	stream.indirect.scatter.add.f32 [tilespmem:s24], [sflag:$0xA], $0x40, s12, s21, $0xb8;
	[tilespmem:$0x1F000] =	vst v63  }
0x7b: {  	_ =	swait.ge [sflag:s23], $0x2000  }
0x7c: {  	[sflag:s23] =	ssyncset.done $0x0  }
0x7d: {  	s18 =	simm.s32 $0x900;
	[sflag:s23] =	ssyncadd.s32 $0xFFFFE000  }
0x7e: {  	[spmem:s17] =	stream.indirect.scatter.add.f32 [tilespmem:s24], [sflag:$0xA], $0x40, s18, s21, $0xb8;
	[tilespmem:$0x1F000] =	vst v63  }
0x7f: {  	_ =	swait.ge [sflag:s23], $0x2000  }
0x80: {  	[sflag:s23] =	ssyncset.done $0x0  }
0x81: {  	s19 =	simm.s32 $0x980;
	[sflag:s23] =	ssyncadd.s32 $0xFFFFE000  }
0x82: {  	[spmem:s17] =	stream.indirect.scatter.add.f32 [tilespmem:s24], [sflag:$0xA], $0x40, s19, s21, $0xb8;
	[tilespmem:$0x1F000] =	vst v63  }
0x83: {  	_ =	swait.ge [sflag:s23], $0x2000  }
0x84: {  	[sflag:s23] =	ssyncset.done $0x0  }
0x85: {  	s20 =	simm.s32 $0xA00;
	[sflag:s23] =	ssyncadd.s32 $0xFFFFE000  }
0x86: {  	[spmem:s17] =	stream.indirect.scatter.add.f32 [tilespmem:s24], [sflag:$0xA], $0x40, s20, s21, $0xb8;
	[tilespmem:$0x1F000] =	vst v63  }
0x87: {  	_ =	swait.ge [sflag:s23], $0x2000  }
0x88: {  	[sflag:s23] =	ssyncset.done $0x0  }
0x89: {  	s22 =	simm.s32 $0xA80;
	[sflag:s23] =	ssyncadd.s32 $0xFFFFE000  }
0x8a: {  	[spmem:s17] =	stream.indirect.scatter.add.f32 [tilespmem:s24], [sflag:$0xA], $0x40, s22, s21, $0xb8;
	[tilespmem:$0x1F000] =	vst v63  }
0x8b: {  	_ =	swait.ge [sflag:s23], $0x2000  }
0x8c: {  	[sflag:s23] =	ssyncset.done $0x0  }
0x8d: {  	s25 =	simm.s32 $0xB00;
	[sflag:s23] =	ssyncadd.s32 $0xFFFFE000  }
0x8e: {  	[spmem:s17] =	stream.indirect.scatter.add.f32 [tilespmem:s24], [sflag:$0xA], $0x40, s25, s21, $0xb8;
	[tilespmem:$0x1F000] =	vst v63  }
0x8f: {  	_ =	swait.ge [sflag:s23], $0x2000  }
0x90: {  	[sflag:s23] =	ssyncset.done $0x0  }
0x91: {  	s1 =	simm.s32 $0xB80;
	[sflag:s23] =	ssyncadd.s32 $0xFFFFE000  }
0x92: {  	[spmem:s17] =	stream.indirect.scatter.add.f32 [tilespmem:s24], [sflag:$0xA], $0x40, s1, s21, $0xb8;
	[tilespmem:$0x1F000] =	vst v63  }
0x93: {  	s9 =	simm.s32 $0x0;
	_ =	swait.ge [sflag:s23], $0x2000  }
0x94: {  	s13 =	simm.s32 $0x80;
	s10 =	simm.s32 $0x100;
	[sflag:s23] =	ssyncset.done $0x0  }
.LBB2_6:
0x95: {  	s11 =	sadd.s32 s13, s8  }
0x96: {  	[sflag:s23] =	ssyncadd.s32 $0xFFFFE000;
	s13 =	smov.u32 s10;
	s15 =	sadd.s32 $0x80, s10  }
0x97: {  	[tilespmem:s16], [sflag:$0xA] =	stream.linear.gather [hbm4b:s11+s9], $0x400, $0x38;
	[tilespmem:$0x1F000] =	vst v63  }
0x98: {  	p0 =	sne.s32 s10, $0x980;
	_ =	swait.ge [sflag:s23], $0x400  }
0x99: {  	[sflag:s23] =	ssyncset.done $0x0  }
0x9a: {  	[sflag:s23] =	ssyncadd.s32 $0xFFFFFC00  }
0x9b: {  	[spmem:s17] =	stream.indirect.scatter.add.f32 [tilespmem:s24], [sflag:$0xA], $0x40, s16, s21, $0xb8;
	[tilespmem:$0x1F000] =	vst v63  }
0x9c: {  	_ =	swait.ge [sflag:s23], $0x2000  }
0x9d: {  	[sflag:s23] =	ssyncset.done $0x0  }
0x9e: {  	[sflag:s23] =	ssyncadd.s32 $0xFFFFE000  }
0x9f: {  	[spmem:s17] =	stream.indirect.scatter.add.f32 [tilespmem:s24], [sflag:$0xA], $0x40, s12, s21, $0xb8;
	[tilespmem:$0x1F000] =	vst v63  }
0xa0: {  	_ =	swait.ge [sflag:s23], $0x2000  }
0xa1: {  	[sflag:s23] =	ssyncset.done $0x0  }
0xa2: {  	[sflag:s23] =	ssyncadd.s32 $0xFFFFE000  }
0xa3: {  	[spmem:s17] =	stream.indirect.scatter.add.f32 [tilespmem:s24], [sflag:$0xA], $0x40, s18, s21, $0xb8;
	[tilespmem:$0x1F000] =	vst v63  }
0xa4: {  	_ =	swait.ge [sflag:s23], $0x2000  }
0xa5: {  	[sflag:s23] =	ssyncset.done $0x0  }
0xa6: {  	[sflag:s23] =	ssyncadd.s32 $0xFFFFE000  }
0xa7: {  	[spmem:s17] =	stream.indirect.scatter.add.f32 [tilespmem:s24], [sflag:$0xA], $0x40, s19, s21, $0xb8;
	[tilespmem:$0x1F000] =	vst v63  }
0xa8: {  	_ =	swait.ge [sflag:s23], $0x2000  }
0xa9: {  	[sflag:s23] =	ssyncset.done $0x0  }
0xaa: {  	[sflag:s23] =	ssyncadd.s32 $0xFFFFE000  }
0xab: {  	[spmem:s17] =	stream.indirect.scatter.add.f32 [tilespmem:s24], [sflag:$0xA], $0x40, s20, s21, $0xb8;
	[tilespmem:$0x1F000] =	vst v63  }
0xac: {  	_ =	swait.ge [sflag:s23], $0x2000  }
0xad: {  	[sflag:s23] =	ssyncset.done $0x0  }
0xae: {  	[sflag:s23] =	ssyncadd.s32 $0xFFFFE000  }
0xaf: {  	[spmem:s17] =	stream.indirect.scatter.add.f32 [tilespmem:s24], [sflag:$0xA], $0x40, s22, s21, $0xb8;
	[tilespmem:$0x1F000] =	vst v63  }
0xb0: {  	_ =	swait.ge [sflag:s23], $0x2000  }
0xb1: {  	[sflag:s23] =	ssyncset.done $0x0  }
0xb2: {  	[sflag:s23] =	ssyncadd.s32 $0xFFFFE000  }
0xb3: {  	[spmem:s17] =	stream.indirect.scatter.add.f32 [tilespmem:s24], [sflag:$0xA], $0x40, s25, s21, $0xb8;
	[tilespmem:$0x1F000] =	vst v63  }
0xb4: {  	_ =	swait.ge [sflag:s23], $0x2000  }
.Ltmp2:
0xb5: {  	[sflag:s23] =	ssyncset.done $0x0;
	(pc) =	sbr.rel @p0 .LBB2_6-.Ltmp2, $4  }
0xb6: {  	[sflag:s23] =	ssyncadd.s32 $0xFFFFE000  }
0xb7: {  	[spmem:s17] =	stream.indirect.scatter.add.f32 [tilespmem:s24], [sflag:$0xA], $0x40, s1, s21, $0xb8;
	[tilespmem:$0x1F000] =	vst v63  }
0xb8: {  	_ =	swait.ge [sflag:s23], $0x2000  }
0xb9: {  	s10 =	smov.u32 s15;
	[sflag:s23] =	ssyncset.done $0x0  }
0xba: {  	s10 =	sadd.s32 s13, s8;
	[sflag:s23] =	ssyncadd.s32 $0xFFFFE000  }
0xbb: {  	[tilespmem:s16], [sflag:$0xA] =	stream.linear.gather [hbm4b:s10+s9], $0x400, $0x38;
	[tilespmem:$0x1F000] =	vst v63  }
0xbc: {  	_ =	swait.ge [sflag:s23], $0x400  }
0xbd: {  	[sflag:s23] =	ssyncset.done $0x0  }
0xbe: {  	[sflag:s23] =	ssyncadd.s32 $0xFFFFFC00  }
0xbf: {  	[spmem:s17] =	stream.indirect.scatter.add.f32 [tilespmem:s24], [sflag:$0xA], $0x40, s16, s21, $0xb8;
	[tilespmem:$0x1F000] =	vst v63  }
0xc0: {  	_ =	swait.ge [sflag:s23], $0x2000  }
0xc1: {  	[sflag:s23] =	ssyncset.done $0x0  }
0xc2: {  	[sflag:s23] =	ssyncadd.s32 $0xFFFFE000  }
0xc3: {  	[spmem:s17] =	stream.indirect.scatter.add.f32 [tilespmem:s24], [sflag:$0xA], $0x40, s12, s21, $0xb8;
	[tilespmem:$0x1F000] =	vst v63  }
0xc4: {  	_ =	swait.ge [sflag:s23], $0x2000  }
0xc5: {  	[sflag:s23] =	ssyncset.done $0x0  }
0xc6: {  	[sflag:s23] =	ssyncadd.s32 $0xFFFFE000  }
0xc7: {  	[spmem:s17] =	stream.indirect.scatter.add.f32 [tilespmem:s24], [sflag:$0xA], $0x40, s18, s21, $0xb8;
	[tilespmem:$0x1F000] =	vst v63  }
0xc8: {  	_ =	swait.ge [sflag:s23], $0x2000  }
0xc9: {  	[sflag:s23] =	ssyncset.done $0x0  }
0xca: {  	[sflag:s23] =	ssyncadd.s32 $0xFFFFE000  }
0xcb: {  	[spmem:s17] =	stream.indirect.scatter.add.f32 [tilespmem:s24], [sflag:$0xA], $0x40, s19, s21, $0xb8;
	[tilespmem:$0x1F000] =	vst v63  }
0xcc: {  	_ =	swait.ge [sflag:s23], $0x2000  }
0xcd: {  	[sflag:s23] =	ssyncset.done $0x0  }
0xce: {  	[sflag:s23] =	ssyncadd.s32 $0xFFFFE000  }
0xcf: {  	[spmem:s17] =	stream.indirect.scatter.add.f32 [tilespmem:s24], [sflag:$0xA], $0x40, s20, s21, $0xb8;
	[tilespmem:$0x1F000] =	vst v63  }
0xd0: {  	_ =	swait.ge [sflag:s23], $0x2000  }
0xd1: {  	[sflag:s23] =	ssyncset.done $0x0  }
0xd2: {  	[sflag:s23] =	ssyncadd.s32 $0xFFFFE000  }
0xd3: {  	[spmem:s17] =	stream.indirect.scatter.add.f32 [tilespmem:s24], [sflag:$0xA], $0x40, s22, s21, $0xb8;
	[tilespmem:$0x1F000] =	vst v63  }
0xd4: {  	_ =	swait.ge [sflag:s23], $0x2000  }
0xd5: {  	[sflag:s23] =	ssyncset.done $0x0  }
0xd6: {  	[sflag:s23] =	ssyncadd.s32 $0xFFFFE000  }
0xd7: {  	[spmem:s17] =	stream.indirect.scatter.add.f32 [tilespmem:s24], [sflag:$0xA], $0x40, s25, s21, $0xb8;
	[tilespmem:$0x1F000] =	vst v63  }
0xd8: {  	_ =	swait.ge [sflag:s23], $0x2000  }
0xd9: {  	[sflag:s23] =	ssyncset.done $0x0  }
0xda: {  	[sflag:s23] =	ssyncadd.s32 $0xFFFFE000  }
0xdb: {  	[spmem:s17] =	stream.indirect.scatter.add.f32 [tilespmem:s24], [sflag:$0xA], $0x40, s1, s21, $0xb8;
	[tilespmem:$0x1F000] =	vst v63  }
0xdc: {  	_ =	swait.ge [sflag:s23], $0x2000  }
0xdd: {  	[sflag:s23] =	ssyncset.done $0x0  }
0xde: {  	[sflag:s23] =	ssyncadd.s32 $0xFFFFE000  }
0xdf: {  	[bflag:$0x0] =	sbarrier.arrive $0xFFFF  }
0xe0: {  	s18 =	simm.s32 $0x9000;
	s11 =	rddreg [dreg:$0x1a]  }
0xe1: {  	[tilespmem:s18], [sflag:$0xA] =	stream.linear.gather [spmem:s11], $0x2000, $0x38;
	[tilespmem:$0x1F000] =	vst v63  }
0xe2: {  	_ =	swait.ge [sflag:s23], $0x2000  }
0xe3: {  	[sflag:s23] =	ssyncset.done $0x0  }
0xe4: {  	[sflag:s23] =	ssyncadd.s32 $0xFFFFE000  }
0xe5: {  	v2 =	vld [tilespmem:s18+$0x0];
	_ =	sdelay $0x3  }
0xe6: {  	s19 =	simm.s32 $0x9040  }
0xe7: {  	v3 =	vld [tilespmem:s19+$0x0];
	v2 =	vmax.f32 v2, $1.000000000e+00  }
0xe8: {  	(erf) = vrcp.f32 v2;
	_ =	sdelay $0x2  }
0xe9: {  	s20 =	simm.s32 $0x9080  }
0xea: {  	v4 =	vld [tilespmem:s20+$0x0];
	v3 =	vmax.f32 v3, $1.000000000e+00  }
0xeb: {  	(erf) = vrcp.f32 v3;
	_ =	sdelay $0x3  }
0xec: {  	v4 =	vmax.f32 v4, $1.000000000e+00;
	v6 =	vpop (erf)  }
0xed: {  	(erf) = vrcp.f32 v4;
	v6 =	vmul.f32 $8.999999760e-01, v6;
	_ =	sdelay $0x1  }
0xee: {  	s22 =	simm.s32 $0x90C0;
	(xrf0) =	vmax.scan.msk.f32 $0xffff, v6  }
0xef: {  	v5 =	vld [tilespmem:s22+$0x0]  }
0xf0: {  	v7 =	vmul.f32 $1.111111160e+00, v2;
	v2 =	vpop (erf)  }
0xf1: {  	v6 =	vmul.f32 $8.999999760e-01, v2  }
0xf2: {  	v3 =	vmul.f32 $1.111111160e+00, v3;
	(xrf0) =	vmax.scan.msk.f32 $0xffff, v7  }
0xf3: {  	(xrf0) =	vmax.scan.msk.f32 $0xffff, v6  }
0xf4: {  	v2 =	vmax.f32 v5, $1.000000000e+00;
	(xrf0) =	vmax.scan.msk.f32 $0xffff, v3;
	v5, _, _ =	vpop (xrf0)  }
0xf5: {  	v6 =	vpop (erf)  }
0xf6: {  	(v2sf) =	vpush v5, $0xF;
	v5 =	vmul.f32 $8.999999760e-01, v6;
	_ =	sdelay $0x1  }
0xf7: {  	v7, _, _ =	vpop (xrf0)  }
0xf8: {  	(v2sf) =	vpush v7, $0xF;
	v6, _, _ =	vpop (xrf0)  }
0xf9: {  	s25 =	simm.s32 $0x9100;
	(erf) = vrcp.f32 v2;
	(xrf0) =	vmax.scan.msk.f32 $0xffff, v5;
	(v2sf) =	vpush v6, $0xF;
	v5, _, _ =	vpop (xrf0)  }
0xfa: {  	v3 =	vld [tilespmem:s25+$0x0];
	(v2sf) =	vpush v5, $0xF;
	_ =	sdelay $0x2  }
0xfb: {  	v4 =	vmul.f32 $1.111111160e+00, v4;
	_ =	sdelay $0x1  }
0xfc: {  	v3 =	vmax.f32 v3, $1.000000000e+00;
	(xrf0) =	vmax.scan.msk.f32 $0xffff, v4  }
0xfd: {  	s15 =	simm.s32 $0x10;
	s11 =	simm.s32 $0x9140;
	(erf) = vrcp.f32 v3  }
0xfe: {  	s13 =	simm.s32 $0x14;
	s10 =	simm.s32 $0x18;
	s16 =	simm.s32 $0xC;
	v4 =	vld [tilespmem:s11+$0x0]  }
0xff: {  	s22 =	simm.s32 $0x0;
	s18 =	simm.s32 $0x4;
	s19 =	simm.s32 $0x8;
	v5 =	vpop (erf)  }
.LBB2_8:
0x100: {  	p0 =	sne.s32 s10, $0x1FC;
	v8 =	vmul.f32 $8.999999760e-01, v5;
	s20 =	smov.u32 s15;
	s15 =	smov.u32 s13  }
0x101: {  	v6 =	vmul.f32 $1.111111160e+00, v2;
	v2 =	vmov v3;
	s13 =	smov.u32 s10;
	v7, _, _ =	vpop (xrf0)  }
.Ltmp3:
0x102: {  	(xrf0) =	vmax.scan.msk.f32 $0xffff, v8;
	(v2sf) =	vpush v7, $0xF;
	v5, _, _ =	vpop (xrf0);
	(pc) =	sbr.rel @p0 .LBB2_8-.Ltmp3, $4  }
0x103: {  	s11 =	sadd.s32 $0x40, s11;
	s22 =	sshra.s32 s22, $0x2;
	v3 =	vmax.f32 v4, $1.000000000e+00;
	(xrf0) =	vmax.scan.msk.f32 $0xffff, v6;
	(v2sf) =	vpush v5, $0xF;
	s25 =	spop (v2sf)  }
0x104: {  	(erf) = vrcp.f32 v3;
	[smem:s22] =	sst s25;
	s22 =	sadd.s32 $0x280, s22;
	s25 =	spop (v2sf)  }
0x105: {  	v4 =	vld [tilespmem:s11+$0x0];
	[smem:s22] =	sst s25;
	s22 =	smov.u32 s18;
	s18 =	smov.u32 s19  }
0x106: {  	s10 =	sadd.s32 $0x4, s10;
	s19 =	smov.u32 s16;
	s16 =	smov.u32 s20;
	v5 =	vpop (erf)  }
0x107: {  	_ =	sdelay $0x2  }
0x108: {  	v4 =	vmax.f32 v4, $1.000000000e+00  }
0x109: {  	(erf) = vrcp.f32 v4;
	_ =	sdelay $0x5  }
0x10a: {  	v5 =	vmul.f32 $8.999999760e-01, v5  }
0x10b: {  	v2 =	vmul.f32 $1.111111160e+00, v2  }
0x10c: {  	(xrf0) =	vmax.scan.msk.f32 $0xffff, v5;
	v6 =	vpop (erf)  }
0x10d: {  	(xrf0) =	vmax.scan.msk.f32 $0xffff, v2;
	v2 =	vmul.f32 $1.111111160e+00, v3;
	v5 =	vmul.f32 $8.999999760e-01, v6;
	v3 =	vpop (erf)  }
0x10e: {  	v3 =	vmul.f32 $8.999999760e-01, v3  }
0x10f: {  	(xrf0) =	vmax.scan.msk.f32 $0xffff, v5  }
0x110: {  	(xrf0) =	vmax.scan.msk.f32 $0xffff, v2;
	v2 =	vmul.f32 $1.111111160e+00, v4  }
0x111: {  	v4, _, _ =	vpop (xrf0)  }
0x112: {  	(v2sf) =	vpush v4, $0xF;
	(xrf0) =	vmax.scan.msk.f32 $0xffff, v3;
	v3, _, _ =	vpop (xrf0)  }
0x113: {  	(v2sf) =	vpush v3, $0xF  }
0x114: {  	(xrf0) =	vmax.scan.msk.f32 $0xffff, v2;
	v2, _, _ =	vpop (xrf0)  }
0x115: {  	v3, _, _ =	vpop (xrf0);
	(v2sf) =	vpush v2, $0xF  }
0x116: {  	(v2sf) =	vpush v3, $0xF  }
0x117: {  	v2, _, _ =	vpop (xrf0)  }
0x118: {  	(v2sf) =	vpush v2, $0xF;
	v2, _, _ =	vpop (xrf0)  }
0x119: {  	(v2sf) =	vpush v2, $0xF;
	v2, _, _ =	vpop (xrf0)  }
0x11a: {  	(v2sf) =	vpush v2, $0xF;
	v2, _, _ =	vpop (xrf0)  }
0x11b: {  	(v2sf) =	vpush v2, $0xF;
	_ =	sdelay $0x1  }
0x11c: {  	s10 =	spop (v2sf);
	s11 =	sshra.s32 s22, $0x2  }
0x11d: {  	s20 =	spop (v2sf);
	[smem:s11] =	sst s10;
	s22 =	sadd.s32 $0x280, s11  }
0x11e: {  	s1 =	sshra.s32 s18, $0x2;
	[smem:s22] =	sst s20;
	s25 =	spop (v2sf)  }
0x11f: {  	s10 =	sadd.s32 $0x280, s1;
	s9 =	spop (v2sf);
	[smem:s1] =	sst s25  }
0x120: {  	s18 =	sshra.s32 s19, $0x2;
	[smem:s10] =	sst s9;
	s12 =	spop (v2sf)  }
0x121: {  	s10 =	sadd.s32 $0x280, s18;
	[smem:s18] =	sst s12;
	s19 =	spop (v2sf)  }
0x122: {  	s20 =	sshra.s32 s16, $0x2;
	[smem:s10] =	sst s19  }
0x123: {  	s18 =	simm.s32 $0x9000;
	s22 =	spop (v2sf);
	s19 =	rddreg [dreg:$0x1c]  }
0x124: {  	s10 =	sadd.s32 $0x280, s20;
	[smem:s20] =	sst s22;
	s25 =	spop (v2sf)  }
0x125: {  	[tilespmem:s18], [sflag:$0xA] =	stream.linear.gather [spmem:s19], $0x2000, $0x38;
	[tilespmem:$0x1F000] =	vst v63  }
0x126: {  	s1 =	sshra.s32 s15, $0x2;
	[smem:s10] =	sst s25;
	s9 =	spop (v2sf)  }
0x127: {  	s10 =	sadd.s32 $0x280, s1;
	[smem:s1] =	sst s9;
	s12 =	spop (v2sf)  }
0x128: {  	s13 =	sshra.s32 s13, $0x2;
	[smem:s10] =	sst s12;
	s15 =	spop (v2sf)  }
0x129: {  	s10 =	sadd.s32 $0x280, s13;
	[smem:s13] =	sst s15;
	s16 =	spop (v2sf)  }
0x12a: {  	[smem:s10] =	sst s16  }
0x12b: {  	_ =	swait.ge [sflag:s23], $0x2000  }
0x12c: {  	[sflag:s23] =	ssyncset.done $0x0  }
0x12d: {  	[sflag:s23] =	ssyncadd.s32 $0xFFFFE000  }
0x12e: {  	v2 =	vld [tilespmem:s18+$0x0];
	_ =	sdelay $0x4  }
0x12f: {  	v2 =	vmax.f32 v2, $1.000000000e+00  }
0x130: {  	(erf) = vrcp.f32 v2  }
0x131: {  	s20 =	simm.s32 $0x9040  }
0x132: {  	v3 =	vld [tilespmem:s20+$0x0];
	_ =	sdelay $0x3  }
0x133: {  	s22 =	simm.s32 $0x9080  }
0x134: {  	v4 =	vld [tilespmem:s22+$0x0];
	v3 =	vmax.f32 v3, $1.000000000e+00  }
0x135: {  	(erf) = vrcp.f32 v3  }
0x136: {  	v5 =	vpop (erf)  }
0x137: {  	v5 =	vmul.f32 $8.999999760e-01, v5  }
0x138: {  	v2 =	vmul.f32 $1.111111160e+00, v2  }
0x139: {  	v4 =	vmax.f32 v4, $1.000000000e+00;
	(xrf0) =	vmax.scan.msk.f32 $0xffff, v5  }
0x13a: {  	(erf) = vrcp.f32 v4;
	(xrf0) =	vmax.scan.msk.f32 $0xffff, v2;
	_ =	sdelay $0x1  }
0x13b: {  	s25 =	simm.s32 $0x90C0  }
0x13c: {  	v2 =	vld [tilespmem:s25+$0x0]  }
0x13d: {  	v7 =	vpop (erf)  }
0x13e: {  	v5, _, _ =	vpop (xrf0)  }
0x13f: {  	(v2sf) =	vpush v5, $0xF;
	v5, _, _ =	vpop (xrf0)  }
0x140: {  	(v2sf) =	vpush v5, $0xF;
	v5 =	vmul.f32 $8.999999760e-01, v7  }
0x141: {  	v7 =	vmax.f32 v2, $1.000000000e+00;
	v2 =	vmul.f32 $1.111111160e+00, v3  }
0x142: {  	v3 =	vpop (erf);
	(xrf0) =	vmax.scan.msk.f32 $0xffff, v5  }
0x143: {  	s1 =	simm.s32 $0x9100;
	(xrf0) =	vmax.scan.msk.f32 $0xffff, v2;
	v2 =	vmul.f32 $8.999999760e-01, v3  }
0x144: {  	v6 =	vld [tilespmem:s1+$0x0];
	v3 =	vmul.f32 $1.111111160e+00, v4  }
0x145: {  	(erf) = vrcp.f32 v7;
	(xrf0) =	vmax.scan.msk.f32 $0xffff, v2  }
0x146: {  	(xrf0) =	vmax.scan.msk.f32 $0xffff, v3;
	_ =	sdelay $0x2  }
0x147: {  	v6 =	vmax.f32 v6, $1.000000000e+00;
	v3, _, _ =	vpop (xrf0)  }
0x148: {  	s9 =	simm.s32 $0x9140;
	(erf) = vrcp.f32 v6;
	v4, _, _ =	vpop (xrf0);
	(v2sf) =	vpush v3, $0xF  }
0x149: {  	v2 =	vld [tilespmem:s9+$0x0];
	(v2sf) =	vpush v4, $0xF;
	v4, _, _ =	vpop (xrf0)  }
0x14a: {  	(v2sf) =	vpush v4, $0xF;
	v4, _, _ =	vpop (xrf0)  }
0x14b: {  	(v2sf) =	vpush v4, $0xF  }
0x14c: {  	s11 =	simm.s32 $0x9180;
	v3 =	vpop (erf)  }
0x14d: {  	v8 =	vld [tilespmem:s11+$0x0];
	v3 =	vmul.f32 $8.999999760e-01, v3  }
0x14e: {  	s19 =	simm.s32 $0x4;
	s12 =	simm.s32 $0x80;
	v5 =	vmul.f32 $1.111111160e+00, v7;
	v2 =	vmax.f32 v2, $1.000000000e+00  }
0x14f: {  	s15 =	simm.s32 $0x10;
	s13 =	simm.s32 $0x18;
	s16 =	simm.s32 $0xC;
	(erf) = vrcp.f32 v2;
	(xrf0) =	vmax.scan.msk.f32 $0xffff, v3  }
0x150: {  	s18 =	simm.s32 $0x8;
	s22 =	simm.s32 $0x14;
	s20 =	simm.s32 $0x1C;
	(xrf0) =	vmax.scan.msk.f32 $0xffff, v5  }
0x151: {  	s11 =	simm.s32 $0x91C0;
	s9 =	sld [smem:$0x7FD];
	s25 =	spop (v2sf);
	v3 =	vpop (erf)  }
0x152: {  	v4 =	vmul.f32 $1.111111160e+00, v6;
	[smem:s12] =	sst s25;
	s25 =	simm.s32 $0x300;
	s10 =	spop (v2sf);
	v5 =	vmul.f32 $8.999999760e-01, v3;
	v3 =	vmax.f32 v8, $1.000000000e+00  }
.LBB2_10:
0x153: {  	[smem:s25] =	sst s10  }
0x154: {  	s10 =	smov.u32 s16;
	s16 =	smov.u32 s15;
	s15 =	smov.u32 s22  }
0x155: {  	v6 =	vld [tilespmem:s11+$0x0];
	(erf) = vrcp.f32 v3;
	(xrf0) =	vmax.scan.msk.f32 $0xffff, v5;
	v5, _, _ =	vpop (xrf0);
	s22 =	smov.u32 s13;
	s13 =	smov.u32 s20;
	p0 =	sne.s32 s20, $0x1FC  }
.Ltmp4:
0x156: {  	s20 =	sadd.s32 $0x4, s20;
	(xrf0) =	vmax.scan.msk.f32 $0xffff, v4;
	(v2sf) =	vpush v5, $0xF;
	v4, _, _ =	vpop (xrf0);
	(pc) =	sbr.rel @p0 .LBB2_10-.Ltmp4, $4  }
0x157: {  	(v2sf) =	vpush v4, $0xF  }
0x158: {  	s25 =	sshra.s32 s19, $0x2;
	s19 =	smov.u32 s18;
	s18 =	smov.u32 s10;
	v4 =	vpop (erf)  }
0x159: {  	s11 =	sadd.s32 $0x40, s11;
	s10 =	sadd.s32 $0x80, s25;
	v5 =	vmul.f32 $8.999999760e-01, v4;
	s12 =	spop (v2sf)  }
0x15a: {  	s25 =	sadd.s32 $0x300, s25;
	v4 =	vmul.f32 $1.111111160e+00, v2;
	v2 =	vmov v3;
	[smem:s10] =	sst s12;
	s10 =	spop (v2sf);
	v3 =	vmax.f32 v6, $1.000000000e+00  }
0x15b: {  	(erf) = vrcp.f32 v3;
	_ =	sdelay $0x2  }
0x15c: {  	(xrf0) =	vmax.scan.msk.f32 $0xffff, v5;
	v5 =	vpop (erf)  }
0x15d: {  	v5 =	vmul.f32 $8.999999760e-01, v5;
	_ =	sdelay $0x2  }
0x15e: {  	v6, _, _ =	vpop (xrf0);
	v2 =	vmul.f32 $1.111111160e+00, v2;
	(xrf0) =	vmax.scan.msk.f32 $0xffff, v4  }
0x15f: {  	(xrf0) =	vmax.scan.msk.f32 $0xffff, v5;
	v5, _, _ =	vpop (xrf0)  }
0x160: {  	(xrf0) =	vmax.scan.msk.f32 $0xffff, v2;
	v2 =	vmul.f32 $1.111111160e+00, v3;
	v4 =	vpop (erf)  }
0x161: {  	v4 =	vmul.f32 $8.999999760e-01, v4  }
0x162: {  	(v2sf) =	vpush v6, $0xF  }
0x163: {  	(v2sf) =	vpush v5, $0xF;
	v3, _, _ =	vpop (xrf0);
	(xrf0) =	vmax.scan.msk.f32 $0xffff, v4  }
0x164: {  	(v2sf) =	vpush v3, $0xF;
	(xrf0) =	vmax.scan.msk.f32 $0xffff, v2;
	v2, _, _ =	vpop (xrf0)  }
0x165: {  	(v2sf) =	vpush v2, $0xF;
	v2, _, _ =	vpop (xrf0)  }
0x166: {  	(v2sf) =	vpush v2, $0xF  }
0x167: {  	v2, _, _ =	vpop (xrf0)  }
0x168: {  	(v2sf) =	vpush v2, $0xF  }
0x169: {  	v2, _, _ =	vpop (xrf0)  }
0x16a: {  	(v2sf) =	vpush v2, $0xF;
	v2, _, _ =	vpop (xrf0)  }
0x16b: {  	s11 =	sshra.s32 s19, $0x2;
	s12 =	spop (v2sf);
	(v2sf) =	vpush v2, $0xF  }
0x16c: {  	[smem:s25] =	sst s10;
	s1 =	sshra.s32 s18, $0x2;
	s25 =	sadd.s32 $0x80, s11  }
0x16d: {  	s19 =	spop (v2sf);
	s11 =	sadd.s32 $0x300, s11;
	[smem:s25] =	sst s12  }
0x16e: {  	s25 =	sshra.s32 s16, $0x2;
	[smem:s11] =	sst s19;
	s20 =	spop (v2sf)  }
0x16f: {  	s19 =	sadd.s32 $0x80, s1;
	s11 =	sadd.s32 $0x80, s25;
	s10 =	spop (v2sf)  }
0x170: {  	[smem:s19] =	sst s20;
	s20 =	sadd.s32 $0x300, s1;
	s19 =	sadd.s32 $0x300, s25  }
0x171: {  	[smem:s20] =	sst s10;
	s20 =	sshra.s32 s15, $0x2;
	s18 =	spop (v2sf)  }
0x172: {  	s15 =	sshra.s32 s22, $0x2;
	[smem:s11] =	sst s18;
	s1 =	spop (v2sf)  }
0x173: {  	s25 =	sadd.s32 $0x80, s20;
	[smem:s19] =	sst s1;
	s1 =	spop (v2sf)  }
0x174: {  	s11 =	sadd.s32 $0x300, s20;
	[smem:s25] =	sst s1;
	s12 =	spop (v2sf)  }
0x175: {  	s16 =	sadd.s32 $0x80, s15;
	[smem:s11] =	sst s12;
	s18 =	spop (v2sf)  }
0x176: {  	s22 =	sshra.s32 s13, $0x2;
	s19 =	sadd.s32 $0x300, s15;
	[smem:s16] =	sst s18  }
0x177: {  	s20 =	spop (v2sf);
	s16 =	simm.s32 $0x9000;
	s18 =	rddreg [dreg:$0x1e]  }
0x178: {  	[tilespmem:s16], [sflag:$0xA] =	stream.linear.gather [spmem:s18], $0x2000, $0x38;
	[tilespmem:$0x1F000] =	vst v63  }
0x179: {  	s25 =	sadd.s32 $0x80, s22;
	[smem:s19] =	sst s20;
	s1 =	spop (v2sf)  }
0x17a: {  	s13 =	sadd.s32 $0x300, s22;
	[smem:s25] =	sst s1;
	s15 =	spop (v2sf)  }
0x17b: {  	[smem:s13] =	sst s15  }
0x17c: {  	_ =	swait.ge [sflag:s23], $0x2000  }
0x17d: {  	[sflag:s23] =	ssyncset.done $0x0  }
0x17e: {  	[sflag:s23] =	ssyncadd.s32 $0xFFFFE000  }
0x17f: {  	v2 =	vld [tilespmem:s16+$0x0];
	_ =	sdelay $0x4  }
0x180: {  	v2 =	vmax.f32 v2, $1.000000000e+00  }
0x181: {  	(erf) = vrcp.f32 v2  }
0x182: {  	s19 =	simm.s32 $0x9040  }
0x183: {  	v3 =	vld [tilespmem:s19+$0x0];
	_ =	sdelay $0x3  }
0x184: {  	s20 =	simm.s32 $0x9080  }
0x185: {  	v4 =	vld [tilespmem:s20+$0x0];
	v3 =	vmax.f32 v3, $1.000000000e+00  }
0x186: {  	(erf) = vrcp.f32 v3  }
0x187: {  	v5 =	vpop (erf)  }
0x188: {  	v5 =	vmul.f32 $8.999999760e-01, v5  }
0x189: {  	v2 =	vmul.f32 $1.111111160e+00, v2  }
0x18a: {  	v4 =	vmax.f32 v4, $1.000000000e+00;
	(xrf0) =	vmax.scan.msk.f32 $0xffff, v5  }
0x18b: {  	(erf) = vrcp.f32 v4;
	(xrf0) =	vmax.scan.msk.f32 $0xffff, v2;
	_ =	sdelay $0x1  }
0x18c: {  	s22 =	simm.s32 $0x90C0  }
0x18d: {  	v2 =	vld [tilespmem:s22+$0x0]  }
0x18e: {  	v7 =	vpop (erf)  }
0x18f: {  	v5, _, _ =	vpop (xrf0)  }
0x190: {  	(v2sf) =	vpush v5, $0xF;
	v5, _, _ =	vpop (xrf0)  }
0x191: {  	(v2sf) =	vpush v5, $0xF;
	v5 =	vmul.f32 $8.999999760e-01, v7  }
0x192: {  	v7 =	vmax.f32 v2, $1.000000000e+00;
	v2 =	vmul.f32 $1.111111160e+00, v3  }
0x193: {  	v3 =	vpop (erf);
	(xrf0) =	vmax.scan.msk.f32 $0xffff, v5  }
0x194: {  	s25 =	simm.s32 $0x9100;
	(xrf0) =	vmax.scan.msk.f32 $0xffff, v2;
	v2 =	vmul.f32 $8.999999760e-01, v3  }
0x195: {  	v6 =	vld [tilespmem:s25+$0x0];
	v3 =	vmul.f32 $1.111111160e+00, v4  }
0x196: {  	(erf) = vrcp.f32 v7;
	(xrf0) =	vmax.scan.msk.f32 $0xffff, v2  }
0x197: {  	(xrf0) =	vmax.scan.msk.f32 $0xffff, v3;
	_ =	sdelay $0x2  }
0x198: {  	v6 =	vmax.f32 v6, $1.000000000e+00;
	v3, _, _ =	vpop (xrf0)  }
0x199: {  	s1 =	simm.s32 $0x9140;
	(erf) = vrcp.f32 v6;
	v4, _, _ =	vpop (xrf0);
	(v2sf) =	vpush v3, $0xF  }
0x19a: {  	v2 =	vld [tilespmem:s1+$0x0];
	(v2sf) =	vpush v4, $0xF;
	v4, _, _ =	vpop (xrf0)  }
0x19b: {  	(v2sf) =	vpush v4, $0xF;
	v4, _, _ =	vpop (xrf0)  }
0x19c: {  	(v2sf) =	vpush v4, $0xF  }
0x19d: {  	s11 =	simm.s32 $0x9180;
	v3 =	vpop (erf)  }
0x19e: {  	v8 =	vld [tilespmem:s11+$0x0];
	v3 =	vmul.f32 $8.999999760e-01, v3  }
0x19f: {  	s12 =	simm.s32 $0x100;
	s18 =	simm.s32 $0x8;
	v5 =	vmul.f32 $1.111111160e+00, v7;
	v2 =	vmax.f32 v2, $1.000000000e+00  }
0x1a0: {  	s15 =	simm.s32 $0x10;
	s13 =	simm.s32 $0x18;
	s19 =	simm.s32 $0x4;
	(erf) = vrcp.f32 v2;
	(xrf0) =	vmax.scan.msk.f32 $0xffff, v3  }
0x1a1: {  	s16 =	simm.s32 $0xC;
	s20 =	simm.s32 $0x1C;
	s11 =	simm.s32 $0x91C0;
	(xrf0) =	vmax.scan.msk.f32 $0xffff, v5  }
0x1a2: {  	s22 =	simm.s32 $0x14;
	s1 =	simm.s32 $0x0;
	s25 =	spop (v2sf);
	v3 =	vpop (erf)  }
0x1a3: {  	v4 =	vmul.f32 $1.111111160e+00, v6;
	[smem:s12] =	sst s25;
	s25 =	simm.s32 $0x380;
	s10 =	spop (v2sf);
	v5 =	vmul.f32 $8.999999760e-01, v3;
	v3 =	vmax.f32 v8, $1.000000000e+00  }
.LBB2_12:
0x1a4: {  	[smem:s25] =	sst s10  }
0x1a5: {  	s10 =	smov.u32 s16;
	s16 =	smov.u32 s15;
	s15 =	smov.u32 s22  }
0x1a6: {  	v6 =	vld [tilespmem:s11+$0x0];
	(erf) = vrcp.f32 v3;
	(xrf0) =	vmax.scan.msk.f32 $0xffff, v5;
	v5, _, _ =	vpop (xrf0);
	s22 =	smov.u32 s13;
	s13 =	smov.u32 s20;
	p0 =	sne.s32 s20, $0x1FC  }
.Ltmp5:
0x1a7: {  	s20 =	sadd.s32 $0x4, s20;
	(xrf0) =	vmax.scan.msk.f32 $0xffff, v4;
	(v2sf) =	vpush v5, $0xF;
	v4, _, _ =	vpop (xrf0);
	(pc) =	sbr.rel @p0 .LBB2_12-.Ltmp5, $4  }
0x1a8: {  	(v2sf) =	vpush v4, $0xF  }
0x1a9: {  	s12 =	sshra.s32 s19, $0x2;
	s19 =	smov.u32 s18;
	s18 =	smov.u32 s10;
	v4 =	vpop (erf)  }
0x1aa: {  	s11 =	sadd.s32 $0x40, s11;
	s10 =	sadd.s32 $0x100, s12;
	v5 =	vmul.f32 $8.999999760e-01, v4;
	s25 =	spop (v2sf)  }
0x1ab: {  	v4 =	vmul.f32 $1.111111160e+00, v2;
	v2 =	vmov v3;
	[smem:s10] =	sst s25;
	s25 =	sadd.s32 $0x380, s12;
	s10 =	spop (v2sf);
	v3 =	vmax.f32 v6, $1.000000000e+00  }
0x1ac: {  	(erf) = vrcp.f32 v3;
	_ =	sdelay $0x2  }
0x1ad: {  	(xrf0) =	vmax.scan.msk.f32 $0xffff, v5;
	v5 =	vpop (erf)  }
0x1ae: {  	v5 =	vmul.f32 $8.999999760e-01, v5;
	_ =	sdelay $0x2  }
0x1af: {  	v6, _, _ =	vpop (xrf0);
	v2 =	vmul.f32 $1.111111160e+00, v2;
	(xrf0) =	vmax.scan.msk.f32 $0xffff, v4  }
0x1b0: {  	(xrf0) =	vmax.scan.msk.f32 $0xffff, v5;
	v5, _, _ =	vpop (xrf0)  }
0x1b1: {  	(xrf0) =	vmax.scan.msk.f32 $0xffff, v2;
	v2 =	vmul.f32 $1.111111160e+00, v3;
	v4 =	vpop (erf)  }
0x1b2: {  	v4 =	vmul.f32 $8.999999760e-01, v4  }
0x1b3: {  	(v2sf) =	vpush v6, $0xF  }
0x1b4: {  	(v2sf) =	vpush v5, $0xF;
	v3, _, _ =	vpop (xrf0);
	(xrf0) =	vmax.scan.msk.f32 $0xffff, v4  }
0x1b5: {  	(v2sf) =	vpush v3, $0xF;
	(xrf0) =	vmax.scan.msk.f32 $0xffff, v2;
	v2, _, _ =	vpop (xrf0)  }
0x1b6: {  	(v2sf) =	vpush v2, $0xF;
	v2, _, _ =	vpop (xrf0)  }
0x1b7: {  	(v2sf) =	vpush v2, $0xF;
	_ =	sdelay $0x1  }
0x1b8: {  	v2, _, _ =	vpop (xrf0)  }
0x1b9: {  	(v2sf) =	vpush v2, $0xF;
	v2, _, _ =	vpop (xrf0)  }
0x1ba: {  	(v2sf) =	vpush v2, $0xF  }
0x1bb: {  	s11 =	sshra.s32 s19, $0x2;
	s12 =	spop (v2sf);
	v2, _, _ =	vpop (xrf0)  }
0x1bc: {  	[smem:s25] =	sst s10;
	s15 =	sshra.s32 s15, $0x2;
	s25 =	sadd.s32 $0x100, s11;
	(v2sf) =	vpush v2, $0xF  }
0x1bd: {  	s19 =	spop (v2sf);
	s11 =	sadd.s32 $0x380, s11;
	[smem:s25] =	sst s12  }
0x1be: {  	s12 =	sshra.s32 s18, $0x2;
	[smem:s11] =	sst s19;
	s20 =	spop (v2sf)  }
0x1bf: {  	s25 =	sadd.s32 $0x100, s12;
	s19 =	sadd.s32 $0x380, s12;
	s10 =	spop (v2sf)  }
0x1c0: {  	[smem:s25] =	sst s20;
	s20 =	sshra.s32 s16, $0x2;
	s16 =	sadd.s32 $0x100, s15  }
0x1c1: {  	[smem:s19] =	sst s10;
	s11 =	sadd.s32 $0x100, s20;
	s18 =	spop (v2sf)  }
0x1c2: {  	s12 =	sadd.s32 $0x380, s20;
	[smem:s11] =	sst s18;
	s25 =	spop (v2sf)  }
0x1c3: {  	s19 =	sadd.s32 $0x380, s15;
	[smem:s12] =	sst s25;
	s18 =	spop (v2sf)  }
0x1c4: {  	s25 =	sshra.s32 s22, $0x2;
	[smem:s16] =	sst s18;
	s20 =	spop (v2sf)  }
0x1c5: {  	s15 =	sadd.s32 $0x100, s25;
	[smem:s19] =	sst s20;
	s16 =	spop (v2sf)  }
0x1c6: {  	[smem:s15] =	sst s16  }
0x1c7: {  	s20 =	sshra.s32 s13, $0x2;
	s16 =	sld [smem:$0x7F7]  }
0x1c8: {  	s18 =	sadd.s32 $0x380, s25;
	s19 =	spop (v2sf);
	s22 =	sadd.s32 $0x100, s20  }
0x1c9: {  	s15 =	simm.s32 $0x9000;
	[smem:s18] =	sst s19;
	s25 =	spop (v2sf)  }
0x1ca: {  	[tilespmem:s15], [sflag:$0xA] =	stream.linear.gather [spmem:s16], $0x2000, $0x38;
	[tilespmem:$0x1F000] =	vst v63  }
0x1cb: {  	s12 =	sadd.s32 $0x380, s20;
	[smem:s22] =	sst s25;
	s13 =	spop (v2sf)  }
0x1cc: {  	[smem:s12] =	sst s13  }
0x1cd: {  	_ =	swait.ge [sflag:s23], $0x2000  }
0x1ce: {  	[sflag:s23] =	ssyncset.done $0x0  }
0x1cf: {  	[sflag:s23] =	ssyncadd.s32 $0xFFFFE000  }
0x1d0: {  	v2 =	vld [tilespmem:s15+$0x0];
	_ =	sdelay $0x4  }
0x1d1: {  	v2 =	vmax.f32 v2, $1.000000000e+00  }
0x1d2: {  	(erf) = vrcp.f32 v2  }
0x1d3: {  	s18 =	simm.s32 $0x9040  }
0x1d4: {  	v3 =	vld [tilespmem:s18+$0x0];
	_ =	sdelay $0x3  }
0x1d5: {  	s19 =	simm.s32 $0x9080  }
0x1d6: {  	v4 =	vld [tilespmem:s19+$0x0];
	v3 =	vmax.f32 v3, $1.000000000e+00  }
0x1d7: {  	(erf) = vrcp.f32 v3  }
0x1d8: {  	v5 =	vpop (erf)  }
0x1d9: {  	v5 =	vmul.f32 $8.999999760e-01, v5  }
0x1da: {  	v2 =	vmul.f32 $1.111111160e+00, v2  }
0x1db: {  	v4 =	vmax.f32 v4, $1.000000000e+00;
	(xrf0) =	vmax.scan.msk.f32 $0xffff, v5  }
0x1dc: {  	(erf) = vrcp.f32 v4;
	(xrf0) =	vmax.scan.msk.f32 $0xffff, v2;
	_ =	sdelay $0x1  }
0x1dd: {  	s20 =	simm.s32 $0x90C0  }
0x1de: {  	v2 =	vld [tilespmem:s20+$0x0]  }
0x1df: {  	v7 =	vpop (erf)  }
0x1e0: {  	v5, _, _ =	vpop (xrf0)  }
0x1e1: {  	(v2sf) =	vpush v5, $0xF;
	v5, _, _ =	vpop (xrf0)  }
0x1e2: {  	(v2sf) =	vpush v5, $0xF;
	v5 =	vmul.f32 $8.999999760e-01, v7  }
0x1e3: {  	v7 =	vmax.f32 v2, $1.000000000e+00;
	v2 =	vmul.f32 $1.111111160e+00, v3  }
0x1e4: {  	v3 =	vpop (erf);
	(xrf0) =	vmax.scan.msk.f32 $0xffff, v5  }
0x1e5: {  	s22 =	simm.s32 $0x9100;
	(xrf0) =	vmax.scan.msk.f32 $0xffff, v2;
	v2 =	vmul.f32 $8.999999760e-01, v3  }
0x1e6: {  	v6 =	vld [tilespmem:s22+$0x0];
	v3 =	vmul.f32 $1.111111160e+00, v4  }
0x1e7: {  	(erf) = vrcp.f32 v7;
	(xrf0) =	vmax.scan.msk.f32 $0xffff, v2  }
0x1e8: {  	(xrf0) =	vmax.scan.msk.f32 $0xffff, v3;
	_ =	sdelay $0x2  }
0x1e9: {  	v6 =	vmax.f32 v6, $1.000000000e+00;
	v3, _, _ =	vpop (xrf0)  }
0x1ea: {  	s25 =	simm.s32 $0x9140;
	(erf) = vrcp.f32 v6;
	v4, _, _ =	vpop (xrf0);
	(v2sf) =	vpush v3, $0xF  }
0x1eb: {  	v2 =	vld [tilespmem:s25+$0x0];
	(v2sf) =	vpush v4, $0xF;
	v4, _, _ =	vpop (xrf0)  }
0x1ec: {  	(v2sf) =	vpush v4, $0xF;
	v4, _, _ =	vpop (xrf0)  }
0x1ed: {  	(v2sf) =	vpush v4, $0xF  }
0x1ee: {  	s11 =	simm.s32 $0x9180;
	v3 =	vpop (erf)  }
0x1ef: {  	v8 =	vld [tilespmem:s11+$0x0];
	v3 =	vmul.f32 $8.999999760e-01, v3  }
0x1f0: {  	s16 =	simm.s32 $0xC;
	v5 =	vmul.f32 $1.111111160e+00, v7;
	v2 =	vmax.f32 v2, $1.000000000e+00  }
0x1f1: {  	s13 =	simm.s32 $0x18;
	s12 =	simm.s32 $0x180;
	s19 =	simm.s32 $0x4;
	(erf) = vrcp.f32 v2;
	(xrf0) =	vmax.scan.msk.f32 $0xffff, v3  }
0x1f2: {  	s18 =	simm.s32 $0x8;
	s15 =	simm.s32 $0x10;
	s22 =	simm.s32 $0x14;
	(xrf0) =	vmax.scan.msk.f32 $0xffff, v5  }
0x1f3: {  	s11 =	simm.s32 $0x91C0;
	s20 =	simm.s32 $0x1C;
	s25 =	spop (v2sf);
	v3 =	vpop (erf)  }
0x1f4: {  	v4 =	vmul.f32 $1.111111160e+00, v6;
	[smem:s12] =	sst s25;
	s25 =	simm.s32 $0x400;
	s10 =	spop (v2sf);
	v5 =	vmul.f32 $8.999999760e-01, v3;
	v3 =	vmax.f32 v8, $1.000000000e+00  }
.LBB2_14:
0x1f5: {  	[smem:s25] =	sst s10  }
0x1f6: {  	s10 =	smov.u32 s16;
	s16 =	smov.u32 s15;
	s15 =	smov.u32 s22  }
0x1f7: {  	v6 =	vld [tilespmem:s11+$0x0];
	(erf) = vrcp.f32 v3;
	(xrf0) =	vmax.scan.msk.f32 $0xffff, v5;
	v5, _, _ =	vpop (xrf0);
	s22 =	smov.u32 s13;
	s13 =	smov.u32 s20;
	p0 =	sne.s32 s20, $0x1FC  }
.Ltmp6:
0x1f8: {  	s20 =	sadd.s32 $0x4, s20;
	(xrf0) =	vmax.scan.msk.f32 $0xffff, v4;
	(v2sf) =	vpush v5, $0xF;
	v4, _, _ =	vpop (xrf0);
	(pc) =	sbr.rel @p0 .LBB2_14-.Ltmp6, $4  }
0x1f9: {  	(v2sf) =	vpush v4, $0xF  }
0x1fa: {  	s12 =	sshra.s32 s19, $0x2;
	s19 =	smov.u32 s18;
	s18 =	smov.u32 s10;
	v4 =	vpop (erf)  }
0x1fb: {  	s11 =	sadd.s32 $0x40, s11;
	s10 =	sadd.s32 $0x180, s12;
	v5 =	vmul.f32 $8.999999760e-01, v4;
	s25 =	spop (v2sf)  }
0x1fc: {  	v4 =	vmul.f32 $1.111111160e+00, v2;
	v2 =	vmov v3;
	[smem:s10] =	sst s25;
	s25 =	sadd.s32 $0x400, s12;
	s10 =	spop (v2sf);
	v3 =	vmax.f32 v6, $1.000000000e+00  }
0x1fd: {  	(erf) = vrcp.f32 v3;
	_ =	sdelay $0x2  }
0x1fe: {  	(xrf0) =	vmax.scan.msk.f32 $0xffff, v5;
	v5 =	vpop (erf)  }
0x1ff: {  	v5 =	vmul.f32 $8.999999760e-01, v5;
	_ =	sdelay $0x2  }
0x200: {  	v6, _, _ =	vpop (xrf0);
	v2 =	vmul.f32 $1.111111160e+00, v2;
	(xrf0) =	vmax.scan.msk.f32 $0xffff, v4  }
0x201: {  	(xrf0) =	vmax.scan.msk.f32 $0xffff, v5;
	v5, _, _ =	vpop (xrf0)  }
0x202: {  	(xrf0) =	vmax.scan.msk.f32 $0xffff, v2;
	v2 =	vmul.f32 $1.111111160e+00, v3;
	v4 =	vpop (erf)  }
0x203: {  	v4 =	vmul.f32 $8.999999760e-01, v4  }
0x204: {  	(v2sf) =	vpush v6, $0xF  }
0x205: {  	(v2sf) =	vpush v5, $0xF;
	v3, _, _ =	vpop (xrf0);
	(xrf0) =	vmax.scan.msk.f32 $0xffff, v4  }
0x206: {  	(v2sf) =	vpush v3, $0xF;
	(xrf0) =	vmax.scan.msk.f32 $0xffff, v2;
	v2, _, _ =	vpop (xrf0)  }
0x207: {  	(v2sf) =	vpush v2, $0xF;
	v2, _, _ =	vpop (xrf0)  }
0x208: {  	(v2sf) =	vpush v2, $0xF;
	_ =	sdelay $0x1  }
0x209: {  	v2, _, _ =	vpop (xrf0)  }
0x20a: {  	(v2sf) =	vpush v2, $0xF;
	v2, _, _ =	vpop (xrf0)  }
0x20b: {  	(v2sf) =	vpush v2, $0xF  }
0x20c: {  	s11 =	sshra.s32 s19, $0x2;
	s12 =	spop (v2sf);
	v2, _, _ =	vpop (xrf0)  }
0x20d: {  	[smem:s25] =	sst s10;
	s15 =	sshra.s32 s15, $0x2;
	s25 =	sadd.s32 $0x180, s11;
	(v2sf) =	vpush v2, $0xF  }
0x20e: {  	s19 =	spop (v2sf);
	s11 =	sadd.s32 $0x400, s11;
	[smem:s25] =	sst s12  }
0x20f: {  	s12 =	sshra.s32 s18, $0x2;
	[smem:s11] =	sst s19;
	s20 =	spop (v2sf)  }
0x210: {  	s25 =	sadd.s32 $0x180, s12;
	s19 =	sadd.s32 $0x400, s12;
	s10 =	spop (v2sf)  }
0x211: {  	[smem:s25] =	sst s20;
	s20 =	sshra.s32 s16, $0x2;
	s16 =	sadd.s32 $0x180, s15  }
0x212: {  	[smem:s19] =	sst s10;
	s11 =	sadd.s32 $0x180, s20;
	s18 =	spop (v2sf)  }
0x213: {  	s12 =	sadd.s32 $0x400, s20;
	[smem:s11] =	sst s18;
	s25 =	spop (v2sf)  }
0x214: {  	s19 =	sadd.s32 $0x400, s15;
	[smem:s12] =	sst s25;
	s18 =	spop (v2sf)  }
0x215: {  	s25 =	sshra.s32 s22, $0x2;
	[smem:s16] =	sst s18;
	s20 =	spop (v2sf)  }
0x216: {  	s15 =	sadd.s32 $0x180, s25;
	[smem:s19] =	sst s20;
	s16 =	spop (v2sf)  }
0x217: {  	[smem:s15] =	sst s16  }
0x218: {  	s20 =	sshra.s32 s13, $0x2;
	s16 =	sld [smem:$0x7F9]  }
0x219: {  	s18 =	sadd.s32 $0x400, s25;
	s19 =	spop (v2sf);
	s22 =	sadd.s32 $0x180, s20  }
0x21a: {  	s15 =	simm.s32 $0x9000;
	[smem:s18] =	sst s19;
	s25 =	spop (v2sf)  }
0x21b: {  	[tilespmem:s15], [sflag:$0xA] =	stream.linear.gather [spmem:s16], $0x2000, $0x38;
	[tilespmem:$0x1F000] =	vst v63  }
0x21c: {  	s12 =	sadd.s32 $0x400, s20;
	[smem:s22] =	sst s25;
	s13 =	spop (v2sf)  }
0x21d: {  	[smem:s12] =	sst s13  }
0x21e: {  	_ =	swait.ge [sflag:s23], $0x2000  }
0x21f: {  	[sflag:s23] =	ssyncset.done $0x0  }
0x220: {  	[sflag:s23] =	ssyncadd.s32 $0xFFFFE000  }
0x221: {  	v2 =	vld [tilespmem:s15+$0x0];
	_ =	sdelay $0x4  }
0x222: {  	v2 =	vmax.f32 v2, $1.000000000e+00  }
0x223: {  	(erf) = vrcp.f32 v2  }
0x224: {  	s18 =	simm.s32 $0x9040  }
0x225: {  	v3 =	vld [tilespmem:s18+$0x0];
	_ =	sdelay $0x3  }
0x226: {  	s19 =	simm.s32 $0x9080  }
0x227: {  	v4 =	vld [tilespmem:s19+$0x0];
	v3 =	vmax.f32 v3, $1.000000000e+00  }
0x228: {  	(erf) = vrcp.f32 v3  }
0x229: {  	v5 =	vpop (erf)  }
0x22a: {  	v5 =	vmul.f32 $8.999999760e-01, v5  }
0x22b: {  	v2 =	vmul.f32 $1.111111160e+00, v2  }
0x22c: {  	v4 =	vmax.f32 v4, $1.000000000e+00;
	(xrf0) =	vmax.scan.msk.f32 $0xffff, v5  }
0x22d: {  	(erf) = vrcp.f32 v4;
	(xrf0) =	vmax.scan.msk.f32 $0xffff, v2;
	_ =	sdelay $0x1  }
0x22e: {  	s20 =	simm.s32 $0x90C0  }
0x22f: {  	v2 =	vld [tilespmem:s20+$0x0]  }
0x230: {  	v7 =	vpop (erf)  }
0x231: {  	v5, _, _ =	vpop (xrf0)  }
0x232: {  	(v2sf) =	vpush v5, $0xF;
	v5, _, _ =	vpop (xrf0)  }
0x233: {  	(v2sf) =	vpush v5, $0xF;
	v5 =	vmul.f32 $8.999999760e-01, v7  }
0x234: {  	v7 =	vmax.f32 v2, $1.000000000e+00;
	v2 =	vmul.f32 $1.111111160e+00, v3  }
0x235: {  	v3 =	vpop (erf);
	(xrf0) =	vmax.scan.msk.f32 $0xffff, v5  }
0x236: {  	s22 =	simm.s32 $0x9100;
	(xrf0) =	vmax.scan.msk.f32 $0xffff, v2;
	v2 =	vmul.f32 $8.999999760e-01, v3  }
0x237: {  	v6 =	vld [tilespmem:s22+$0x0];
	v3 =	vmul.f32 $1.111111160e+00, v4  }
0x238: {  	(erf) = vrcp.f32 v7;
	(xrf0) =	vmax.scan.msk.f32 $0xffff, v2  }
0x239: {  	(xrf0) =	vmax.scan.msk.f32 $0xffff, v3;
	_ =	sdelay $0x2  }
0x23a: {  	v6 =	vmax.f32 v6, $1.000000000e+00;
	v3, _, _ =	vpop (xrf0)  }
0x23b: {  	s25 =	simm.s32 $0x9140;
	(erf) = vrcp.f32 v6;
	v4, _, _ =	vpop (xrf0);
	(v2sf) =	vpush v3, $0xF  }
0x23c: {  	v2 =	vld [tilespmem:s25+$0x0];
	(v2sf) =	vpush v4, $0xF;
	v4, _, _ =	vpop (xrf0)  }
0x23d: {  	(v2sf) =	vpush v4, $0xF;
	v4, _, _ =	vpop (xrf0)  }
0x23e: {  	(v2sf) =	vpush v4, $0xF  }
0x23f: {  	s11 =	simm.s32 $0x9180;
	v3 =	vpop (erf)  }
0x240: {  	v8 =	vld [tilespmem:s11+$0x0];
	v3 =	vmul.f32 $8.999999760e-01, v3  }
0x241: {  	s10 =	simm.s32 $0x480;
	v5 =	vmul.f32 $1.111111160e+00, v7;
	v2 =	vmax.f32 v2, $1.000000000e+00  }
0x242: {  	s16 =	simm.s32 $0xC;
	s13 =	simm.s32 $0x18;
	s12 =	simm.s32 $0x200;
	(erf) = vrcp.f32 v2;
	(xrf0) =	vmax.scan.msk.f32 $0xffff, v3  }
0x243: {  	s19 =	simm.s32 $0x4;
	s18 =	simm.s32 $0x8;
	s15 =	simm.s32 $0x10;
	(xrf0) =	vmax.scan.msk.f32 $0xffff, v5  }
0x244: {  	s22 =	simm.s32 $0x14;
	s11 =	simm.s32 $0x91C0;
	s25 =	spop (v2sf);
	v3 =	vpop (erf)  }
0x245: {  	s20 =	simm.s32 $0x1C;
	v4 =	vmul.f32 $1.111111160e+00, v6;
	[smem:s12] =	sst s25;
	s25 =	spop (v2sf);
	v5 =	vmul.f32 $8.999999760e-01, v3;
	v3 =	vmax.f32 v8, $1.000000000e+00  }
.LBB2_16:
0x246: {  	[smem:s10] =	sst s25  }
0x247: {  	s10 =	smov.u32 s16;
	s16 =	smov.u32 s15;
	s15 =	smov.u32 s22  }
0x248: {  	v6 =	vld [tilespmem:s11+$0x0];
	(erf) = vrcp.f32 v3;
	(xrf0) =	vmax.scan.msk.f32 $0xffff, v5;
	v5, _, _ =	vpop (xrf0);
	s22 =	smov.u32 s13;
	s13 =	smov.u32 s20;
	p0 =	sne.s32 s20, $0x1FC  }
.Ltmp7:
0x249: {  	s20 =	sadd.s32 $0x4, s20;
	(xrf0) =	vmax.scan.msk.f32 $0xffff, v4;
	(v2sf) =	vpush v5, $0xF;
	v4, _, _ =	vpop (xrf0);
	(pc) =	sbr.rel @p0 .LBB2_16-.Ltmp7, $4  }
0x24a: {  	(v2sf) =	vpush v4, $0xF  }
0x24b: {  	s12 =	sshra.s32 s19, $0x2;
	s19 =	smov.u32 s18;
	s18 =	smov.u32 s10;
	v4 =	vpop (erf)  }
0x24c: {  	s11 =	sadd.s32 $0x40, s11;
	s10 =	sadd.s32 $0x200, s12;
	v5 =	vmul.f32 $8.999999760e-01, v4;
	s25 =	spop (v2sf)  }
0x24d: {  	v4 =	vmul.f32 $1.111111160e+00, v2;
	v2 =	vmov v3;
	[smem:s10] =	sst s25;
	s10 =	sadd.s32 $0x480, s12;
	s25 =	spop (v2sf);
	v3 =	vmax.f32 v6, $1.000000000e+00  }
0x24e: {  	(erf) = vrcp.f32 v3;
	_ =	sdelay $0x3  }
0x24f: {  	(xrf0) =	vmax.scan.msk.f32 $0xffff, v5;
	v5 =	vpop (erf)  }
0x250: {  	v5 =	vmul.f32 $8.999999760e-01, v5;
	_ =	sdelay $0x1  }
0x251: {  	v2 =	vmul.f32 $1.111111160e+00, v2;
	(xrf0) =	vmax.scan.msk.f32 $0xffff, v4;
	v4, _, _ =	vpop (xrf0)  }
0x252: {  	(v2sf) =	vpush v4, $0xF;
	v4, _, _ =	vpop (xrf0);
	(xrf0) =	vmax.scan.msk.f32 $0xffff, v5  }
0x253: {  	(xrf0) =	vmax.scan.msk.f32 $0xffff, v2;
	v2 =	vmul.f32 $1.111111160e+00, v3;
	v5 =	vpop (erf)  }
0x254: {  	v5 =	vmul.f32 $8.999999760e-01, v5  }
0x255: {  	(v2sf) =	vpush v4, $0xF  }
0x256: {  	v3, _, _ =	vpop (xrf0);
	(xrf0) =	vmax.scan.msk.f32 $0xffff, v5  }
0x257: {  	(v2sf) =	vpush v3, $0xF;
	(xrf0) =	vmax.scan.msk.f32 $0xffff, v2;
	v2, _, _ =	vpop (xrf0)  }
0x258: {  	v3, _, _ =	vpop (xrf0);
	(v2sf) =	vpush v2, $0xF  }
0x259: {  	(v2sf) =	vpush v3, $0xF  }
0x25a: {  	v2, _, _ =	vpop (xrf0)  }
0x25b: {  	(v2sf) =	vpush v2, $0xF  }
0x25c: {  	v2, _, _ =	vpop (xrf0)  }
0x25d: {  	(v2sf) =	vpush v2, $0xF;
	v2, _, _ =	vpop (xrf0)  }
0x25e: {  	s11 =	sshra.s32 s19, $0x2;
	[smem:s10] =	sst s25;
	s12 =	spop (v2sf);
	(v2sf) =	vpush v2, $0xF  }
0x25f: {  	s16 =	sshra.s32 s16, $0x2;
	s19 =	sadd.s32 $0x200, s11;
	s20 =	spop (v2sf)  }
0x260: {  	s11 =	sadd.s32 $0x480, s11;
	[smem:s19] =	sst s12;
	s12 =	sshra.s32 s18, $0x2  }
0x261: {  	[smem:s11] =	sst s20;
	s19 =	sadd.s32 $0x200, s12;
	s25 =	spop (v2sf)  }
0x262: {  	s12 =	sadd.s32 $0x480, s12;
	s20 =	spop (v2sf);
	[smem:s19] =	sst s25  }
0x263: {  	s19 =	sadd.s32 $0x200, s16;
	[smem:s12] =	sst s20;
	s25 =	spop (v2sf)  }
0x264: {  	s20 =	sadd.s32 $0x480, s16;
	s18 =	spop (v2sf);
	[smem:s19] =	sst s25  }
0x265: {  	s13 =	sshra.s32 s13, $0x2;
	s25 =	sshra.s32 s15, $0x2;
	[smem:s20] =	sst s18  }
0x266: {  	s15 =	sadd.s32 $0x200, s25;
	s18 =	sadd.s32 $0x480, s25;
	s16 =	spop (v2sf)  }
0x267: {  	s20 =	sshra.s32 s22, $0x2;
	[smem:s15] =	sst s16;
	s19 =	spop (v2sf)  }
0x268: {  	s22 =	sadd.s32 $0x200, s20;
	[smem:s18] =	sst s19;
	s25 =	spop (v2sf)  }
0x269: {  	s11 =	sadd.s32 $0x480, s20;
	s20 =	simm.s32 $0x0;
	[smem:s22] =	sst s25  }
0x26a: {  	s12 =	spop (v2sf);
	s22 =	rddreg [dreg:$0x5];
	s25 =	simm.s32 $0x9000  }
0x26b: {  	[tilespmem:s25], [sflag:$0xA] =	stream.linear.gather [hbm4b:s22+s20], $0x2000, $0x38;
	[tilespmem:$0x1F000] =	vst v63  }
0x26c: {  	s15 =	sadd.s32 $0x200, s13;
	[smem:s11] =	sst s12;
	s16 =	spop (v2sf)  }
0x26d: {  	s18 =	sadd.s32 $0x480, s13;
	[smem:s15] =	sst s16;
	s19 =	spop (v2sf)  }
0x26e: {  	[smem:s18] =	sst s19  }
0x26f: {  	_ =	swait.ge [sflag:s23], $0x2000  }
0x270: {  	[sflag:s23] =	ssyncset.done $0x0  }
0x271: {  	s11 =	simm.s32 $0x9020;
	[sflag:s23] =	ssyncadd.s32 $0xFFFFE000  }
0x272: {  	v2 =	vld [tilespmem:s11+$0xFFFFFFE0]  }
0x273: {  	v3 =	vld [tilespmem:s11+$0x0]  }
0x274: {  	s10 =	simm.s32 $0x9020;
	s15 =	simm.s32 $0x4;
	s13 =	sld [smem:$0x280];
	v4 =	vld [tilespmem:s11+$0x10]  }
.LBB2_18:
0x275: {  	p0 =	sne.s32 s15, $0x1FC;
	v5 =	vld [tilespmem:s11+$0xFFFFFFF0];
	_ =	sdelay $0x1  }
0x276: {  	v2 =	vmul.f32 s13, v2  }
.Ltmp8:
0x277: {  	v3 =	vmul.f32 s13, v3;
	(pc) =	sbr.rel @p0 .LBB2_18-.Ltmp8, $4  }
0x278: {  	s11 =	sadd.s32 $0x40, s11;
	[tilespmem:s10+$0xFFFFFFE0] =	vst v2;
	v4 =	vmul.f32 s13, v4  }
0x279: {  	v2 =	vld [tilespmem:s11+$0xFFFFFFE0];
	v5 =	vmul.f32 s13, v5;
	[tilespmem:s10+$0x0] =	vst v3  }
0x27a: {  	s12 =	sshra.s32 s15, $0x2;
	v3 =	vld [tilespmem:s11+$0x0];
	[tilespmem:s10+$0x10] =	vst v4  }
0x27b: {  	s15 =	sadd.s32 $0x4, s15;
	s13 =	sld [smem:s12+$0x280];
	v4 =	vld [tilespmem:s11+$0x10];
	[tilespmem:s10+$0xFFFFFFF0] =	vst v5;
	s10 =	smov.u32 s11  }
0x27c: {  	v5 =	vld [tilespmem:s11+$0xFFFFFFF0];
	_ =	sdelay $0x1  }
0x27d: {  	v2 =	vmul.f32 s13, v2  }
0x27e: {  	v3 =	vmul.f32 s13, v3  }
0x27f: {  	[tilespmem:s10+$0xFFFFFFE0] =	vst v2;
	v2 =	vmul.f32 s13, v4  }
0x280: {  	v4 =	vmul.f32 s13, v5;
	[tilespmem:s10+$0x0] =	vst v3  }
0x281: {  	[tilespmem:s10+$0x10] =	vst v2  }
0x282: {  	s19 =	simm.s32 $0x0;
	s20 =	rddreg [dreg:$0x6];
	s12 =	simm.s32 $0x9000;
	[tilespmem:s10+$0xFFFFFFF0] =	vst v4  }
0x283: {  	[hbm4b:s20+s19] =	stream.linear.scatter [tilespmem:s12], [sflag:$0xA], $0x2000, $0x38;
	[tilespmem:$0x1F000] =	vst v63  }
0x284: {  	_ =	swait.ge [sflag:s23], $0x2000  }
0x285: {  	[sflag:s23] =	ssyncset.done $0x0  }
0x286: {  	s22 =	rddreg [dreg:$0x1a];
	[sflag:s23] =	ssyncadd.s32 $0xFFFFE000  }
0x287: {  	[spmem:s22] =	stream.linear.scatter [tilespmem:s12], [sflag:$0xA], $0x2000, $0x38;
	[tilespmem:$0x1F000] =	vst v63  }
0x288: {  	_ =	swait.ge [sflag:s23], $0x2000  }
0x289: {  	[sflag:s23] =	ssyncset.done $0x0  }
0x28a: {  	s25 =	rddreg [dreg:$0x7];
	[sflag:s23] =	ssyncadd.s32 $0xFFFFE000  }
0x28b: {  	[tilespmem:s12], [sflag:$0xA] =	stream.linear.gather [hbm4b:s25+s19], $0x2000, $0x38;
	[tilespmem:$0x1F000] =	vst v63  }
0x28c: {  	_ =	swait.ge [sflag:s23], $0x2000  }
0x28d: {  	[sflag:s23] =	ssyncset.done $0x0;
	s25 =	rddreg [dreg:$0x8]  }
0x28e: {  	s11 =	simm.s32 $0x9020;
	s18 =	rddreg [dreg:$0xa];
	[sflag:s23] =	ssyncadd.s32 $0xFFFFE000  }
0x28f: {  	s10 =	sand.u32 $0x7F, s19;
	s19 =	rddreg [dreg:$0xc];
	v2 =	vld [tilespmem:s11+$0xFFFFFFE0]  }
0x290: {  	s15 =	simm.s32 $0x1;
	s20 =	rddreg [dreg:$0xe];
	v3 =	vld [tilespmem:s11+$0x0]  }
0x291: {  	s16 =	simm.s32 $0x800;
	s13 =	sld [smem:s10+$0x300];
	v4 =	vld [tilespmem:s11+$0x10];
	s10 =	simm.s32 $0x9020  }
.LBB2_20:
0x292: {  	p0 =	sne.s32 s15, $0x7F;
	v5 =	vld [tilespmem:s11+$0xFFFFFFF0];
	_ =	sdelay $0x1  }
0x293: {  	v2 =	vmul.f32 s13, v2  }
.Ltmp9:
0x294: {  	v3 =	vmul.f32 s13, v3;
	(pc) =	sbr.rel @p0 .LBB2_20-.Ltmp9, $4  }
0x295: {  	s11 =	sadd.s32 $0x40, s11;
	[tilespmem:s10+$0xFFFFFFE0] =	vst v2;
	v4 =	vmul.f32 s13, v4  }
0x296: {  	v2 =	vld [tilespmem:s11+$0xFFFFFFE0];
	v5 =	vmul.f32 s13, v5;
	[tilespmem:s10+$0x0] =	vst v3  }
0x297: {  	s12 =	sand.u32 $0x7F, s15;
	v3 =	vld [tilespmem:s11+$0x0];
	[tilespmem:s10+$0x10] =	vst v4  }
0x298: {  	s15 =	sadd.s32 $0x1, s15;
	s13 =	sld [smem:s12+$0x300];
	v4 =	vld [tilespmem:s11+$0x10];
	[tilespmem:s10+$0xFFFFFFF0] =	vst v5;
	s10 =	smov.u32 s11  }
0x299: {  	v5 =	vld [tilespmem:s11+$0xFFFFFFF0];
	_ =	sdelay $0x1  }
0x29a: {  	v2 =	vmul.f32 s13, v2  }
0x29b: {  	v3 =	vmul.f32 s13, v3  }
0x29c: {  	[tilespmem:s10+$0xFFFFFFE0] =	vst v2;
	v2 =	vmul.f32 s13, v4  }
0x29d: {  	v4 =	vmul.f32 s13, v5;
	[tilespmem:s10+$0x0] =	vst v3  }
0x29e: {  	[tilespmem:s10+$0x10] =	vst v2  }
0x29f: {  	s12 =	simm.s32 $0x9000;
	s13 =	simm.s32 $0x0;
	[tilespmem:s10+$0xFFFFFFF0] =	vst v4  }
0x2a0: {  	[hbm4b:s25+s13] =	stream.linear.scatter [tilespmem:s12], [sflag:$0xA], $0x2000, $0x38;
	[tilespmem:$0x1F000] =	vst v63  }
0x2a1: {  	_ =	swait.ge [sflag:s23], $0x2000  }
0x2a2: {  	[sflag:s23] =	ssyncset.done $0x0  }
0x2a3: {  	s15 =	rddreg [dreg:$0x1c];
	[sflag:s23] =	ssyncadd.s32 $0xFFFFE000  }
0x2a4: {  	[spmem:s15] =	stream.linear.scatter [tilespmem:s12], [sflag:$0xA], $0x2000, $0x38;
	[tilespmem:$0x1F000] =	vst v63  }
0x2a5: {  	_ =	swait.ge [sflag:s23], $0x2000  }
0x2a6: {  	[sflag:s23] =	ssyncset.done $0x0  }
0x2a7: {  	s22 =	rddreg [dreg:$0x9];
	[sflag:s23] =	ssyncadd.s32 $0xFFFFE000  }
0x2a8: {  	[tilespmem:s12], [sflag:$0xA] =	stream.linear.gather [hbm4b:s22+s13], $0x2000, $0x38;
	[tilespmem:$0x1F000] =	vst v63  }
0x2a9: {  	_ =	swait.ge [sflag:s23], $0x2000  }
0x2aa: {  	[sflag:s23] =	ssyncset.done $0x0  }
0x2ab: {  	s11 =	simm.s32 $0x9020;
	[sflag:s23] =	ssyncadd.s32 $0xFFFFE000  }
0x2ac: {  	v2 =	vld [tilespmem:s11+$0xFFFFFFE0]  }
0x2ad: {  	s10 =	sand.u32 $0x7F, s13;
	v3 =	vld [tilespmem:s11+$0x0]  }
0x2ae: {  	s15 =	simm.s32 $0x1;
	s13 =	sld [smem:s10+$0x380];
	v4 =	vld [tilespmem:s11+$0x10];
	s10 =	simm.s32 $0x9020  }
.LBB2_22:
0x2af: {  	p0 =	sne.s32 s15, $0x7F;
	v5 =	vld [tilespmem:s11+$0xFFFFFFF0];
	_ =	sdelay $0x1  }
0x2b0: {  	v2 =	vmul.f32 s13, v2  }
.Ltmp10:
0x2b1: {  	v3 =	vmul.f32 s13, v3;
	(pc) =	sbr.rel @p0 .LBB2_22-.Ltmp10, $4  }
0x2b2: {  	s11 =	sadd.s32 $0x40, s11;
	[tilespmem:s10+$0xFFFFFFE0] =	vst v2;
	v4 =	vmul.f32 s13, v4  }
0x2b3: {  	v2 =	vld [tilespmem:s11+$0xFFFFFFE0];
	v5 =	vmul.f32 s13, v5;
	[tilespmem:s10+$0x0] =	vst v3  }
0x2b4: {  	s12 =	sand.u32 $0x7F, s15;
	v3 =	vld [tilespmem:s11+$0x0];
	[tilespmem:s10+$0x10] =	vst v4  }
0x2b5: {  	s15 =	sadd.s32 $0x1, s15;
	s13 =	sld [smem:s12+$0x380];
	v4 =	vld [tilespmem:s11+$0x10];
	[tilespmem:s10+$0xFFFFFFF0] =	vst v5;
	s10 =	smov.u32 s11  }
0x2b6: {  	v5 =	vld [tilespmem:s11+$0xFFFFFFF0];
	_ =	sdelay $0x1  }
0x2b7: {  	v2 =	vmul.f32 s13, v2  }
0x2b8: {  	v3 =	vmul.f32 s13, v3  }
0x2b9: {  	[tilespmem:s10+$0xFFFFFFE0] =	vst v2;
	v2 =	vmul.f32 s13, v4  }
0x2ba: {  	v4 =	vmul.f32 s13, v5;
	[tilespmem:s10+$0x0] =	vst v3  }
0x2bb: {  	[tilespmem:s10+$0x10] =	vst v2  }
0x2bc: {  	s12 =	simm.s32 $0x9000;
	s13 =	simm.s32 $0x0;
	[tilespmem:s10+$0xFFFFFFF0] =	vst v4  }
0x2bd: {  	[hbm4b:s18+s13] =	stream.linear.scatter [tilespmem:s12], [sflag:$0xA], $0x2000, $0x38;
	[tilespmem:$0x1F000] =	vst v63  }
0x2be: {  	_ =	swait.ge [sflag:s23], $0x2000  }
0x2bf: {  	[sflag:s23] =	ssyncset.done $0x0  }
0x2c0: {  	s15 =	rddreg [dreg:$0x1e];
	[sflag:s23] =	ssyncadd.s32 $0xFFFFE000  }
0x2c1: {  	[spmem:s15] =	stream.linear.scatter [tilespmem:s12], [sflag:$0xA], $0x2000, $0x38;
	[tilespmem:$0x1F000] =	vst v63  }
0x2c2: {  	_ =	swait.ge [sflag:s23], $0x2000  }
0x2c3: {  	[sflag:s23] =	ssyncset.done $0x0  }
0x2c4: {  	s22 =	rddreg [dreg:$0xb];
	[sflag:s23] =	ssyncadd.s32 $0xFFFFE000  }
0x2c5: {  	[tilespmem:s12], [sflag:$0xA] =	stream.linear.gather [hbm4b:s22+s13], $0x2000, $0x38;
	[tilespmem:$0x1F000] =	vst v63  }
0x2c6: {  	_ =	swait.ge [sflag:s23], $0x2000  }
0x2c7: {  	[sflag:s23] =	ssyncset.done $0x0  }
0x2c8: {  	s11 =	simm.s32 $0x9020;
	[sflag:s23] =	ssyncadd.s32 $0xFFFFE000  }
0x2c9: {  	v2 =	vld [tilespmem:s11+$0xFFFFFFE0]  }
0x2ca: {  	s10 =	sand.u32 $0x7F, s13;
	v3 =	vld [tilespmem:s11+$0x0]  }
0x2cb: {  	s15 =	simm.s32 $0x1;
	s13 =	sld [smem:s10+$0x400];
	v4 =	vld [tilespmem:s11+$0x10];
	s10 =	simm.s32 $0x9020  }
.LBB2_24:
0x2cc: {  	p0 =	sne.s32 s15, $0x7F;
	v5 =	vld [tilespmem:s11+$0xFFFFFFF0];
	_ =	sdelay $0x1  }
0x2cd: {  	v2 =	vmul.f32 s13, v2  }
.Ltmp11:
0x2ce: {  	v3 =	vmul.f32 s13, v3;
	(pc) =	sbr.rel @p0 .LBB2_24-.Ltmp11, $4  }
0x2cf: {  	s11 =	sadd.s32 $0x40, s11;
	[tilespmem:s10+$0xFFFFFFE0] =	vst v2;
	v4 =	vmul.f32 s13, v4  }
0x2d0: {  	v2 =	vld [tilespmem:s11+$0xFFFFFFE0];
	v5 =	vmul.f32 s13, v5;
	[tilespmem:s10+$0x0] =	vst v3  }
0x2d1: {  	s12 =	sand.u32 $0x7F, s15;
	v3 =	vld [tilespmem:s11+$0x0];
	[tilespmem:s10+$0x10] =	vst v4  }
0x2d2: {  	s15 =	sadd.s32 $0x1, s15;
	s13 =	sld [smem:s12+$0x400];
	v4 =	vld [tilespmem:s11+$0x10];
	[tilespmem:s10+$0xFFFFFFF0] =	vst v5;
	s10 =	smov.u32 s11  }
0x2d3: {  	v5 =	vld [tilespmem:s11+$0xFFFFFFF0];
	_ =	sdelay $0x1  }
0x2d4: {  	v2 =	vmul.f32 s13, v2  }
0x2d5: {  	v3 =	vmul.f32 s13, v3  }
0x2d6: {  	[tilespmem:s10+$0xFFFFFFE0] =	vst v2;
	v2 =	vmul.f32 s13, v4  }
0x2d7: {  	v4 =	vmul.f32 s13, v5;
	[tilespmem:s10+$0x0] =	vst v3  }
0x2d8: {  	[tilespmem:s10+$0x10] =	vst v2  }
0x2d9: {  	s12 =	simm.s32 $0x9000;
	s13 =	simm.s32 $0x0;
	[tilespmem:s10+$0xFFFFFFF0] =	vst v4  }
0x2da: {  	[hbm4b:s19+s13] =	stream.linear.scatter [tilespmem:s12], [sflag:$0xA], $0x2000, $0x38;
	[tilespmem:$0x1F000] =	vst v63  }
0x2db: {  	_ =	swait.ge [sflag:s23], $0x2000  }
0x2dc: {  	s15 =	sld [smem:$0x7F7]  }
0x2dd: {  	[sflag:s23] =	ssyncset.done $0x0  }
0x2de: {  	[sflag:s23] =	ssyncadd.s32 $0xFFFFE000  }
0x2df: {  	[spmem:s15] =	stream.linear.scatter [tilespmem:s12], [sflag:$0xA], $0x2000, $0x38;
	[tilespmem:$0x1F000] =	vst v63  }
0x2e0: {  	_ =	swait.ge [sflag:s23], $0x2000  }
0x2e1: {  	[sflag:s23] =	ssyncset.done $0x0  }
0x2e2: {  	s22 =	rddreg [dreg:$0xd];
	[sflag:s23] =	ssyncadd.s32 $0xFFFFE000  }
0x2e3: {  	[tilespmem:s12], [sflag:$0xA] =	stream.linear.gather [hbm4b:s22+s13], $0x2000, $0x38;
	[tilespmem:$0x1F000] =	vst v63  }
0x2e4: {  	_ =	swait.ge [sflag:s23], $0x2000  }
0x2e5: {  	[sflag:s23] =	ssyncset.done $0x0  }
0x2e6: {  	s11 =	simm.s32 $0x9020;
	[sflag:s23] =	ssyncadd.s32 $0xFFFFE000  }
0x2e7: {  	v2 =	vld [tilespmem:s11+$0xFFFFFFE0]  }
0x2e8: {  	s10 =	sand.u32 $0x7F, s13;
	v3 =	vld [tilespmem:s11+$0x0]  }
0x2e9: {  	s15 =	simm.s32 $0x1;
	s13 =	sld [smem:s10+$0x480];
	v4 =	vld [tilespmem:s11+$0x10];
	s10 =	simm.s32 $0x9020  }
.LBB2_26:
0x2ea: {  	p0 =	sne.s32 s15, $0x7F;
	v5 =	vld [tilespmem:s11+$0xFFFFFFF0];
	_ =	sdelay $0x1  }
0x2eb: {  	v2 =	vmul.f32 s13, v2  }
.Ltmp12:
0x2ec: {  	v3 =	vmul.f32 s13, v3;
	(pc) =	sbr.rel @p0 .LBB2_26-.Ltmp12, $4  }
0x2ed: {  	s11 =	sadd.s32 $0x40, s11;
	[tilespmem:s10+$0xFFFFFFE0] =	vst v2;
	v4 =	vmul.f32 s13, v4  }
0x2ee: {  	v2 =	vld [tilespmem:s11+$0xFFFFFFE0];
	v5 =	vmul.f32 s13, v5;
	[tilespmem:s10+$0x0] =	vst v3  }
0x2ef: {  	s12 =	sand.u32 $0x7F, s15;
	v3 =	vld [tilespmem:s11+$0x0];
	[tilespmem:s10+$0x10] =	vst v4  }
0x2f0: {  	s15 =	sadd.s32 $0x1, s15;
	s13 =	sld [smem:s12+$0x480];
	v4 =	vld [tilespmem:s11+$0x10];
	[tilespmem:s10+$0xFFFFFFF0] =	vst v5;
	s10 =	smov.u32 s11  }
0x2f1: {  	v5 =	vld [tilespmem:s11+$0xFFFFFFF0];
	_ =	sdelay $0x1  }
0x2f2: {  	v2 =	vmul.f32 s13, v2  }
0x2f3: {  	v3 =	vmul.f32 s13, v3  }
0x2f4: {  	[tilespmem:s10+$0xFFFFFFE0] =	vst v2;
	v2 =	vmul.f32 s13, v4  }
0x2f5: {  	v63 =	vmul.f32 s13, v5;
	[tilespmem:s10+$0x0] =	vst v3  }
0x2f6: {  	[tilespmem:s10+$0x10] =	vst v2  }
0x2f7: {  	s15 =	simm.s32 $0x9000;
	s13 =	simm.s32 $0x0;
	[tilespmem:s10+$0xFFFFFFF0] =	vst v63  }
0x2f8: {  	[hbm4b:s20+s13] =	stream.linear.scatter [tilespmem:s15], [sflag:$0xA], $0x2000, $0x38;
	[tilespmem:$0x1F000] =	vst v63  }
0x2f9: {  	_ =	swait.ge [sflag:s23], $0x2000  }
0x2fa: {  	s22 =	sld [smem:$0x7F9]  }
0x2fb: {  	[sflag:s23] =	ssyncset.done $0x0  }
0x2fc: {  	[sflag:s23] =	ssyncadd.s32 $0xFFFFE000  }
0x2fd: {  	[spmem:s22] =	stream.linear.scatter [tilespmem:s15], [sflag:$0xA], $0x2000, $0x38;
	[tilespmem:$0x1F000] =	vst v63  }
0x2fe: {  	_ =	swait.ge [sflag:s23], $0x2000  }
0x2ff: {  	[sflag:s23] =	ssyncset.done $0x0  }
0x300: {  	[sflag:s23] =	ssyncadd.s32 $0xFFFFE000  }
0x301: {  	s22 =	simm.s32 $0x0;
	[bflag:$0x0] =	sbarrier.arrive $0xFFFF  }
.LBB2_28:
0x302: {  	s10 =	simm.s32 $0x0  }
0x303: {  	[tilespmem:s10], [sflag:$0xA] =	stream.linear.gather [hbm4b:s9+s10], $0x400, $0x38;
	[tilespmem:$0x1F000] =	vst v63  }
0x304: {  	_ =	swait.ge [sflag:s23], $0x400  }
0x305: {  	[sflag:s23] =	ssyncset.done $0x0  }
0x306: {  	[sflag:s23] =	ssyncadd.s32 $0xFFFFFC00  }
0x307: {  	[tilespmem:s16], [sflag:$0xA] =	stream.linear.gather [hbm4b:s8+s10], $0x400, $0x38;
	[tilespmem:$0x1F000] =	vst v63  }
0x308: {  	_ =	swait.ge [sflag:s23], $0x400  }
0x309: {  	[sflag:s23] =	ssyncset.done $0x0  }
0x30a: {  	s13 =	simm.s32 $0x0;
	s16 =	simm.s32 $0xB80;
	[sflag:s23] =	ssyncadd.s32 $0xFFFFFC00  }
.LBB2_29:
0x30b: {  	p0 =	seq.s32 s13, $0x0  }
0x30c: {  	s10 =	simm.s32 @p0 $0x80;
	s11 =	simm.s32 @p0 $0x0;
	s12 =	simm.s32 @p0 $0x1000  }
0x30d: {  	[tilespmem:s12], [sflag:$0x1] =	stream.indirect.gather @p0 [spmem:s14], $0x40, s11, s10, $0xb8;
	[tilespmem:$0x1F000] =	vst v63  }
0x30e: {  	s11 =	simm.s32 @p0 $0x3000  }
0x30f: {  	[tilespmem:s11], [sflag:$0x2] =	stream.indirect.gather @p0 [spmem:s14], $0x40, s10, s10, $0xb8;
	[tilespmem:$0x1F000] =	vst v63  }
0x310: {  	s15 =	simm.s32 @p0 $0x5000;
	s11 =	simm.s32 @p0 $0x100  }
0x311: {  	[tilespmem:s15], [sflag:$0x3] =	stream.indirect.gather @p0 [spmem:s14], $0x40, s11, s10, $0xb8;
	[tilespmem:$0x1F000] =	vst v63  }
0x312: {  	s11 =	simm.s32 @p0 $0x1  }
0x313: {  	_ =	swait.ge @p0 [sflag:s11], $0x2000  }
0x314: {  	[sflag:s11] =	ssyncset.done @p0 $0x0  }
0x315: {  	[sflag:s11] =	ssyncadd.s32 @p0 $0xFFFFE000;
	s11 =	simm.s32 @p0 $0x800  }
0x316: {  	[spmem:s17] =	stream.indirect.scatter.add.f32 @p0 [tilespmem:s12], [sflag:$0x5], $0x40, s11, s10, $0xb8;
	[tilespmem:$0x1F000] =	vst v63  }
0x317: {  	s10 =	simm.s32 @!p0 $0x5  }
0x318: {  	_ =	swait.ge @!p0 [sflag:s10], $0x2000  }
0x319: {  	s11 =	simm.s32 @!p0 $0x0;
	[sflag:s10] =	ssyncset.done @!p0 $0x0  }
0x31a: {  	s12 =	simm.s32 @!p0 $0x1000;
	[sflag:s10] =	ssyncadd.s32 @!p0 $0xFFFFE000;
	s10 =	simm.s32 @!p0 $0x80  }
0x31b: {  	[tilespmem:s12], [sflag:$0x1] =	stream.indirect.gather @!p0 [spmem:s14], $0x40, s11, s10, $0xb8;
	[tilespmem:$0x1F000] =	vst v63  }
0x31c: {  	s11 =	simm.s32 @!p0 $0x6  }
0x31d: {  	_ =	swait.ge @!p0 [sflag:s11], $0x2000  }
0x31e: {  	[sflag:s11] =	ssyncset.done @!p0 $0x0  }
0x31f: {  	[sflag:s11] =	ssyncadd.s32 @!p0 $0xFFFFE000;
	s11 =	simm.s32 @!p0 $0x3000  }
0x320: {  	[tilespmem:s11], [sflag:$0x2] =	stream.indirect.gather @!p0 [spmem:s14], $0x40, s10, s10, $0xb8;
	[tilespmem:$0x1F000] =	vst v63  }
0x321: {  	s11 =	simm.s32 @!p0 $0x7  }
0x322: {  	_ =	swait.ge @!p0 [sflag:s11], $0x2000  }
0x323: {  	[sflag:s11] =	ssyncset.done @!p0 $0x0  }
0x324: {  	s15 =	simm.s32 @!p0 $0x5000;
	[sflag:s11] =	ssyncadd.s32 @!p0 $0xFFFFE000;
	s11 =	simm.s32 @!p0 $0x100  }
0x325: {  	[tilespmem:s15], [sflag:$0x3] =	stream.indirect.gather @!p0 [spmem:s14], $0x40, s11, s10, $0xb8;
	[tilespmem:$0x1F000] =	vst v63  }
0x326: {  	s11 =	simm.s32 @!p0 $0x1  }
0x327: {  	_ =	swait.ge @!p0 [sflag:s11], $0x2000  }
0x328: {  	[sflag:s11] =	ssyncset.done @!p0 $0x0  }
0x329: {  	[sflag:s11] =	ssyncadd.s32 @!p0 $0xFFFFE000;
	s11 =	simm.s32 @!p0 $0x800  }
0x32a: {  	[spmem:s17] =	stream.indirect.scatter.add.f32 @!p0 [tilespmem:s12], [sflag:$0x5], $0x40, s11, s10, $0xb8;
	[tilespmem:$0x1F000] =	vst v63  }
0x32b: {  	s10 =	simm.s32 @!p0 $0x8  }
0x32c: {  	_ =	swait.ge @!p0 [sflag:s10], $0x2000  }
0x32d: {  	[sflag:s10] =	ssyncset.done @!p0 $0x0  }
0x32e: {  	s15 =	simm.s32 $0x180;
	s11 =	sadd.s32 s13, s9;
	[sflag:s10] =	ssyncadd.s32 @!p0 $0xFFFFE000  }
0x32f: {  	[tilespmem:s7], [sflag:$0x4] =	stream.indirect.gather [spmem:s14], $0x40, s15, s21, $0xb8;
	[tilespmem:$0x1F000] =	vst v63  }
0x330: {  	s12 =	sadd.s32 s13, s8;
	s10 =	sadd.s32 $0x80, s11;
	s11 =	simm.s32 $0x400  }
0x331: {  	[tilespmem:s11], [sflag:$0x9] =	stream.linear.gather [hbm4b:s10+s1], $0x400, $0x38;
	[tilespmem:$0x1F000] =	vst v63  }
0x332: {  	s10 =	sadd.s32 $0x80, s12;
	s12 =	simm.s32 $0xC00  }
0x333: {  	[tilespmem:s12], [sflag:$0x9] =	stream.linear.gather [hbm4b:s10+s1], $0x400, $0x38;
	[tilespmem:$0x1F000] =	vst v63  }
0x334: {  	_ =	swait.ge [sflag:s26], $0x2000  }
0x335: {  	[sflag:s26] =	ssyncset.done $0x0  }
0x336: {  	s15 =	simm.s32 $0x880;
	[sflag:s26] =	ssyncadd.s32 $0xFFFFE000  }
0x337: {  	[spmem:s17] =	stream.indirect.scatter.add.f32 [tilespmem:s29], [sflag:$0x6], $0x40, s15, s21, $0xb8;
	[tilespmem:$0x1F000] =	vst v63  }
0x338: {  	_ =	swait.ge [sflag:s31], $0x2000  }
0x339: {  	[sflag:s31] =	ssyncset.done $0x0  }
0x33a: {  	s15 =	simm.s32 $0x200;
	[sflag:s31] =	ssyncadd.s32 $0xFFFFE000  }
0x33b: {  	[tilespmem:s24], [sflag:$0x1] =	stream.indirect.gather [spmem:s14], $0x40, s15, s21, $0xb8;
	[tilespmem:$0x1F000] =	vst v63  }
0x33c: {  	_ =	swait.ge [sflag:s4], $0x2000  }
0x33d: {  	[sflag:s4] =	ssyncset.done $0x0  }
0x33e: {  	s15 =	simm.s32 $0x900;
	[sflag:s4] =	ssyncadd.s32 $0xFFFFE000  }
0x33f: {  	[spmem:s17] =	stream.indirect.scatter.add.f32 [tilespmem:s28], [sflag:$0x7], $0x40, s15, s21, $0xb8;
	[tilespmem:$0x1F000] =	vst v63  }
0x340: {  	_ =	swait.ge [sflag:s30], $0x2000  }
0x341: {  	[sflag:s30] =	ssyncset.done $0x0  }
0x342: {  	s15 =	simm.s32 $0x280;
	[sflag:s30] =	ssyncadd.s32 $0xFFFFE000  }
0x343: {  	[tilespmem:s29], [sflag:$0x2] =	stream.indirect.gather [spmem:s14], $0x40, s15, s21, $0xb8;
	[tilespmem:$0x1F000] =	vst v63  }
0x344: {  	_ =	swait.ge [sflag:s2], $0x2000  }
0x345: {  	[sflag:s2] =	ssyncset.done $0x0  }
0x346: {  	s15 =	simm.s32 $0x980;
	[sflag:s2] =	ssyncadd.s32 $0xFFFFE000  }
0x347: {  	[spmem:s17] =	stream.indirect.scatter.add.f32 [tilespmem:s7], [sflag:$0x8], $0x40, s15, s21, $0xb8;
	[tilespmem:$0x1F000] =	vst v63  }
0x348: {  	_ =	swait.ge [sflag:s6], $0x2000  }
0x349: {  	[sflag:s6] =	ssyncset.done $0x0  }
0x34a: {  	s15 =	simm.s32 $0x300;
	[sflag:s6] =	ssyncadd.s32 $0xFFFFE000  }
0x34b: {  	[tilespmem:s28], [sflag:$0x3] =	stream.indirect.gather [spmem:s14], $0x40, s15, s21, $0xb8;
	[tilespmem:$0x1F000] =	vst v63  }
0x34c: {  	_ =	swait.ge [sflag:s5], $0x2000  }
0x34d: {  	[sflag:s5] =	ssyncset.done $0x0  }
0x34e: {  	s15 =	simm.s32 $0xA00;
	[sflag:s5] =	ssyncadd.s32 $0xFFFFE000  }
0x34f: {  	[spmem:s17] =	stream.indirect.scatter.add.f32 [tilespmem:s24], [sflag:$0x5], $0x40, s15, s21, $0xb8;
	[tilespmem:$0x1F000] =	vst v63  }
0x350: {  	_ =	swait.ge [sflag:s0], $0x2000  }
0x351: {  	[sflag:s0] =	ssyncset.done $0x0  }
0x352: {  	s15 =	simm.s32 $0x380;
	[sflag:s0] =	ssyncadd.s32 $0xFFFFE000  }
0x353: {  	[tilespmem:s7], [sflag:$0x4] =	stream.indirect.gather [spmem:s14], $0x40, s15, s21, $0xb8;
	[tilespmem:$0x1F000] =	vst v63  }
0x354: {  	_ =	swait.ge [sflag:s26], $0x2000  }
0x355: {  	[sflag:s26] =	ssyncset.done $0x0  }
0x356: {  	s15 =	simm.s32 $0xA80;
	[sflag:s26] =	ssyncadd.s32 $0xFFFFE000  }
0x357: {  	[spmem:s17] =	stream.indirect.scatter.add.f32 [tilespmem:s29], [sflag:$0x6], $0x40, s15, s21, $0xb8;
	[tilespmem:$0x1F000] =	vst v63  }
0x358: {  	_ =	swait.ge [sflag:s4], $0x2000  }
0x359: {  	[sflag:s4] =	ssyncset.done $0x0  }
0x35a: {  	s15 =	simm.s32 $0xB00;
	[sflag:s4] =	ssyncadd.s32 $0xFFFFE000  }
0x35b: {  	[spmem:s17] =	stream.indirect.scatter.add.f32 [tilespmem:s28], [sflag:$0x7], $0x40, s15, s21, $0xb8;
	[tilespmem:$0x1F000] =	vst v63  }
0x35c: {  	_ =	swait.ge [sflag:s2], $0x2000  }
0x35d: {  	[sflag:s2] =	ssyncset.done $0x0  }
0x35e: {  	[sflag:s2] =	ssyncadd.s32 $0xFFFFE000  }
0x35f: {  	[spmem:s17] =	stream.indirect.scatter.add.f32 [tilespmem:s7], [sflag:$0x8], $0x40, s16, s21, $0xb8;
	[tilespmem:$0x1F000] =	vst v63  }
0x360: {  	_ =	swait.ge [sflag:s3], $0x400  }
0x361: {  	[sflag:s3] =	ssyncset.done $0x0  }
0x362: {  	[sflag:s3] =	ssyncadd.s32 $0xFFFFFC00  }
0x363: {  	_ =	swait.ge [sflag:s3], $0x400  }
0x364: {  	[sflag:s3] =	ssyncset.done $0x0  }
0x365: {  	[sflag:s3] =	ssyncadd.s32 $0xFFFFFC00  }
0x366: {  	_ =	swait.ge [sflag:s31], $0x2000  }
0x367: {  	[sflag:s31] =	ssyncset.done $0x0  }
0x368: {  	[sflag:s31] =	ssyncadd.s32 $0xFFFFE000  }
0x369: {  	[tilespmem:s24], [sflag:$0x1] =	stream.indirect.gather [spmem:s14], $0x40, s11, s21, $0xb8;
	[tilespmem:$0x1F000] =	vst v63  }
0x36a: {  	_ =	swait.ge [sflag:s30], $0x2000  }
0x36b: {  	[sflag:s30] =	ssyncset.done $0x0  }
0x36c: {  	s11 =	simm.s32 $0x480;
	[sflag:s30] =	ssyncadd.s32 $0xFFFFE000  }
0x36d: {  	[tilespmem:s29], [sflag:$0x2] =	stream.indirect.gather [spmem:s14], $0x40, s11, s21, $0xb8;
	[tilespmem:$0x1F000] =	vst v63  }
0x36e: {  	_ =	swait.ge [sflag:s6], $0x2000  }
0x36f: {  	[sflag:s6] =	ssyncset.done $0x0  }
0x370: {  	s15 =	simm.s32 $0x500;
	[sflag:s6] =	ssyncadd.s32 $0xFFFFE000  }
0x371: {  	[tilespmem:s28], [sflag:$0x3] =	stream.indirect.gather [spmem:s14], $0x40, s15, s21, $0xb8;
	[tilespmem:$0x1F000] =	vst v63  }
0x372: {  	_ =	swait.ge [sflag:s5], $0x2000  }
0x373: {  	[sflag:s5] =	ssyncset.done $0x0  }
0x374: {  	[sflag:s5] =	ssyncadd.s32 $0xFFFFE000  }
0x375: {  	[spmem:s17] =	stream.indirect.scatter.add.f32 [tilespmem:s24], [sflag:$0x5], $0x40, s12, s21, $0xb8;
	[tilespmem:$0x1F000] =	vst v63  }
0x376: {  	_ =	swait.ge [sflag:s0], $0x2000  }
0x377: {  	p0 =	seq.s32 s13, $0x900;
	[sflag:s0] =	ssyncset.done $0x0  }
0x378: {  	s10 =	sadd.s32 @!p0 s13, s9;
	s11 =	simm.s32 $0x580;
	[sflag:s0] =	ssyncadd.s32 $0xFFFFE000  }
0x379: {  	[tilespmem:s7], [sflag:$0x4] =	stream.indirect.gather [spmem:s14], $0x40, s11, s21, $0xb8;
	[tilespmem:$0x1F000] =	vst v63  }
0x37a: {  	s10 =	sadd.s32 @!p0 $0x100, s10;
	s11 =	simm.s32 @!p0 $0x0  }
0x37b: {  	[tilespmem:s11], [sflag:$0x9] =	stream.linear.gather @!p0 [hbm4b:s10+s11], $0x400, $0x38;
	[tilespmem:$0x1F000] =	vst v63  }
0x37c: {  	s10 =	sadd.s32 @!p0 s13, s8  }
0x37d: {  	s12 =	simm.s32 @!p0 $0x800;
	s10 =	sadd.s32 @!p0 $0x100, s10  }
0x37e: {  	[tilespmem:s12], [sflag:$0x9] =	stream.linear.gather @!p0 [hbm4b:s10+s11], $0x400, $0x38;
	[tilespmem:$0x1F000] =	vst v63  }
0x37f: {  	_ =	swait.ge [sflag:s26], $0x2000  }
0x380: {  	[sflag:s26] =	ssyncset.done $0x0  }
0x381: {  	s12 =	simm.s32 $0xC80;
	[sflag:s26] =	ssyncadd.s32 $0xFFFFE000  }
0x382: {  	[spmem:s17] =	stream.indirect.scatter.add.f32 [tilespmem:s29], [sflag:$0x6], $0x40, s12, s21, $0xb8;
	[tilespmem:$0x1F000] =	vst v63  }
0x383: {  	_ =	swait.ge [sflag:s31], $0x2000  }
0x384: {  	[sflag:s31] =	ssyncset.done $0x0  }
0x385: {  	s15 =	simm.s32 $0x600;
	[sflag:s31] =	ssyncadd.s32 $0xFFFFE000  }
0x386: {  	[tilespmem:s24], [sflag:$0x1] =	stream.indirect.gather [spmem:s14], $0x40, s15, s21, $0xb8;
	[tilespmem:$0x1F000] =	vst v63  }
0x387: {  	_ =	swait.ge [sflag:s4], $0x2000  }
0x388: {  	[sflag:s4] =	ssyncset.done $0x0  }
0x389: {  	s11 =	simm.s32 $0xD00;
	[sflag:s4] =	ssyncadd.s32 $0xFFFFE000  }
0x38a: {  	[spmem:s17] =	stream.indirect.scatter.add.f32 [tilespmem:s28], [sflag:$0x7], $0x40, s11, s21, $0xb8;
	[tilespmem:$0x1F000] =	vst v63  }
0x38b: {  	_ =	swait.ge [sflag:s30], $0x2000  }
0x38c: {  	[sflag:s30] =	ssyncset.done $0x0  }
0x38d: {  	s12 =	simm.s32 $0x680;
	[sflag:s30] =	ssyncadd.s32 $0xFFFFE000  }
0x38e: {  	[tilespmem:s29], [sflag:$0x2] =	stream.indirect.gather [spmem:s14], $0x40, s12, s21, $0xb8;
	[tilespmem:$0x1F000] =	vst v63  }
0x38f: {  	_ =	swait.ge [sflag:s2], $0x2000  }
0x390: {  	[sflag:s2] =	ssyncset.done $0x0  }
0x391: {  	s15 =	simm.s32 $0xD80;
	[sflag:s2] =	ssyncadd.s32 $0xFFFFE000  }
0x392: {  	[spmem:s17] =	stream.indirect.scatter.add.f32 [tilespmem:s7], [sflag:$0x8], $0x40, s15, s21, $0xb8;
	[tilespmem:$0x1F000] =	vst v63  }
0x393: {  	_ =	swait.ge [sflag:s6], $0x2000  }
0x394: {  	[sflag:s6] =	ssyncset.done $0x0  }
0x395: {  	s11 =	simm.s32 $0x700;
	[sflag:s6] =	ssyncadd.s32 $0xFFFFE000  }
0x396: {  	[tilespmem:s28], [sflag:$0x3] =	stream.indirect.gather [spmem:s14], $0x40, s11, s21, $0xb8;
	[tilespmem:$0x1F000] =	vst v63  }
0x397: {  	_ =	swait.ge [sflag:s5], $0x2000  }
0x398: {  	[sflag:s5] =	ssyncset.done $0x0  }
0x399: {  	s12 =	simm.s32 $0xE00;
	[sflag:s5] =	ssyncadd.s32 $0xFFFFE000  }
0x39a: {  	[spmem:s17] =	stream.indirect.scatter.add.f32 [tilespmem:s24], [sflag:$0x5], $0x40, s12, s21, $0xb8;
	[tilespmem:$0x1F000] =	vst v63  }
0x39b: {  	_ =	swait.ge [sflag:s0], $0x2000  }
0x39c: {  	[sflag:s0] =	ssyncset.done $0x0  }
0x39d: {  	s15 =	simm.s32 $0x780;
	[sflag:s0] =	ssyncadd.s32 $0xFFFFE000  }
0x39e: {  	[tilespmem:s7], [sflag:$0x4] =	stream.indirect.gather [spmem:s14], $0x40, s15, s21, $0xb8;
	[tilespmem:$0x1F000] =	vst v63  }
0x39f: {  	_ =	swait.ge [sflag:s26], $0x2000  }
0x3a0: {  	[sflag:s26] =	ssyncset.done $0x0  }
0x3a1: {  	s11 =	simm.s32 $0xE80;
	[sflag:s26] =	ssyncadd.s32 $0xFFFFE000  }
0x3a2: {  	[spmem:s17] =	stream.indirect.scatter.add.f32 [tilespmem:s29], [sflag:$0x6], $0x40, s11, s21, $0xb8;
	[tilespmem:$0x1F000] =	vst v63  }
0x3a3: {  	_ =	swait.ge [sflag:s4], $0x2000  }
0x3a4: {  	[sflag:s4] =	ssyncset.done $0x0  }
0x3a5: {  	s12 =	simm.s32 $0xF00;
	[sflag:s4] =	ssyncadd.s32 $0xFFFFE000  }
0x3a6: {  	[spmem:s17] =	stream.indirect.scatter.add.f32 [tilespmem:s28], [sflag:$0x7], $0x40, s12, s21, $0xb8;
	[tilespmem:$0x1F000] =	vst v63  }
.Ltmp13:
0x3a7: {  	_ = 	snop;
	(pc) =	sbr.rel @p0 .LBB2_31-.Ltmp13, $4  }
0x3a8: {  	_ =	swait.ge [sflag:s2], $0x2000  }
0x3a9: {  	[sflag:s2] =	ssyncset.done $0x0  }
0x3aa: {  	s15 =	simm.s32 $0xF80;
	[sflag:s2] =	ssyncadd.s32 $0xFFFFE000  }
0x3ab: {  	[spmem:s17] =	stream.indirect.scatter.add.f32 [tilespmem:s7], [sflag:$0x8], $0x40, s15, s21, $0xb8;
	[tilespmem:$0x1F000] =	vst v63  }
0x3ac: {  	_ =	swait.ge [sflag:s3], $0x400  }
.Ltmp14:
0x3ad: {  	[sflag:s3] =	ssyncset.done $0x0;
	(pc) =	sbr.rel .LBB2_29-.Ltmp14, $4  }
0x3ae: {  	[sflag:s3] =	ssyncadd.s32 $0xFFFFFC00  }
0x3af: {  	_ =	swait.ge [sflag:s3], $0x400  }
0x3b0: {  	[sflag:s3] =	ssyncset.done $0x0  }
0x3b1: {  	s13 =	sadd.s32 $0x100, s13;
	[sflag:s3] =	ssyncadd.s32 $0xFFFFFC00  }
.LBB2_31:
0x3b2: {  	_ =	swait.ge [sflag:s31], $0x2000  }
0x3b3: {  	[sflag:s31] =	ssyncset.done $0x0  }
0x3b4: {  	[sflag:s31] =	ssyncadd.s32 $0xFFFFE000  }
0x3b5: {  	_ =	swait.ge [sflag:s30], $0x2000  }
0x3b6: {  	[sflag:s30] =	ssyncset.done $0x0  }
0x3b7: {  	[sflag:s30] =	ssyncadd.s32 $0xFFFFE000  }
0x3b8: {  	_ =	swait.ge [sflag:s6], $0x2000  }
0x3b9: {  	[sflag:s6] =	ssyncset.done $0x0  }
0x3ba: {  	[sflag:s6] =	ssyncadd.s32 $0xFFFFE000  }
0x3bb: {  	_ =	swait.ge [sflag:s0], $0x2000  }
0x3bc: {  	[sflag:s0] =	ssyncset.done $0x0  }
0x3bd: {  	[sflag:s0] =	ssyncadd.s32 $0xFFFFE000  }
0x3be: {  	[bflag:$0x0] =	sbarrier.arrive $0xFFFF  }
0x3bf: {  	s11 =	simm.s32 $0x9000;
	s10 =	rddreg [dreg:$0x1a]  }
0x3c0: {  	[tilespmem:s11], [sflag:$0xA] =	stream.linear.gather [spmem:s10], $0x2000, $0x38;
	[tilespmem:$0x1F000] =	vst v63  }
0x3c1: {  	_ =	swait.ge [sflag:s23], $0x2000  }
0x3c2: {  	s15 =	sld [smem:$0x7FB];
	_ =	sdelay $0x1  }
0x3c3: {  	s10 =	sshrl.u32 s10, $0x3;
	s11 =	simm.s32 $0x9020;
	[sflag:s23] =	ssyncset.done $0x0  }
0x3c4: {  	s16 =	rddreg [dreg:$0x6];
	[sflag:s23] =	ssyncadd.s32 $0xFFFFE000;
	s13 =	sor.u32 $0x1C09, s15  }
0x3c5: {  	[spmem:s10], [sflag:s13] =	dma.local [hbm:s16], $0x400  }
0x3c6: {  	v2 =	vld [tilespmem:s11+$0xFFFFFFE0]  }
0x3c7: {  	v3 =	vld [tilespmem:s11+$0x0]  }
0x3c8: {  	s16 =	simm.s32 $0x4;
	s10 =	simm.s32 $0x9020;
	s15 =	sld [smem:$0x0];
	v4 =	vld [tilespmem:s11+$0x10]  }
.LBB2_32:
0x3c9: {  	p0 =	sne.s32 s16, $0x1FC;
	v5 =	vld [tilespmem:s11+$0xFFFFFFF0];
	_ =	sdelay $0x1  }
0x3ca: {  	v2 =	vmul.f32 s15, v2  }
.Ltmp15:
0x3cb: {  	v3 =	vmul.f32 s15, v3;
	(pc) =	sbr.rel @p0 .LBB2_32-.Ltmp15, $4  }
0x3cc: {  	s11 =	sadd.s32 $0x40, s11;
	[tilespmem:s10+$0xFFFFFFE0] =	vst v2;
	v4 =	vmul.f32 s15, v4  }
0x3cd: {  	v2 =	vld [tilespmem:s11+$0xFFFFFFE0];
	v5 =	vmul.f32 s15, v5;
	[tilespmem:s10+$0x0] =	vst v3  }
0x3ce: {  	s12 =	sshra.s32 s16, $0x2;
	v3 =	vld [tilespmem:s11+$0x0];
	[tilespmem:s10+$0x10] =	vst v4  }
0x3cf: {  	s16 =	sadd.s32 $0x4, s16;
	s15 =	sld [smem:s12+$0x0];
	v4 =	vld [tilespmem:s11+$0x10];
	[tilespmem:s10+$0xFFFFFFF0] =	vst v5;
	s10 =	smov.u32 s11  }
0x3d0: {  	v5 =	vld [tilespmem:s11+$0xFFFFFFF0];
	_ =	sdelay $0x1  }
0x3d1: {  	v2 =	vmul.f32 s15, v2  }
0x3d2: {  	v3 =	vmul.f32 s15, v3  }
0x3d3: {  	[tilespmem:s10+$0xFFFFFFE0] =	vst v2;
	v2 =	vmul.f32 s15, v4  }
0x3d4: {  	v4 =	vmul.f32 s15, v5;
	[tilespmem:s10+$0x0] =	vst v3  }
0x3d5: {  	[tilespmem:s10+$0x10] =	vst v2  }
0x3d6: {  	s11 =	rddreg [dreg:$0x19];
	s12 =	simm.s32 $0x9000;
	[tilespmem:s10+$0xFFFFFFF0] =	vst v4  }
0x3d7: {  	[spmem:s11] =	stream.linear.scatter [tilespmem:s12], [sflag:$0xA], $0x2000, $0x38;
	[tilespmem:$0x1F000] =	vst v63  }
0x3d8: {  	_ =	swait.ge [sflag:s23], $0x2000  }
0x3d9: {  	[sflag:s23] =	ssyncset.done $0x0  }
0x3da: {  	s10 =	simm.s32 $0x0;
	s15 =	rddreg [dreg:$0xf];
	[sflag:s23] =	ssyncadd.s32 $0xFFFFE000  }
0x3db: {  	[hbm4b:s15+s10] =	stream.linear.scatter [tilespmem:s12], [sflag:$0xA], $0x2000, $0x38;
	[tilespmem:$0x1F000] =	vst v63  }
0x3dc: {  	_ =	swait.ge [sflag:s23], $0x2000  }
0x3dd: {  	[sflag:s23] =	ssyncset.done $0x0  }
0x3de: {  	s16 =	rddreg [dreg:$0x1c];
	[sflag:s23] =	ssyncadd.s32 $0xFFFFE000  }
0x3df: {  	[tilespmem:s12], [sflag:$0xA] =	stream.linear.gather [spmem:s16], $0x2000, $0x38;
	[tilespmem:$0x1F000] =	vst v63  }
0x3e0: {  	_ =	swait.ge [sflag:s23], $0x2000  }
0x3e1: {  	[sflag:s23] =	ssyncset.done $0x0  }
0x3e2: {  	s11 =	sshrl.u32 s16, $0x3;
	[sflag:s23] =	ssyncadd.s32 $0xFFFFE000  }
0x3e3: {  	[spmem:s11], [sflag:s13] =	dma.local [hbm:s25], $0x400  }
0x3e4: {  	s11 =	simm.s32 $0x9020  }
0x3e5: {  	v2 =	vld [tilespmem:s11+$0xFFFFFFE0]  }
0x3e6: {  	s10 =	sand.u32 $0x7F, s10;
	v3 =	vld [tilespmem:s11+$0x0]  }
0x3e7: {  	s16 =	simm.s32 $0x1;
	s15 =	sld [smem:s10+$0x80];
	v4 =	vld [tilespmem:s11+$0x10];
	s10 =	simm.s32 $0x9020  }
.LBB2_34:
0x3e8: {  	p0 =	sne.s32 s16, $0x7F;
	v5 =	vld [tilespmem:s11+$0xFFFFFFF0];
	_ =	sdelay $0x1  }
0x3e9: {  	v2 =	vmul.f32 s15, v2  }
.Ltmp16:
0x3ea: {  	v3 =	vmul.f32 s15, v3;
	(pc) =	sbr.rel @p0 .LBB2_34-.Ltmp16, $4  }
0x3eb: {  	s11 =	sadd.s32 $0x40, s11;
	[tilespmem:s10+$0xFFFFFFE0] =	vst v2;
	v4 =	vmul.f32 s15, v4  }
0x3ec: {  	v2 =	vld [tilespmem:s11+$0xFFFFFFE0];
	v5 =	vmul.f32 s15, v5;
	[tilespmem:s10+$0x0] =	vst v3  }
0x3ed: {  	s12 =	sand.u32 $0x7F, s16;
	v3 =	vld [tilespmem:s11+$0x0];
	[tilespmem:s10+$0x10] =	vst v4  }
0x3ee: {  	s16 =	sadd.s32 $0x1, s16;
	s15 =	sld [smem:s12+$0x80];
	v4 =	vld [tilespmem:s11+$0x10];
	[tilespmem:s10+$0xFFFFFFF0] =	vst v5;
	s10 =	smov.u32 s11  }
0x3ef: {  	v5 =	vld [tilespmem:s11+$0xFFFFFFF0];
	_ =	sdelay $0x1  }
0x3f0: {  	v2 =	vmul.f32 s15, v2  }
0x3f1: {  	v3 =	vmul.f32 s15, v3  }
0x3f2: {  	[tilespmem:s10+$0xFFFFFFE0] =	vst v2;
	v2 =	vmul.f32 s15, v4  }
0x3f3: {  	v4 =	vmul.f32 s15, v5;
	[tilespmem:s10+$0x0] =	vst v3  }
0x3f4: {  	[tilespmem:s10+$0x10] =	vst v2  }
0x3f5: {  	s11 =	rddreg [dreg:$0x1b];
	s12 =	simm.s32 $0x9000;
	[tilespmem:s10+$0xFFFFFFF0] =	vst v4  }
0x3f6: {  	[spmem:s11] =	stream.linear.scatter [tilespmem:s12], [sflag:$0xA], $0x2000, $0x38;
	[tilespmem:$0x1F000] =	vst v63  }
0x3f7: {  	_ =	swait.ge [sflag:s23], $0x2000  }
0x3f8: {  	[sflag:s23] =	ssyncset.done $0x0  }
0x3f9: {  	s10 =	simm.s32 $0x0;
	s15 =	rddreg [dreg:$0x10];
	[sflag:s23] =	ssyncadd.s32 $0xFFFFE000  }
0x3fa: {  	[hbm4b:s15+s10] =	stream.linear.scatter [tilespmem:s12], [sflag:$0xA], $0x2000, $0x38;
	[tilespmem:$0x1F000] =	vst v63  }
0x3fb: {  	_ =	swait.ge [sflag:s23], $0x2000  }
0x3fc: {  	[sflag:s23] =	ssyncset.done $0x0  }
0x3fd: {  	s16 =	rddreg [dreg:$0x1e];
	[sflag:s23] =	ssyncadd.s32 $0xFFFFE000  }
0x3fe: {  	[tilespmem:s12], [sflag:$0xA] =	stream.linear.gather [spmem:s16], $0x2000, $0x38;
	[tilespmem:$0x1F000] =	vst v63  }
0x3ff: {  	_ =	swait.ge [sflag:s23], $0x2000  }
0x400: {  	[sflag:s23] =	ssyncset.done $0x0  }
0x401: {  	s11 =	sshrl.u32 s16, $0x3;
	[sflag:s23] =	ssyncadd.s32 $0xFFFFE000  }
0x402: {  	[spmem:s11], [sflag:s13] =	dma.local [hbm:s18], $0x400  }
0x403: {  	s11 =	simm.s32 $0x9020  }
0x404: {  	v2 =	vld [tilespmem:s11+$0xFFFFFFE0]  }
0x405: {  	s10 =	sand.u32 $0x7F, s10;
	v3 =	vld [tilespmem:s11+$0x0]  }
0x406: {  	s16 =	simm.s32 $0x1;
	s15 =	sld [smem:s10+$0x100];
	v4 =	vld [tilespmem:s11+$0x10];
	s10 =	simm.s32 $0x9020  }
.LBB2_36:
0x407: {  	p0 =	sne.s32 s16, $0x7F;
	v5 =	vld [tilespmem:s11+$0xFFFFFFF0];
	_ =	sdelay $0x1  }
0x408: {  	v2 =	vmul.f32 s15, v2  }
.Ltmp17:
0x409: {  	v3 =	vmul.f32 s15, v3;
	(pc) =	sbr.rel @p0 .LBB2_36-.Ltmp17, $4  }
0x40a: {  	s11 =	sadd.s32 $0x40, s11;
	[tilespmem:s10+$0xFFFFFFE0] =	vst v2;
	v4 =	vmul.f32 s15, v4  }
0x40b: {  	v2 =	vld [tilespmem:s11+$0xFFFFFFE0];
	v5 =	vmul.f32 s15, v5;
	[tilespmem:s10+$0x0] =	vst v3  }
0x40c: {  	s12 =	sand.u32 $0x7F, s16;
	v3 =	vld [tilespmem:s11+$0x0];
	[tilespmem:s10+$0x10] =	vst v4  }
0x40d: {  	s16 =	sadd.s32 $0x1, s16;
	s15 =	sld [smem:s12+$0x100];
	v4 =	vld [tilespmem:s11+$0x10];
	[tilespmem:s10+$0xFFFFFFF0] =	vst v5;
	s10 =	smov.u32 s11  }
0x40e: {  	v5 =	vld [tilespmem:s11+$0xFFFFFFF0];
	_ =	sdelay $0x1  }
0x40f: {  	v2 =	vmul.f32 s15, v2  }
0x410: {  	v3 =	vmul.f32 s15, v3  }
0x411: {  	[tilespmem:s10+$0xFFFFFFE0] =	vst v2;
	v2 =	vmul.f32 s15, v4  }
0x412: {  	v4 =	vmul.f32 s15, v5;
	[tilespmem:s10+$0x0] =	vst v3  }
0x413: {  	[tilespmem:s10+$0x10] =	vst v2  }
0x414: {  	s11 =	rddreg [dreg:$0x1d];
	s12 =	simm.s32 $0x9000;
	[tilespmem:s10+$0xFFFFFFF0] =	vst v4  }
0x415: {  	[spmem:s11] =	stream.linear.scatter [tilespmem:s12], [sflag:$0xA], $0x2000, $0x38;
	[tilespmem:$0x1F000] =	vst v63  }
0x416: {  	_ =	swait.ge [sflag:s23], $0x2000  }
0x417: {  	[sflag:s23] =	ssyncset.done $0x0  }
0x418: {  	s10 =	simm.s32 $0x0;
	s15 =	rddreg [dreg:$0x11];
	[sflag:s23] =	ssyncadd.s32 $0xFFFFE000  }
0x419: {  	[hbm4b:s15+s10] =	stream.linear.scatter [tilespmem:s12], [sflag:$0xA], $0x2000, $0x38;
	[tilespmem:$0x1F000] =	vst v63  }
0x41a: {  	_ =	swait.ge [sflag:s23], $0x2000  }
0x41b: {  	s16 =	sld [smem:$0x7F7]  }
0x41c: {  	[sflag:s23] =	ssyncset.done $0x0  }
0x41d: {  	[sflag:s23] =	ssyncadd.s32 $0xFFFFE000  }
0x41e: {  	[tilespmem:s12], [sflag:$0xA] =	stream.linear.gather [spmem:s16], $0x2000, $0x38;
	[tilespmem:$0x1F000] =	vst v63  }
0x41f: {  	_ =	swait.ge [sflag:s23], $0x2000  }
0x420: {  	[sflag:s23] =	ssyncset.done $0x0  }
0x421: {  	s11 =	sshrl.u32 s16, $0x3;
	[sflag:s23] =	ssyncadd.s32 $0xFFFFE000  }
0x422: {  	[spmem:s11], [sflag:s13] =	dma.local [hbm:s19], $0x400  }
0x423: {  	s11 =	simm.s32 $0x9020  }
0x424: {  	v2 =	vld [tilespmem:s11+$0xFFFFFFE0]  }
0x425: {  	s10 =	sand.u32 $0x7F, s10;
	v3 =	vld [tilespmem:s11+$0x0]  }
0x426: {  	s16 =	simm.s32 $0x1;
	s15 =	sld [smem:s10+$0x180];
	v4 =	vld [tilespmem:s11+$0x10];
	s10 =	simm.s32 $0x9020  }
.LBB2_38:
0x427: {  	p0 =	sne.s32 s16, $0x7F;
	v5 =	vld [tilespmem:s11+$0xFFFFFFF0];
	_ =	sdelay $0x1  }
0x428: {  	v2 =	vmul.f32 s15, v2  }
.Ltmp18:
0x429: {  	v3 =	vmul.f32 s15, v3;
	(pc) =	sbr.rel @p0 .LBB2_38-.Ltmp18, $4  }
0x42a: {  	s11 =	sadd.s32 $0x40, s11;
	[tilespmem:s10+$0xFFFFFFE0] =	vst v2;
	v4 =	vmul.f32 s15, v4  }
0x42b: {  	v2 =	vld [tilespmem:s11+$0xFFFFFFE0];
	v5 =	vmul.f32 s15, v5;
	[tilespmem:s10+$0x0] =	vst v3  }
0x42c: {  	s12 =	sand.u32 $0x7F, s16;
	v3 =	vld [tilespmem:s11+$0x0];
	[tilespmem:s10+$0x10] =	vst v4  }
0x42d: {  	s16 =	sadd.s32 $0x1, s16;
	s15 =	sld [smem:s12+$0x180];
	v4 =	vld [tilespmem:s11+$0x10];
	[tilespmem:s10+$0xFFFFFFF0] =	vst v5;
	s10 =	smov.u32 s11  }
0x42e: {  	v5 =	vld [tilespmem:s11+$0xFFFFFFF0];
	_ =	sdelay $0x1  }
0x42f: {  	v2 =	vmul.f32 s15, v2  }
0x430: {  	v3 =	vmul.f32 s15, v3  }
0x431: {  	[tilespmem:s10+$0xFFFFFFE0] =	vst v2;
	v2 =	vmul.f32 s15, v4  }
0x432: {  	v4 =	vmul.f32 s15, v5;
	[tilespmem:s10+$0x0] =	vst v3  }
0x433: {  	[tilespmem:s10+$0x10] =	vst v2  }
0x434: {  	s11 =	rddreg [dreg:$0x1f];
	s12 =	simm.s32 $0x9000;
	[tilespmem:s10+$0xFFFFFFF0] =	vst v4  }
0x435: {  	[spmem:s11] =	stream.linear.scatter [tilespmem:s12], [sflag:$0xA], $0x2000, $0x38;
	[tilespmem:$0x1F000] =	vst v63  }
0x436: {  	_ =	swait.ge [sflag:s23], $0x2000  }
0x437: {  	[sflag:s23] =	ssyncset.done $0x0  }
0x438: {  	s10 =	simm.s32 $0x0;
	s15 =	rddreg [dreg:$0x12];
	[sflag:s23] =	ssyncadd.s32 $0xFFFFE000  }
0x439: {  	[hbm4b:s15+s10] =	stream.linear.scatter [tilespmem:s12], [sflag:$0xA], $0x2000, $0x38;
	[tilespmem:$0x1F000] =	vst v63  }
0x43a: {  	_ =	swait.ge [sflag:s23], $0x2000  }
0x43b: {  	s16 =	sld [smem:$0x7F9]  }
0x43c: {  	[sflag:s23] =	ssyncset.done $0x0  }
0x43d: {  	[sflag:s23] =	ssyncadd.s32 $0xFFFFE000  }
0x43e: {  	[tilespmem:s12], [sflag:$0xA] =	stream.linear.gather [spmem:s16], $0x2000, $0x38;
	[tilespmem:$0x1F000] =	vst v63  }
0x43f: {  	_ =	swait.ge [sflag:s23], $0x2000  }
0x440: {  	[sflag:s23] =	ssyncset.done $0x0  }
0x441: {  	s11 =	sshrl.u32 s16, $0x3;
	[sflag:s23] =	ssyncadd.s32 $0xFFFFE000  }
0x442: {  	[spmem:s11], [sflag:s13] =	dma.local [hbm:s20], $0x400  }
0x443: {  	s11 =	simm.s32 $0x9020  }
0x444: {  	v2 =	vld [tilespmem:s11+$0xFFFFFFE0]  }
0x445: {  	s10 =	sand.u32 $0x7F, s10;
	v3 =	vld [tilespmem:s11+$0x0]  }
0x446: {  	s15 =	simm.s32 $0x1;
	s13 =	sld [smem:s10+$0x200];
	v4 =	vld [tilespmem:s11+$0x10];
	s10 =	simm.s32 $0x9020  }
.LBB2_40:
0x447: {  	p0 =	sne.s32 s15, $0x7F;
	v5 =	vld [tilespmem:s11+$0xFFFFFFF0];
	_ =	sdelay $0x1  }
0x448: {  	v2 =	vmul.f32 s13, v2  }
.Ltmp19:
0x449: {  	v3 =	vmul.f32 s13, v3;
	(pc) =	sbr.rel @p0 .LBB2_40-.Ltmp19, $4  }
0x44a: {  	s11 =	sadd.s32 $0x40, s11;
	[tilespmem:s10+$0xFFFFFFE0] =	vst v2;
	v4 =	vmul.f32 s13, v4  }
0x44b: {  	v2 =	vld [tilespmem:s11+$0xFFFFFFE0];
	v5 =	vmul.f32 s13, v5;
	[tilespmem:s10+$0x0] =	vst v3  }
0x44c: {  	s12 =	sand.u32 $0x7F, s15;
	v3 =	vld [tilespmem:s11+$0x0];
	[tilespmem:s10+$0x10] =	vst v4  }
0x44d: {  	s15 =	sadd.s32 $0x1, s15;
	s13 =	sld [smem:s12+$0x200];
	v4 =	vld [tilespmem:s11+$0x10];
	[tilespmem:s10+$0xFFFFFFF0] =	vst v5;
	s10 =	smov.u32 s11  }
0x44e: {  	v5 =	vld [tilespmem:s11+$0xFFFFFFF0];
	_ =	sdelay $0x1  }
0x44f: {  	v2 =	vmul.f32 s13, v2  }
0x450: {  	v3 =	vmul.f32 s13, v3  }
0x451: {  	[tilespmem:s10+$0xFFFFFFE0] =	vst v2;
	v2 =	vmul.f32 s13, v4  }
0x452: {  	v63 =	vmul.f32 s13, v5;
	[tilespmem:s10+$0x0] =	vst v3;
	s13 =	sld [smem:$0x7F8]  }
0x453: {  	[tilespmem:s10+$0x10] =	vst v2  }
0x454: {  	s15 =	simm.s32 $0x9000;
	[tilespmem:s10+$0xFFFFFFF0] =	vst v63  }
0x455: {  	[spmem:s13] =	stream.linear.scatter [tilespmem:s15], [sflag:$0xA], $0x2000, $0x38;
	[tilespmem:$0x1F000] =	vst v63  }
0x456: {  	_ =	swait.ge [sflag:s23], $0x2000  }
0x457: {  	[sflag:s23] =	ssyncset.done $0x0  }
0x458: {  	s16 =	rddreg [dreg:$0x13];
	[sflag:s23] =	ssyncadd.s32 $0xFFFFE000  }
0x459: {  	[hbm4b:s16+s1] =	stream.linear.scatter [tilespmem:s15], [sflag:$0xA], $0x2000, $0x38;
	[tilespmem:$0x1F000] =	vst v63  }
0x45a: {  	_ =	swait.ge [sflag:s23], $0x2000  }
0x45b: {  	[sflag:s23] =	ssyncset.done $0x0  }
0x45c: {  	[sflag:s23] =	ssyncadd.s32 $0xFFFFE000  }
0x45d: {  	_ =	swait.ge [sflag:s3], $0x400  }
0x45e: {  	[sflag:s3] =	ssyncset.done $0x0  }
0x45f: {  	[sflag:s3] =	ssyncadd.s32 $0xFFFFFC00  }
0x460: {  	_ =	swait.ge [sflag:s3], $0x400  }
0x461: {  	[sflag:s3] =	ssyncset.done $0x0  }
0x462: {  	[sflag:s3] =	ssyncadd.s32 $0xFFFFFC00  }
0x463: {  	_ =	swait.ge [sflag:s3], $0x400  }
0x464: {  	[sflag:s3] =	ssyncset.done $0x0  }
0x465: {  	[sflag:s3] =	ssyncadd.s32 $0xFFFFFC00  }
0x466: {  	_ =	swait.ge [sflag:s3], $0x400  }
0x467: {  	s22 =	sadd.s32 $0x1, s22;
	[sflag:s3] =	ssyncset.done $0x0  }
0x468: {  	p0 =	sne.s32 s22, $0xA;
	[sflag:s3] =	ssyncadd.s32 $0xFFFFFC00  }
.Ltmp20:
0x469: {  	_ =	swait.ge [sflag:s3], $0x400;
	(pc) =	sbr.rel @p0 .LBB2_28-.Ltmp20, $4  }
0x46a: {  	[sflag:s3] =	ssyncset.done $0x0  }
0x46b: {  	[sflag:s3] =	ssyncadd.s32 $0xFFFFFC00  }
0x46c: {  	[bflag:$0x0] =	sbarrier.arrive $0xFFFF  }
0x46d: {  	s16 =	simm.s32 $0x800  }
0x46e: {  	s11 =	sld [smem:$0x7F6]  }
0x46f: {  	s10 =	sld [smem:$0x7FA];
	_ =	sdelay $0x1  }
0x470: {  	s11 =	sadd.s32 $0x1, s11  }
0x471: {  	p0 =	sne.s32 s11, s10  }
.Ltmp21:
0x472: {  	_ = 	snop;
	(pc) =	sbr.rel @p0 .LBB2_1-.Ltmp21, $1  }
0x473: {  	_ =	sdelay $0x3  }
0x474: {  	_ =	sfence.sel $0x180000  }
0x475: {  	[bflag:$0x0] =	sbarrier.arrive $0xFFFF  }
0x476: {  	_ =	strace $0x90000047  }
0x477: {  	s0 =	stileid.u32;
	[bflag:$0x2] =	sbarrier.arrive $0xFFFF  }
0x478: {  	p0 =	sne.s32 s0, $0x0;
	s0 =	rddreg [dreg:$0x4]  }
0x479: {  	s0 =	sadd.s32 @!p0 $0x100000, s0  }
0x47a: {  	[sflag:s0] =	ssyncadd.tile.s32 @!p0 $0x1;
	_ =	shalt  }
.Lfunc_end2:
_tile_overlayer_lowered:
.L_overlay_start_2:
0x47b: {  	(tag) =	ssettag $0x2  }
0x47c: {  	s0 =	rddreg [dreg:$0x0];
	s2 =	stileid.u32  }
0x47d: {  	s1 =	rddreg [dreg:$0x1];
	p0 =	sne.s32 s2, $0x0  }
0x47e: {  	s3 =	rddreg [dreg:$0x2];
	[bflag:$0x3] =	sbarrier.arrive $0xFFFF;
	s2 =	simm.s32 @!p0 $0x1C0A  }
0x47f: {  	[timem:s3], [sflag:s2] =	dma.local @!p0 [hbm:s0], s1  }
0x480: {  	s0 =	simm.s32 @!p0 $0xA  }
0x481: {  	_ =	swait.ge @!p0 [sflag:s0], s1  }
0x482: {  	s1 =	ssub.s32 @!p0 $0x0, s1;
	[sflag:s0] =	ssyncset.done @!p0 $0x0  }
0x483: {  	[sflag:s0] =	ssyncadd.s32 @!p0 s1  }
0x484: {  	[bflag:$0x3] =	sbarrier.arrive $0xFFFF  }
0x485: {  	_ =	shalt  }

</sc_bundles>
